<compile_context>
chip_gen: v7x
topology: tpu7x:2x2x1
jax: 0.10.2.dev20260603
libtpu: 0.0.44.dev20260713+nightly
codegen_flags: <defaults>
</compile_context>

<pallas_src>
import functools

import jax
import jax.numpy as jnp
from jax import lax
from jax.experimental import pallas as pl
from jax.experimental.pallas import tpu as pltpu
from jax.experimental.pallas import tpu_sc as plsc

NC = 2
NS = 16
NW = NC * NS
L = 16
CHUNK = 16
NHALF = CHUNK // L
GROWS = 8 * L


def _make_kernel(H: int, C: int, n_pad: int):
    cpw = n_pad // NW
    nchunks = cpw // CHUNK
    scale = jnp.float32(H / 128.0)
    hm1 = H - 1

    mesh = plsc.VectorSubcoreMesh(core_axis_name="c", subcore_axis_name="s")

    @functools.partial(
        pl.kernel,
        out_type=jax.ShapeDtypeStruct((n_pad, C), jnp.float32),
        mesh=mesh,
        compiler_params=pltpu.CompilerParams(needs_layout_passes=False),
        scratch_types=dict(
            xv=pltpu.VMEM((cpw,), jnp.float32),
            yv=pltpu.VMEM((cpw,), jnp.float32),
            zv=pltpu.VMEM((cpw,), jnp.float32),
            idx=[pltpu.VMEM((NHALF, GROWS), jnp.int32) for _ in range(2)],
            rows=[pltpu.VMEM((NHALF * GROWS, C), jnp.float32) for _ in range(2)],
            ob=[pltpu.VMEM((CHUNK, C), jnp.float32) for _ in range(2)],
            gsem=[pltpu.SemaphoreType.DMA for _ in range(2)],
            osem=[pltpu.SemaphoreType.DMA for _ in range(2)],
        ),
    )
    def k(img_hbm, x_hbm, y_hbm, z_hbm, out_hbm, *, xv, yv, zv, idx, rows,
          ob, gsem, osem):
        wid = lax.axis_index("s") * NC + lax.axis_index("c")
        base = wid * cpw
        iota = lax.iota(jnp.int32, L)

        pltpu.sync_copy(x_hbm.at[pl.ds(base, cpw)], xv)
        pltpu.sync_copy(y_hbm.at[pl.ds(base, cpw)], yv)
        pltpu.sync_copy(z_hbm.at[pl.ds(base, cpw)], zv)

        def axis_indices(v):
            i1 = v.astype(jnp.int32)
            f1 = i1.astype(jnp.float32)
            i2 = jnp.minimum(jnp.where(v > f1, i1 + 1, i1), hm1)
            return i1, i2

        def load_group_coords(off):
            xs = xv[pl.ds(off, L)] * scale
            ys = yv[pl.ds(off, L)] * scale
            zs = zv[pl.ds(off, L)] * scale
            return xs, ys, zs

        def compute_indices(c, idx_ref):
            for h in range(NHALF):
                xs, ys, zs = load_group_coords(c * CHUNK + h * L)
                xi1, xi2 = axis_indices(xs)
                yi1, yi2 = axis_indices(ys)
                zi1, zi2 = axis_indices(zs)
                r11 = (xi1 * H + yi1) * H
                r21 = (xi2 * H + yi1) * H
                r12 = (xi1 * H + yi2) * H
                r22 = (xi2 * H + yi2) * H
                for g, r in enumerate(
                        (r11 + zi1, r21 + zi1, r12 + zi1, r22 + zi1,
                         r11 + zi2, r21 + zi2, r12 + zi2, r22 + zi2)):
                    idx_ref[h, pl.ds(g * L, L)] = r

        def fire_gather(b):
            for h in range(NHALF):
                pltpu.async_copy(img_hbm.at[idx[b].at[h]],
                                 rows[b].at[pl.ds(h * GROWS, GROWS)], gsem[b])

        def wait_gather(b):
            for h in range(NHALF):
                pltpu.make_async_copy(img_hbm.at[idx[b].at[h]],
                                      rows[b].at[pl.ds(h * GROWS, GROWS)],
                                      gsem[b]).wait()

        def compute_chunk(c, rows_ref, ob_ref):
            splat_dn = lax.GatherDimensionNumbers(
                offset_dims=(), collapsed_slice_dims=(0,), start_index_map=(0,))

            def splat(v, p):
                return lax.gather(
                    v, (iota * 0 + p)[:, None], splat_dn, slice_sizes=(1,),
                    mode=lax.GatherScatterMode.PROMISE_IN_BOUNDS)

            for h in range(NHALF):
                xs, ys, zs = load_group_coords(c * CHUNK + h * L)
                xi1, xi2 = axis_indices(xs)
                yi1, yi2 = axis_indices(ys)
                zi1, zi2 = axis_indices(zs)
                wx = xs - xi1.astype(jnp.float32)
                wx2 = xi2.astype(jnp.float32) - xs
                wy = ys - yi1.astype(jnp.float32)
                wy2 = yi2.astype(jnp.float32) - ys
                wz = zs - zi1.astype(jnp.float32)
                wz2 = zi2.astype(jnp.float32) - zs
                w11 = wx2 * wy2
                w21 = wx * wy2
                w12 = wx2 * wy
                w22 = wx * wy
                ws = (w11 * wz2, w21 * wz2, w12 * wz2, w22 * wz2,
                      w11 * wz, w21 * wz, w12 * wz, w22 * wz)

                @plsc.parallel_loop(0, L, unroll=2)
                def _(p):
                    wp = [splat(w, p) for w in ws]
                    for cg in range(C // L):
                        s = pl.ds(cg * L, L)
                        q = [rows_ref[h * GROWS + g * L + p, s]
                             for g in range(8)]
                        acc = (((q[0] * wp[0] + q[1] * wp[1])
                                + (q[2] * wp[2] + q[3] * wp[3]))
                               + ((q[4] * wp[4] + q[5] * wp[5])
                                  + (q[6] * wp[6] + q[7] * wp[7])))
                        ob_ref[h * L + p, s] = acc

        for b in range(2):
            compute_indices(b, idx[b])
            fire_gather(b)

        @pl.loop(0, nchunks, step=2)
        def _(c0):
            for b in range(2):
                c = c0 + b
                wait_gather(b)

                @pl.when(c >= 2)
                def _():
                    pltpu.make_async_copy(
                        ob[b], out_hbm.at[pl.ds(base + (c - 2) * CHUNK, CHUNK)],
                        osem[b]).wait()

                compute_chunk(c, rows[b], ob[b])
                pltpu.async_copy(
                    ob[b], out_hbm.at[pl.ds(base + c * CHUNK, CHUNK)], osem[b])

                @pl.when(c + 2 < nchunks)
                def _():
                    compute_indices(c + 2, idx[b])
                    fire_gather(b)

        for b in range(2):
            c = nchunks - 2 + b
            pltpu.make_async_copy(
                ob[b], out_hbm.at[pl.ds(base + c * CHUNK, CHUNK)],
                osem[b]).wait()

    return k


def kernel(image_features, graph_features):
    H = image_features.shape[1]
    C = image_features.shape[-1]
    img = image_features.reshape(H * H * H, C)
    g = graph_features[0]
    n = g.shape[0]
    quantum = NW * CHUNK * 2
    n_pad = ((n + quantum - 1) // quantum) * quantum
    x = jnp.pad(g[:, 0], (0, n_pad - n), mode="wrap")
    y = jnp.pad(g[:, 1], (0, n_pad - n), mode="wrap")
    z = jnp.pad(g[:, 2], (0, n_pad - n), mode="wrap")
    out = _make_kernel(H, C, n_pad)(img, x, y, z)
    return out[:n].reshape(1, n, C)

# --- scband reference (transcript-rebuilt; emitter-appended) ---
"""Pipeline reference for scband-projection-13898514170502 (READ-ONLY COPY).

The authoritative reference and input builder live on the scoring server;
editing this copy changes nothing except your own understanding.
"""

import jax, jax.numpy as jnp
import numpy as np


def setup_inputs(seed: int = 0) -> dict:
    key = jax.random.key(seed)
    k1, k2 = jax.random.split(key)
    image_features = jax.random.normal(k1, (1, 64, 64, 64, 128), dtype=jnp.float32)
    # coords in [0, 127) so that after scaling by H/128 they index within [0, H-1]
    graph_features = jax.random.uniform(k2, (1, 100000, 3), dtype=jnp.float32) * 127.0
    return {"image_features": image_features, "graph_features": graph_features}


def reference(image_features, graph_features):
    H = image_features.shape[1]
    x = graph_features[..., -3]
    y = graph_features[..., -2]
    z = graph_features[..., -1]
    factor = jnp.float32(128.0 / H)
    x = x / factor
    y = y / factor
    z = z / factor
    hm1 = jnp.float32(H - 1)
    x1 = jnp.floor(x)
    x2 = jnp.minimum(jnp.ceil(x), hm1)
    y1 = jnp.floor(y)
    y2 = jnp.minimum(jnp.ceil(y), hm1)
    z1 = jnp.floor(z)
    z2 = jnp.minimum(jnp.ceil(z), hm1)
    img = image_features[0]

    def gather(a, b, c):
        return img[a.astype(jnp.int32), b.astype(jnp.int32), c.astype(jnp.int32)]

    q11 = gather(x1, y1, z1)
    q21 = gather(x2, y1, z1)
    q12 = gather(x1, y2, z1)
    q22 = gather(x2, y2, z1)
    wx = (x - x1)[..., None]
    wx2 = (x2 - x)[..., None]
    lerp_x1 = q21 * wx + q11 * wx2
    lerp_x2 = q22 * wx + q12 * wx2
    wy = (y - y1)[..., None]
    wy2 = (y2 - y)[..., None]
    lerp_y1 = lerp_x2 * wy + lerp_x1 * wy2
    q11 = gather(x1, y1, z2)
    q21 = gather(x2, y1, z2)
    q12 = gather(x1, y2, z2)
    q22 = gather(x2, y2, z2)
    lerp_x1 = q21 * wx + q11 * wx2
    lerp_x2 = q22 * wx + q12 * wx2
    lerp_y2 = lerp_x2 * wy + lerp_x1 * wy2
    wz = (z - z1)[..., None]
    wz2 = (z2 - z)[..., None]
    lerp_z = lerp_y2 * wz + lerp_y1 * wz2
    return lerp_z

if __name__ == "__main__":
    import jax
    _d = setup_inputs()
    print(jax.jit(kernel)(*tuple(_d.values())))

</pallas_src>

<mosaic_0001>
#map = affine_map<(d0, d1) -> (0, 0)>
#map1 = affine_map<(d0, d1) -> (0)>
module attributes {stable_mosaic.version = 14 : i64} {
  func.func @_rewritten_body(%arg0: i32, %arg1: i32, %arg2: memref<262144x128xf32, #tpu.memory_space<hbm>>, %arg3: memref<100352xf32, #tpu.memory_space<hbm>>, %arg4: memref<100352xf32, #tpu.memory_space<hbm>>, %arg5: memref<100352xf32, #tpu.memory_space<hbm>>, %arg6: memref<1xf32, #tpu.memory_space<hbm>>, %arg7: memref<100352x128xf32, #tpu.memory_space<hbm>>, %arg8: memref<!tpu.dma_semaphore, #tpu.memory_space<semaphore_mem>>, %arg9: memref<!tpu.dma_semaphore, #tpu.memory_space<semaphore_mem>>, %arg10: memref<1x128xi32, #tpu.memory_space<vmem>>, %arg11: memref<1x128xi32, #tpu.memory_space<vmem>>, %arg12: memref<16x128xf32, #tpu.memory_space<vmem>>, %arg13: memref<16x128xf32, #tpu.memory_space<vmem>>, %arg14: memref<!tpu.dma_semaphore, #tpu.memory_space<semaphore_mem>>, %arg15: memref<!tpu.dma_semaphore, #tpu.memory_space<semaphore_mem>>, %arg16: memref<128x128xf32, #tpu.memory_space<vmem>>, %arg17: memref<128x128xf32, #tpu.memory_space<vmem>>, %arg18: memref<3136xf32, #tpu.memory_space<vmem>>, %arg19: memref<3136xf32, #tpu.memory_space<vmem>>, %arg20: memref<3136xf32, #tpu.memory_space<vmem>>) attributes {dimension_semantics = [#tpu.dimension_semantics<core_parallel>, #tpu.dimension_semantics<subcore_parallel>], iteration_bounds = array<i64: 2, 16>, scalar_prefetch = 0 : i64, scratch_operands = 13 : i64, tpu.core_type = #tpu.core_type<sc_vector_subcore>, window_params = [{transform_indices = #map}, {transform_indices = #map1}, {transform_indices = #map1}, {transform_indices = #map1}, {transform_indices = #map1}, {transform_indices = #map}]} {
    %empty_ref3A = memref.alloca() : memref<16xf32, #tpu.memory_space<vmem>>
    "tpu.region"() ({
      %run_scoped3A = tpu.sem_alloc : memref<!tpu.dma_semaphore, #tpu.memory_space<semaphore_mem>>
      %dma_start3A_253 = arith.constant 0 : i32
      %dma_start3A_254 = tpu.memref_slice %empty_ref3A[%dma_start3A_253] : memref<16xf32, #tpu.memory_space<vmem>> -> memref<1xf32, #tpu.memory_space<vmem>>
      %dma_start3A_255 = arith.constant 0 : i32
      %dma_start3A_256 = tpu.memref_slice %empty_ref3A[%dma_start3A_255] : memref<16xf32, #tpu.memory_space<vmem>> -> memref<1xf32, #tpu.memory_space<vmem>>
      tpu.enqueue_dma source(%arg6 : memref<1xf32, #tpu.memory_space<hbm>>) target(%dma_start3A_256 : memref<1xf32, #tpu.memory_space<vmem>>) target_semaphore(%run_scoped3A : memref<!tpu.dma_semaphore, #tpu.memory_space<semaphore_mem>>)
      %dma_wait3A_257 = arith.constant 0 : i32
      %dma_wait3A_258 = tpu.memref_slice %empty_ref3A[%dma_wait3A_257] : memref<16xf32, #tpu.memory_space<vmem>> -> memref<1xf32, #tpu.memory_space<vmem>>
      %dma_wait3A_259 = arith.constant 0 : i32
      %dma_wait3A_260 = tpu.memref_slice %empty_ref3A[%dma_wait3A_259] : memref<16xf32, #tpu.memory_space<vmem>> -> memref<1xf32, #tpu.memory_space<vmem>>
      tpu.wait_dma2 semaphore(%run_scoped3A : memref<!tpu.dma_semaphore, #tpu.memory_space<semaphore_mem>>) src(%arg6 : memref<1xf32, #tpu.memory_space<hbm>>) dst(%dma_wait3A_260 : memref<1xf32, #tpu.memory_space<vmem>>)
      tpu.yield
    }) : () -> ()
    %get3A = arith.constant 0 : index
    %get3A_0 = tpu.vector_load %empty_ref3A[%get3A] {strides = array<i32>} : memref<16xf32, #tpu.memory_space<vmem>>, vector<16xf32>,
    %slice3A = vector.extract_strided_slice %get3A_0 {offsets = [0], sizes = [1], strides = [1]} : vector<16xf32> to vector<1xf32>
    %squeeze3A = vector.extract %slice3A[0] : f32 from vector<1xf32>
    %mul3A = arith.constant 2 : i32
    %mul3A_1 = arith.muli %arg1, %mul3A : i32
    %add3A = arith.addi %mul3A_1, %arg0 : i32
    %mul3A_2 = arith.constant 3136 : i32
    %mul3A_3 = arith.muli %add3A, %mul3A_2 : i32
    %iota3A = tpu.iota {dimensions = array<i32: 0>} : vector<16xi32>
    "tpu.region"() ({
      %run_scoped3A = tpu.sem_alloc : memref<!tpu.dma_semaphore, #tpu.memory_space<semaphore_mem>>
      %dma_start3A_253 = tpu.memref_slice %arg3[%mul3A_3] : memref<100352xf32, #tpu.memory_space<hbm>> -> memref<3136xf32, #tpu.memory_space<hbm>>
      %dma_start3A_254 = tpu.memref_slice %arg3[%mul3A_3] : memref<100352xf32, #tpu.memory_space<hbm>> -> memref<3136xf32, #tpu.memory_space<hbm>>
      tpu.enqueue_dma source(%dma_start3A_254 : memref<3136xf32, #tpu.memory_space<hbm>>) target(%arg18 : memref<3136xf32, #tpu.memory_space<vmem>>) target_semaphore(%run_scoped3A : memref<!tpu.dma_semaphore, #tpu.memory_space<semaphore_mem>>)
      %dma_wait3A_255 = tpu.memref_slice %arg3[%mul3A_3] : memref<100352xf32, #tpu.memory_space<hbm>> -> memref<3136xf32, #tpu.memory_space<hbm>>
      %dma_wait3A_256 = tpu.memref_slice %arg3[%mul3A_3] : memref<100352xf32, #tpu.memory_space<hbm>> -> memref<3136xf32, #tpu.memory_space<hbm>>
      tpu.wait_dma2 semaphore(%run_scoped3A : memref<!tpu.dma_semaphore, #tpu.memory_space<semaphore_mem>>) src(%dma_wait3A_256 : memref<3136xf32, #tpu.memory_space<hbm>>) dst(%arg18 : memref<3136xf32, #tpu.memory_space<vmem>>)
      tpu.yield
    }) : () -> ()
    "tpu.region"() ({
      %run_scoped3A = tpu.sem_alloc : memref<!tpu.dma_semaphore, #tpu.memory_space<semaphore_mem>>
      %dma_start3A_253 = tpu.memref_slice %arg4[%mul3A_3] : memref<100352xf32, #tpu.memory_space<hbm>> -> memref<3136xf32, #tpu.memory_space<hbm>>
      %dma_start3A_254 = tpu.memref_slice %arg4[%mul3A_3] : memref<100352xf32, #tpu.memory_space<hbm>> -> memref<3136xf32, #tpu.memory_space<hbm>>
      tpu.enqueue_dma source(%dma_start3A_254 : memref<3136xf32, #tpu.memory_space<hbm>>) target(%arg19 : memref<3136xf32, #tpu.memory_space<vmem>>) target_semaphore(%run_scoped3A : memref<!tpu.dma_semaphore, #tpu.memory_space<semaphore_mem>>)
      %dma_wait3A_255 = tpu.memref_slice %arg4[%mul3A_3] : memref<100352xf32, #tpu.memory_space<hbm>> -> memref<3136xf32, #tpu.memory_space<hbm>>
      %dma_wait3A_256 = tpu.memref_slice %arg4[%mul3A_3] : memref<100352xf32, #tpu.memory_space<hbm>> -> memref<3136xf32, #tpu.memory_space<hbm>>
      tpu.wait_dma2 semaphore(%run_scoped3A : memref<!tpu.dma_semaphore, #tpu.memory_space<semaphore_mem>>) src(%dma_wait3A_256 : memref<3136xf32, #tpu.memory_space<hbm>>) dst(%arg19 : memref<3136xf32, #tpu.memory_space<vmem>>)
      tpu.yield
    }) : () -> ()
    "tpu.region"() ({
      %run_scoped3A = tpu.sem_alloc : memref<!tpu.dma_semaphore, #tpu.memory_space<semaphore_mem>>
      %dma_start3A_253 = tpu.memref_slice %arg5[%mul3A_3] : memref<100352xf32, #tpu.memory_space<hbm>> -> memref<3136xf32, #tpu.memory_space<hbm>>
      %dma_start3A_254 = tpu.memref_slice %arg5[%mul3A_3] : memref<100352xf32, #tpu.memory_space<hbm>> -> memref<3136xf32, #tpu.memory_space<hbm>>
      tpu.enqueue_dma source(%dma_start3A_254 : memref<3136xf32, #tpu.memory_space<hbm>>) target(%arg20 : memref<3136xf32, #tpu.memory_space<vmem>>) target_semaphore(%run_scoped3A : memref<!tpu.dma_semaphore, #tpu.memory_space<semaphore_mem>>)
      %dma_wait3A_255 = tpu.memref_slice %arg5[%mul3A_3] : memref<100352xf32, #tpu.memory_space<hbm>> -> memref<3136xf32, #tpu.memory_space<hbm>>
      %dma_wait3A_256 = tpu.memref_slice %arg5[%mul3A_3] : memref<100352xf32, #tpu.memory_space<hbm>> -> memref<3136xf32, #tpu.memory_space<hbm>>
      tpu.wait_dma2 semaphore(%run_scoped3A : memref<!tpu.dma_semaphore, #tpu.memory_space<semaphore_mem>>) src(%dma_wait3A_256 : memref<3136xf32, #tpu.memory_space<hbm>>) dst(%arg20 : memref<3136xf32, #tpu.memory_space<vmem>>)
      tpu.yield
    }) : () -> ()
    %get3A_4 = arith.constant 0 : index
    %get3A_5 = tpu.vector_load %arg18[%get3A_4] {strides = array<i32>} : memref<3136xf32, #tpu.memory_space<vmem>>, vector<16xf32>,
    %mul3A_6 = vector.broadcast %squeeze3A : f32 to vector<16xf32>
    %mul3A_7 = arith.mulf %get3A_5, %mul3A_6 : vector<16xf32>
    %get3A_8 = arith.constant 0 : index
    %get3A_9 = tpu.vector_load %arg19[%get3A_8] {strides = array<i32>} : memref<3136xf32, #tpu.memory_space<vmem>>, vector<16xf32>,
    %mul3A_10 = vector.broadcast %squeeze3A : f32 to vector<16xf32>
    %mul3A_11 = arith.mulf %get3A_9, %mul3A_10 : vector<16xf32>
    %get3A_12 = arith.constant 0 : index
    %get3A_13 = tpu.vector_load %arg20[%get3A_12] {strides = array<i32>} : memref<3136xf32, #tpu.memory_space<vmem>>, vector<16xf32>,
    %mul3A_14 = vector.broadcast %squeeze3A : f32 to vector<16xf32>
    %mul3A_15 = arith.mulf %get3A_13, %mul3A_14 : vector<16xf32>
    %convert_element_type3A = arith.fptosi %mul3A_7 : vector<16xf32> to vector<16xi32>
    %convert_element_type3A_16 = arith.sitofp %convert_element_type3A : vector<16xi32> to vector<16xf32>
    %gt3A = arith.cmpf ogt, %mul3A_7, %convert_element_type3A_16 : vector<16xf32>
    %add3A_17 = arith.constant 1 : i32
    %add3A_18 = vector.broadcast %add3A_17 : i32 to vector<16xi32>
    %add3A_19 = arith.addi %convert_element_type3A, %add3A_18 : vector<16xi32>
    %select_n3A = arith.select %gt3A, %add3A_19, %convert_element_type3A : vector<16xi1>, vector<16xi32>
    %min3A = arith.constant 63 : i32
    %min3A_20 = vector.broadcast %min3A : i32 to vector<16xi32>
    %min3A_21 = arith.minsi %select_n3A, %min3A_20 : vector<16xi32>
    %convert_element_type3A_22 = arith.fptosi %mul3A_11 : vector<16xf32> to vector<16xi32>
    %convert_element_type3A_23 = arith.sitofp %convert_element_type3A_22 : vector<16xi32> to vector<16xf32>
    %gt3A_24 = arith.cmpf ogt, %mul3A_11, %convert_element_type3A_23 : vector<16xf32>
    %add3A_25 = arith.constant 1 : i32
    %add3A_26 = vector.broadcast %add3A_25 : i32 to vector<16xi32>
    %add3A_27 = arith.addi %convert_element_type3A_22, %add3A_26 : vector<16xi32>
    %select_n3A_28 = arith.select %gt3A_24, %add3A_27, %convert_element_type3A_22 : vector<16xi1>, vector<16xi32>
    %min3A_29 = arith.constant 63 : i32
    %min3A_30 = vector.broadcast %min3A_29 : i32 to vector<16xi32>
    %min3A_31 = arith.minsi %select_n3A_28, %min3A_30 : vector<16xi32>
    %convert_element_type3A_32 = arith.fptosi %mul3A_15 : vector<16xf32> to vector<16xi32>
    %convert_element_type3A_33 = arith.sitofp %convert_element_type3A_32 : vector<16xi32> to vector<16xf32>
    %gt3A_34 = arith.cmpf ogt, %mul3A_15, %convert_element_type3A_33 : vector<16xf32>
    %add3A_35 = arith.constant 1 : i32
    %add3A_36 = vector.broadcast %add3A_35 : i32 to vector<16xi32>
    %add3A_37 = arith.addi %convert_element_type3A_32, %add3A_36 : vector<16xi32>
    %select_n3A_38 = arith.select %gt3A_34, %add3A_37, %convert_element_type3A_32 : vector<16xi1>, vector<16xi32>
    %min3A_39 = arith.constant 63 : i32
    %min3A_40 = vector.broadcast %min3A_39 : i32 to vector<16xi32>
    %min3A_41 = arith.minsi %select_n3A_38, %min3A_40 : vector<16xi32>
    %mul3A_42 = arith.constant 64 : i32
    %mul3A_43 = vector.broadcast %mul3A_42 : i32 to vector<16xi32>
    %mul3A_44 = arith.muli %convert_element_type3A, %mul3A_43 : vector<16xi32>
    %add3A_45 = arith.addi %mul3A_44, %convert_element_type3A_22 : vector<16xi32>
    %mul3A_46 = arith.constant 64 : i32
    %mul3A_47 = vector.broadcast %mul3A_46 : i32 to vector<16xi32>
    %mul3A_48 = arith.muli %add3A_45, %mul3A_47 : vector<16xi32>
    %mul3A_49 = arith.constant 64 : i32
    %mul3A_50 = vector.broadcast %mul3A_49 : i32 to vector<16xi32>
    %mul3A_51 = arith.muli %min3A_21, %mul3A_50 : vector<16xi32>
    %add3A_52 = arith.addi %mul3A_51, %convert_element_type3A_22 : vector<16xi32>
    %mul3A_53 = arith.constant 64 : i32
    %mul3A_54 = vector.broadcast %mul3A_53 : i32 to vector<16xi32>
    %mul3A_55 = arith.muli %add3A_52, %mul3A_54 : vector<16xi32>
    %mul3A_56 = arith.constant 64 : i32
    %mul3A_57 = vector.broadcast %mul3A_56 : i32 to vector<16xi32>
    %mul3A_58 = arith.muli %convert_element_type3A, %mul3A_57 : vector<16xi32>
    %add3A_59 = arith.addi %mul3A_58, %min3A_31 : vector<16xi32>
    %mul3A_60 = arith.constant 64 : i32
    %mul3A_61 = vector.broadcast %mul3A_60 : i32 to vector<16xi32>
    %mul3A_62 = arith.muli %add3A_59, %mul3A_61 : vector<16xi32>
    %mul3A_63 = arith.constant 64 : i32
    %mul3A_64 = vector.broadcast %mul3A_63 : i32 to vector<16xi32>
    %mul3A_65 = arith.muli %min3A_21, %mul3A_64 : vector<16xi32>
    %add3A_66 = arith.addi %mul3A_65, %min3A_31 : vector<16xi32>
    %mul3A_67 = arith.constant 64 : i32
    %mul3A_68 = vector.broadcast %mul3A_67 : i32 to vector<16xi32>
    %mul3A_69 = arith.muli %add3A_66, %mul3A_68 : vector<16xi32>
    %add3A_70 = arith.addi %mul3A_48, %convert_element_type3A_32 : vector<16xi32>
    %add3A_71 = arith.addi %mul3A_55, %convert_element_type3A_32 : vector<16xi32>
    %add3A_72 = arith.addi %mul3A_62, %convert_element_type3A_32 : vector<16xi32>
    %add3A_73 = arith.addi %mul3A_69, %convert_element_type3A_32 : vector<16xi32>
    %add3A_74 = arith.addi %mul3A_48, %min3A_41 : vector<16xi32>
    %add3A_75 = arith.addi %mul3A_55, %min3A_41 : vector<16xi32>
    %add3A_76 = arith.addi %mul3A_62, %min3A_41 : vector<16xi32>
    %add3A_77 = arith.addi %mul3A_69, %min3A_41 : vector<16xi32>
    %swap3A = arith.constant 0 : i32
    %swap3A_78 = arith.index_cast %swap3A : i32 to index
    %swap3A_79 = arith.constant 0 : index
    %swap3A_80 = tpu.vector_load %arg10[%swap3A_78, %swap3A_79] {strides = array<i32>} : memref<1x128xi32, #tpu.memory_space<vmem>>, vector<16xi32>,
    tpu.vector_store %arg10[%swap3A_78, %swap3A_79], %add3A_70 {strides = array<i32>} : memref<1x128xi32, #tpu.memory_space<vmem>>, vector<16xi32>,
    %swap3A_81 = arith.constant 0 : i32
    %swap3A_82 = arith.index_cast %swap3A_81 : i32 to index
    %swap3A_83 = arith.constant 16 : index
    %swap3A_84 = tpu.vector_load %arg10[%swap3A_82, %swap3A_83] {strides = array<i32>} : memref<1x128xi32, #tpu.memory_space<vmem>>, vector<16xi32>,
    tpu.vector_store %arg10[%swap3A_82, %swap3A_83], %add3A_71 {strides = array<i32>} : memref<1x128xi32, #tpu.memory_space<vmem>>, vector<16xi32>,
    %swap3A_85 = arith.constant 0 : i32
    %swap3A_86 = arith.index_cast %swap3A_85 : i32 to index
    %swap3A_87 = arith.constant 32 : index
    %swap3A_88 = tpu.vector_load %arg10[%swap3A_86, %swap3A_87] {strides = array<i32>} : memref<1x128xi32, #tpu.memory_space<vmem>>, vector<16xi32>,
    tpu.vector_store %arg10[%swap3A_86, %swap3A_87], %add3A_72 {strides = array<i32>} : memref<1x128xi32, #tpu.memory_space<vmem>>, vector<16xi32>,
    %swap3A_89 = arith.constant 0 : i32
    %swap3A_90 = arith.index_cast %swap3A_89 : i32 to index
    %swap3A_91 = arith.constant 48 : index
    %swap3A_92 = tpu.vector_load %arg10[%swap3A_90, %swap3A_91] {strides = array<i32>} : memref<1x128xi32, #tpu.memory_space<vmem>>, vector<16xi32>,
    tpu.vector_store %arg10[%swap3A_90, %swap3A_91], %add3A_73 {strides = array<i32>} : memref<1x128xi32, #tpu.memory_space<vmem>>, vector<16xi32>,
    %swap3A_93 = arith.constant 0 : i32
    %swap3A_94 = arith.index_cast %swap3A_93 : i32 to index
    %swap3A_95 = arith.constant 64 : index
    %swap3A_96 = tpu.vector_load %arg10[%swap3A_94, %swap3A_95] {strides = array<i32>} : memref<1x128xi32, #tpu.memory_space<vmem>>, vector<16xi32>,
    tpu.vector_store %arg10[%swap3A_94, %swap3A_95], %add3A_74 {strides = array<i32>} : memref<1x128xi32, #tpu.memory_space<vmem>>, vector<16xi32>,
    %swap3A_97 = arith.constant 0 : i32
    %swap3A_98 = arith.index_cast %swap3A_97 : i32 to index
    %swap3A_99 = arith.constant 80 : index
    %swap3A_100 = tpu.vector_load %arg10[%swap3A_98, %swap3A_99] {strides = array<i32>} : memref<1x128xi32, #tpu.memory_space<vmem>>, vector<16xi32>,
    tpu.vector_store %arg10[%swap3A_98, %swap3A_99], %add3A_75 {strides = array<i32>} : memref<1x128xi32, #tpu.memory_space<vmem>>, vector<16xi32>,
    %swap3A_101 = arith.constant 0 : i32
    %swap3A_102 = arith.index_cast %swap3A_101 : i32 to index
    %swap3A_103 = arith.constant 96 : index
    %swap3A_104 = tpu.vector_load %arg10[%swap3A_102, %swap3A_103] {strides = array<i32>} : memref<1x128xi32, #tpu.memory_space<vmem>>, vector<16xi32>,
    tpu.vector_store %arg10[%swap3A_102, %swap3A_103], %add3A_76 {strides = array<i32>} : memref<1x128xi32, #tpu.memory_space<vmem>>, vector<16xi32>,
    %swap3A_105 = arith.constant 0 : i32
    %swap3A_106 = arith.index_cast %swap3A_105 : i32 to index
    %swap3A_107 = arith.constant 112 : index
    %swap3A_108 = tpu.vector_load %arg10[%swap3A_106, %swap3A_107] {strides = array<i32>} : memref<1x128xi32, #tpu.memory_space<vmem>>, vector<16xi32>,
    tpu.vector_store %arg10[%swap3A_106, %swap3A_107], %add3A_77 {strides = array<i32>} : memref<1x128xi32, #tpu.memory_space<vmem>>, vector<16xi32>,
    %dma_start3A = arith.constant 0 : i32
    %dma_start3A_109 = arith.constant 0 : i32
    %dma_start3A_110 = arith.constant 0 : i32
    %dma_start3A_111 = tpu.memref_slice %arg16[%dma_start3A_109, %dma_start3A_110] : memref<128x128xf32, #tpu.memory_space<vmem>> -> memref<128x128xf32, #tpu.memory_space<vmem>>
    %dma_start3A_112 = arith.constant 0 : i32
    %dma_start3A_113 = tpu.memref_slice %arg10[%dma_start3A, %dma_start3A_112] : memref<1x128xi32, #tpu.memory_space<vmem>> -> memref<1x128xi32, #tpu.memory_space<vmem>>
    %dma_start3A_114 = tpu.memref_squeeze %dma_start3A_113 : memref<1x128xi32, #tpu.memory_space<vmem>> -> memref<128xi32, #tpu.memory_space<vmem>>
    %dma_start3A_115 = arith.constant 0 : i32
    %dma_start3A_116 = arith.constant 0 : i32
    %dma_start3A_117 = tpu.memref_slice %arg2[%dma_start3A_115, %dma_start3A_116] : memref<262144x128xf32, #tpu.memory_space<hbm>> -> memref<262144x128xf32, #tpu.memory_space<hbm>>
    tpu.enqueue_indirect_dma source(%dma_start3A_117 : memref<262144x128xf32, #tpu.memory_space<hbm>>) target(%dma_start3A_111 : memref<128x128xf32, #tpu.memory_space<vmem>>) offsets(%dma_start3A_114 : memref<128xi32, #tpu.memory_space<vmem>>) semaphore(%arg8 : memref<!tpu.dma_semaphore, #tpu.memory_space<semaphore_mem>>)
    %get3A_118 = arith.constant 16 : index
    %get3A_119 = tpu.vector_load %arg18[%get3A_118] {strides = array<i32>} : memref<3136xf32, #tpu.memory_space<vmem>>, vector<16xf32>,
    %mul3A_120 = vector.broadcast %squeeze3A : f32 to vector<16xf32>
    %mul3A_121 = arith.mulf %get3A_119, %mul3A_120 : vector<16xf32>
    %get3A_122 = arith.constant 16 : index
    %get3A_123 = tpu.vector_load %arg19[%get3A_122] {strides = array<i32>} : memref<3136xf32, #tpu.memory_space<vmem>>, vector<16xf32>,
    %mul3A_124 = vector.broadcast %squeeze3A : f32 to vector<16xf32>
    %mul3A_125 = arith.mulf %get3A_123, %mul3A_124 : vector<16xf32>
    %get3A_126 = arith.constant 16 : index
    %get3A_127 = tpu.vector_load %arg20[%get3A_126] {strides = array<i32>} : memref<3136xf32, #tpu.memory_space<vmem>>, vector<16xf32>,
    %mul3A_128 = vector.broadcast %squeeze3A : f32 to vector<16xf32>
    %mul3A_129 = arith.mulf %get3A_127, %mul3A_128 : vector<16xf32>
    %convert_element_type3A_130 = arith.fptosi %mul3A_121 : vector<16xf32> to vector<16xi32>
    %convert_element_type3A_131 = arith.sitofp %convert_element_type3A_130 : vector<16xi32> to vector<16xf32>
    %gt3A_132 = arith.cmpf ogt, %mul3A_121, %convert_element_type3A_131 : vector<16xf32>
    %add3A_133 = arith.constant 1 : i32
    %add3A_134 = vector.broadcast %add3A_133 : i32 to vector<16xi32>
    %add3A_135 = arith.addi %convert_element_type3A_130, %add3A_134 : vector<16xi32>
    %select_n3A_136 = arith.select %gt3A_132, %add3A_135, %convert_element_type3A_130 : vector<16xi1>, vector<16xi32>
    %min3A_137 = arith.constant 63 : i32
    %min3A_138 = vector.broadcast %min3A_137 : i32 to vector<16xi32>
    %min3A_139 = arith.minsi %select_n3A_136, %min3A_138 : vector<16xi32>
    %convert_element_type3A_140 = arith.fptosi %mul3A_125 : vector<16xf32> to vector<16xi32>
    %convert_element_type3A_141 = arith.sitofp %convert_element_type3A_140 : vector<16xi32> to vector<16xf32>
    %gt3A_142 = arith.cmpf ogt, %mul3A_125, %convert_element_type3A_141 : vector<16xf32>
    %add3A_143 = arith.constant 1 : i32
    %add3A_144 = vector.broadcast %add3A_143 : i32 to vector<16xi32>
    %add3A_145 = arith.addi %convert_element_type3A_140, %add3A_144 : vector<16xi32>
    %select_n3A_146 = arith.select %gt3A_142, %add3A_145, %convert_element_type3A_140 : vector<16xi1>, vector<16xi32>
    %min3A_147 = arith.constant 63 : i32
    %min3A_148 = vector.broadcast %min3A_147 : i32 to vector<16xi32>
    %min3A_149 = arith.minsi %select_n3A_146, %min3A_148 : vector<16xi32>
    %convert_element_type3A_150 = arith.fptosi %mul3A_129 : vector<16xf32> to vector<16xi32>
    %convert_element_type3A_151 = arith.sitofp %convert_element_type3A_150 : vector<16xi32> to vector<16xf32>
    %gt3A_152 = arith.cmpf ogt, %mul3A_129, %convert_element_type3A_151 : vector<16xf32>
    %add3A_153 = arith.constant 1 : i32
    %add3A_154 = vector.broadcast %add3A_153 : i32 to vector<16xi32>
    %add3A_155 = arith.addi %convert_element_type3A_150, %add3A_154 : vector<16xi32>
    %select_n3A_156 = arith.select %gt3A_152, %add3A_155, %convert_element_type3A_150 : vector<16xi1>, vector<16xi32>
    %min3A_157 = arith.constant 63 : i32
    %min3A_158 = vector.broadcast %min3A_157 : i32 to vector<16xi32>
    %min3A_159 = arith.minsi %select_n3A_156, %min3A_158 : vector<16xi32>
    %mul3A_160 = arith.constant 64 : i32
    %mul3A_161 = vector.broadcast %mul3A_160 : i32 to vector<16xi32>
    %mul3A_162 = arith.muli %convert_element_type3A_130, %mul3A_161 : vector<16xi32>
    %add3A_163 = arith.addi %mul3A_162, %convert_element_type3A_140 : vector<16xi32>
    %mul3A_164 = arith.constant 64 : i32
    %mul3A_165 = vector.broadcast %mul3A_164 : i32 to vector<16xi32>
    %mul3A_166 = arith.muli %add3A_163, %mul3A_165 : vector<16xi32>
    %mul3A_167 = arith.constant 64 : i32
    %mul3A_168 = vector.broadcast %mul3A_167 : i32 to vector<16xi32>
    %mul3A_169 = arith.muli %min3A_139, %mul3A_168 : vector<16xi32>
    %add3A_170 = arith.addi %mul3A_169, %convert_element_type3A_140 : vector<16xi32>
    %mul3A_171 = arith.constant 64 : i32
    %mul3A_172 = vector.broadcast %mul3A_171 : i32 to vector<16xi32>
    %mul3A_173 = arith.muli %add3A_170, %mul3A_172 : vector<16xi32>
    %mul3A_174 = arith.constant 64 : i32
    %mul3A_175 = vector.broadcast %mul3A_174 : i32 to vector<16xi32>
    %mul3A_176 = arith.muli %convert_element_type3A_130, %mul3A_175 : vector<16xi32>
    %add3A_177 = arith.addi %mul3A_176, %min3A_149 : vector<16xi32>
    %mul3A_178 = arith.constant 64 : i32
    %mul3A_179 = vector.broadcast %mul3A_178 : i32 to vector<16xi32>
    %mul3A_180 = arith.muli %add3A_177, %mul3A_179 : vector<16xi32>
    %mul3A_181 = arith.constant 64 : i32
    %mul3A_182 = vector.broadcast %mul3A_181 : i32 to vector<16xi32>
    %mul3A_183 = arith.muli %min3A_139, %mul3A_182 : vector<16xi32>
    %add3A_184 = arith.addi %mul3A_183, %min3A_149 : vector<16xi32>
    %mul3A_185 = arith.constant 64 : i32
    %mul3A_186 = vector.broadcast %mul3A_185 : i32 to vector<16xi32>
    %mul3A_187 = arith.muli %add3A_184, %mul3A_186 : vector<16xi32>
    %add3A_188 = arith.addi %mul3A_166, %convert_element_type3A_150 : vector<16xi32>
    %add3A_189 = arith.addi %mul3A_173, %convert_element_type3A_150 : vector<16xi32>
    %add3A_190 = arith.addi %mul3A_180, %convert_element_type3A_150 : vector<16xi32>
    %add3A_191 = arith.addi %mul3A_187, %convert_element_type3A_150 : vector<16xi32>
    %add3A_192 = arith.addi %mul3A_166, %min3A_159 : vector<16xi32>
    %add3A_193 = arith.addi %mul3A_173, %min3A_159 : vector<16xi32>
    %add3A_194 = arith.addi %mul3A_180, %min3A_159 : vector<16xi32>
    %add3A_195 = arith.addi %mul3A_187, %min3A_159 : vector<16xi32>
    %swap3A_196 = arith.constant 0 : i32
    %swap3A_197 = arith.index_cast %swap3A_196 : i32 to index
    %swap3A_198 = arith.constant 0 : index
    %swap3A_199 = tpu.vector_load %arg11[%swap3A_197, %swap3A_198] {strides = array<i32>} : memref<1x128xi32, #tpu.memory_space<vmem>>, vector<16xi32>,
    tpu.vector_store %arg11[%swap3A_197, %swap3A_198], %add3A_188 {strides = array<i32>} : memref<1x128xi32, #tpu.memory_space<vmem>>, vector<16xi32>,
    %swap3A_200 = arith.constant 0 : i32
    %swap3A_201 = arith.index_cast %swap3A_200 : i32 to index
    %swap3A_202 = arith.constant 16 : index
    %swap3A_203 = tpu.vector_load %arg11[%swap3A_201, %swap3A_202] {strides = array<i32>} : memref<1x128xi32, #tpu.memory_space<vmem>>, vector<16xi32>,
    tpu.vector_store %arg11[%swap3A_201, %swap3A_202], %add3A_189 {strides = array<i32>} : memref<1x128xi32, #tpu.memory_space<vmem>>, vector<16xi32>,
    %swap3A_204 = arith.constant 0 : i32
    %swap3A_205 = arith.index_cast %swap3A_204 : i32 to index
    %swap3A_206 = arith.constant 32 : index
    %swap3A_207 = tpu.vector_load %arg11[%swap3A_205, %swap3A_206] {strides = array<i32>} : memref<1x128xi32, #tpu.memory_space<vmem>>, vector<16xi32>,
    tpu.vector_store %arg11[%swap3A_205, %swap3A_206], %add3A_190 {strides = array<i32>} : memref<1x128xi32, #tpu.memory_space<vmem>>, vector<16xi32>,
    %swap3A_208 = arith.constant 0 : i32
    %swap3A_209 = arith.index_cast %swap3A_208 : i32 to index
    %swap3A_210 = arith.constant 48 : index
    %swap3A_211 = tpu.vector_load %arg11[%swap3A_209, %swap3A_210] {strides = array<i32>} : memref<1x128xi32, #tpu.memory_space<vmem>>, vector<16xi32>,
    tpu.vector_store %arg11[%swap3A_209, %swap3A_210], %add3A_191 {strides = array<i32>} : memref<1x128xi32, #tpu.memory_space<vmem>>, vector<16xi32>,
    %swap3A_212 = arith.constant 0 : i32
    %swap3A_213 = arith.index_cast %swap3A_212 : i32 to index
    %swap3A_214 = arith.constant 64 : index
    %swap3A_215 = tpu.vector_load %arg11[%swap3A_213, %swap3A_214] {strides = array<i32>} : memref<1x128xi32, #tpu.memory_space<vmem>>, vector<16xi32>,
    tpu.vector_store %arg11[%swap3A_213, %swap3A_214], %add3A_192 {strides = array<i32>} : memref<1x128xi32, #tpu.memory_space<vmem>>, vector<16xi32>,
    %swap3A_216 = arith.constant 0 : i32
    %swap3A_217 = arith.index_cast %swap3A_216 : i32 to index
    %swap3A_218 = arith.constant 80 : index
    %swap3A_219 = tpu.vector_load %arg11[%swap3A_217, %swap3A_218] {strides = array<i32>} : memref<1x128xi32, #tpu.memory_space<vmem>>, vector<16xi32>,
    tpu.vector_store %arg11[%swap3A_217, %swap3A_218], %add3A_193 {strides = array<i32>} : memref<1x128xi32, #tpu.memory_space<vmem>>, vector<16xi32>,
    %swap3A_220 = arith.constant 0 : i32
    %swap3A_221 = arith.index_cast %swap3A_220 : i32 to index
    %swap3A_222 = arith.constant 96 : index
    %swap3A_223 = tpu.vector_load %arg11[%swap3A_221, %swap3A_222] {strides = array<i32>} : memref<1x128xi32, #tpu.memory_space<vmem>>, vector<16xi32>,
    tpu.vector_store %arg11[%swap3A_221, %swap3A_222], %add3A_194 {strides = array<i32>} : memref<1x128xi32, #tpu.memory_space<vmem>>, vector<16xi32>,
    %swap3A_224 = arith.constant 0 : i32
    %swap3A_225 = arith.index_cast %swap3A_224 : i32 to index
    %swap3A_226 = arith.constant 112 : index
    %swap3A_227 = tpu.vector_load %arg11[%swap3A_225, %swap3A_226] {strides = array<i32>} : memref<1x128xi32, #tpu.memory_space<vmem>>, vector<16xi32>,
    tpu.vector_store %arg11[%swap3A_225, %swap3A_226], %add3A_195 {strides = array<i32>} : memref<1x128xi32, #tpu.memory_space<vmem>>, vector<16xi32>,
    %dma_start3A_228 = arith.constant 0 : i32
    %dma_start3A_229 = arith.constant 0 : i32
    %dma_start3A_230 = arith.constant 0 : i32
    %dma_start3A_231 = tpu.memref_slice %arg17[%dma_start3A_229, %dma_start3A_230] : memref<128x128xf32, #tpu.memory_space<vmem>> -> memref<128x128xf32, #tpu.memory_space<vmem>>
    %dma_start3A_232 = arith.constant 0 : i32
    %dma_start3A_233 = tpu.memref_slice %arg11[%dma_start3A_228, %dma_start3A_232] : memref<1x128xi32, #tpu.memory_space<vmem>> -> memref<1x128xi32, #tpu.memory_space<vmem>>
    %dma_start3A_234 = tpu.memref_squeeze %dma_start3A_233 : memref<1x128xi32, #tpu.memory_space<vmem>> -> memref<128xi32, #tpu.memory_space<vmem>>
    %dma_start3A_235 = arith.constant 0 : i32
    %dma_start3A_236 = arith.constant 0 : i32
    %dma_start3A_237 = tpu.memref_slice %arg2[%dma_start3A_235, %dma_start3A_236] : memref<262144x128xf32, #tpu.memory_space<hbm>> -> memref<262144x128xf32, #tpu.memory_space<hbm>>
    tpu.enqueue_indirect_dma source(%dma_start3A_237 : memref<262144x128xf32, #tpu.memory_space<hbm>>) target(%dma_start3A_231 : memref<128x128xf32, #tpu.memory_space<vmem>>) offsets(%dma_start3A_234 : memref<128xi32, #tpu.memory_space<vmem>>) semaphore(%arg9 : memref<!tpu.dma_semaphore, #tpu.memory_space<semaphore_mem>>)
    %scan3A = arith.constant 0 : i32
    %scan3A_238 = arith.constant 98 : i32
    %scan3A_239 = arith.addi %scan3A, %scan3A_238 : i32
    %scan3A_240 = arith.constant 1 : i32
    scf.for %scan3A_253 = %scan3A to %scan3A_239 step %scan3A_240  : i32 {
      %mul3A_254 = arith.constant 2 : i32
      %mul3A_255 = arith.muli %scan3A_253, %mul3A_254 : i32
      %add3A_256 = arith.constant 0 : i32
      %add3A_257 = arith.addi %add3A_256, %mul3A_255 : i32
      %add3A_258 = arith.constant 0 : i32
      %add3A_259 = arith.addi %add3A_257, %add3A_258 : i32
      %dma_wait3A_260 = arith.constant 0 : i32
      %dma_wait3A_261 = arith.constant 0 : i32
      %dma_wait3A_262 = arith.constant 0 : i32
      %dma_wait3A_263 = tpu.memref_slice %arg16[%dma_wait3A_261, %dma_wait3A_262] : memref<128x128xf32, #tpu.memory_space<vmem>> -> memref<128x128xf32, #tpu.memory_space<vmem>>
      %dma_wait3A_264 = arith.constant 0 : i32
      %dma_wait3A_265 = tpu.memref_slice %arg10[%dma_wait3A_260, %dma_wait3A_264] : memref<1x128xi32, #tpu.memory_space<vmem>> -> memref<1x128xi32, #tpu.memory_space<vmem>>
      %dma_wait3A_266 = tpu.memref_squeeze %dma_wait3A_265 : memref<1x128xi32, #tpu.memory_space<vmem>> -> memref<128xi32, #tpu.memory_space<vmem>>
      %dma_wait3A_267 = arith.constant 0 : i32
      %dma_wait3A_268 = arith.constant 0 : i32
      %dma_wait3A_269 = tpu.memref_slice %arg2[%dma_wait3A_267, %dma_wait3A_268] : memref<262144x128xf32, #tpu.memory_space<hbm>> -> memref<262144x128xf32, #tpu.memory_space<hbm>>
      tpu.wait_indirect_dma semaphore(%arg8 : memref<!tpu.dma_semaphore, #tpu.memory_space<semaphore_mem>>) src(%dma_wait3A_269 : memref<262144x128xf32, #tpu.memory_space<hbm>>) dst(%dma_wait3A_263 : memref<128x128xf32, #tpu.memory_space<vmem>>)
      %ge3A = arith.constant 2 : i32
      %ge3A_270 = arith.cmpi sge, %add3A_259, %ge3A : i32
      %convert_element_type3A_271 = arith.extui %ge3A_270 : i1 to i32
      %cond3A = arith.constant 0 : i32
      %cond3A_272 = arith.cmpi ne, %convert_element_type3A_271, %cond3A : i32
      scf.if %cond3A_272 {
        %sub3A_461 = arith.constant 2 : i32
        %sub3A_462 = arith.subi %add3A_259, %sub3A_461 : i32
        %mul3A_463 = arith.constant 16 : i32
        %mul3A_464 = arith.muli %sub3A_462, %mul3A_463 : i32
        %add3A_465 = arith.addi %mul3A_3, %mul3A_464 : i32
        %dma_wait3A_466 = arith.constant 0 : i32
        %dma_wait3A_467 = tpu.memref_slice %arg7[%add3A_465, %dma_wait3A_466] : memref<100352x128xf32, #tpu.memory_space<hbm>> -> memref<16x128xf32, #tpu.memory_space<hbm>>
        %dma_wait3A_468 = arith.constant 0 : i32
        %dma_wait3A_469 = tpu.memref_slice %arg7[%add3A_465, %dma_wait3A_468] : memref<100352x128xf32, #tpu.memory_space<hbm>> -> memref<16x128xf32, #tpu.memory_space<hbm>>
        tpu.wait_dma2 semaphore(%arg14 : memref<!tpu.dma_semaphore, #tpu.memory_space<semaphore_mem>>) src(%arg12 : memref<16x128xf32, #tpu.memory_space<vmem>>) dst(%dma_wait3A_469 : memref<16x128xf32, #tpu.memory_space<hbm>>)
      } else {
      }
      %mul3A_273 = arith.constant 16 : i32
      %mul3A_274 = arith.muli %add3A_259, %mul3A_273 : i32
      %add3A_275 = arith.constant 0 : i32
      %add3A_276 = arith.addi %mul3A_274, %add3A_275 : i32
      %get3A_277 = arith.index_cast %add3A_276 : i32 to index
      %get3A_278 = tpu.vector_load %arg18[%get3A_277] {strides = array<i32>} : memref<3136xf32, #tpu.memory_space<vmem>>, vector<16xf32>,
      %mul3A_279 = vector.broadcast %squeeze3A : f32 to vector<16xf32>
      %mul3A_280 = arith.mulf %get3A_278, %mul3A_279 : vector<16xf32>
      %get3A_281 = arith.index_cast %add3A_276 : i32 to index
      %get3A_282 = tpu.vector_load %arg19[%get3A_281] {strides = array<i32>} : memref<3136xf32, #tpu.memory_space<vmem>>, vector<16xf32>,
      %mul3A_283 = vector.broadcast %squeeze3A : f32 to vector<16xf32>
      %mul3A_284 = arith.mulf %get3A_282, %mul3A_283 : vector<16xf32>
      %get3A_285 = arith.index_cast %add3A_276 : i32 to index
      %get3A_286 = tpu.vector_load %arg20[%get3A_285] {strides = array<i32>} : memref<3136xf32, #tpu.memory_space<vmem>>, vector<16xf32>,
      %mul3A_287 = vector.broadcast %squeeze3A : f32 to vector<16xf32>
      %mul3A_288 = arith.mulf %get3A_286, %mul3A_287 : vector<16xf32>
      %convert_element_type3A_289 = arith.fptosi %mul3A_280 : vector<16xf32> to vector<16xi32>
      %convert_element_type3A_290 = arith.sitofp %convert_element_type3A_289 : vector<16xi32> to vector<16xf32>
      %gt3A_291 = arith.cmpf ogt, %mul3A_280, %convert_element_type3A_290 : vector<16xf32>
      %add3A_292 = arith.constant 1 : i32
      %add3A_293 = vector.broadcast %add3A_292 : i32 to vector<16xi32>
      %add3A_294 = arith.addi %convert_element_type3A_289, %add3A_293 : vector<16xi32>
      %select_n3A_295 = arith.select %gt3A_291, %add3A_294, %convert_element_type3A_289 : vector<16xi1>, vector<16xi32>
      %min3A_296 = arith.constant 63 : i32
      %min3A_297 = vector.broadcast %min3A_296 : i32 to vector<16xi32>
      %min3A_298 = arith.minsi %select_n3A_295, %min3A_297 : vector<16xi32>
      %convert_element_type3A_299 = arith.fptosi %mul3A_284 : vector<16xf32> to vector<16xi32>
      %convert_element_type3A_300 = arith.sitofp %convert_element_type3A_299 : vector<16xi32> to vector<16xf32>
      %gt3A_301 = arith.cmpf ogt, %mul3A_284, %convert_element_type3A_300 : vector<16xf32>
      %add3A_302 = arith.constant 1 : i32
      %add3A_303 = vector.broadcast %add3A_302 : i32 to vector<16xi32>
      %add3A_304 = arith.addi %convert_element_type3A_299, %add3A_303 : vector<16xi32>
      %select_n3A_305 = arith.select %gt3A_301, %add3A_304, %convert_element_type3A_299 : vector<16xi1>, vector<16xi32>
      %min3A_306 = arith.constant 63 : i32
      %min3A_307 = vector.broadcast %min3A_306 : i32 to vector<16xi32>
      %min3A_308 = arith.minsi %select_n3A_305, %min3A_307 : vector<16xi32>
      %convert_element_type3A_309 = arith.fptosi %mul3A_288 : vector<16xf32> to vector<16xi32>
      %convert_element_type3A_310 = arith.sitofp %convert_element_type3A_309 : vector<16xi32> to vector<16xf32>
      %gt3A_311 = arith.cmpf ogt, %mul3A_288, %convert_element_type3A_310 : vector<16xf32>
      %add3A_312 = arith.constant 1 : i32
      %add3A_313 = vector.broadcast %add3A_312 : i32 to vector<16xi32>
      %add3A_314 = arith.addi %convert_element_type3A_309, %add3A_313 : vector<16xi32>
      %select_n3A_315 = arith.select %gt3A_311, %add3A_314, %convert_element_type3A_309 : vector<16xi1>, vector<16xi32>
      %min3A_316 = arith.constant 63 : i32
      %min3A_317 = vector.broadcast %min3A_316 : i32 to vector<16xi32>
      %min3A_318 = arith.minsi %select_n3A_315, %min3A_317 : vector<16xi32>
      %convert_element_type3A_319 = arith.sitofp %convert_element_type3A_289 : vector<16xi32> to vector<16xf32>
      %sub3A = arith.subf %mul3A_280, %convert_element_type3A_319 : vector<16xf32>
      %convert_element_type3A_320 = arith.sitofp %min3A_298 : vector<16xi32> to vector<16xf32>
      %sub3A_321 = arith.subf %convert_element_type3A_320, %mul3A_280 : vector<16xf32>
      %convert_element_type3A_322 = arith.sitofp %convert_element_type3A_299 : vector<16xi32> to vector<16xf32>
      %sub3A_323 = arith.subf %mul3A_284, %convert_element_type3A_322 : vector<16xf32>
      %convert_element_type3A_324 = arith.sitofp %min3A_308 : vector<16xi32> to vector<16xf32>
      %sub3A_325 = arith.subf %convert_element_type3A_324, %mul3A_284 : vector<16xf32>
      %convert_element_type3A_326 = arith.sitofp %convert_element_type3A_309 : vector<16xi32> to vector<16xf32>
      %sub3A_327 = arith.subf %mul3A_288, %convert_element_type3A_326 : vector<16xf32>
      %convert_element_type3A_328 = arith.sitofp %min3A_318 : vector<16xi32> to vector<16xf32>
      %sub3A_329 = arith.subf %convert_element_type3A_328, %mul3A_288 : vector<16xf32>
      %mul3A_330 = arith.mulf %sub3A_321, %sub3A_325 : vector<16xf32>
      %mul3A_331 = arith.mulf %sub3A, %sub3A_325 : vector<16xf32>
      %mul3A_332 = arith.mulf %sub3A_321, %sub3A_323 : vector<16xf32>
      %mul3A_333 = arith.mulf %sub3A, %sub3A_323 : vector<16xf32>
      %mul3A_334 = arith.mulf %mul3A_330, %sub3A_329 : vector<16xf32>
      %mul3A_335 = arith.mulf %mul3A_331, %sub3A_329 : vector<16xf32>
      %mul3A_336 = arith.mulf %mul3A_332, %sub3A_329 : vector<16xf32>
      %mul3A_337 = arith.mulf %mul3A_333, %sub3A_329 : vector<16xf32>
      %mul3A_338 = arith.mulf %mul3A_330, %sub3A_327 : vector<16xf32>
      %mul3A_339 = arith.mulf %mul3A_331, %sub3A_327 : vector<16xf32>
      %mul3A_340 = arith.mulf %mul3A_332, %sub3A_327 : vector<16xf32>
      %mul3A_341 = arith.mulf %mul3A_333, %sub3A_327 : vector<16xf32>
      %parallel_loop3A = arith.constant 0 : i32
      %parallel_loop3A_342 = arith.constant 16 : i32
      %parallel_loop3A_343 = arith.constant 1 : i32
      scf.for %parallel_loop3A_461 = %parallel_loop3A to %parallel_loop3A_342 step %parallel_loop3A_343  : i32 {
        %parallel_loop3A_462 = arith.constant 0 : i32
        %parallel_loop3A_463 = vector.broadcast %parallel_loop3A_462 : i32 to vector<16xi32>
        %parallel_loop3A_464 = arith.muli %iota3A, %parallel_loop3A_463 : vector<16xi32>
        %parallel_loop3A_465 = vector.broadcast %parallel_loop3A_461 : i32 to vector<16xi32>
        %parallel_loop3A_466 = arith.addi %parallel_loop3A_464, %parallel_loop3A_465 : vector<16xi32>
        %parallel_loop3A_467 = vector.shape_cast %parallel_loop3A_466 : vector<16xi32> to vector<16x1xi32>
        %parallel_loop3A_468 = vector.shape_cast %parallel_loop3A_467 : vector<16x1xi32> to vector<16xi32>
        %parallel_loop3A_469 = tpu.dynamic_gather %mul3A_334[%parallel_loop3A_468] in [0] : vector<16xf32>, vector<16xi32> -> vector<16xf32>
        %parallel_loop3A_470 = arith.constant 0 : i32
        %parallel_loop3A_471 = vector.broadcast %parallel_loop3A_470 : i32 to vector<16xi32>
        %parallel_loop3A_472 = arith.muli %iota3A, %parallel_loop3A_471 : vector<16xi32>
        %parallel_loop3A_473 = vector.broadcast %parallel_loop3A_461 : i32 to vector<16xi32>
        %parallel_loop3A_474 = arith.addi %parallel_loop3A_472, %parallel_loop3A_473 : vector<16xi32>
        %parallel_loop3A_475 = vector.shape_cast %parallel_loop3A_474 : vector<16xi32> to vector<16x1xi32>
        %parallel_loop3A_476 = vector.shape_cast %parallel_loop3A_475 : vector<16x1xi32> to vector<16xi32>
        %parallel_loop3A_477 = tpu.dynamic_gather %mul3A_335[%parallel_loop3A_476] in [0] : vector<16xf32>, vector<16xi32> -> vector<16xf32>
        %parallel_loop3A_478 = arith.constant 0 : i32
        %parallel_loop3A_479 = vector.broadcast %parallel_loop3A_478 : i32 to vector<16xi32>
        %parallel_loop3A_480 = arith.muli %iota3A, %parallel_loop3A_479 : vector<16xi32>
        %parallel_loop3A_481 = vector.broadcast %parallel_loop3A_461 : i32 to vector<16xi32>
        %parallel_loop3A_482 = arith.addi %parallel_loop3A_480, %parallel_loop3A_481 : vector<16xi32>
        %parallel_loop3A_483 = vector.shape_cast %parallel_loop3A_482 : vector<16xi32> to vector<16x1xi32>
        %parallel_loop3A_484 = vector.shape_cast %parallel_loop3A_483 : vector<16x1xi32> to vector<16xi32>
        %parallel_loop3A_485 = tpu.dynamic_gather %mul3A_336[%parallel_loop3A_484] in [0] : vector<16xf32>, vector<16xi32> -> vector<16xf32>
        %parallel_loop3A_486 = arith.constant 0 : i32
        %parallel_loop3A_487 = vector.broadcast %parallel_loop3A_486 : i32 to vector<16xi32>
        %parallel_loop3A_488 = arith.muli %iota3A, %parallel_loop3A_487 : vector<16xi32>
        %parallel_loop3A_489 = vector.broadcast %parallel_loop3A_461 : i32 to vector<16xi32>
        %parallel_loop3A_490 = arith.addi %parallel_loop3A_488, %parallel_loop3A_489 : vector<16xi32>
        %parallel_loop3A_491 = vector.shape_cast %parallel_loop3A_490 : vector<16xi32> to vector<16x1xi32>
        %parallel_loop3A_492 = vector.shape_cast %parallel_loop3A_491 : vector<16x1xi32> to vector<16xi32>
        %parallel_loop3A_493 = tpu.dynamic_gather %mul3A_337[%parallel_loop3A_492] in [0] : vector<16xf32>, vector<16xi32> -> vector<16xf32>
        %parallel_loop3A_494 = arith.constant 0 : i32
        %parallel_loop3A_495 = vector.broadcast %parallel_loop3A_494 : i32 to vector<16xi32>
        %parallel_loop3A_496 = arith.muli %iota3A, %parallel_loop3A_495 : vector<16xi32>
        %parallel_loop3A_497 = vector.broadcast %parallel_loop3A_461 : i32 to vector<16xi32>
        %parallel_loop3A_498 = arith.addi %parallel_loop3A_496, %parallel_loop3A_497 : vector<16xi32>
        %parallel_loop3A_499 = vector.shape_cast %parallel_loop3A_498 : vector<16xi32> to vector<16x1xi32>
        %parallel_loop3A_500 = vector.shape_cast %parallel_loop3A_499 : vector<16x1xi32> to vector<16xi32>
        %parallel_loop3A_501 = tpu.dynamic_gather %mul3A_338[%parallel_loop3A_500] in [0] : vector<16xf32>, vector<16xi32> -> vector<16xf32>
        %parallel_loop3A_502 = arith.constant 0 : i32
        %parallel_loop3A_503 = vector.broadcast %parallel_loop3A_502 : i32 to vector<16xi32>
        %parallel_loop3A_504 = arith.muli %iota3A, %parallel_loop3A_503 : vector<16xi32>
        %parallel_loop3A_505 = vector.broadcast %parallel_loop3A_461 : i32 to vector<16xi32>
        %parallel_loop3A_506 = arith.addi %parallel_loop3A_504, %parallel_loop3A_505 : vector<16xi32>
        %parallel_loop3A_507 = vector.shape_cast %parallel_loop3A_506 : vector<16xi32> to vector<16x1xi32>
        %parallel_loop3A_508 = vector.shape_cast %parallel_loop3A_507 : vector<16x1xi32> to vector<16xi32>
        %parallel_loop3A_509 = tpu.dynamic_gather %mul3A_339[%parallel_loop3A_508] in [0] : vector<16xf32>, vector<16xi32> -> vector<16xf32>
        %parallel_loop3A_510 = arith.constant 0 : i32
        %parallel_loop3A_511 = vector.broadcast %parallel_loop3A_510 : i32 to vector<16xi32>
        %parallel_loop3A_512 = arith.muli %iota3A, %parallel_loop3A_511 : vector<16xi32>
        %parallel_loop3A_513 = vector.broadcast %parallel_loop3A_461 : i32 to vector<16xi32>
        %parallel_loop3A_514 = arith.addi %parallel_loop3A_512, %parallel_loop3A_513 : vector<16xi32>
        %parallel_loop3A_515 = vector.shape_cast %parallel_loop3A_514 : vector<16xi32> to vector<16x1xi32>
        %parallel_loop3A_516 = vector.shape_cast %parallel_loop3A_515 : vector<16x1xi32> to vector<16xi32>
        %parallel_loop3A_517 = tpu.dynamic_gather %mul3A_340[%parallel_loop3A_516] in [0] : vector<16xf32>, vector<16xi32> -> vector<16xf32>
        %parallel_loop3A_518 = arith.constant 0 : i32
        %parallel_loop3A_519 = vector.broadcast %parallel_loop3A_518 : i32 to vector<16xi32>
        %parallel_loop3A_520 = arith.muli %iota3A, %parallel_loop3A_519 : vector<16xi32>
        %parallel_loop3A_521 = vector.broadcast %parallel_loop3A_461 : i32 to vector<16xi32>
        %parallel_loop3A_522 = arith.addi %parallel_loop3A_520, %parallel_loop3A_521 : vector<16xi32>
        %parallel_loop3A_523 = vector.shape_cast %parallel_loop3A_522 : vector<16xi32> to vector<16x1xi32>
        %parallel_loop3A_524 = vector.shape_cast %parallel_loop3A_523 : vector<16x1xi32> to vector<16xi32>
        %parallel_loop3A_525 = tpu.dynamic_gather %mul3A_341[%parallel_loop3A_524] in [0] : vector<16xf32>, vector<16xi32> -> vector<16xf32>
        %parallel_loop3A_526 = arith.constant 0 : i32
        %parallel_loop3A_527 = arith.addi %parallel_loop3A_526, %parallel_loop3A_461 : i32
        %parallel_loop3A_528 = arith.index_cast %parallel_loop3A_527 : i32 to index
        %parallel_loop3A_529 = arith.constant 0 : index
        %parallel_loop3A_530 = tpu.vector_load %arg16[%parallel_loop3A_528, %parallel_loop3A_529] {strides = array<i32>} : memref<128x128xf32, #tpu.memory_space<vmem>>, vector<16xf32>,
        %parallel_loop3A_531 = arith.constant 16 : i32
        %parallel_loop3A_532 = arith.addi %parallel_loop3A_531, %parallel_loop3A_461 : i32
        %parallel_loop3A_533 = arith.index_cast %parallel_loop3A_532 : i32 to index
        %parallel_loop3A_534 = arith.constant 0 : index
        %parallel_loop3A_535 = tpu.vector_load %arg16[%parallel_loop3A_533, %parallel_loop3A_534] {strides = array<i32>} : memref<128x128xf32, #tpu.memory_space<vmem>>, vector<16xf32>,
        %parallel_loop3A_536 = arith.constant 32 : i32
        %parallel_loop3A_537 = arith.addi %parallel_loop3A_536, %parallel_loop3A_461 : i32
        %parallel_loop3A_538 = arith.index_cast %parallel_loop3A_537 : i32 to index
        %parallel_loop3A_539 = arith.constant 0 : index
        %parallel_loop3A_540 = tpu.vector_load %arg16[%parallel_loop3A_538, %parallel_loop3A_539] {strides = array<i32>} : memref<128x128xf32, #tpu.memory_space<vmem>>, vector<16xf32>,
        %parallel_loop3A_541 = arith.constant 48 : i32
        %parallel_loop3A_542 = arith.addi %parallel_loop3A_541, %parallel_loop3A_461 : i32
        %parallel_loop3A_543 = arith.index_cast %parallel_loop3A_542 : i32 to index
        %parallel_loop3A_544 = arith.constant 0 : index
        %parallel_loop3A_545 = tpu.vector_load %arg16[%parallel_loop3A_543, %parallel_loop3A_544] {strides = array<i32>} : memref<128x128xf32, #tpu.memory_space<vmem>>, vector<16xf32>,
        %parallel_loop3A_546 = arith.constant 64 : i32
        %parallel_loop3A_547 = arith.addi %parallel_loop3A_546, %parallel_loop3A_461 : i32
        %parallel_loop3A_548 = arith.index_cast %parallel_loop3A_547 : i32 to index
        %parallel_loop3A_549 = arith.constant 0 : index
        %parallel_loop3A_550 = tpu.vector_load %arg16[%parallel_loop3A_548, %parallel_loop3A_549] {strides = array<i32>} : memref<128x128xf32, #tpu.memory_space<vmem>>, vector<16xf32>,
        %parallel_loop3A_551 = arith.constant 80 : i32
        %parallel_loop3A_552 = arith.addi %parallel_loop3A_551, %parallel_loop3A_461 : i32
        %parallel_loop3A_553 = arith.index_cast %parallel_loop3A_552 : i32 to index
        %parallel_loop3A_554 = arith.constant 0 : index
        %parallel_loop3A_555 = tpu.vector_load %arg16[%parallel_loop3A_553, %parallel_loop3A_554] {strides = array<i32>} : memref<128x128xf32, #tpu.memory_space<vmem>>, vector<16xf32>,
        %parallel_loop3A_556 = arith.constant 96 : i32
        %parallel_loop3A_557 = arith.addi %parallel_loop3A_556, %parallel_loop3A_461 : i32
        %parallel_loop3A_558 = arith.index_cast %parallel_loop3A_557 : i32 to index
        %parallel_loop3A_559 = arith.constant 0 : index
        %parallel_loop3A_560 = tpu.vector_load %arg16[%parallel_loop3A_558, %parallel_loop3A_559] {strides = array<i32>} : memref<128x128xf32, #tpu.memory_space<vmem>>, vector<16xf32>,
        %parallel_loop3A_561 = arith.constant 112 : i32
        %parallel_loop3A_562 = arith.addi %parallel_loop3A_561, %parallel_loop3A_461 : i32
        %parallel_loop3A_563 = arith.index_cast %parallel_loop3A_562 : i32 to index
        %parallel_loop3A_564 = arith.constant 0 : index
        %parallel_loop3A_565 = tpu.vector_load %arg16[%parallel_loop3A_563, %parallel_loop3A_564] {strides = array<i32>} : memref<128x128xf32, #tpu.memory_space<vmem>>, vector<16xf32>,
        %parallel_loop3A_566 = arith.mulf %parallel_loop3A_530, %parallel_loop3A_469 : vector<16xf32>
        %parallel_loop3A_567 = arith.mulf %parallel_loop3A_535, %parallel_loop3A_477 : vector<16xf32>
        %parallel_loop3A_568 = arith.addf %parallel_loop3A_566, %parallel_loop3A_567 : vector<16xf32>
        %parallel_loop3A_569 = arith.mulf %parallel_loop3A_540, %parallel_loop3A_485 : vector<16xf32>
        %parallel_loop3A_570 = arith.mulf %parallel_loop3A_545, %parallel_loop3A_493 : vector<16xf32>
        %parallel_loop3A_571 = arith.addf %parallel_loop3A_569, %parallel_loop3A_570 : vector<16xf32>
        %parallel_loop3A_572 = arith.addf %parallel_loop3A_568, %parallel_loop3A_571 : vector<16xf32>
        %parallel_loop3A_573 = arith.mulf %parallel_loop3A_550, %parallel_loop3A_501 : vector<16xf32>
        %parallel_loop3A_574 = arith.mulf %parallel_loop3A_555, %parallel_loop3A_509 : vector<16xf32>
        %parallel_loop3A_575 = arith.addf %parallel_loop3A_573, %parallel_loop3A_574 : vector<16xf32>
        %parallel_loop3A_576 = arith.mulf %parallel_loop3A_560, %parallel_loop3A_517 : vector<16xf32>
        %parallel_loop3A_577 = arith.mulf %parallel_loop3A_565, %parallel_loop3A_525 : vector<16xf32>
        %parallel_loop3A_578 = arith.addf %parallel_loop3A_576, %parallel_loop3A_577 : vector<16xf32>
        %parallel_loop3A_579 = arith.addf %parallel_loop3A_575, %parallel_loop3A_578 : vector<16xf32>
        %parallel_loop3A_580 = arith.addf %parallel_loop3A_572, %parallel_loop3A_579 : vector<16xf32>
        %parallel_loop3A_581 = arith.constant 0 : i32
        %parallel_loop3A_582 = arith.addi %parallel_loop3A_581, %parallel_loop3A_461 : i32
        %parallel_loop3A_583 = arith.index_cast %parallel_loop3A_582 : i32 to index
        %parallel_loop3A_584 = arith.constant 0 : index
        %parallel_loop3A_585 = tpu.vector_load %arg12[%parallel_loop3A_583, %parallel_loop3A_584] {strides = array<i32>} : memref<16x128xf32, #tpu.memory_space<vmem>>, vector<16xf32>,
        tpu.vector_store %arg12[%parallel_loop3A_583, %parallel_loop3A_584], %parallel_loop3A_580 {strides = array<i32>} : memref<16x128xf32, #tpu.memory_space<vmem>>, vector<16xf32>,
        %parallel_loop3A_586 = arith.constant 0 : i32
        %parallel_loop3A_587 = arith.addi %parallel_loop3A_586, %parallel_loop3A_461 : i32
        %parallel_loop3A_588 = arith.index_cast %parallel_loop3A_587 : i32 to index
        %parallel_loop3A_589 = arith.constant 16 : index
        %parallel_loop3A_590 = tpu.vector_load %arg16[%parallel_loop3A_588, %parallel_loop3A_589] {strides = array<i32>} : memref<128x128xf32, #tpu.memory_space<vmem>>, vector<16xf32>,
        %parallel_loop3A_591 = arith.constant 16 : i32
        %parallel_loop3A_592 = arith.addi %parallel_loop3A_591, %parallel_loop3A_461 : i32
        %parallel_loop3A_593 = arith.index_cast %parallel_loop3A_592 : i32 to index
        %parallel_loop3A_594 = arith.constant 16 : index
        %parallel_loop3A_595 = tpu.vector_load %arg16[%parallel_loop3A_593, %parallel_loop3A_594] {strides = array<i32>} : memref<128x128xf32, #tpu.memory_space<vmem>>, vector<16xf32>,
        %parallel_loop3A_596 = arith.constant 32 : i32
        %parallel_loop3A_597 = arith.addi %parallel_loop3A_596, %parallel_loop3A_461 : i32
        %parallel_loop3A_598 = arith.index_cast %parallel_loop3A_597 : i32 to index
        %parallel_loop3A_599 = arith.constant 16 : index
        %parallel_loop3A_600 = tpu.vector_load %arg16[%parallel_loop3A_598, %parallel_loop3A_599] {strides = array<i32>} : memref<128x128xf32, #tpu.memory_space<vmem>>, vector<16xf32>,
        %parallel_loop3A_601 = arith.constant 48 : i32
        %parallel_loop3A_602 = arith.addi %parallel_loop3A_601, %parallel_loop3A_461 : i32
        %parallel_loop3A_603 = arith.index_cast %parallel_loop3A_602 : i32 to index
        %parallel_loop3A_604 = arith.constant 16 : index
        %parallel_loop3A_605 = tpu.vector_load %arg16[%parallel_loop3A_603, %parallel_loop3A_604] {strides = array<i32>} : memref<128x128xf32, #tpu.memory_space<vmem>>, vector<16xf32>,
        %parallel_loop3A_606 = arith.constant 64 : i32
        %parallel_loop3A_607 = arith.addi %parallel_loop3A_606, %parallel_loop3A_461 : i32
        %parallel_loop3A_608 = arith.index_cast %parallel_loop3A_607 : i32 to index
        %parallel_loop3A_609 = arith.constant 16 : index
        %parallel_loop3A_610 = tpu.vector_load %arg16[%parallel_loop3A_608, %parallel_loop3A_609] {strides = array<i32>} : memref<128x128xf32, #tpu.memory_space<vmem>>, vector<16xf32>,
        %parallel_loop3A_611 = arith.constant 80 : i32
        %parallel_loop3A_612 = arith.addi %parallel_loop3A_611, %parallel_loop3A_461 : i32
        %parallel_loop3A_613 = arith.index_cast %parallel_loop3A_612 : i32 to index
        %parallel_loop3A_614 = arith.constant 16 : index
        %parallel_loop3A_615 = tpu.vector_load %arg16[%parallel_loop3A_613, %parallel_loop3A_614] {strides = array<i32>} : memref<128x128xf32, #tpu.memory_space<vmem>>, vector<16xf32>,
        %parallel_loop3A_616 = arith.constant 96 : i32
        %parallel_loop3A_617 = arith.addi %parallel_loop3A_616, %parallel_loop3A_461 : i32
        %parallel_loop3A_618 = arith.index_cast %parallel_loop3A_617 : i32 to index
        %parallel_loop3A_619 = arith.constant 16 : index
        %parallel_loop3A_620 = tpu.vector_load %arg16[%parallel_loop3A_618, %parallel_loop3A_619] {strides = array<i32>} : memref<128x128xf32, #tpu.memory_space<vmem>>, vector<16xf32>,
        %parallel_loop3A_621 = arith.constant 112 : i32
        %parallel_loop3A_622 = arith.addi %parallel_loop3A_621, %parallel_loop3A_461 : i32
        %parallel_loop3A_623 = arith.index_cast %parallel_loop3A_622 : i32 to index
        %parallel_loop3A_624 = arith.constant 16 : index
        %parallel_loop3A_625 = tpu.vector_load %arg16[%parallel_loop3A_623, %parallel_loop3A_624] {strides = array<i32>} : memref<128x128xf32, #tpu.memory_space<vmem>>, vector<16xf32>,
        %parallel_loop3A_626 = arith.mulf %parallel_loop3A_590, %parallel_loop3A_469 : vector<16xf32>
        %parallel_loop3A_627 = arith.mulf %parallel_loop3A_595, %parallel_loop3A_477 : vector<16xf32>
        %parallel_loop3A_628 = arith.addf %parallel_loop3A_626, %parallel_loop3A_627 : vector<16xf32>
        %parallel_loop3A_629 = arith.mulf %parallel_loop3A_600, %parallel_loop3A_485 : vector<16xf32>
        %parallel_loop3A_630 = arith.mulf %parallel_loop3A_605, %parallel_loop3A_493 : vector<16xf32>
        %parallel_loop3A_631 = arith.addf %parallel_loop3A_629, %parallel_loop3A_630 : vector<16xf32>
        %parallel_loop3A_632 = arith.addf %parallel_loop3A_628, %parallel_loop3A_631 : vector<16xf32>
        %parallel_loop3A_633 = arith.mulf %parallel_loop3A_610, %parallel_loop3A_501 : vector<16xf32>
        %parallel_loop3A_634 = arith.mulf %parallel_loop3A_615, %parallel_loop3A_509 : vector<16xf32>
        %parallel_loop3A_635 = arith.addf %parallel_loop3A_633, %parallel_loop3A_634 : vector<16xf32>
        %parallel_loop3A_636 = arith.mulf %parallel_loop3A_620, %parallel_loop3A_517 : vector<16xf32>
        %parallel_loop3A_637 = arith.mulf %parallel_loop3A_625, %parallel_loop3A_525 : vector<16xf32>
        %parallel_loop3A_638 = arith.addf %parallel_loop3A_636, %parallel_loop3A_637 : vector<16xf32>
        %parallel_loop3A_639 = arith.addf %parallel_loop3A_635, %parallel_loop3A_638 : vector<16xf32>
        %parallel_loop3A_640 = arith.addf %parallel_loop3A_632, %parallel_loop3A_639 : vector<16xf32>
        %parallel_loop3A_641 = arith.constant 0 : i32
        %parallel_loop3A_642 = arith.addi %parallel_loop3A_641, %parallel_loop3A_461 : i32
        %parallel_loop3A_643 = arith.index_cast %parallel_loop3A_642 : i32 to index
        %parallel_loop3A_644 = arith.constant 16 : index
        %parallel_loop3A_645 = tpu.vector_load %arg12[%parallel_loop3A_643, %parallel_loop3A_644] {strides = array<i32>} : memref<16x128xf32, #tpu.memory_space<vmem>>, vector<16xf32>,
        tpu.vector_store %arg12[%parallel_loop3A_643, %parallel_loop3A_644], %parallel_loop3A_640 {strides = array<i32>} : memref<16x128xf32, #tpu.memory_space<vmem>>, vector<16xf32>,
        %parallel_loop3A_646 = arith.constant 0 : i32
        %parallel_loop3A_647 = arith.addi %parallel_loop3A_646, %parallel_loop3A_461 : i32
        %parallel_loop3A_648 = arith.index_cast %parallel_loop3A_647 : i32 to index
        %parallel_loop3A_649 = arith.constant 32 : index
        %parallel_loop3A_650 = tpu.vector_load %arg16[%parallel_loop3A_648, %parallel_loop3A_649] {strides = array<i32>} : memref<128x128xf32, #tpu.memory_space<vmem>>, vector<16xf32>,
        %parallel_loop3A_651 = arith.constant 16 : i32
        %parallel_loop3A_652 = arith.addi %parallel_loop3A_651, %parallel_loop3A_461 : i32
        %parallel_loop3A_653 = arith.index_cast %parallel_loop3A_652 : i32 to index
        %parallel_loop3A_654 = arith.constant 32 : index
        %parallel_loop3A_655 = tpu.vector_load %arg16[%parallel_loop3A_653, %parallel_loop3A_654] {strides = array<i32>} : memref<128x128xf32, #tpu.memory_space<vmem>>, vector<16xf32>,
        %parallel_loop3A_656 = arith.constant 32 : i32
        %parallel_loop3A_657 = arith.addi %parallel_loop3A_656, %parallel_loop3A_461 : i32
        %parallel_loop3A_658 = arith.index_cast %parallel_loop3A_657 : i32 to index
        %parallel_loop3A_659 = arith.constant 32 : index
        %parallel_loop3A_660 = tpu.vector_load %arg16[%parallel_loop3A_658, %parallel_loop3A_659] {strides = array<i32>} : memref<128x128xf32, #tpu.memory_space<vmem>>, vector<16xf32>,
        %parallel_loop3A_661 = arith.constant 48 : i32
        %parallel_loop3A_662 = arith.addi %parallel_loop3A_661, %parallel_loop3A_461 : i32
        %parallel_loop3A_663 = arith.index_cast %parallel_loop3A_662 : i32 to index
        %parallel_loop3A_664 = arith.constant 32 : index
        %parallel_loop3A_665 = tpu.vector_load %arg16[%parallel_loop3A_663, %parallel_loop3A_664] {strides = array<i32>} : memref<128x128xf32, #tpu.memory_space<vmem>>, vector<16xf32>,
        %parallel_loop3A_666 = arith.constant 64 : i32
        %parallel_loop3A_667 = arith.addi %parallel_loop3A_666, %parallel_loop3A_461 : i32
        %parallel_loop3A_668 = arith.index_cast %parallel_loop3A_667 : i32 to index
        %parallel_loop3A_669 = arith.constant 32 : index
        %parallel_loop3A_670 = tpu.vector_load %arg16[%parallel_loop3A_668, %parallel_loop3A_669] {strides = array<i32>} : memref<128x128xf32, #tpu.memory_space<vmem>>, vector<16xf32>,
        %parallel_loop3A_671 = arith.constant 80 : i32
        %parallel_loop3A_672 = arith.addi %parallel_loop3A_671, %parallel_loop3A_461 : i32
        %parallel_loop3A_673 = arith.index_cast %parallel_loop3A_672 : i32 to index
        %parallel_loop3A_674 = arith.constant 32 : index
        %parallel_loop3A_675 = tpu.vector_load %arg16[%parallel_loop3A_673, %parallel_loop3A_674] {strides = array<i32>} : memref<128x128xf32, #tpu.memory_space<vmem>>, vector<16xf32>,
        %parallel_loop3A_676 = arith.constant 96 : i32
        %parallel_loop3A_677 = arith.addi %parallel_loop3A_676, %parallel_loop3A_461 : i32
        %parallel_loop3A_678 = arith.index_cast %parallel_loop3A_677 : i32 to index
        %parallel_loop3A_679 = arith.constant 32 : index
        %parallel_loop3A_680 = tpu.vector_load %arg16[%parallel_loop3A_678, %parallel_loop3A_679] {strides = array<i32>} : memref<128x128xf32, #tpu.memory_space<vmem>>, vector<16xf32>,
        %parallel_loop3A_681 = arith.constant 112 : i32
        %parallel_loop3A_682 = arith.addi %parallel_loop3A_681, %parallel_loop3A_461 : i32
        %parallel_loop3A_683 = arith.index_cast %parallel_loop3A_682 : i32 to index
        %parallel_loop3A_684 = arith.constant 32 : index
        %parallel_loop3A_685 = tpu.vector_load %arg16[%parallel_loop3A_683, %parallel_loop3A_684] {strides = array<i32>} : memref<128x128xf32, #tpu.memory_space<vmem>>, vector<16xf32>,
        %parallel_loop3A_686 = arith.mulf %parallel_loop3A_650, %parallel_loop3A_469 : vector<16xf32>
        %parallel_loop3A_687 = arith.mulf %parallel_loop3A_655, %parallel_loop3A_477 : vector<16xf32>
        %parallel_loop3A_688 = arith.addf %parallel_loop3A_686, %parallel_loop3A_687 : vector<16xf32>
        %parallel_loop3A_689 = arith.mulf %parallel_loop3A_660, %parallel_loop3A_485 : vector<16xf32>
        %parallel_loop3A_690 = arith.mulf %parallel_loop3A_665, %parallel_loop3A_493 : vector<16xf32>
        %parallel_loop3A_691 = arith.addf %parallel_loop3A_689, %parallel_loop3A_690 : vector<16xf32>
        %parallel_loop3A_692 = arith.addf %parallel_loop3A_688, %parallel_loop3A_691 : vector<16xf32>
        %parallel_loop3A_693 = arith.mulf %parallel_loop3A_670, %parallel_loop3A_501 : vector<16xf32>
        %parallel_loop3A_694 = arith.mulf %parallel_loop3A_675, %parallel_loop3A_509 : vector<16xf32>
        %parallel_loop3A_695 = arith.addf %parallel_loop3A_693, %parallel_loop3A_694 : vector<16xf32>
        %parallel_loop3A_696 = arith.mulf %parallel_loop3A_680, %parallel_loop3A_517 : vector<16xf32>
        %parallel_loop3A_697 = arith.mulf %parallel_loop3A_685, %parallel_loop3A_525 : vector<16xf32>
        %parallel_loop3A_698 = arith.addf %parallel_loop3A_696, %parallel_loop3A_697 : vector<16xf32>
        %parallel_loop3A_699 = arith.addf %parallel_loop3A_695, %parallel_loop3A_698 : vector<16xf32>
        %parallel_loop3A_700 = arith.addf %parallel_loop3A_692, %parallel_loop3A_699 : vector<16xf32>
        %parallel_loop3A_701 = arith.constant 0 : i32
        %parallel_loop3A_702 = arith.addi %parallel_loop3A_701, %parallel_loop3A_461 : i32
        %parallel_loop3A_703 = arith.index_cast %parallel_loop3A_702 : i32 to index
        %parallel_loop3A_704 = arith.constant 32 : index
        %parallel_loop3A_705 = tpu.vector_load %arg12[%parallel_loop3A_703, %parallel_loop3A_704] {strides = array<i32>} : memref<16x128xf32, #tpu.memory_space<vmem>>, vector<16xf32>,
        tpu.vector_store %arg12[%parallel_loop3A_703, %parallel_loop3A_704], %parallel_loop3A_700 {strides = array<i32>} : memref<16x128xf32, #tpu.memory_space<vmem>>, vector<16xf32>,
        %parallel_loop3A_706 = arith.constant 0 : i32
        %parallel_loop3A_707 = arith.addi %parallel_loop3A_706, %parallel_loop3A_461 : i32
        %parallel_loop3A_708 = arith.index_cast %parallel_loop3A_707 : i32 to index
        %parallel_loop3A_709 = arith.constant 48 : index
        %parallel_loop3A_710 = tpu.vector_load %arg16[%parallel_loop3A_708, %parallel_loop3A_709] {strides = array<i32>} : memref<128x128xf32, #tpu.memory_space<vmem>>, vector<16xf32>,
        %parallel_loop3A_711 = arith.constant 16 : i32
        %parallel_loop3A_712 = arith.addi %parallel_loop3A_711, %parallel_loop3A_461 : i32
        %parallel_loop3A_713 = arith.index_cast %parallel_loop3A_712 : i32 to index
        %parallel_loop3A_714 = arith.constant 48 : index
        %parallel_loop3A_715 = tpu.vector_load %arg16[%parallel_loop3A_713, %parallel_loop3A_714] {strides = array<i32>} : memref<128x128xf32, #tpu.memory_space<vmem>>, vector<16xf32>,
        %parallel_loop3A_716 = arith.constant 32 : i32
        %parallel_loop3A_717 = arith.addi %parallel_loop3A_716, %parallel_loop3A_461 : i32
        %parallel_loop3A_718 = arith.index_cast %parallel_loop3A_717 : i32 to index
        %parallel_loop3A_719 = arith.constant 48 : index
        %parallel_loop3A_720 = tpu.vector_load %arg16[%parallel_loop3A_718, %parallel_loop3A_719] {strides = array<i32>} : memref<128x128xf32, #tpu.memory_space<vmem>>, vector<16xf32>,
        %parallel_loop3A_721 = arith.constant 48 : i32
        %parallel_loop3A_722 = arith.addi %parallel_loop3A_721, %parallel_loop3A_461 : i32
        %parallel_loop3A_723 = arith.index_cast %parallel_loop3A_722 : i32 to index
        %parallel_loop3A_724 = arith.constant 48 : index
        %parallel_loop3A_725 = tpu.vector_load %arg16[%parallel_loop3A_723, %parallel_loop3A_724] {strides = array<i32>} : memref<128x128xf32, #tpu.memory_space<vmem>>, vector<16xf32>,
        %parallel_loop3A_726 = arith.constant 64 : i32
        %parallel_loop3A_727 = arith.addi %parallel_loop3A_726, %parallel_loop3A_461 : i32
        %parallel_loop3A_728 = arith.index_cast %parallel_loop3A_727 : i32 to index
        %parallel_loop3A_729 = arith.constant 48 : index
        %parallel_loop3A_730 = tpu.vector_load %arg16[%parallel_loop3A_728, %parallel_loop3A_729] {strides = array<i32>} : memref<128x128xf32, #tpu.memory_space<vmem>>, vector<16xf32>,
        %parallel_loop3A_731 = arith.constant 80 : i32
        %parallel_loop3A_732 = arith.addi %parallel_loop3A_731, %parallel_loop3A_461 : i32
        %parallel_loop3A_733 = arith.index_cast %parallel_loop3A_732 : i32 to index
        %parallel_loop3A_734 = arith.constant 48 : index
        %parallel_loop3A_735 = tpu.vector_load %arg16[%parallel_loop3A_733, %parallel_loop3A_734] {strides = array<i32>} : memref<128x128xf32, #tpu.memory_space<vmem>>, vector<16xf32>,
        %parallel_loop3A_736 = arith.constant 96 : i32
        %parallel_loop3A_737 = arith.addi %parallel_loop3A_736, %parallel_loop3A_461 : i32
        %parallel_loop3A_738 = arith.index_cast %parallel_loop3A_737 : i32 to index
        %parallel_loop3A_739 = arith.constant 48 : index
        %parallel_loop3A_740 = tpu.vector_load %arg16[%parallel_loop3A_738, %parallel_loop3A_739] {strides = array<i32>} : memref<128x128xf32, #tpu.memory_space<vmem>>, vector<16xf32>,
        %parallel_loop3A_741 = arith.constant 112 : i32
        %parallel_loop3A_742 = arith.addi %parallel_loop3A_741, %parallel_loop3A_461 : i32
        %parallel_loop3A_743 = arith.index_cast %parallel_loop3A_742 : i32 to index
        %parallel_loop3A_744 = arith.constant 48 : index
        %parallel_loop3A_745 = tpu.vector_load %arg16[%parallel_loop3A_743, %parallel_loop3A_744] {strides = array<i32>} : memref<128x128xf32, #tpu.memory_space<vmem>>, vector<16xf32>,
        %parallel_loop3A_746 = arith.mulf %parallel_loop3A_710, %parallel_loop3A_469 : vector<16xf32>
        %parallel_loop3A_747 = arith.mulf %parallel_loop3A_715, %parallel_loop3A_477 : vector<16xf32>
        %parallel_loop3A_748 = arith.addf %parallel_loop3A_746, %parallel_loop3A_747 : vector<16xf32>
        %parallel_loop3A_749 = arith.mulf %parallel_loop3A_720, %parallel_loop3A_485 : vector<16xf32>
        %parallel_loop3A_750 = arith.mulf %parallel_loop3A_725, %parallel_loop3A_493 : vector<16xf32>
        %parallel_loop3A_751 = arith.addf %parallel_loop3A_749, %parallel_loop3A_750 : vector<16xf32>
        %parallel_loop3A_752 = arith.addf %parallel_loop3A_748, %parallel_loop3A_751 : vector<16xf32>
        %parallel_loop3A_753 = arith.mulf %parallel_loop3A_730, %parallel_loop3A_501 : vector<16xf32>
        %parallel_loop3A_754 = arith.mulf %parallel_loop3A_735, %parallel_loop3A_509 : vector<16xf32>
        %parallel_loop3A_755 = arith.addf %parallel_loop3A_753, %parallel_loop3A_754 : vector<16xf32>
        %parallel_loop3A_756 = arith.mulf %parallel_loop3A_740, %parallel_loop3A_517 : vector<16xf32>
        %parallel_loop3A_757 = arith.mulf %parallel_loop3A_745, %parallel_loop3A_525 : vector<16xf32>
        %parallel_loop3A_758 = arith.addf %parallel_loop3A_756, %parallel_loop3A_757 : vector<16xf32>
        %parallel_loop3A_759 = arith.addf %parallel_loop3A_755, %parallel_loop3A_758 : vector<16xf32>
        %parallel_loop3A_760 = arith.addf %parallel_loop3A_752, %parallel_loop3A_759 : vector<16xf32>
        %parallel_loop3A_761 = arith.constant 0 : i32
        %parallel_loop3A_762 = arith.addi %parallel_loop3A_761, %parallel_loop3A_461 : i32
        %parallel_loop3A_763 = arith.index_cast %parallel_loop3A_762 : i32 to index
        %parallel_loop3A_764 = arith.constant 48 : index
        %parallel_loop3A_765 = tpu.vector_load %arg12[%parallel_loop3A_763, %parallel_loop3A_764] {strides = array<i32>} : memref<16x128xf32, #tpu.memory_space<vmem>>, vector<16xf32>,
        tpu.vector_store %arg12[%parallel_loop3A_763, %parallel_loop3A_764], %parallel_loop3A_760 {strides = array<i32>} : memref<16x128xf32, #tpu.memory_space<vmem>>, vector<16xf32>,
        %parallel_loop3A_766 = arith.constant 0 : i32
        %parallel_loop3A_767 = arith.addi %parallel_loop3A_766, %parallel_loop3A_461 : i32
        %parallel_loop3A_768 = arith.index_cast %parallel_loop3A_767 : i32 to index
        %parallel_loop3A_769 = arith.constant 64 : index
        %parallel_loop3A_770 = tpu.vector_load %arg16[%parallel_loop3A_768, %parallel_loop3A_769] {strides = array<i32>} : memref<128x128xf32, #tpu.memory_space<vmem>>, vector<16xf32>,
        %parallel_loop3A_771 = arith.constant 16 : i32
        %parallel_loop3A_772 = arith.addi %parallel_loop3A_771, %parallel_loop3A_461 : i32
        %parallel_loop3A_773 = arith.index_cast %parallel_loop3A_772 : i32 to index
        %parallel_loop3A_774 = arith.constant 64 : index
        %parallel_loop3A_775 = tpu.vector_load %arg16[%parallel_loop3A_773, %parallel_loop3A_774] {strides = array<i32>} : memref<128x128xf32, #tpu.memory_space<vmem>>, vector<16xf32>,
        %parallel_loop3A_776 = arith.constant 32 : i32
        %parallel_loop3A_777 = arith.addi %parallel_loop3A_776, %parallel_loop3A_461 : i32
        %parallel_loop3A_778 = arith.index_cast %parallel_loop3A_777 : i32 to index
        %parallel_loop3A_779 = arith.constant 64 : index
        %parallel_loop3A_780 = tpu.vector_load %arg16[%parallel_loop3A_778, %parallel_loop3A_779] {strides = array<i32>} : memref<128x128xf32, #tpu.memory_space<vmem>>, vector<16xf32>,
        %parallel_loop3A_781 = arith.constant 48 : i32
        %parallel_loop3A_782 = arith.addi %parallel_loop3A_781, %parallel_loop3A_461 : i32
        %parallel_loop3A_783 = arith.index_cast %parallel_loop3A_782 : i32 to index
        %parallel_loop3A_784 = arith.constant 64 : index
        %parallel_loop3A_785 = tpu.vector_load %arg16[%parallel_loop3A_783, %parallel_loop3A_784] {strides = array<i32>} : memref<128x128xf32, #tpu.memory_space<vmem>>, vector<16xf32>,
        %parallel_loop3A_786 = arith.constant 64 : i32
        %parallel_loop3A_787 = arith.addi %parallel_loop3A_786, %parallel_loop3A_461 : i32
        %parallel_loop3A_788 = arith.index_cast %parallel_loop3A_787 : i32 to index
        %parallel_loop3A_789 = arith.constant 64 : index
        %parallel_loop3A_790 = tpu.vector_load %arg16[%parallel_loop3A_788, %parallel_loop3A_789] {strides = array<i32>} : memref<128x128xf32, #tpu.memory_space<vmem>>, vector<16xf32>,
        %parallel_loop3A_791 = arith.constant 80 : i32
        %parallel_loop3A_792 = arith.addi %parallel_loop3A_791, %parallel_loop3A_461 : i32
        %parallel_loop3A_793 = arith.index_cast %parallel_loop3A_792 : i32 to index
        %parallel_loop3A_794 = arith.constant 64 : index
        %parallel_loop3A_795 = tpu.vector_load %arg16[%parallel_loop3A_793, %parallel_loop3A_794] {strides = array<i32>} : memref<128x128xf32, #tpu.memory_space<vmem>>, vector<16xf32>,
        %parallel_loop3A_796 = arith.constant 96 : i32
        %parallel_loop3A_797 = arith.addi %parallel_loop3A_796, %parallel_loop3A_461 : i32
        %parallel_loop3A_798 = arith.index_cast %parallel_loop3A_797 : i32 to index
        %parallel_loop3A_799 = arith.constant 64 : index
        %parallel_loop3A_800 = tpu.vector_load %arg16[%parallel_loop3A_798, %parallel_loop3A_799] {strides = array<i32>} : memref<128x128xf32, #tpu.memory_space<vmem>>, vector<16xf32>,
        %parallel_loop3A_801 = arith.constant 112 : i32
        %parallel_loop3A_802 = arith.addi %parallel_loop3A_801, %parallel_loop3A_461 : i32
        %parallel_loop3A_803 = arith.index_cast %parallel_loop3A_802 : i32 to index
        %parallel_loop3A_804 = arith.constant 64 : index
        %parallel_loop3A_805 = tpu.vector_load %arg16[%parallel_loop3A_803, %parallel_loop3A_804] {strides = array<i32>} : memref<128x128xf32, #tpu.memory_space<vmem>>, vector<16xf32>,
        %parallel_loop3A_806 = arith.mulf %parallel_loop3A_770, %parallel_loop3A_469 : vector<16xf32>
        %parallel_loop3A_807 = arith.mulf %parallel_loop3A_775, %parallel_loop3A_477 : vector<16xf32>
        %parallel_loop3A_808 = arith.addf %parallel_loop3A_806, %parallel_loop3A_807 : vector<16xf32>
        %parallel_loop3A_809 = arith.mulf %parallel_loop3A_780, %parallel_loop3A_485 : vector<16xf32>
        %parallel_loop3A_810 = arith.mulf %parallel_loop3A_785, %parallel_loop3A_493 : vector<16xf32>
        %parallel_loop3A_811 = arith.addf %parallel_loop3A_809, %parallel_loop3A_810 : vector<16xf32>
        %parallel_loop3A_812 = arith.addf %parallel_loop3A_808, %parallel_loop3A_811 : vector<16xf32>
        %parallel_loop3A_813 = arith.mulf %parallel_loop3A_790, %parallel_loop3A_501 : vector<16xf32>
        %parallel_loop3A_814 = arith.mulf %parallel_loop3A_795, %parallel_loop3A_509 : vector<16xf32>
        %parallel_loop3A_815 = arith.addf %parallel_loop3A_813, %parallel_loop3A_814 : vector<16xf32>
        %parallel_loop3A_816 = arith.mulf %parallel_loop3A_800, %parallel_loop3A_517 : vector<16xf32>
        %parallel_loop3A_817 = arith.mulf %parallel_loop3A_805, %parallel_loop3A_525 : vector<16xf32>
        %parallel_loop3A_818 = arith.addf %parallel_loop3A_816, %parallel_loop3A_817 : vector<16xf32>
        %parallel_loop3A_819 = arith.addf %parallel_loop3A_815, %parallel_loop3A_818 : vector<16xf32>
        %parallel_loop3A_820 = arith.addf %parallel_loop3A_812, %parallel_loop3A_819 : vector<16xf32>
        %parallel_loop3A_821 = arith.constant 0 : i32
        %parallel_loop3A_822 = arith.addi %parallel_loop3A_821, %parallel_loop3A_461 : i32
        %parallel_loop3A_823 = arith.index_cast %parallel_loop3A_822 : i32 to index
        %parallel_loop3A_824 = arith.constant 64 : index
        %parallel_loop3A_825 = tpu.vector_load %arg12[%parallel_loop3A_823, %parallel_loop3A_824] {strides = array<i32>} : memref<16x128xf32, #tpu.memory_space<vmem>>, vector<16xf32>,
        tpu.vector_store %arg12[%parallel_loop3A_823, %parallel_loop3A_824], %parallel_loop3A_820 {strides = array<i32>} : memref<16x128xf32, #tpu.memory_space<vmem>>, vector<16xf32>,
        %parallel_loop3A_826 = arith.constant 0 : i32
        %parallel_loop3A_827 = arith.addi %parallel_loop3A_826, %parallel_loop3A_461 : i32
        %parallel_loop3A_828 = arith.index_cast %parallel_loop3A_827 : i32 to index
        %parallel_loop3A_829 = arith.constant 80 : index
        %parallel_loop3A_830 = tpu.vector_load %arg16[%parallel_loop3A_828, %parallel_loop3A_829] {strides = array<i32>} : memref<128x128xf32, #tpu.memory_space<vmem>>, vector<16xf32>,
        %parallel_loop3A_831 = arith.constant 16 : i32
        %parallel_loop3A_832 = arith.addi %parallel_loop3A_831, %parallel_loop3A_461 : i32
        %parallel_loop3A_833 = arith.index_cast %parallel_loop3A_832 : i32 to index
        %parallel_loop3A_834 = arith.constant 80 : index
        %parallel_loop3A_835 = tpu.vector_load %arg16[%parallel_loop3A_833, %parallel_loop3A_834] {strides = array<i32>} : memref<128x128xf32, #tpu.memory_space<vmem>>, vector<16xf32>,
        %parallel_loop3A_836 = arith.constant 32 : i32
        %parallel_loop3A_837 = arith.addi %parallel_loop3A_836, %parallel_loop3A_461 : i32
        %parallel_loop3A_838 = arith.index_cast %parallel_loop3A_837 : i32 to index
        %parallel_loop3A_839 = arith.constant 80 : index
        %parallel_loop3A_840 = tpu.vector_load %arg16[%parallel_loop3A_838, %parallel_loop3A_839] {strides = array<i32>} : memref<128x128xf32, #tpu.memory_space<vmem>>, vector<16xf32>,
        %parallel_loop3A_841 = arith.constant 48 : i32
        %parallel_loop3A_842 = arith.addi %parallel_loop3A_841, %parallel_loop3A_461 : i32
        %parallel_loop3A_843 = arith.index_cast %parallel_loop3A_842 : i32 to index
        %parallel_loop3A_844 = arith.constant 80 : index
        %parallel_loop3A_845 = tpu.vector_load %arg16[%parallel_loop3A_843, %parallel_loop3A_844] {strides = array<i32>} : memref<128x128xf32, #tpu.memory_space<vmem>>, vector<16xf32>,
        %parallel_loop3A_846 = arith.constant 64 : i32
        %parallel_loop3A_847 = arith.addi %parallel_loop3A_846, %parallel_loop3A_461 : i32
        %parallel_loop3A_848 = arith.index_cast %parallel_loop3A_847 : i32 to index
        %parallel_loop3A_849 = arith.constant 80 : index
        %parallel_loop3A_850 = tpu.vector_load %arg16[%parallel_loop3A_848, %parallel_loop3A_849] {strides = array<i32>} : memref<128x128xf32, #tpu.memory_space<vmem>>, vector<16xf32>,
        %parallel_loop3A_851 = arith.constant 80 : i32
        %parallel_loop3A_852 = arith.addi %parallel_loop3A_851, %parallel_loop3A_461 : i32
        %parallel_loop3A_853 = arith.index_cast %parallel_loop3A_852 : i32 to index
        %parallel_loop3A_854 = arith.constant 80 : index
        %parallel_loop3A_855 = tpu.vector_load %arg16[%parallel_loop3A_853, %parallel_loop3A_854] {strides = array<i32>} : memref<128x128xf32, #tpu.memory_space<vmem>>, vector<16xf32>,
        %parallel_loop3A_856 = arith.constant 96 : i32
        %parallel_loop3A_857 = arith.addi %parallel_loop3A_856, %parallel_loop3A_461 : i32
        %parallel_loop3A_858 = arith.index_cast %parallel_loop3A_857 : i32 to index
        %parallel_loop3A_859 = arith.constant 80 : index
        %parallel_loop3A_860 = tpu.vector_load %arg16[%parallel_loop3A_858, %parallel_loop3A_859] {strides = array<i32>} : memref<128x128xf32, #tpu.memory_space<vmem>>, vector<16xf32>,
        %parallel_loop3A_861 = arith.constant 112 : i32
        %parallel_loop3A_862 = arith.addi %parallel_loop3A_861, %parallel_loop3A_461 : i32
        %parallel_loop3A_863 = arith.index_cast %parallel_loop3A_862 : i32 to index
        %parallel_loop3A_864 = arith.constant 80 : index
        %parallel_loop3A_865 = tpu.vector_load %arg16[%parallel_loop3A_863, %parallel_loop3A_864] {strides = array<i32>} : memref<128x128xf32, #tpu.memory_space<vmem>>, vector<16xf32>,
        %parallel_loop3A_866 = arith.mulf %parallel_loop3A_830, %parallel_loop3A_469 : vector<16xf32>
        %parallel_loop3A_867 = arith.mulf %parallel_loop3A_835, %parallel_loop3A_477 : vector<16xf32>
        %parallel_loop3A_868 = arith.addf %parallel_loop3A_866, %parallel_loop3A_867 : vector<16xf32>
        %parallel_loop3A_869 = arith.mulf %parallel_loop3A_840, %parallel_loop3A_485 : vector<16xf32>
        %parallel_loop3A_870 = arith.mulf %parallel_loop3A_845, %parallel_loop3A_493 : vector<16xf32>
        %parallel_loop3A_871 = arith.addf %parallel_loop3A_869, %parallel_loop3A_870 : vector<16xf32>
        %parallel_loop3A_872 = arith.addf %parallel_loop3A_868, %parallel_loop3A_871 : vector<16xf32>
        %parallel_loop3A_873 = arith.mulf %parallel_loop3A_850, %parallel_loop3A_501 : vector<16xf32>
        %parallel_loop3A_874 = arith.mulf %parallel_loop3A_855, %parallel_loop3A_509 : vector<16xf32>
        %parallel_loop3A_875 = arith.addf %parallel_loop3A_873, %parallel_loop3A_874 : vector<16xf32>
        %parallel_loop3A_876 = arith.mulf %parallel_loop3A_860, %parallel_loop3A_517 : vector<16xf32>
        %parallel_loop3A_877 = arith.mulf %parallel_loop3A_865, %parallel_loop3A_525 : vector<16xf32>
        %parallel_loop3A_878 = arith.addf %parallel_loop3A_876, %parallel_loop3A_877 : vector<16xf32>
        %parallel_loop3A_879 = arith.addf %parallel_loop3A_875, %parallel_loop3A_878 : vector<16xf32>
        %parallel_loop3A_880 = arith.addf %parallel_loop3A_872, %parallel_loop3A_879 : vector<16xf32>
        %parallel_loop3A_881 = arith.constant 0 : i32
        %parallel_loop3A_882 = arith.addi %parallel_loop3A_881, %parallel_loop3A_461 : i32
        %parallel_loop3A_883 = arith.index_cast %parallel_loop3A_882 : i32 to index
        %parallel_loop3A_884 = arith.constant 80 : index
        %parallel_loop3A_885 = tpu.vector_load %arg12[%parallel_loop3A_883, %parallel_loop3A_884] {strides = array<i32>} : memref<16x128xf32, #tpu.memory_space<vmem>>, vector<16xf32>,
        tpu.vector_store %arg12[%parallel_loop3A_883, %parallel_loop3A_884], %parallel_loop3A_880 {strides = array<i32>} : memref<16x128xf32, #tpu.memory_space<vmem>>, vector<16xf32>,
        %parallel_loop3A_886 = arith.constant 0 : i32
        %parallel_loop3A_887 = arith.addi %parallel_loop3A_886, %parallel_loop3A_461 : i32
        %parallel_loop3A_888 = arith.index_cast %parallel_loop3A_887 : i32 to index
        %parallel_loop3A_889 = arith.constant 96 : index
        %parallel_loop3A_890 = tpu.vector_load %arg16[%parallel_loop3A_888, %parallel_loop3A_889] {strides = array<i32>} : memref<128x128xf32, #tpu.memory_space<vmem>>, vector<16xf32>,
        %parallel_loop3A_891 = arith.constant 16 : i32
        %parallel_loop3A_892 = arith.addi %parallel_loop3A_891, %parallel_loop3A_461 : i32
        %parallel_loop3A_893 = arith.index_cast %parallel_loop3A_892 : i32 to index
        %parallel_loop3A_894 = arith.constant 96 : index
        %parallel_loop3A_895 = tpu.vector_load %arg16[%parallel_loop3A_893, %parallel_loop3A_894] {strides = array<i32>} : memref<128x128xf32, #tpu.memory_space<vmem>>, vector<16xf32>,
        %parallel_loop3A_896 = arith.constant 32 : i32
        %parallel_loop3A_897 = arith.addi %parallel_loop3A_896, %parallel_loop3A_461 : i32
        %parallel_loop3A_898 = arith.index_cast %parallel_loop3A_897 : i32 to index
        %parallel_loop3A_899 = arith.constant 96 : index
        %parallel_loop3A_900 = tpu.vector_load %arg16[%parallel_loop3A_898, %parallel_loop3A_899] {strides = array<i32>} : memref<128x128xf32, #tpu.memory_space<vmem>>, vector<16xf32>,
        %parallel_loop3A_901 = arith.constant 48 : i32
        %parallel_loop3A_902 = arith.addi %parallel_loop3A_901, %parallel_loop3A_461 : i32
        %parallel_loop3A_903 = arith.index_cast %parallel_loop3A_902 : i32 to index
        %parallel_loop3A_904 = arith.constant 96 : index
        %parallel_loop3A_905 = tpu.vector_load %arg16[%parallel_loop3A_903, %parallel_loop3A_904] {strides = array<i32>} : memref<128x128xf32, #tpu.memory_space<vmem>>, vector<16xf32>,
        %parallel_loop3A_906 = arith.constant 64 : i32
        %parallel_loop3A_907 = arith.addi %parallel_loop3A_906, %parallel_loop3A_461 : i32
        %parallel_loop3A_908 = arith.index_cast %parallel_loop3A_907 : i32 to index
        %parallel_loop3A_909 = arith.constant 96 : index
        %parallel_loop3A_910 = tpu.vector_load %arg16[%parallel_loop3A_908, %parallel_loop3A_909] {strides = array<i32>} : memref<128x128xf32, #tpu.memory_space<vmem>>, vector<16xf32>,
        %parallel_loop3A_911 = arith.constant 80 : i32
        %parallel_loop3A_912 = arith.addi %parallel_loop3A_911, %parallel_loop3A_461 : i32
        %parallel_loop3A_913 = arith.index_cast %parallel_loop3A_912 : i32 to index
        %parallel_loop3A_914 = arith.constant 96 : index
        %parallel_loop3A_915 = tpu.vector_load %arg16[%parallel_loop3A_913, %parallel_loop3A_914] {strides = array<i32>} : memref<128x128xf32, #tpu.memory_space<vmem>>, vector<16xf32>,
        %parallel_loop3A_916 = arith.constant 96 : i32
        %parallel_loop3A_917 = arith.addi %parallel_loop3A_916, %parallel_loop3A_461 : i32
        %parallel_loop3A_918 = arith.index_cast %parallel_loop3A_917 : i32 to index
        %parallel_loop3A_919 = arith.constant 96 : index
        %parallel_loop3A_920 = tpu.vector_load %arg16[%parallel_loop3A_918, %parallel_loop3A_919] {strides = array<i32>} : memref<128x128xf32, #tpu.memory_space<vmem>>, vector<16xf32>,
        %parallel_loop3A_921 = arith.constant 112 : i32
        %parallel_loop3A_922 = arith.addi %parallel_loop3A_921, %parallel_loop3A_461 : i32
        %parallel_loop3A_923 = arith.index_cast %parallel_loop3A_922 : i32 to index
        %parallel_loop3A_924 = arith.constant 96 : index
        %parallel_loop3A_925 = tpu.vector_load %arg16[%parallel_loop3A_923, %parallel_loop3A_924] {strides = array<i32>} : memref<128x128xf32, #tpu.memory_space<vmem>>, vector<16xf32>,
        %parallel_loop3A_926 = arith.mulf %parallel_loop3A_890, %parallel_loop3A_469 : vector<16xf32>
        %parallel_loop3A_927 = arith.mulf %parallel_loop3A_895, %parallel_loop3A_477 : vector<16xf32>
        %parallel_loop3A_928 = arith.addf %parallel_loop3A_926, %parallel_loop3A_927 : vector<16xf32>
        %parallel_loop3A_929 = arith.mulf %parallel_loop3A_900, %parallel_loop3A_485 : vector<16xf32>
        %parallel_loop3A_930 = arith.mulf %parallel_loop3A_905, %parallel_loop3A_493 : vector<16xf32>
        %parallel_loop3A_931 = arith.addf %parallel_loop3A_929, %parallel_loop3A_930 : vector<16xf32>
        %parallel_loop3A_932 = arith.addf %parallel_loop3A_928, %parallel_loop3A_931 : vector<16xf32>
        %parallel_loop3A_933 = arith.mulf %parallel_loop3A_910, %parallel_loop3A_501 : vector<16xf32>
        %parallel_loop3A_934 = arith.mulf %parallel_loop3A_915, %parallel_loop3A_509 : vector<16xf32>
        %parallel_loop3A_935 = arith.addf %parallel_loop3A_933, %parallel_loop3A_934 : vector<16xf32>
        %parallel_loop3A_936 = arith.mulf %parallel_loop3A_920, %parallel_loop3A_517 : vector<16xf32>
        %parallel_loop3A_937 = arith.mulf %parallel_loop3A_925, %parallel_loop3A_525 : vector<16xf32>
        %parallel_loop3A_938 = arith.addf %parallel_loop3A_936, %parallel_loop3A_937 : vector<16xf32>
        %parallel_loop3A_939 = arith.addf %parallel_loop3A_935, %parallel_loop3A_938 : vector<16xf32>
        %parallel_loop3A_940 = arith.addf %parallel_loop3A_932, %parallel_loop3A_939 : vector<16xf32>
        %parallel_loop3A_941 = arith.constant 0 : i32
        %parallel_loop3A_942 = arith.addi %parallel_loop3A_941, %parallel_loop3A_461 : i32
        %parallel_loop3A_943 = arith.index_cast %parallel_loop3A_942 : i32 to index
        %parallel_loop3A_944 = arith.constant 96 : index
        %parallel_loop3A_945 = tpu.vector_load %arg12[%parallel_loop3A_943, %parallel_loop3A_944] {strides = array<i32>} : memref<16x128xf32, #tpu.memory_space<vmem>>, vector<16xf32>,
        tpu.vector_store %arg12[%parallel_loop3A_943, %parallel_loop3A_944], %parallel_loop3A_940 {strides = array<i32>} : memref<16x128xf32, #tpu.memory_space<vmem>>, vector<16xf32>,
        %parallel_loop3A_946 = arith.constant 0 : i32
        %parallel_loop3A_947 = arith.addi %parallel_loop3A_946, %parallel_loop3A_461 : i32
        %parallel_loop3A_948 = arith.index_cast %parallel_loop3A_947 : i32 to index
        %parallel_loop3A_949 = arith.constant 112 : index
        %parallel_loop3A_950 = tpu.vector_load %arg16[%parallel_loop3A_948, %parallel_loop3A_949] {strides = array<i32>} : memref<128x128xf32, #tpu.memory_space<vmem>>, vector<16xf32>,
        %parallel_loop3A_951 = arith.constant 16 : i32
        %parallel_loop3A_952 = arith.addi %parallel_loop3A_951, %parallel_loop3A_461 : i32
        %parallel_loop3A_953 = arith.index_cast %parallel_loop3A_952 : i32 to index
        %parallel_loop3A_954 = arith.constant 112 : index
        %parallel_loop3A_955 = tpu.vector_load %arg16[%parallel_loop3A_953, %parallel_loop3A_954] {strides = array<i32>} : memref<128x128xf32, #tpu.memory_space<vmem>>, vector<16xf32>,
        %parallel_loop3A_956 = arith.constant 32 : i32
        %parallel_loop3A_957 = arith.addi %parallel_loop3A_956, %parallel_loop3A_461 : i32
        %parallel_loop3A_958 = arith.index_cast %parallel_loop3A_957 : i32 to index
        %parallel_loop3A_959 = arith.constant 112 : index
        %parallel_loop3A_960 = tpu.vector_load %arg16[%parallel_loop3A_958, %parallel_loop3A_959] {strides = array<i32>} : memref<128x128xf32, #tpu.memory_space<vmem>>, vector<16xf32>,
        %parallel_loop3A_961 = arith.constant 48 : i32
        %parallel_loop3A_962 = arith.addi %parallel_loop3A_961, %parallel_loop3A_461 : i32
        %parallel_loop3A_963 = arith.index_cast %parallel_loop3A_962 : i32 to index
        %parallel_loop3A_964 = arith.constant 112 : index
        %parallel_loop3A_965 = tpu.vector_load %arg16[%parallel_loop3A_963, %parallel_loop3A_964] {strides = array<i32>} : memref<128x128xf32, #tpu.memory_space<vmem>>, vector<16xf32>,
        %parallel_loop3A_966 = arith.constant 64 : i32
        %parallel_loop3A_967 = arith.addi %parallel_loop3A_966, %parallel_loop3A_461 : i32
        %parallel_loop3A_968 = arith.index_cast %parallel_loop3A_967 : i32 to index
        %parallel_loop3A_969 = arith.constant 112 : index
        %parallel_loop3A_970 = tpu.vector_load %arg16[%parallel_loop3A_968, %parallel_loop3A_969] {strides = array<i32>} : memref<128x128xf32, #tpu.memory_space<vmem>>, vector<16xf32>,
        %parallel_loop3A_971 = arith.constant 80 : i32
        %parallel_loop3A_972 = arith.addi %parallel_loop3A_971, %parallel_loop3A_461 : i32
        %parallel_loop3A_973 = arith.index_cast %parallel_loop3A_972 : i32 to index
        %parallel_loop3A_974 = arith.constant 112 : index
        %parallel_loop3A_975 = tpu.vector_load %arg16[%parallel_loop3A_973, %parallel_loop3A_974] {strides = array<i32>} : memref<128x128xf32, #tpu.memory_space<vmem>>, vector<16xf32>,
        %parallel_loop3A_976 = arith.constant 96 : i32
        %parallel_loop3A_977 = arith.addi %parallel_loop3A_976, %parallel_loop3A_461 : i32
        %parallel_loop3A_978 = arith.index_cast %parallel_loop3A_977 : i32 to index
        %parallel_loop3A_979 = arith.constant 112 : index
        %parallel_loop3A_980 = tpu.vector_load %arg16[%parallel_loop3A_978, %parallel_loop3A_979] {strides = array<i32>} : memref<128x128xf32, #tpu.memory_space<vmem>>, vector<16xf32>,
        %parallel_loop3A_981 = arith.constant 112 : i32
        %parallel_loop3A_982 = arith.addi %parallel_loop3A_981, %parallel_loop3A_461 : i32
        %parallel_loop3A_983 = arith.index_cast %parallel_loop3A_982 : i32 to index
        %parallel_loop3A_984 = arith.constant 112 : index
        %parallel_loop3A_985 = tpu.vector_load %arg16[%parallel_loop3A_983, %parallel_loop3A_984] {strides = array<i32>} : memref<128x128xf32, #tpu.memory_space<vmem>>, vector<16xf32>,
        %parallel_loop3A_986 = arith.mulf %parallel_loop3A_950, %parallel_loop3A_469 : vector<16xf32>
        %parallel_loop3A_987 = arith.mulf %parallel_loop3A_955, %parallel_loop3A_477 : vector<16xf32>
        %parallel_loop3A_988 = arith.addf %parallel_loop3A_986, %parallel_loop3A_987 : vector<16xf32>
        %parallel_loop3A_989 = arith.mulf %parallel_loop3A_960, %parallel_loop3A_485 : vector<16xf32>
        %parallel_loop3A_990 = arith.mulf %parallel_loop3A_965, %parallel_loop3A_493 : vector<16xf32>
        %parallel_loop3A_991 = arith.addf %parallel_loop3A_989, %parallel_loop3A_990 : vector<16xf32>
        %parallel_loop3A_992 = arith.addf %parallel_loop3A_988, %parallel_loop3A_991 : vector<16xf32>
        %parallel_loop3A_993 = arith.mulf %parallel_loop3A_970, %parallel_loop3A_501 : vector<16xf32>
        %parallel_loop3A_994 = arith.mulf %parallel_loop3A_975, %parallel_loop3A_509 : vector<16xf32>
        %parallel_loop3A_995 = arith.addf %parallel_loop3A_993, %parallel_loop3A_994 : vector<16xf32>
        %parallel_loop3A_996 = arith.mulf %parallel_loop3A_980, %parallel_loop3A_517 : vector<16xf32>
        %parallel_loop3A_997 = arith.mulf %parallel_loop3A_985, %parallel_loop3A_525 : vector<16xf32>
        %parallel_loop3A_998 = arith.addf %parallel_loop3A_996, %parallel_loop3A_997 : vector<16xf32>
        %parallel_loop3A_999 = arith.addf %parallel_loop3A_995, %parallel_loop3A_998 : vector<16xf32>
        %parallel_loop3A_1000 = arith.addf %parallel_loop3A_992, %parallel_loop3A_999 : vector<16xf32>
        %parallel_loop3A_1001 = arith.constant 0 : i32
        %parallel_loop3A_1002 = arith.addi %parallel_loop3A_1001, %parallel_loop3A_461 : i32
        %parallel_loop3A_1003 = arith.index_cast %parallel_loop3A_1002 : i32 to index
        %parallel_loop3A_1004 = arith.constant 112 : index
        %parallel_loop3A_1005 = tpu.vector_load %arg12[%parallel_loop3A_1003, %parallel_loop3A_1004] {strides = array<i32>} : memref<16x128xf32, #tpu.memory_space<vmem>>, vector<16xf32>,
        tpu.vector_store %arg12[%parallel_loop3A_1003, %parallel_loop3A_1004], %parallel_loop3A_1000 {strides = array<i32>} : memref<16x128xf32, #tpu.memory_space<vmem>>, vector<16xf32>,
      } {sc.loop_unroll_factor = 2 : i64, sc.parallel_access}
      %mul3A_344 = arith.constant 16 : i32
      %mul3A_345 = arith.muli %add3A_259, %mul3A_344 : i32
      %add3A_346 = arith.addi %mul3A_3, %mul3A_345 : i32
      %dma_start3A_347 = arith.constant 0 : i32
      %dma_start3A_348 = tpu.memref_slice %arg7[%add3A_346, %dma_start3A_347] : memref<100352x128xf32, #tpu.memory_space<hbm>> -> memref<16x128xf32, #tpu.memory_space<hbm>>
      %dma_start3A_349 = arith.constant 0 : i32
      %dma_start3A_350 = tpu.memref_slice %arg7[%add3A_346, %dma_start3A_349] : memref<100352x128xf32, #tpu.memory_space<hbm>> -> memref<16x128xf32, #tpu.memory_space<hbm>>
      tpu.enqueue_dma source(%arg12 : memref<16x128xf32, #tpu.memory_space<vmem>>) target(%dma_start3A_350 : memref<16x128xf32, #tpu.memory_space<hbm>>) target_semaphore(%arg14 : memref<!tpu.dma_semaphore, #tpu.memory_space<semaphore_mem>>)
      %add3A_351 = arith.constant 2 : i32
      %add3A_352 = arith.addi %add3A_259, %add3A_351 : i32
      %lt3A = arith.constant 196 : i32
      %lt3A_353 = arith.cmpi slt, %add3A_352, %lt3A : i32
      %convert_element_type3A_354 = arith.extui %lt3A_353 : i1 to i32
      %cond3A_355 = arith.constant 0 : i32
      %cond3A_356 = arith.cmpi ne, %convert_element_type3A_354, %cond3A_355 : i32
      scf.if %cond3A_356 {
        %add3A_461 = arith.constant 2 : i32
        %add3A_462 = arith.addi %add3A_259, %add3A_461 : i32
        %mul3A_463 = arith.constant 16 : i32
        %mul3A_464 = arith.muli %add3A_462, %mul3A_463 : i32
        %add3A_465 = arith.constant 0 : i32
        %add3A_466 = arith.addi %mul3A_464, %add3A_465 : i32
        %get3A_467 = arith.index_cast %add3A_466 : i32 to index
        %get3A_468 = tpu.vector_load %arg18[%get3A_467] {strides = array<i32>} : memref<3136xf32, #tpu.memory_space<vmem>>, vector<16xf32>,
        %mul3A_469 = vector.broadcast %squeeze3A : f32 to vector<16xf32>
        %mul3A_470 = arith.mulf %get3A_468, %mul3A_469 : vector<16xf32>
        %get3A_471 = arith.index_cast %add3A_466 : i32 to index
        %get3A_472 = tpu.vector_load %arg19[%get3A_471] {strides = array<i32>} : memref<3136xf32, #tpu.memory_space<vmem>>, vector<16xf32>,
        %mul3A_473 = vector.broadcast %squeeze3A : f32 to vector<16xf32>
        %mul3A_474 = arith.mulf %get3A_472, %mul3A_473 : vector<16xf32>
        %get3A_475 = arith.index_cast %add3A_466 : i32 to index
        %get3A_476 = tpu.vector_load %arg20[%get3A_475] {strides = array<i32>} : memref<3136xf32, #tpu.memory_space<vmem>>, vector<16xf32>,
        %mul3A_477 = vector.broadcast %squeeze3A : f32 to vector<16xf32>
        %mul3A_478 = arith.mulf %get3A_476, %mul3A_477 : vector<16xf32>
        %convert_element_type3A_479 = arith.fptosi %mul3A_470 : vector<16xf32> to vector<16xi32>
        %convert_element_type3A_480 = arith.sitofp %convert_element_type3A_479 : vector<16xi32> to vector<16xf32>
        %gt3A_481 = arith.cmpf ogt, %mul3A_470, %convert_element_type3A_480 : vector<16xf32>
        %add3A_482 = arith.constant 1 : i32
        %add3A_483 = vector.broadcast %add3A_482 : i32 to vector<16xi32>
        %add3A_484 = arith.addi %convert_element_type3A_479, %add3A_483 : vector<16xi32>
        %select_n3A_485 = arith.select %gt3A_481, %add3A_484, %convert_element_type3A_479 : vector<16xi1>, vector<16xi32>
        %min3A_486 = arith.constant 63 : i32
        %min3A_487 = vector.broadcast %min3A_486 : i32 to vector<16xi32>
        %min3A_488 = arith.minsi %select_n3A_485, %min3A_487 : vector<16xi32>
        %convert_element_type3A_489 = arith.fptosi %mul3A_474 : vector<16xf32> to vector<16xi32>
        %convert_element_type3A_490 = arith.sitofp %convert_element_type3A_489 : vector<16xi32> to vector<16xf32>
        %gt3A_491 = arith.cmpf ogt, %mul3A_474, %convert_element_type3A_490 : vector<16xf32>
        %add3A_492 = arith.constant 1 : i32
        %add3A_493 = vector.broadcast %add3A_492 : i32 to vector<16xi32>
        %add3A_494 = arith.addi %convert_element_type3A_489, %add3A_493 : vector<16xi32>
        %select_n3A_495 = arith.select %gt3A_491, %add3A_494, %convert_element_type3A_489 : vector<16xi1>, vector<16xi32>
        %min3A_496 = arith.constant 63 : i32
        %min3A_497 = vector.broadcast %min3A_496 : i32 to vector<16xi32>
        %min3A_498 = arith.minsi %select_n3A_495, %min3A_497 : vector<16xi32>
        %convert_element_type3A_499 = arith.fptosi %mul3A_478 : vector<16xf32> to vector<16xi32>
        %convert_element_type3A_500 = arith.sitofp %convert_element_type3A_499 : vector<16xi32> to vector<16xf32>
        %gt3A_501 = arith.cmpf ogt, %mul3A_478, %convert_element_type3A_500 : vector<16xf32>
        %add3A_502 = arith.constant 1 : i32
        %add3A_503 = vector.broadcast %add3A_502 : i32 to vector<16xi32>
        %add3A_504 = arith.addi %convert_element_type3A_499, %add3A_503 : vector<16xi32>
        %select_n3A_505 = arith.select %gt3A_501, %add3A_504, %convert_element_type3A_499 : vector<16xi1>, vector<16xi32>
        %min3A_506 = arith.constant 63 : i32
        %min3A_507 = vector.broadcast %min3A_506 : i32 to vector<16xi32>
        %min3A_508 = arith.minsi %select_n3A_505, %min3A_507 : vector<16xi32>
        %mul3A_509 = arith.constant 64 : i32
        %mul3A_510 = vector.broadcast %mul3A_509 : i32 to vector<16xi32>
        %mul3A_511 = arith.muli %convert_element_type3A_479, %mul3A_510 : vector<16xi32>
        %add3A_512 = arith.addi %mul3A_511, %convert_element_type3A_489 : vector<16xi32>
        %mul3A_513 = arith.constant 64 : i32
        %mul3A_514 = vector.broadcast %mul3A_513 : i32 to vector<16xi32>
        %mul3A_515 = arith.muli %add3A_512, %mul3A_514 : vector<16xi32>
        %mul3A_516 = arith.constant 64 : i32
        %mul3A_517 = vector.broadcast %mul3A_516 : i32 to vector<16xi32>
        %mul3A_518 = arith.muli %min3A_488, %mul3A_517 : vector<16xi32>
        %add3A_519 = arith.addi %mul3A_518, %convert_element_type3A_489 : vector<16xi32>
        %mul3A_520 = arith.constant 64 : i32
        %mul3A_521 = vector.broadcast %mul3A_520 : i32 to vector<16xi32>
        %mul3A_522 = arith.muli %add3A_519, %mul3A_521 : vector<16xi32>
        %mul3A_523 = arith.constant 64 : i32
        %mul3A_524 = vector.broadcast %mul3A_523 : i32 to vector<16xi32>
        %mul3A_525 = arith.muli %convert_element_type3A_479, %mul3A_524 : vector<16xi32>
        %add3A_526 = arith.addi %mul3A_525, %min3A_498 : vector<16xi32>
        %mul3A_527 = arith.constant 64 : i32
        %mul3A_528 = vector.broadcast %mul3A_527 : i32 to vector<16xi32>
        %mul3A_529 = arith.muli %add3A_526, %mul3A_528 : vector<16xi32>
        %mul3A_530 = arith.constant 64 : i32
        %mul3A_531 = vector.broadcast %mul3A_530 : i32 to vector<16xi32>
        %mul3A_532 = arith.muli %min3A_488, %mul3A_531 : vector<16xi32>
        %add3A_533 = arith.addi %mul3A_532, %min3A_498 : vector<16xi32>
        %mul3A_534 = arith.constant 64 : i32
        %mul3A_535 = vector.broadcast %mul3A_534 : i32 to vector<16xi32>
        %mul3A_536 = arith.muli %add3A_533, %mul3A_535 : vector<16xi32>
        %add3A_537 = arith.addi %mul3A_515, %convert_element_type3A_499 : vector<16xi32>
        %add3A_538 = arith.addi %mul3A_522, %convert_element_type3A_499 : vector<16xi32>
        %add3A_539 = arith.addi %mul3A_529, %convert_element_type3A_499 : vector<16xi32>
        %add3A_540 = arith.addi %mul3A_536, %convert_element_type3A_499 : vector<16xi32>
        %add3A_541 = arith.addi %mul3A_515, %min3A_508 : vector<16xi32>
        %add3A_542 = arith.addi %mul3A_522, %min3A_508 : vector<16xi32>
        %add3A_543 = arith.addi %mul3A_529, %min3A_508 : vector<16xi32>
        %add3A_544 = arith.addi %mul3A_536, %min3A_508 : vector<16xi32>
        %swap3A_545 = arith.constant 0 : i32
        %swap3A_546 = arith.index_cast %swap3A_545 : i32 to index
        %swap3A_547 = arith.constant 0 : index
        %swap3A_548 = tpu.vector_load %arg10[%swap3A_546, %swap3A_547] {strides = array<i32>} : memref<1x128xi32, #tpu.memory_space<vmem>>, vector<16xi32>,
        tpu.vector_store %arg10[%swap3A_546, %swap3A_547], %add3A_537 {strides = array<i32>} : memref<1x128xi32, #tpu.memory_space<vmem>>, vector<16xi32>,
        %swap3A_549 = arith.constant 0 : i32
        %swap3A_550 = arith.index_cast %swap3A_549 : i32 to index
        %swap3A_551 = arith.constant 16 : index
        %swap3A_552 = tpu.vector_load %arg10[%swap3A_550, %swap3A_551] {strides = array<i32>} : memref<1x128xi32, #tpu.memory_space<vmem>>, vector<16xi32>,
        tpu.vector_store %arg10[%swap3A_550, %swap3A_551], %add3A_538 {strides = array<i32>} : memref<1x128xi32, #tpu.memory_space<vmem>>, vector<16xi32>,
        %swap3A_553 = arith.constant 0 : i32
        %swap3A_554 = arith.index_cast %swap3A_553 : i32 to index
        %swap3A_555 = arith.constant 32 : index
        %swap3A_556 = tpu.vector_load %arg10[%swap3A_554, %swap3A_555] {strides = array<i32>} : memref<1x128xi32, #tpu.memory_space<vmem>>, vector<16xi32>,
        tpu.vector_store %arg10[%swap3A_554, %swap3A_555], %add3A_539 {strides = array<i32>} : memref<1x128xi32, #tpu.memory_space<vmem>>, vector<16xi32>,
        %swap3A_557 = arith.constant 0 : i32
        %swap3A_558 = arith.index_cast %swap3A_557 : i32 to index
        %swap3A_559 = arith.constant 48 : index
        %swap3A_560 = tpu.vector_load %arg10[%swap3A_558, %swap3A_559] {strides = array<i32>} : memref<1x128xi32, #tpu.memory_space<vmem>>, vector<16xi32>,
        tpu.vector_store %arg10[%swap3A_558, %swap3A_559], %add3A_540 {strides = array<i32>} : memref<1x128xi32, #tpu.memory_space<vmem>>, vector<16xi32>,
        %swap3A_561 = arith.constant 0 : i32
        %swap3A_562 = arith.index_cast %swap3A_561 : i32 to index
        %swap3A_563 = arith.constant 64 : index
        %swap3A_564 = tpu.vector_load %arg10[%swap3A_562, %swap3A_563] {strides = array<i32>} : memref<1x128xi32, #tpu.memory_space<vmem>>, vector<16xi32>,
        tpu.vector_store %arg10[%swap3A_562, %swap3A_563], %add3A_541 {strides = array<i32>} : memref<1x128xi32, #tpu.memory_space<vmem>>, vector<16xi32>,
        %swap3A_565 = arith.constant 0 : i32
        %swap3A_566 = arith.index_cast %swap3A_565 : i32 to index
        %swap3A_567 = arith.constant 80 : index
        %swap3A_568 = tpu.vector_load %arg10[%swap3A_566, %swap3A_567] {strides = array<i32>} : memref<1x128xi32, #tpu.memory_space<vmem>>, vector<16xi32>,
        tpu.vector_store %arg10[%swap3A_566, %swap3A_567], %add3A_542 {strides = array<i32>} : memref<1x128xi32, #tpu.memory_space<vmem>>, vector<16xi32>,
        %swap3A_569 = arith.constant 0 : i32
        %swap3A_570 = arith.index_cast %swap3A_569 : i32 to index
        %swap3A_571 = arith.constant 96 : index
        %swap3A_572 = tpu.vector_load %arg10[%swap3A_570, %swap3A_571] {strides = array<i32>} : memref<1x128xi32, #tpu.memory_space<vmem>>, vector<16xi32>,
        tpu.vector_store %arg10[%swap3A_570, %swap3A_571], %add3A_543 {strides = array<i32>} : memref<1x128xi32, #tpu.memory_space<vmem>>, vector<16xi32>,
        %swap3A_573 = arith.constant 0 : i32
        %swap3A_574 = arith.index_cast %swap3A_573 : i32 to index
        %swap3A_575 = arith.constant 112 : index
        %swap3A_576 = tpu.vector_load %arg10[%swap3A_574, %swap3A_575] {strides = array<i32>} : memref<1x128xi32, #tpu.memory_space<vmem>>, vector<16xi32>,
        tpu.vector_store %arg10[%swap3A_574, %swap3A_575], %add3A_544 {strides = array<i32>} : memref<1x128xi32, #tpu.memory_space<vmem>>, vector<16xi32>,
        %dma_start3A_577 = arith.constant 0 : i32
        %dma_start3A_578 = arith.constant 0 : i32
        %dma_start3A_579 = arith.constant 0 : i32
        %dma_start3A_580 = tpu.memref_slice %arg16[%dma_start3A_578, %dma_start3A_579] : memref<128x128xf32, #tpu.memory_space<vmem>> -> memref<128x128xf32, #tpu.memory_space<vmem>>
        %dma_start3A_581 = arith.constant 0 : i32
        %dma_start3A_582 = tpu.memref_slice %arg10[%dma_start3A_577, %dma_start3A_581] : memref<1x128xi32, #tpu.memory_space<vmem>> -> memref<1x128xi32, #tpu.memory_space<vmem>>
        %dma_start3A_583 = tpu.memref_squeeze %dma_start3A_582 : memref<1x128xi32, #tpu.memory_space<vmem>> -> memref<128xi32, #tpu.memory_space<vmem>>
        %dma_start3A_584 = arith.constant 0 : i32
        %dma_start3A_585 = arith.constant 0 : i32
        %dma_start3A_586 = tpu.memref_slice %arg2[%dma_start3A_584, %dma_start3A_585] : memref<262144x128xf32, #tpu.memory_space<hbm>> -> memref<262144x128xf32, #tpu.memory_space<hbm>>
        tpu.enqueue_indirect_dma source(%dma_start3A_586 : memref<262144x128xf32, #tpu.memory_space<hbm>>) target(%dma_start3A_580 : memref<128x128xf32, #tpu.memory_space<vmem>>) offsets(%dma_start3A_583 : memref<128xi32, #tpu.memory_space<vmem>>) semaphore(%arg8 : memref<!tpu.dma_semaphore, #tpu.memory_space<semaphore_mem>>)
      } else {
      }
      %add3A_357 = arith.constant 1 : i32
      %add3A_358 = arith.addi %add3A_257, %add3A_357 : i32
      %dma_wait3A_359 = arith.constant 0 : i32
      %dma_wait3A_360 = arith.constant 0 : i32
      %dma_wait3A_361 = arith.constant 0 : i32
      %dma_wait3A_362 = tpu.memref_slice %arg17[%dma_wait3A_360, %dma_wait3A_361] : memref<128x128xf32, #tpu.memory_space<vmem>> -> memref<128x128xf32, #tpu.memory_space<vmem>>
      %dma_wait3A_363 = arith.constant 0 : i32
      %dma_wait3A_364 = tpu.memref_slice %arg11[%dma_wait3A_359, %dma_wait3A_363] : memref<1x128xi32, #tpu.memory_space<vmem>> -> memref<1x128xi32, #tpu.memory_space<vmem>>
      %dma_wait3A_365 = tpu.memref_squeeze %dma_wait3A_364 : memref<1x128xi32, #tpu.memory_space<vmem>> -> memref<128xi32, #tpu.memory_space<vmem>>
      %dma_wait3A_366 = arith.constant 0 : i32
      %dma_wait3A_367 = arith.constant 0 : i32
      %dma_wait3A_368 = tpu.memref_slice %arg2[%dma_wait3A_366, %dma_wait3A_367] : memref<262144x128xf32, #tpu.memory_space<hbm>> -> memref<262144x128xf32, #tpu.memory_space<hbm>>
      tpu.wait_indirect_dma semaphore(%arg9 : memref<!tpu.dma_semaphore, #tpu.memory_space<semaphore_mem>>) src(%dma_wait3A_368 : memref<262144x128xf32, #tpu.memory_space<hbm>>) dst(%dma_wait3A_362 : memref<128x128xf32, #tpu.memory_space<vmem>>)
      %ge3A_369 = arith.constant 2 : i32
      %ge3A_370 = arith.cmpi sge, %add3A_358, %ge3A_369 : i32
      %convert_element_type3A_371 = arith.extui %ge3A_370 : i1 to i32
      %cond3A_372 = arith.constant 0 : i32
      %cond3A_373 = arith.cmpi ne, %convert_element_type3A_371, %cond3A_372 : i32
      scf.if %cond3A_373 {
        %sub3A_461 = arith.constant 2 : i32
        %sub3A_462 = arith.subi %add3A_358, %sub3A_461 : i32
        %mul3A_463 = arith.constant 16 : i32
        %mul3A_464 = arith.muli %sub3A_462, %mul3A_463 : i32
        %add3A_465 = arith.addi %mul3A_3, %mul3A_464 : i32
        %dma_wait3A_466 = arith.constant 0 : i32
        %dma_wait3A_467 = tpu.memref_slice %arg7[%add3A_465, %dma_wait3A_466] : memref<100352x128xf32, #tpu.memory_space<hbm>> -> memref<16x128xf32, #tpu.memory_space<hbm>>
        %dma_wait3A_468 = arith.constant 0 : i32
        %dma_wait3A_469 = tpu.memref_slice %arg7[%add3A_465, %dma_wait3A_468] : memref<100352x128xf32, #tpu.memory_space<hbm>> -> memref<16x128xf32, #tpu.memory_space<hbm>>
        tpu.wait_dma2 semaphore(%arg15 : memref<!tpu.dma_semaphore, #tpu.memory_space<semaphore_mem>>) src(%arg13 : memref<16x128xf32, #tpu.memory_space<vmem>>) dst(%dma_wait3A_469 : memref<16x128xf32, #tpu.memory_space<hbm>>)
      } else {
      }
      %mul3A_374 = arith.constant 16 : i32
      %mul3A_375 = arith.muli %add3A_358, %mul3A_374 : i32
      %add3A_376 = arith.constant 0 : i32
      %add3A_377 = arith.addi %mul3A_375, %add3A_376 : i32
      %get3A_378 = arith.index_cast %add3A_377 : i32 to index
      %get3A_379 = tpu.vector_load %arg18[%get3A_378] {strides = array<i32>} : memref<3136xf32, #tpu.memory_space<vmem>>, vector<16xf32>,
      %mul3A_380 = vector.broadcast %squeeze3A : f32 to vector<16xf32>
      %mul3A_381 = arith.mulf %get3A_379, %mul3A_380 : vector<16xf32>
      %get3A_382 = arith.index_cast %add3A_377 : i32 to index
      %get3A_383 = tpu.vector_load %arg19[%get3A_382] {strides = array<i32>} : memref<3136xf32, #tpu.memory_space<vmem>>, vector<16xf32>,
      %mul3A_384 = vector.broadcast %squeeze3A : f32 to vector<16xf32>
      %mul3A_385 = arith.mulf %get3A_383, %mul3A_384 : vector<16xf32>
      %get3A_386 = arith.index_cast %add3A_377 : i32 to index
      %get3A_387 = tpu.vector_load %arg20[%get3A_386] {strides = array<i32>} : memref<3136xf32, #tpu.memory_space<vmem>>, vector<16xf32>,
      %mul3A_388 = vector.broadcast %squeeze3A : f32 to vector<16xf32>
      %mul3A_389 = arith.mulf %get3A_387, %mul3A_388 : vector<16xf32>
      %convert_element_type3A_390 = arith.fptosi %mul3A_381 : vector<16xf32> to vector<16xi32>
      %convert_element_type3A_391 = arith.sitofp %convert_element_type3A_390 : vector<16xi32> to vector<16xf32>
      %gt3A_392 = arith.cmpf ogt, %mul3A_381, %convert_element_type3A_391 : vector<16xf32>
      %add3A_393 = arith.constant 1 : i32
      %add3A_394 = vector.broadcast %add3A_393 : i32 to vector<16xi32>
      %add3A_395 = arith.addi %convert_element_type3A_390, %add3A_394 : vector<16xi32>
      %select_n3A_396 = arith.select %gt3A_392, %add3A_395, %convert_element_type3A_390 : vector<16xi1>, vector<16xi32>
      %min3A_397 = arith.constant 63 : i32
      %min3A_398 = vector.broadcast %min3A_397 : i32 to vector<16xi32>
      %min3A_399 = arith.minsi %select_n3A_396, %min3A_398 : vector<16xi32>
      %convert_element_type3A_400 = arith.fptosi %mul3A_385 : vector<16xf32> to vector<16xi32>
      %convert_element_type3A_401 = arith.sitofp %convert_element_type3A_400 : vector<16xi32> to vector<16xf32>
      %gt3A_402 = arith.cmpf ogt, %mul3A_385, %convert_element_type3A_401 : vector<16xf32>
      %add3A_403 = arith.constant 1 : i32
      %add3A_404 = vector.broadcast %add3A_403 : i32 to vector<16xi32>
      %add3A_405 = arith.addi %convert_element_type3A_400, %add3A_404 : vector<16xi32>
      %select_n3A_406 = arith.select %gt3A_402, %add3A_405, %convert_element_type3A_400 : vector<16xi1>, vector<16xi32>
      %min3A_407 = arith.constant 63 : i32
      %min3A_408 = vector.broadcast %min3A_407 : i32 to vector<16xi32>
      %min3A_409 = arith.minsi %select_n3A_406, %min3A_408 : vector<16xi32>
      %convert_element_type3A_410 = arith.fptosi %mul3A_389 : vector<16xf32> to vector<16xi32>
      %convert_element_type3A_411 = arith.sitofp %convert_element_type3A_410 : vector<16xi32> to vector<16xf32>
      %gt3A_412 = arith.cmpf ogt, %mul3A_389, %convert_element_type3A_411 : vector<16xf32>
      %add3A_413 = arith.constant 1 : i32
      %add3A_414 = vector.broadcast %add3A_413 : i32 to vector<16xi32>
      %add3A_415 = arith.addi %convert_element_type3A_410, %add3A_414 : vector<16xi32>
      %select_n3A_416 = arith.select %gt3A_412, %add3A_415, %convert_element_type3A_410 : vector<16xi1>, vector<16xi32>
      %min3A_417 = arith.constant 63 : i32
      %min3A_418 = vector.broadcast %min3A_417 : i32 to vector<16xi32>
      %min3A_419 = arith.minsi %select_n3A_416, %min3A_418 : vector<16xi32>
      %convert_element_type3A_420 = arith.sitofp %convert_element_type3A_390 : vector<16xi32> to vector<16xf32>
      %sub3A_421 = arith.subf %mul3A_381, %convert_element_type3A_420 : vector<16xf32>
      %convert_element_type3A_422 = arith.sitofp %min3A_399 : vector<16xi32> to vector<16xf32>
      %sub3A_423 = arith.subf %convert_element_type3A_422, %mul3A_381 : vector<16xf32>
      %convert_element_type3A_424 = arith.sitofp %convert_element_type3A_400 : vector<16xi32> to vector<16xf32>
      %sub3A_425 = arith.subf %mul3A_385, %convert_element_type3A_424 : vector<16xf32>
      %convert_element_type3A_426 = arith.sitofp %min3A_409 : vector<16xi32> to vector<16xf32>
      %sub3A_427 = arith.subf %convert_element_type3A_426, %mul3A_385 : vector<16xf32>
      %convert_element_type3A_428 = arith.sitofp %convert_element_type3A_410 : vector<16xi32> to vector<16xf32>
      %sub3A_429 = arith.subf %mul3A_389, %convert_element_type3A_428 : vector<16xf32>
      %convert_element_type3A_430 = arith.sitofp %min3A_419 : vector<16xi32> to vector<16xf32>
      %sub3A_431 = arith.subf %convert_element_type3A_430, %mul3A_389 : vector<16xf32>
      %mul3A_432 = arith.mulf %sub3A_423, %sub3A_427 : vector<16xf32>
      %mul3A_433 = arith.mulf %sub3A_421, %sub3A_427 : vector<16xf32>
      %mul3A_434 = arith.mulf %sub3A_423, %sub3A_425 : vector<16xf32>
      %mul3A_435 = arith.mulf %sub3A_421, %sub3A_425 : vector<16xf32>
      %mul3A_436 = arith.mulf %mul3A_432, %sub3A_431 : vector<16xf32>
      %mul3A_437 = arith.mulf %mul3A_433, %sub3A_431 : vector<16xf32>
      %mul3A_438 = arith.mulf %mul3A_434, %sub3A_431 : vector<16xf32>
      %mul3A_439 = arith.mulf %mul3A_435, %sub3A_431 : vector<16xf32>
      %mul3A_440 = arith.mulf %mul3A_432, %sub3A_429 : vector<16xf32>
      %mul3A_441 = arith.mulf %mul3A_433, %sub3A_429 : vector<16xf32>
      %mul3A_442 = arith.mulf %mul3A_434, %sub3A_429 : vector<16xf32>
      %mul3A_443 = arith.mulf %mul3A_435, %sub3A_429 : vector<16xf32>
      %parallel_loop3A_444 = arith.constant 0 : i32
      %parallel_loop3A_445 = arith.constant 16 : i32
      %parallel_loop3A_446 = arith.constant 1 : i32
      scf.for %parallel_loop3A_461 = %parallel_loop3A_444 to %parallel_loop3A_445 step %parallel_loop3A_446  : i32 {
        %parallel_loop3A_462 = arith.constant 0 : i32
        %parallel_loop3A_463 = vector.broadcast %parallel_loop3A_462 : i32 to vector<16xi32>
        %parallel_loop3A_464 = arith.muli %iota3A, %parallel_loop3A_463 : vector<16xi32>
        %parallel_loop3A_465 = vector.broadcast %parallel_loop3A_461 : i32 to vector<16xi32>
        %parallel_loop3A_466 = arith.addi %parallel_loop3A_464, %parallel_loop3A_465 : vector<16xi32>
        %parallel_loop3A_467 = vector.shape_cast %parallel_loop3A_466 : vector<16xi32> to vector<16x1xi32>
        %parallel_loop3A_468 = vector.shape_cast %parallel_loop3A_467 : vector<16x1xi32> to vector<16xi32>
        %parallel_loop3A_469 = tpu.dynamic_gather %mul3A_436[%parallel_loop3A_468] in [0] : vector<16xf32>, vector<16xi32> -> vector<16xf32>
        %parallel_loop3A_470 = arith.constant 0 : i32
        %parallel_loop3A_471 = vector.broadcast %parallel_loop3A_470 : i32 to vector<16xi32>
        %parallel_loop3A_472 = arith.muli %iota3A, %parallel_loop3A_471 : vector<16xi32>
        %parallel_loop3A_473 = vector.broadcast %parallel_loop3A_461 : i32 to vector<16xi32>
        %parallel_loop3A_474 = arith.addi %parallel_loop3A_472, %parallel_loop3A_473 : vector<16xi32>
        %parallel_loop3A_475 = vector.shape_cast %parallel_loop3A_474 : vector<16xi32> to vector<16x1xi32>
        %parallel_loop3A_476 = vector.shape_cast %parallel_loop3A_475 : vector<16x1xi32> to vector<16xi32>
        %parallel_loop3A_477 = tpu.dynamic_gather %mul3A_437[%parallel_loop3A_476] in [0] : vector<16xf32>, vector<16xi32> -> vector<16xf32>
        %parallel_loop3A_478 = arith.constant 0 : i32
        %parallel_loop3A_479 = vector.broadcast %parallel_loop3A_478 : i32 to vector<16xi32>
        %parallel_loop3A_480 = arith.muli %iota3A, %parallel_loop3A_479 : vector<16xi32>
        %parallel_loop3A_481 = vector.broadcast %parallel_loop3A_461 : i32 to vector<16xi32>
        %parallel_loop3A_482 = arith.addi %parallel_loop3A_480, %parallel_loop3A_481 : vector<16xi32>
        %parallel_loop3A_483 = vector.shape_cast %parallel_loop3A_482 : vector<16xi32> to vector<16x1xi32>
        %parallel_loop3A_484 = vector.shape_cast %parallel_loop3A_483 : vector<16x1xi32> to vector<16xi32>
        %parallel_loop3A_485 = tpu.dynamic_gather %mul3A_438[%parallel_loop3A_484] in [0] : vector<16xf32>, vector<16xi32> -> vector<16xf32>
        %parallel_loop3A_486 = arith.constant 0 : i32
        %parallel_loop3A_487 = vector.broadcast %parallel_loop3A_486 : i32 to vector<16xi32>
        %parallel_loop3A_488 = arith.muli %iota3A, %parallel_loop3A_487 : vector<16xi32>
        %parallel_loop3A_489 = vector.broadcast %parallel_loop3A_461 : i32 to vector<16xi32>
        %parallel_loop3A_490 = arith.addi %parallel_loop3A_488, %parallel_loop3A_489 : vector<16xi32>
        %parallel_loop3A_491 = vector.shape_cast %parallel_loop3A_490 : vector<16xi32> to vector<16x1xi32>
        %parallel_loop3A_492 = vector.shape_cast %parallel_loop3A_491 : vector<16x1xi32> to vector<16xi32>
        %parallel_loop3A_493 = tpu.dynamic_gather %mul3A_439[%parallel_loop3A_492] in [0] : vector<16xf32>, vector<16xi32> -> vector<16xf32>
        %parallel_loop3A_494 = arith.constant 0 : i32
        %parallel_loop3A_495 = vector.broadcast %parallel_loop3A_494 : i32 to vector<16xi32>
        %parallel_loop3A_496 = arith.muli %iota3A, %parallel_loop3A_495 : vector<16xi32>
        %parallel_loop3A_497 = vector.broadcast %parallel_loop3A_461 : i32 to vector<16xi32>
        %parallel_loop3A_498 = arith.addi %parallel_loop3A_496, %parallel_loop3A_497 : vector<16xi32>
        %parallel_loop3A_499 = vector.shape_cast %parallel_loop3A_498 : vector<16xi32> to vector<16x1xi32>
        %parallel_loop3A_500 = vector.shape_cast %parallel_loop3A_499 : vector<16x1xi32> to vector<16xi32>
        %parallel_loop3A_501 = tpu.dynamic_gather %mul3A_440[%parallel_loop3A_500] in [0] : vector<16xf32>, vector<16xi32> -> vector<16xf32>
        %parallel_loop3A_502 = arith.constant 0 : i32
        %parallel_loop3A_503 = vector.broadcast %parallel_loop3A_502 : i32 to vector<16xi32>
        %parallel_loop3A_504 = arith.muli %iota3A, %parallel_loop3A_503 : vector<16xi32>
        %parallel_loop3A_505 = vector.broadcast %parallel_loop3A_461 : i32 to vector<16xi32>
        %parallel_loop3A_506 = arith.addi %parallel_loop3A_504, %parallel_loop3A_505 : vector<16xi32>
        %parallel_loop3A_507 = vector.shape_cast %parallel_loop3A_506 : vector<16xi32> to vector<16x1xi32>
        %parallel_loop3A_508 = vector.shape_cast %parallel_loop3A_507 : vector<16x1xi32> to vector<16xi32>
        %parallel_loop3A_509 = tpu.dynamic_gather %mul3A_441[%parallel_loop3A_508] in [0] : vector<16xf32>, vector<16xi32> -> vector<16xf32>
        %parallel_loop3A_510 = arith.constant 0 : i32
        %parallel_loop3A_511 = vector.broadcast %parallel_loop3A_510 : i32 to vector<16xi32>
        %parallel_loop3A_512 = arith.muli %iota3A, %parallel_loop3A_511 : vector<16xi32>
        %parallel_loop3A_513 = vector.broadcast %parallel_loop3A_461 : i32 to vector<16xi32>
        %parallel_loop3A_514 = arith.addi %parallel_loop3A_512, %parallel_loop3A_513 : vector<16xi32>
        %parallel_loop3A_515 = vector.shape_cast %parallel_loop3A_514 : vector<16xi32> to vector<16x1xi32>
        %parallel_loop3A_516 = vector.shape_cast %parallel_loop3A_515 : vector<16x1xi32> to vector<16xi32>
        %parallel_loop3A_517 = tpu.dynamic_gather %mul3A_442[%parallel_loop3A_516] in [0] : vector<16xf32>, vector<16xi32> -> vector<16xf32>
        %parallel_loop3A_518 = arith.constant 0 : i32
        %parallel_loop3A_519 = vector.broadcast %parallel_loop3A_518 : i32 to vector<16xi32>
        %parallel_loop3A_520 = arith.muli %iota3A, %parallel_loop3A_519 : vector<16xi32>
        %parallel_loop3A_521 = vector.broadcast %parallel_loop3A_461 : i32 to vector<16xi32>
        %parallel_loop3A_522 = arith.addi %parallel_loop3A_520, %parallel_loop3A_521 : vector<16xi32>
        %parallel_loop3A_523 = vector.shape_cast %parallel_loop3A_522 : vector<16xi32> to vector<16x1xi32>
        %parallel_loop3A_524 = vector.shape_cast %parallel_loop3A_523 : vector<16x1xi32> to vector<16xi32>
        %parallel_loop3A_525 = tpu.dynamic_gather %mul3A_443[%parallel_loop3A_524] in [0] : vector<16xf32>, vector<16xi32> -> vector<16xf32>
        %parallel_loop3A_526 = arith.constant 0 : i32
        %parallel_loop3A_527 = arith.addi %parallel_loop3A_526, %parallel_loop3A_461 : i32
        %parallel_loop3A_528 = arith.index_cast %parallel_loop3A_527 : i32 to index
        %parallel_loop3A_529 = arith.constant 0 : index
        %parallel_loop3A_530 = tpu.vector_load %arg17[%parallel_loop3A_528, %parallel_loop3A_529] {strides = array<i32>} : memref<128x128xf32, #tpu.memory_space<vmem>>, vector<16xf32>,
        %parallel_loop3A_531 = arith.constant 16 : i32
        %parallel_loop3A_532 = arith.addi %parallel_loop3A_531, %parallel_loop3A_461 : i32
        %parallel_loop3A_533 = arith.index_cast %parallel_loop3A_532 : i32 to index
        %parallel_loop3A_534 = arith.constant 0 : index
        %parallel_loop3A_535 = tpu.vector_load %arg17[%parallel_loop3A_533, %parallel_loop3A_534] {strides = array<i32>} : memref<128x128xf32, #tpu.memory_space<vmem>>, vector<16xf32>,
        %parallel_loop3A_536 = arith.constant 32 : i32
        %parallel_loop3A_537 = arith.addi %parallel_loop3A_536, %parallel_loop3A_461 : i32
        %parallel_loop3A_538 = arith.index_cast %parallel_loop3A_537 : i32 to index
        %parallel_loop3A_539 = arith.constant 0 : index
        %parallel_loop3A_540 = tpu.vector_load %arg17[%parallel_loop3A_538, %parallel_loop3A_539] {strides = array<i32>} : memref<128x128xf32, #tpu.memory_space<vmem>>, vector<16xf32>,
        %parallel_loop3A_541 = arith.constant 48 : i32
        %parallel_loop3A_542 = arith.addi %parallel_loop3A_541, %parallel_loop3A_461 : i32
        %parallel_loop3A_543 = arith.index_cast %parallel_loop3A_542 : i32 to index
        %parallel_loop3A_544 = arith.constant 0 : index
        %parallel_loop3A_545 = tpu.vector_load %arg17[%parallel_loop3A_543, %parallel_loop3A_544] {strides = array<i32>} : memref<128x128xf32, #tpu.memory_space<vmem>>, vector<16xf32>,
        %parallel_loop3A_546 = arith.constant 64 : i32
        %parallel_loop3A_547 = arith.addi %parallel_loop3A_546, %parallel_loop3A_461 : i32
        %parallel_loop3A_548 = arith.index_cast %parallel_loop3A_547 : i32 to index
        %parallel_loop3A_549 = arith.constant 0 : index
        %parallel_loop3A_550 = tpu.vector_load %arg17[%parallel_loop3A_548, %parallel_loop3A_549] {strides = array<i32>} : memref<128x128xf32, #tpu.memory_space<vmem>>, vector<16xf32>,
        %parallel_loop3A_551 = arith.constant 80 : i32
        %parallel_loop3A_552 = arith.addi %parallel_loop3A_551, %parallel_loop3A_461 : i32
        %parallel_loop3A_553 = arith.index_cast %parallel_loop3A_552 : i32 to index
        %parallel_loop3A_554 = arith.constant 0 : index
        %parallel_loop3A_555 = tpu.vector_load %arg17[%parallel_loop3A_553, %parallel_loop3A_554] {strides = array<i32>} : memref<128x128xf32, #tpu.memory_space<vmem>>, vector<16xf32>,
        %parallel_loop3A_556 = arith.constant 96 : i32
        %parallel_loop3A_557 = arith.addi %parallel_loop3A_556, %parallel_loop3A_461 : i32
        %parallel_loop3A_558 = arith.index_cast %parallel_loop3A_557 : i32 to index
        %parallel_loop3A_559 = arith.constant 0 : index
        %parallel_loop3A_560 = tpu.vector_load %arg17[%parallel_loop3A_558, %parallel_loop3A_559] {strides = array<i32>} : memref<128x128xf32, #tpu.memory_space<vmem>>, vector<16xf32>,
        %parallel_loop3A_561 = arith.constant 112 : i32
        %parallel_loop3A_562 = arith.addi %parallel_loop3A_561, %parallel_loop3A_461 : i32
        %parallel_loop3A_563 = arith.index_cast %parallel_loop3A_562 : i32 to index
        %parallel_loop3A_564 = arith.constant 0 : index
        %parallel_loop3A_565 = tpu.vector_load %arg17[%parallel_loop3A_563, %parallel_loop3A_564] {strides = array<i32>} : memref<128x128xf32, #tpu.memory_space<vmem>>, vector<16xf32>,
        %parallel_loop3A_566 = arith.mulf %parallel_loop3A_530, %parallel_loop3A_469 : vector<16xf32>
        %parallel_loop3A_567 = arith.mulf %parallel_loop3A_535, %parallel_loop3A_477 : vector<16xf32>
        %parallel_loop3A_568 = arith.addf %parallel_loop3A_566, %parallel_loop3A_567 : vector<16xf32>
        %parallel_loop3A_569 = arith.mulf %parallel_loop3A_540, %parallel_loop3A_485 : vector<16xf32>
        %parallel_loop3A_570 = arith.mulf %parallel_loop3A_545, %parallel_loop3A_493 : vector<16xf32>
        %parallel_loop3A_571 = arith.addf %parallel_loop3A_569, %parallel_loop3A_570 : vector<16xf32>
        %parallel_loop3A_572 = arith.addf %parallel_loop3A_568, %parallel_loop3A_571 : vector<16xf32>
        %parallel_loop3A_573 = arith.mulf %parallel_loop3A_550, %parallel_loop3A_501 : vector<16xf32>
        %parallel_loop3A_574 = arith.mulf %parallel_loop3A_555, %parallel_loop3A_509 : vector<16xf32>
        %parallel_loop3A_575 = arith.addf %parallel_loop3A_573, %parallel_loop3A_574 : vector<16xf32>
        %parallel_loop3A_576 = arith.mulf %parallel_loop3A_560, %parallel_loop3A_517 : vector<16xf32>
        %parallel_loop3A_577 = arith.mulf %parallel_loop3A_565, %parallel_loop3A_525 : vector<16xf32>
        %parallel_loop3A_578 = arith.addf %parallel_loop3A_576, %parallel_loop3A_577 : vector<16xf32>
        %parallel_loop3A_579 = arith.addf %parallel_loop3A_575, %parallel_loop3A_578 : vector<16xf32>
        %parallel_loop3A_580 = arith.addf %parallel_loop3A_572, %parallel_loop3A_579 : vector<16xf32>
        %parallel_loop3A_581 = arith.constant 0 : i32
        %parallel_loop3A_582 = arith.addi %parallel_loop3A_581, %parallel_loop3A_461 : i32
        %parallel_loop3A_583 = arith.index_cast %parallel_loop3A_582 : i32 to index
        %parallel_loop3A_584 = arith.constant 0 : index
        %parallel_loop3A_585 = tpu.vector_load %arg13[%parallel_loop3A_583, %parallel_loop3A_584] {strides = array<i32>} : memref<16x128xf32, #tpu.memory_space<vmem>>, vector<16xf32>,
        tpu.vector_store %arg13[%parallel_loop3A_583, %parallel_loop3A_584], %parallel_loop3A_580 {strides = array<i32>} : memref<16x128xf32, #tpu.memory_space<vmem>>, vector<16xf32>,
        %parallel_loop3A_586 = arith.constant 0 : i32
        %parallel_loop3A_587 = arith.addi %parallel_loop3A_586, %parallel_loop3A_461 : i32
        %parallel_loop3A_588 = arith.index_cast %parallel_loop3A_587 : i32 to index
        %parallel_loop3A_589 = arith.constant 16 : index
        %parallel_loop3A_590 = tpu.vector_load %arg17[%parallel_loop3A_588, %parallel_loop3A_589] {strides = array<i32>} : memref<128x128xf32, #tpu.memory_space<vmem>>, vector<16xf32>,
        %parallel_loop3A_591 = arith.constant 16 : i32
        %parallel_loop3A_592 = arith.addi %parallel_loop3A_591, %parallel_loop3A_461 : i32
        %parallel_loop3A_593 = arith.index_cast %parallel_loop3A_592 : i32 to index
        %parallel_loop3A_594 = arith.constant 16 : index
        %parallel_loop3A_595 = tpu.vector_load %arg17[%parallel_loop3A_593, %parallel_loop3A_594] {strides = array<i32>} : memref<128x128xf32, #tpu.memory_space<vmem>>, vector<16xf32>,
        %parallel_loop3A_596 = arith.constant 32 : i32
        %parallel_loop3A_597 = arith.addi %parallel_loop3A_596, %parallel_loop3A_461 : i32
        %parallel_loop3A_598 = arith.index_cast %parallel_loop3A_597 : i32 to index
        %parallel_loop3A_599 = arith.constant 16 : index
        %parallel_loop3A_600 = tpu.vector_load %arg17[%parallel_loop3A_598, %parallel_loop3A_599] {strides = array<i32>} : memref<128x128xf32, #tpu.memory_space<vmem>>, vector<16xf32>,
        %parallel_loop3A_601 = arith.constant 48 : i32
        %parallel_loop3A_602 = arith.addi %parallel_loop3A_601, %parallel_loop3A_461 : i32
        %parallel_loop3A_603 = arith.index_cast %parallel_loop3A_602 : i32 to index
        %parallel_loop3A_604 = arith.constant 16 : index
        %parallel_loop3A_605 = tpu.vector_load %arg17[%parallel_loop3A_603, %parallel_loop3A_604] {strides = array<i32>} : memref<128x128xf32, #tpu.memory_space<vmem>>, vector<16xf32>,
        %parallel_loop3A_606 = arith.constant 64 : i32
        %parallel_loop3A_607 = arith.addi %parallel_loop3A_606, %parallel_loop3A_461 : i32
        %parallel_loop3A_608 = arith.index_cast %parallel_loop3A_607 : i32 to index
        %parallel_loop3A_609 = arith.constant 16 : index
        %parallel_loop3A_610 = tpu.vector_load %arg17[%parallel_loop3A_608, %parallel_loop3A_609] {strides = array<i32>} : memref<128x128xf32, #tpu.memory_space<vmem>>, vector<16xf32>,
        %parallel_loop3A_611 = arith.constant 80 : i32
        %parallel_loop3A_612 = arith.addi %parallel_loop3A_611, %parallel_loop3A_461 : i32
        %parallel_loop3A_613 = arith.index_cast %parallel_loop3A_612 : i32 to index
        %parallel_loop3A_614 = arith.constant 16 : index
        %parallel_loop3A_615 = tpu.vector_load %arg17[%parallel_loop3A_613, %parallel_loop3A_614] {strides = array<i32>} : memref<128x128xf32, #tpu.memory_space<vmem>>, vector<16xf32>,
        %parallel_loop3A_616 = arith.constant 96 : i32
        %parallel_loop3A_617 = arith.addi %parallel_loop3A_616, %parallel_loop3A_461 : i32
        %parallel_loop3A_618 = arith.index_cast %parallel_loop3A_617 : i32 to index
        %parallel_loop3A_619 = arith.constant 16 : index
        %parallel_loop3A_620 = tpu.vector_load %arg17[%parallel_loop3A_618, %parallel_loop3A_619] {strides = array<i32>} : memref<128x128xf32, #tpu.memory_space<vmem>>, vector<16xf32>,
        %parallel_loop3A_621 = arith.constant 112 : i32
        %parallel_loop3A_622 = arith.addi %parallel_loop3A_621, %parallel_loop3A_461 : i32
        %parallel_loop3A_623 = arith.index_cast %parallel_loop3A_622 : i32 to index
        %parallel_loop3A_624 = arith.constant 16 : index
        %parallel_loop3A_625 = tpu.vector_load %arg17[%parallel_loop3A_623, %parallel_loop3A_624] {strides = array<i32>} : memref<128x128xf32, #tpu.memory_space<vmem>>, vector<16xf32>,
        %parallel_loop3A_626 = arith.mulf %parallel_loop3A_590, %parallel_loop3A_469 : vector<16xf32>
        %parallel_loop3A_627 = arith.mulf %parallel_loop3A_595, %parallel_loop3A_477 : vector<16xf32>
        %parallel_loop3A_628 = arith.addf %parallel_loop3A_626, %parallel_loop3A_627 : vector<16xf32>
        %parallel_loop3A_629 = arith.mulf %parallel_loop3A_600, %parallel_loop3A_485 : vector<16xf32>
        %parallel_loop3A_630 = arith.mulf %parallel_loop3A_605, %parallel_loop3A_493 : vector<16xf32>
        %parallel_loop3A_631 = arith.addf %parallel_loop3A_629, %parallel_loop3A_630 : vector<16xf32>
        %parallel_loop3A_632 = arith.addf %parallel_loop3A_628, %parallel_loop3A_631 : vector<16xf32>
        %parallel_loop3A_633 = arith.mulf %parallel_loop3A_610, %parallel_loop3A_501 : vector<16xf32>
        %parallel_loop3A_634 = arith.mulf %parallel_loop3A_615, %parallel_loop3A_509 : vector<16xf32>
        %parallel_loop3A_635 = arith.addf %parallel_loop3A_633, %parallel_loop3A_634 : vector<16xf32>
        %parallel_loop3A_636 = arith.mulf %parallel_loop3A_620, %parallel_loop3A_517 : vector<16xf32>
        %parallel_loop3A_637 = arith.mulf %parallel_loop3A_625, %parallel_loop3A_525 : vector<16xf32>
        %parallel_loop3A_638 = arith.addf %parallel_loop3A_636, %parallel_loop3A_637 : vector<16xf32>
        %parallel_loop3A_639 = arith.addf %parallel_loop3A_635, %parallel_loop3A_638 : vector<16xf32>
        %parallel_loop3A_640 = arith.addf %parallel_loop3A_632, %parallel_loop3A_639 : vector<16xf32>
        %parallel_loop3A_641 = arith.constant 0 : i32
        %parallel_loop3A_642 = arith.addi %parallel_loop3A_641, %parallel_loop3A_461 : i32
        %parallel_loop3A_643 = arith.index_cast %parallel_loop3A_642 : i32 to index
        %parallel_loop3A_644 = arith.constant 16 : index
        %parallel_loop3A_645 = tpu.vector_load %arg13[%parallel_loop3A_643, %parallel_loop3A_644] {strides = array<i32>} : memref<16x128xf32, #tpu.memory_space<vmem>>, vector<16xf32>,
        tpu.vector_store %arg13[%parallel_loop3A_643, %parallel_loop3A_644], %parallel_loop3A_640 {strides = array<i32>} : memref<16x128xf32, #tpu.memory_space<vmem>>, vector<16xf32>,
        %parallel_loop3A_646 = arith.constant 0 : i32
        %parallel_loop3A_647 = arith.addi %parallel_loop3A_646, %parallel_loop3A_461 : i32
        %parallel_loop3A_648 = arith.index_cast %parallel_loop3A_647 : i32 to index
        %parallel_loop3A_649 = arith.constant 32 : index
        %parallel_loop3A_650 = tpu.vector_load %arg17[%parallel_loop3A_648, %parallel_loop3A_649] {strides = array<i32>} : memref<128x128xf32, #tpu.memory_space<vmem>>, vector<16xf32>,
        %parallel_loop3A_651 = arith.constant 16 : i32
        %parallel_loop3A_652 = arith.addi %parallel_loop3A_651, %parallel_loop3A_461 : i32
        %parallel_loop3A_653 = arith.index_cast %parallel_loop3A_652 : i32 to index
        %parallel_loop3A_654 = arith.constant 32 : index
        %parallel_loop3A_655 = tpu.vector_load %arg17[%parallel_loop3A_653, %parallel_loop3A_654] {strides = array<i32>} : memref<128x128xf32, #tpu.memory_space<vmem>>, vector<16xf32>,
        %parallel_loop3A_656 = arith.constant 32 : i32
        %parallel_loop3A_657 = arith.addi %parallel_loop3A_656, %parallel_loop3A_461 : i32
        %parallel_loop3A_658 = arith.index_cast %parallel_loop3A_657 : i32 to index
        %parallel_loop3A_659 = arith.constant 32 : index
        %parallel_loop3A_660 = tpu.vector_load %arg17[%parallel_loop3A_658, %parallel_loop3A_659] {strides = array<i32>} : memref<128x128xf32, #tpu.memory_space<vmem>>, vector<16xf32>,
        %parallel_loop3A_661 = arith.constant 48 : i32
        %parallel_loop3A_662 = arith.addi %parallel_loop3A_661, %parallel_loop3A_461 : i32
        %parallel_loop3A_663 = arith.index_cast %parallel_loop3A_662 : i32 to index
        %parallel_loop3A_664 = arith.constant 32 : index
        %parallel_loop3A_665 = tpu.vector_load %arg17[%parallel_loop3A_663, %parallel_loop3A_664] {strides = array<i32>} : memref<128x128xf32, #tpu.memory_space<vmem>>, vector<16xf32>,
        %parallel_loop3A_666 = arith.constant 64 : i32
        %parallel_loop3A_667 = arith.addi %parallel_loop3A_666, %parallel_loop3A_461 : i32
        %parallel_loop3A_668 = arith.index_cast %parallel_loop3A_667 : i32 to index
        %parallel_loop3A_669 = arith.constant 32 : index
        %parallel_loop3A_670 = tpu.vector_load %arg17[%parallel_loop3A_668, %parallel_loop3A_669] {strides = array<i32>} : memref<128x128xf32, #tpu.memory_space<vmem>>, vector<16xf32>,
        %parallel_loop3A_671 = arith.constant 80 : i32
        %parallel_loop3A_672 = arith.addi %parallel_loop3A_671, %parallel_loop3A_461 : i32
        %parallel_loop3A_673 = arith.index_cast %parallel_loop3A_672 : i32 to index
        %parallel_loop3A_674 = arith.constant 32 : index
        %parallel_loop3A_675 = tpu.vector_load %arg17[%parallel_loop3A_673, %parallel_loop3A_674] {strides = array<i32>} : memref<128x128xf32, #tpu.memory_space<vmem>>, vector<16xf32>,
        %parallel_loop3A_676 = arith.constant 96 : i32
        %parallel_loop3A_677 = arith.addi %parallel_loop3A_676, %parallel_loop3A_461 : i32
        %parallel_loop3A_678 = arith.index_cast %parallel_loop3A_677 : i32 to index
        %parallel_loop3A_679 = arith.constant 32 : index
        %parallel_loop3A_680 = tpu.vector_load %arg17[%parallel_loop3A_678, %parallel_loop3A_679] {strides = array<i32>} : memref<128x128xf32, #tpu.memory_space<vmem>>, vector<16xf32>,
        %parallel_loop3A_681 = arith.constant 112 : i32
        %parallel_loop3A_682 = arith.addi %parallel_loop3A_681, %parallel_loop3A_461 : i32
        %parallel_loop3A_683 = arith.index_cast %parallel_loop3A_682 : i32 to index
        %parallel_loop3A_684 = arith.constant 32 : index
        %parallel_loop3A_685 = tpu.vector_load %arg17[%parallel_loop3A_683, %parallel_loop3A_684] {strides = array<i32>} : memref<128x128xf32, #tpu.memory_space<vmem>>, vector<16xf32>,
        %parallel_loop3A_686 = arith.mulf %parallel_loop3A_650, %parallel_loop3A_469 : vector<16xf32>
        %parallel_loop3A_687 = arith.mulf %parallel_loop3A_655, %parallel_loop3A_477 : vector<16xf32>
        %parallel_loop3A_688 = arith.addf %parallel_loop3A_686, %parallel_loop3A_687 : vector<16xf32>
        %parallel_loop3A_689 = arith.mulf %parallel_loop3A_660, %parallel_loop3A_485 : vector<16xf32>
        %parallel_loop3A_690 = arith.mulf %parallel_loop3A_665, %parallel_loop3A_493 : vector<16xf32>
        %parallel_loop3A_691 = arith.addf %parallel_loop3A_689, %parallel_loop3A_690 : vector<16xf32>
        %parallel_loop3A_692 = arith.addf %parallel_loop3A_688, %parallel_loop3A_691 : vector<16xf32>
        %parallel_loop3A_693 = arith.mulf %parallel_loop3A_670, %parallel_loop3A_501 : vector<16xf32>
        %parallel_loop3A_694 = arith.mulf %parallel_loop3A_675, %parallel_loop3A_509 : vector<16xf32>
        %parallel_loop3A_695 = arith.addf %parallel_loop3A_693, %parallel_loop3A_694 : vector<16xf32>
        %parallel_loop3A_696 = arith.mulf %parallel_loop3A_680, %parallel_loop3A_517 : vector<16xf32>
        %parallel_loop3A_697 = arith.mulf %parallel_loop3A_685, %parallel_loop3A_525 : vector<16xf32>
        %parallel_loop3A_698 = arith.addf %parallel_loop3A_696, %parallel_loop3A_697 : vector<16xf32>
        %parallel_loop3A_699 = arith.addf %parallel_loop3A_695, %parallel_loop3A_698 : vector<16xf32>
        %parallel_loop3A_700 = arith.addf %parallel_loop3A_692, %parallel_loop3A_699 : vector<16xf32>
        %parallel_loop3A_701 = arith.constant 0 : i32
        %parallel_loop3A_702 = arith.addi %parallel_loop3A_701, %parallel_loop3A_461 : i32
        %parallel_loop3A_703 = arith.index_cast %parallel_loop3A_702 : i32 to index
        %parallel_loop3A_704 = arith.constant 32 : index
        %parallel_loop3A_705 = tpu.vector_load %arg13[%parallel_loop3A_703, %parallel_loop3A_704] {strides = array<i32>} : memref<16x128xf32, #tpu.memory_space<vmem>>, vector<16xf32>,
        tpu.vector_store %arg13[%parallel_loop3A_703, %parallel_loop3A_704], %parallel_loop3A_700 {strides = array<i32>} : memref<16x128xf32, #tpu.memory_space<vmem>>, vector<16xf32>,
        %parallel_loop3A_706 = arith.constant 0 : i32
        %parallel_loop3A_707 = arith.addi %parallel_loop3A_706, %parallel_loop3A_461 : i32
        %parallel_loop3A_708 = arith.index_cast %parallel_loop3A_707 : i32 to index
        %parallel_loop3A_709 = arith.constant 48 : index
        %parallel_loop3A_710 = tpu.vector_load %arg17[%parallel_loop3A_708, %parallel_loop3A_709] {strides = array<i32>} : memref<128x128xf32, #tpu.memory_space<vmem>>, vector<16xf32>,
        %parallel_loop3A_711 = arith.constant 16 : i32
        %parallel_loop3A_712 = arith.addi %parallel_loop3A_711, %parallel_loop3A_461 : i32
        %parallel_loop3A_713 = arith.index_cast %parallel_loop3A_712 : i32 to index
        %parallel_loop3A_714 = arith.constant 48 : index
        %parallel_loop3A_715 = tpu.vector_load %arg17[%parallel_loop3A_713, %parallel_loop3A_714] {strides = array<i32>} : memref<128x128xf32, #tpu.memory_space<vmem>>, vector<16xf32>,
        %parallel_loop3A_716 = arith.constant 32 : i32
        %parallel_loop3A_717 = arith.addi %parallel_loop3A_716, %parallel_loop3A_461 : i32
        %parallel_loop3A_718 = arith.index_cast %parallel_loop3A_717 : i32 to index
        %parallel_loop3A_719 = arith.constant 48 : index
        %parallel_loop3A_720 = tpu.vector_load %arg17[%parallel_loop3A_718, %parallel_loop3A_719] {strides = array<i32>} : memref<128x128xf32, #tpu.memory_space<vmem>>, vector<16xf32>,
        %parallel_loop3A_721 = arith.constant 48 : i32
        %parallel_loop3A_722 = arith.addi %parallel_loop3A_721, %parallel_loop3A_461 : i32
        %parallel_loop3A_723 = arith.index_cast %parallel_loop3A_722 : i32 to index
        %parallel_loop3A_724 = arith.constant 48 : index
        %parallel_loop3A_725 = tpu.vector_load %arg17[%parallel_loop3A_723, %parallel_loop3A_724] {strides = array<i32>} : memref<128x128xf32, #tpu.memory_space<vmem>>, vector<16xf32>,
        %parallel_loop3A_726 = arith.constant 64 : i32
        %parallel_loop3A_727 = arith.addi %parallel_loop3A_726, %parallel_loop3A_461 : i32
        %parallel_loop3A_728 = arith.index_cast %parallel_loop3A_727 : i32 to index
        %parallel_loop3A_729 = arith.constant 48 : index
        %parallel_loop3A_730 = tpu.vector_load %arg17[%parallel_loop3A_728, %parallel_loop3A_729] {strides = array<i32>} : memref<128x128xf32, #tpu.memory_space<vmem>>, vector<16xf32>,
        %parallel_loop3A_731 = arith.constant 80 : i32
        %parallel_loop3A_732 = arith.addi %parallel_loop3A_731, %parallel_loop3A_461 : i32
        %parallel_loop3A_733 = arith.index_cast %parallel_loop3A_732 : i32 to index
        %parallel_loop3A_734 = arith.constant 48 : index
        %parallel_loop3A_735 = tpu.vector_load %arg17[%parallel_loop3A_733, %parallel_loop3A_734] {strides = array<i32>} : memref<128x128xf32, #tpu.memory_space<vmem>>, vector<16xf32>,
        %parallel_loop3A_736 = arith.constant 96 : i32
        %parallel_loop3A_737 = arith.addi %parallel_loop3A_736, %parallel_loop3A_461 : i32
        %parallel_loop3A_738 = arith.index_cast %parallel_loop3A_737 : i32 to index
        %parallel_loop3A_739 = arith.constant 48 : index
        %parallel_loop3A_740 = tpu.vector_load %arg17[%parallel_loop3A_738, %parallel_loop3A_739] {strides = array<i32>} : memref<128x128xf32, #tpu.memory_space<vmem>>, vector<16xf32>,
        %parallel_loop3A_741 = arith.constant 112 : i32
        %parallel_loop3A_742 = arith.addi %parallel_loop3A_741, %parallel_loop3A_461 : i32
        %parallel_loop3A_743 = arith.index_cast %parallel_loop3A_742 : i32 to index
        %parallel_loop3A_744 = arith.constant 48 : index
        %parallel_loop3A_745 = tpu.vector_load %arg17[%parallel_loop3A_743, %parallel_loop3A_744] {strides = array<i32>} : memref<128x128xf32, #tpu.memory_space<vmem>>, vector<16xf32>,
        %parallel_loop3A_746 = arith.mulf %parallel_loop3A_710, %parallel_loop3A_469 : vector<16xf32>
        %parallel_loop3A_747 = arith.mulf %parallel_loop3A_715, %parallel_loop3A_477 : vector<16xf32>
        %parallel_loop3A_748 = arith.addf %parallel_loop3A_746, %parallel_loop3A_747 : vector<16xf32>
        %parallel_loop3A_749 = arith.mulf %parallel_loop3A_720, %parallel_loop3A_485 : vector<16xf32>
        %parallel_loop3A_750 = arith.mulf %parallel_loop3A_725, %parallel_loop3A_493 : vector<16xf32>
        %parallel_loop3A_751 = arith.addf %parallel_loop3A_749, %parallel_loop3A_750 : vector<16xf32>
        %parallel_loop3A_752 = arith.addf %parallel_loop3A_748, %parallel_loop3A_751 : vector<16xf32>
        %parallel_loop3A_753 = arith.mulf %parallel_loop3A_730, %parallel_loop3A_501 : vector<16xf32>
        %parallel_loop3A_754 = arith.mulf %parallel_loop3A_735, %parallel_loop3A_509 : vector<16xf32>
        %parallel_loop3A_755 = arith.addf %parallel_loop3A_753, %parallel_loop3A_754 : vector<16xf32>
        %parallel_loop3A_756 = arith.mulf %parallel_loop3A_740, %parallel_loop3A_517 : vector<16xf32>
        %parallel_loop3A_757 = arith.mulf %parallel_loop3A_745, %parallel_loop3A_525 : vector<16xf32>
        %parallel_loop3A_758 = arith.addf %parallel_loop3A_756, %parallel_loop3A_757 : vector<16xf32>
        %parallel_loop3A_759 = arith.addf %parallel_loop3A_755, %parallel_loop3A_758 : vector<16xf32>
        %parallel_loop3A_760 = arith.addf %parallel_loop3A_752, %parallel_loop3A_759 : vector<16xf32>
        %parallel_loop3A_761 = arith.constant 0 : i32
        %parallel_loop3A_762 = arith.addi %parallel_loop3A_761, %parallel_loop3A_461 : i32
        %parallel_loop3A_763 = arith.index_cast %parallel_loop3A_762 : i32 to index
        %parallel_loop3A_764 = arith.constant 48 : index
        %parallel_loop3A_765 = tpu.vector_load %arg13[%parallel_loop3A_763, %parallel_loop3A_764] {strides = array<i32>} : memref<16x128xf32, #tpu.memory_space<vmem>>, vector<16xf32>,
        tpu.vector_store %arg13[%parallel_loop3A_763, %parallel_loop3A_764], %parallel_loop3A_760 {strides = array<i32>} : memref<16x128xf32, #tpu.memory_space<vmem>>, vector<16xf32>,
        %parallel_loop3A_766 = arith.constant 0 : i32
        %parallel_loop3A_767 = arith.addi %parallel_loop3A_766, %parallel_loop3A_461 : i32
        %parallel_loop3A_768 = arith.index_cast %parallel_loop3A_767 : i32 to index
        %parallel_loop3A_769 = arith.constant 64 : index
        %parallel_loop3A_770 = tpu.vector_load %arg17[%parallel_loop3A_768, %parallel_loop3A_769] {strides = array<i32>} : memref<128x128xf32, #tpu.memory_space<vmem>>, vector<16xf32>,
        %parallel_loop3A_771 = arith.constant 16 : i32
        %parallel_loop3A_772 = arith.addi %parallel_loop3A_771, %parallel_loop3A_461 : i32
        %parallel_loop3A_773 = arith.index_cast %parallel_loop3A_772 : i32 to index
        %parallel_loop3A_774 = arith.constant 64 : index
        %parallel_loop3A_775 = tpu.vector_load %arg17[%parallel_loop3A_773, %parallel_loop3A_774] {strides = array<i32>} : memref<128x128xf32, #tpu.memory_space<vmem>>, vector<16xf32>,
        %parallel_loop3A_776 = arith.constant 32 : i32
        %parallel_loop3A_777 = arith.addi %parallel_loop3A_776, %parallel_loop3A_461 : i32
        %parallel_loop3A_778 = arith.index_cast %parallel_loop3A_777 : i32 to index
        %parallel_loop3A_779 = arith.constant 64 : index
        %parallel_loop3A_780 = tpu.vector_load %arg17[%parallel_loop3A_778, %parallel_loop3A_779] {strides = array<i32>} : memref<128x128xf32, #tpu.memory_space<vmem>>, vector<16xf32>,
        %parallel_loop3A_781 = arith.constant 48 : i32
        %parallel_loop3A_782 = arith.addi %parallel_loop3A_781, %parallel_loop3A_461 : i32
        %parallel_loop3A_783 = arith.index_cast %parallel_loop3A_782 : i32 to index
        %parallel_loop3A_784 = arith.constant 64 : index
        %parallel_loop3A_785 = tpu.vector_load %arg17[%parallel_loop3A_783, %parallel_loop3A_784] {strides = array<i32>} : memref<128x128xf32, #tpu.memory_space<vmem>>, vector<16xf32>,
        %parallel_loop3A_786 = arith.constant 64 : i32
        %parallel_loop3A_787 = arith.addi %parallel_loop3A_786, %parallel_loop3A_461 : i32
        %parallel_loop3A_788 = arith.index_cast %parallel_loop3A_787 : i32 to index
        %parallel_loop3A_789 = arith.constant 64 : index
        %parallel_loop3A_790 = tpu.vector_load %arg17[%parallel_loop3A_788, %parallel_loop3A_789] {strides = array<i32>} : memref<128x128xf32, #tpu.memory_space<vmem>>, vector<16xf32>,
        %parallel_loop3A_791 = arith.constant 80 : i32
        %parallel_loop3A_792 = arith.addi %parallel_loop3A_791, %parallel_loop3A_461 : i32
        %parallel_loop3A_793 = arith.index_cast %parallel_loop3A_792 : i32 to index
        %parallel_loop3A_794 = arith.constant 64 : index
        %parallel_loop3A_795 = tpu.vector_load %arg17[%parallel_loop3A_793, %parallel_loop3A_794] {strides = array<i32>} : memref<128x128xf32, #tpu.memory_space<vmem>>, vector<16xf32>,
        %parallel_loop3A_796 = arith.constant 96 : i32
        %parallel_loop3A_797 = arith.addi %parallel_loop3A_796, %parallel_loop3A_461 : i32
        %parallel_loop3A_798 = arith.index_cast %parallel_loop3A_797 : i32 to index
        %parallel_loop3A_799 = arith.constant 64 : index
        %parallel_loop3A_800 = tpu.vector_load %arg17[%parallel_loop3A_798, %parallel_loop3A_799] {strides = array<i32>} : memref<128x128xf32, #tpu.memory_space<vmem>>, vector<16xf32>,
        %parallel_loop3A_801 = arith.constant 112 : i32
        %parallel_loop3A_802 = arith.addi %parallel_loop3A_801, %parallel_loop3A_461 : i32
        %parallel_loop3A_803 = arith.index_cast %parallel_loop3A_802 : i32 to index
        %parallel_loop3A_804 = arith.constant 64 : index
        %parallel_loop3A_805 = tpu.vector_load %arg17[%parallel_loop3A_803, %parallel_loop3A_804] {strides = array<i32>} : memref<128x128xf32, #tpu.memory_space<vmem>>, vector<16xf32>,
        %parallel_loop3A_806 = arith.mulf %parallel_loop3A_770, %parallel_loop3A_469 : vector<16xf32>
        %parallel_loop3A_807 = arith.mulf %parallel_loop3A_775, %parallel_loop3A_477 : vector<16xf32>
        %parallel_loop3A_808 = arith.addf %parallel_loop3A_806, %parallel_loop3A_807 : vector<16xf32>
        %parallel_loop3A_809 = arith.mulf %parallel_loop3A_780, %parallel_loop3A_485 : vector<16xf32>
        %parallel_loop3A_810 = arith.mulf %parallel_loop3A_785, %parallel_loop3A_493 : vector<16xf32>
        %parallel_loop3A_811 = arith.addf %parallel_loop3A_809, %parallel_loop3A_810 : vector<16xf32>
        %parallel_loop3A_812 = arith.addf %parallel_loop3A_808, %parallel_loop3A_811 : vector<16xf32>
        %parallel_loop3A_813 = arith.mulf %parallel_loop3A_790, %parallel_loop3A_501 : vector<16xf32>
        %parallel_loop3A_814 = arith.mulf %parallel_loop3A_795, %parallel_loop3A_509 : vector<16xf32>
        %parallel_loop3A_815 = arith.addf %parallel_loop3A_813, %parallel_loop3A_814 : vector<16xf32>
        %parallel_loop3A_816 = arith.mulf %parallel_loop3A_800, %parallel_loop3A_517 : vector<16xf32>
        %parallel_loop3A_817 = arith.mulf %parallel_loop3A_805, %parallel_loop3A_525 : vector<16xf32>
        %parallel_loop3A_818 = arith.addf %parallel_loop3A_816, %parallel_loop3A_817 : vector<16xf32>
        %parallel_loop3A_819 = arith.addf %parallel_loop3A_815, %parallel_loop3A_818 : vector<16xf32>
        %parallel_loop3A_820 = arith.addf %parallel_loop3A_812, %parallel_loop3A_819 : vector<16xf32>
        %parallel_loop3A_821 = arith.constant 0 : i32
        %parallel_loop3A_822 = arith.addi %parallel_loop3A_821, %parallel_loop3A_461 : i32
        %parallel_loop3A_823 = arith.index_cast %parallel_loop3A_822 : i32 to index
        %parallel_loop3A_824 = arith.constant 64 : index
        %parallel_loop3A_825 = tpu.vector_load %arg13[%parallel_loop3A_823, %parallel_loop3A_824] {strides = array<i32>} : memref<16x128xf32, #tpu.memory_space<vmem>>, vector<16xf32>,
        tpu.vector_store %arg13[%parallel_loop3A_823, %parallel_loop3A_824], %parallel_loop3A_820 {strides = array<i32>} : memref<16x128xf32, #tpu.memory_space<vmem>>, vector<16xf32>,
        %parallel_loop3A_826 = arith.constant 0 : i32
        %parallel_loop3A_827 = arith.addi %parallel_loop3A_826, %parallel_loop3A_461 : i32
        %parallel_loop3A_828 = arith.index_cast %parallel_loop3A_827 : i32 to index
        %parallel_loop3A_829 = arith.constant 80 : index
        %parallel_loop3A_830 = tpu.vector_load %arg17[%parallel_loop3A_828, %parallel_loop3A_829] {strides = array<i32>} : memref<128x128xf32, #tpu.memory_space<vmem>>, vector<16xf32>,
        %parallel_loop3A_831 = arith.constant 16 : i32
        %parallel_loop3A_832 = arith.addi %parallel_loop3A_831, %parallel_loop3A_461 : i32
        %parallel_loop3A_833 = arith.index_cast %parallel_loop3A_832 : i32 to index
        %parallel_loop3A_834 = arith.constant 80 : index
        %parallel_loop3A_835 = tpu.vector_load %arg17[%parallel_loop3A_833, %parallel_loop3A_834] {strides = array<i32>} : memref<128x128xf32, #tpu.memory_space<vmem>>, vector<16xf32>,
        %parallel_loop3A_836 = arith.constant 32 : i32
        %parallel_loop3A_837 = arith.addi %parallel_loop3A_836, %parallel_loop3A_461 : i32
        %parallel_loop3A_838 = arith.index_cast %parallel_loop3A_837 : i32 to index
        %parallel_loop3A_839 = arith.constant 80 : index
        %parallel_loop3A_840 = tpu.vector_load %arg17[%parallel_loop3A_838, %parallel_loop3A_839] {strides = array<i32>} : memref<128x128xf32, #tpu.memory_space<vmem>>, vector<16xf32>,
        %parallel_loop3A_841 = arith.constant 48 : i32
        %parallel_loop3A_842 = arith.addi %parallel_loop3A_841, %parallel_loop3A_461 : i32
        %parallel_loop3A_843 = arith.index_cast %parallel_loop3A_842 : i32 to index
        %parallel_loop3A_844 = arith.constant 80 : index
        %parallel_loop3A_845 = tpu.vector_load %arg17[%parallel_loop3A_843, %parallel_loop3A_844] {strides = array<i32>} : memref<128x128xf32, #tpu.memory_space<vmem>>, vector<16xf32>,
        %parallel_loop3A_846 = arith.constant 64 : i32
        %parallel_loop3A_847 = arith.addi %parallel_loop3A_846, %parallel_loop3A_461 : i32
        %parallel_loop3A_848 = arith.index_cast %parallel_loop3A_847 : i32 to index
        %parallel_loop3A_849 = arith.constant 80 : index
        %parallel_loop3A_850 = tpu.vector_load %arg17[%parallel_loop3A_848, %parallel_loop3A_849] {strides = array<i32>} : memref<128x128xf32, #tpu.memory_space<vmem>>, vector<16xf32>,
        %parallel_loop3A_851 = arith.constant 80 : i32
        %parallel_loop3A_852 = arith.addi %parallel_loop3A_851, %parallel_loop3A_461 : i32
        %parallel_loop3A_853 = arith.index_cast %parallel_loop3A_852 : i32 to index
        %parallel_loop3A_854 = arith.constant 80 : index
        %parallel_loop3A_855 = tpu.vector_load %arg17[%parallel_loop3A_853, %parallel_loop3A_854] {strides = array<i32>} : memref<128x128xf32, #tpu.memory_space<vmem>>, vector<16xf32>,
        %parallel_loop3A_856 = arith.constant 96 : i32
        %parallel_loop3A_857 = arith.addi %parallel_loop3A_856, %parallel_loop3A_461 : i32
        %parallel_loop3A_858 = arith.index_cast %parallel_loop3A_857 : i32 to index
        %parallel_loop3A_859 = arith.constant 80 : index
        %parallel_loop3A_860 = tpu.vector_load %arg17[%parallel_loop3A_858, %parallel_loop3A_859] {strides = array<i32>} : memref<128x128xf32, #tpu.memory_space<vmem>>, vector<16xf32>,
        %parallel_loop3A_861 = arith.constant 112 : i32
        %parallel_loop3A_862 = arith.addi %parallel_loop3A_861, %parallel_loop3A_461 : i32
        %parallel_loop3A_863 = arith.index_cast %parallel_loop3A_862 : i32 to index
        %parallel_loop3A_864 = arith.constant 80 : index
        %parallel_loop3A_865 = tpu.vector_load %arg17[%parallel_loop3A_863, %parallel_loop3A_864] {strides = array<i32>} : memref<128x128xf32, #tpu.memory_space<vmem>>, vector<16xf32>,
        %parallel_loop3A_866 = arith.mulf %parallel_loop3A_830, %parallel_loop3A_469 : vector<16xf32>
        %parallel_loop3A_867 = arith.mulf %parallel_loop3A_835, %parallel_loop3A_477 : vector<16xf32>
        %parallel_loop3A_868 = arith.addf %parallel_loop3A_866, %parallel_loop3A_867 : vector<16xf32>
        %parallel_loop3A_869 = arith.mulf %parallel_loop3A_840, %parallel_loop3A_485 : vector<16xf32>
        %parallel_loop3A_870 = arith.mulf %parallel_loop3A_845, %parallel_loop3A_493 : vector<16xf32>
        %parallel_loop3A_871 = arith.addf %parallel_loop3A_869, %parallel_loop3A_870 : vector<16xf32>
        %parallel_loop3A_872 = arith.addf %parallel_loop3A_868, %parallel_loop3A_871 : vector<16xf32>
        %parallel_loop3A_873 = arith.mulf %parallel_loop3A_850, %parallel_loop3A_501 : vector<16xf32>
        %parallel_loop3A_874 = arith.mulf %parallel_loop3A_855, %parallel_loop3A_509 : vector<16xf32>
        %parallel_loop3A_875 = arith.addf %parallel_loop3A_873, %parallel_loop3A_874 : vector<16xf32>
        %parallel_loop3A_876 = arith.mulf %parallel_loop3A_860, %parallel_loop3A_517 : vector<16xf32>
        %parallel_loop3A_877 = arith.mulf %parallel_loop3A_865, %parallel_loop3A_525 : vector<16xf32>
        %parallel_loop3A_878 = arith.addf %parallel_loop3A_876, %parallel_loop3A_877 : vector<16xf32>
        %parallel_loop3A_879 = arith.addf %parallel_loop3A_875, %parallel_loop3A_878 : vector<16xf32>
        %parallel_loop3A_880 = arith.addf %parallel_loop3A_872, %parallel_loop3A_879 : vector<16xf32>
        %parallel_loop3A_881 = arith.constant 0 : i32
        %parallel_loop3A_882 = arith.addi %parallel_loop3A_881, %parallel_loop3A_461 : i32
        %parallel_loop3A_883 = arith.index_cast %parallel_loop3A_882 : i32 to index
        %parallel_loop3A_884 = arith.constant 80 : index
        %parallel_loop3A_885 = tpu.vector_load %arg13[%parallel_loop3A_883, %parallel_loop3A_884] {strides = array<i32>} : memref<16x128xf32, #tpu.memory_space<vmem>>, vector<16xf32>,
        tpu.vector_store %arg13[%parallel_loop3A_883, %parallel_loop3A_884], %parallel_loop3A_880 {strides = array<i32>} : memref<16x128xf32, #tpu.memory_space<vmem>>, vector<16xf32>,
        %parallel_loop3A_886 = arith.constant 0 : i32
        %parallel_loop3A_887 = arith.addi %parallel_loop3A_886, %parallel_loop3A_461 : i32
        %parallel_loop3A_888 = arith.index_cast %parallel_loop3A_887 : i32 to index
        %parallel_loop3A_889 = arith.constant 96 : index
        %parallel_loop3A_890 = tpu.vector_load %arg17[%parallel_loop3A_888, %parallel_loop3A_889] {strides = array<i32>} : memref<128x128xf32, #tpu.memory_space<vmem>>, vector<16xf32>,
        %parallel_loop3A_891 = arith.constant 16 : i32
        %parallel_loop3A_892 = arith.addi %parallel_loop3A_891, %parallel_loop3A_461 : i32
        %parallel_loop3A_893 = arith.index_cast %parallel_loop3A_892 : i32 to index
        %parallel_loop3A_894 = arith.constant 96 : index
        %parallel_loop3A_895 = tpu.vector_load %arg17[%parallel_loop3A_893, %parallel_loop3A_894] {strides = array<i32>} : memref<128x128xf32, #tpu.memory_space<vmem>>, vector<16xf32>,
        %parallel_loop3A_896 = arith.constant 32 : i32
        %parallel_loop3A_897 = arith.addi %parallel_loop3A_896, %parallel_loop3A_461 : i32
        %parallel_loop3A_898 = arith.index_cast %parallel_loop3A_897 : i32 to index
        %parallel_loop3A_899 = arith.constant 96 : index
        %parallel_loop3A_900 = tpu.vector_load %arg17[%parallel_loop3A_898, %parallel_loop3A_899] {strides = array<i32>} : memref<128x128xf32, #tpu.memory_space<vmem>>, vector<16xf32>,
        %parallel_loop3A_901 = arith.constant 48 : i32
        %parallel_loop3A_902 = arith.addi %parallel_loop3A_901, %parallel_loop3A_461 : i32
        %parallel_loop3A_903 = arith.index_cast %parallel_loop3A_902 : i32 to index
        %parallel_loop3A_904 = arith.constant 96 : index
        %parallel_loop3A_905 = tpu.vector_load %arg17[%parallel_loop3A_903, %parallel_loop3A_904] {strides = array<i32>} : memref<128x128xf32, #tpu.memory_space<vmem>>, vector<16xf32>,
        %parallel_loop3A_906 = arith.constant 64 : i32
        %parallel_loop3A_907 = arith.addi %parallel_loop3A_906, %parallel_loop3A_461 : i32
        %parallel_loop3A_908 = arith.index_cast %parallel_loop3A_907 : i32 to index
        %parallel_loop3A_909 = arith.constant 96 : index
        %parallel_loop3A_910 = tpu.vector_load %arg17[%parallel_loop3A_908, %parallel_loop3A_909] {strides = array<i32>} : memref<128x128xf32, #tpu.memory_space<vmem>>, vector<16xf32>,
        %parallel_loop3A_911 = arith.constant 80 : i32
        %parallel_loop3A_912 = arith.addi %parallel_loop3A_911, %parallel_loop3A_461 : i32
        %parallel_loop3A_913 = arith.index_cast %parallel_loop3A_912 : i32 to index
        %parallel_loop3A_914 = arith.constant 96 : index
        %parallel_loop3A_915 = tpu.vector_load %arg17[%parallel_loop3A_913, %parallel_loop3A_914] {strides = array<i32>} : memref<128x128xf32, #tpu.memory_space<vmem>>, vector<16xf32>,
        %parallel_loop3A_916 = arith.constant 96 : i32
        %parallel_loop3A_917 = arith.addi %parallel_loop3A_916, %parallel_loop3A_461 : i32
        %parallel_loop3A_918 = arith.index_cast %parallel_loop3A_917 : i32 to index
        %parallel_loop3A_919 = arith.constant 96 : index
        %parallel_loop3A_920 = tpu.vector_load %arg17[%parallel_loop3A_918, %parallel_loop3A_919] {strides = array<i32>} : memref<128x128xf32, #tpu.memory_space<vmem>>, vector<16xf32>,
        %parallel_loop3A_921 = arith.constant 112 : i32
        %parallel_loop3A_922 = arith.addi %parallel_loop3A_921, %parallel_loop3A_461 : i32
        %parallel_loop3A_923 = arith.index_cast %parallel_loop3A_922 : i32 to index
        %parallel_loop3A_924 = arith.constant 96 : index
        %parallel_loop3A_925 = tpu.vector_load %arg17[%parallel_loop3A_923, %parallel_loop3A_924] {strides = array<i32>} : memref<128x128xf32, #tpu.memory_space<vmem>>, vector<16xf32>,
        %parallel_loop3A_926 = arith.mulf %parallel_loop3A_890, %parallel_loop3A_469 : vector<16xf32>
        %parallel_loop3A_927 = arith.mulf %parallel_loop3A_895, %parallel_loop3A_477 : vector<16xf32>
        %parallel_loop3A_928 = arith.addf %parallel_loop3A_926, %parallel_loop3A_927 : vector<16xf32>
        %parallel_loop3A_929 = arith.mulf %parallel_loop3A_900, %parallel_loop3A_485 : vector<16xf32>
        %parallel_loop3A_930 = arith.mulf %parallel_loop3A_905, %parallel_loop3A_493 : vector<16xf32>
        %parallel_loop3A_931 = arith.addf %parallel_loop3A_929, %parallel_loop3A_930 : vector<16xf32>
        %parallel_loop3A_932 = arith.addf %parallel_loop3A_928, %parallel_loop3A_931 : vector<16xf32>
        %parallel_loop3A_933 = arith.mulf %parallel_loop3A_910, %parallel_loop3A_501 : vector<16xf32>
        %parallel_loop3A_934 = arith.mulf %parallel_loop3A_915, %parallel_loop3A_509 : vector<16xf32>
        %parallel_loop3A_935 = arith.addf %parallel_loop3A_933, %parallel_loop3A_934 : vector<16xf32>
        %parallel_loop3A_936 = arith.mulf %parallel_loop3A_920, %parallel_loop3A_517 : vector<16xf32>
        %parallel_loop3A_937 = arith.mulf %parallel_loop3A_925, %parallel_loop3A_525 : vector<16xf32>
        %parallel_loop3A_938 = arith.addf %parallel_loop3A_936, %parallel_loop3A_937 : vector<16xf32>
        %parallel_loop3A_939 = arith.addf %parallel_loop3A_935, %parallel_loop3A_938 : vector<16xf32>
        %parallel_loop3A_940 = arith.addf %parallel_loop3A_932, %parallel_loop3A_939 : vector<16xf32>
        %parallel_loop3A_941 = arith.constant 0 : i32
        %parallel_loop3A_942 = arith.addi %parallel_loop3A_941, %parallel_loop3A_461 : i32
        %parallel_loop3A_943 = arith.index_cast %parallel_loop3A_942 : i32 to index
        %parallel_loop3A_944 = arith.constant 96 : index
        %parallel_loop3A_945 = tpu.vector_load %arg13[%parallel_loop3A_943, %parallel_loop3A_944] {strides = array<i32>} : memref<16x128xf32, #tpu.memory_space<vmem>>, vector<16xf32>,
        tpu.vector_store %arg13[%parallel_loop3A_943, %parallel_loop3A_944], %parallel_loop3A_940 {strides = array<i32>} : memref<16x128xf32, #tpu.memory_space<vmem>>, vector<16xf32>,
        %parallel_loop3A_946 = arith.constant 0 : i32
        %parallel_loop3A_947 = arith.addi %parallel_loop3A_946, %parallel_loop3A_461 : i32
        %parallel_loop3A_948 = arith.index_cast %parallel_loop3A_947 : i32 to index
        %parallel_loop3A_949 = arith.constant 112 : index
        %parallel_loop3A_950 = tpu.vector_load %arg17[%parallel_loop3A_948, %parallel_loop3A_949] {strides = array<i32>} : memref<128x128xf32, #tpu.memory_space<vmem>>, vector<16xf32>,
        %parallel_loop3A_951 = arith.constant 16 : i32
        %parallel_loop3A_952 = arith.addi %parallel_loop3A_951, %parallel_loop3A_461 : i32
        %parallel_loop3A_953 = arith.index_cast %parallel_loop3A_952 : i32 to index
        %parallel_loop3A_954 = arith.constant 112 : index
        %parallel_loop3A_955 = tpu.vector_load %arg17[%parallel_loop3A_953, %parallel_loop3A_954] {strides = array<i32>} : memref<128x128xf32, #tpu.memory_space<vmem>>, vector<16xf32>,
        %parallel_loop3A_956 = arith.constant 32 : i32
        %parallel_loop3A_957 = arith.addi %parallel_loop3A_956, %parallel_loop3A_461 : i32
        %parallel_loop3A_958 = arith.index_cast %parallel_loop3A_957 : i32 to index
        %parallel_loop3A_959 = arith.constant 112 : index
        %parallel_loop3A_960 = tpu.vector_load %arg17[%parallel_loop3A_958, %parallel_loop3A_959] {strides = array<i32>} : memref<128x128xf32, #tpu.memory_space<vmem>>, vector<16xf32>,
        %parallel_loop3A_961 = arith.constant 48 : i32
        %parallel_loop3A_962 = arith.addi %parallel_loop3A_961, %parallel_loop3A_461 : i32
        %parallel_loop3A_963 = arith.index_cast %parallel_loop3A_962 : i32 to index
        %parallel_loop3A_964 = arith.constant 112 : index
        %parallel_loop3A_965 = tpu.vector_load %arg17[%parallel_loop3A_963, %parallel_loop3A_964] {strides = array<i32>} : memref<128x128xf32, #tpu.memory_space<vmem>>, vector<16xf32>,
        %parallel_loop3A_966 = arith.constant 64 : i32
        %parallel_loop3A_967 = arith.addi %parallel_loop3A_966, %parallel_loop3A_461 : i32
        %parallel_loop3A_968 = arith.index_cast %parallel_loop3A_967 : i32 to index
        %parallel_loop3A_969 = arith.constant 112 : index
        %parallel_loop3A_970 = tpu.vector_load %arg17[%parallel_loop3A_968, %parallel_loop3A_969] {strides = array<i32>} : memref<128x128xf32, #tpu.memory_space<vmem>>, vector<16xf32>,
        %parallel_loop3A_971 = arith.constant 80 : i32
        %parallel_loop3A_972 = arith.addi %parallel_loop3A_971, %parallel_loop3A_461 : i32
        %parallel_loop3A_973 = arith.index_cast %parallel_loop3A_972 : i32 to index
        %parallel_loop3A_974 = arith.constant 112 : index
        %parallel_loop3A_975 = tpu.vector_load %arg17[%parallel_loop3A_973, %parallel_loop3A_974] {strides = array<i32>} : memref<128x128xf32, #tpu.memory_space<vmem>>, vector<16xf32>,
        %parallel_loop3A_976 = arith.constant 96 : i32
        %parallel_loop3A_977 = arith.addi %parallel_loop3A_976, %parallel_loop3A_461 : i32
        %parallel_loop3A_978 = arith.index_cast %parallel_loop3A_977 : i32 to index
        %parallel_loop3A_979 = arith.constant 112 : index
        %parallel_loop3A_980 = tpu.vector_load %arg17[%parallel_loop3A_978, %parallel_loop3A_979] {strides = array<i32>} : memref<128x128xf32, #tpu.memory_space<vmem>>, vector<16xf32>,
        %parallel_loop3A_981 = arith.constant 112 : i32
        %parallel_loop3A_982 = arith.addi %parallel_loop3A_981, %parallel_loop3A_461 : i32
        %parallel_loop3A_983 = arith.index_cast %parallel_loop3A_982 : i32 to index
        %parallel_loop3A_984 = arith.constant 112 : index
        %parallel_loop3A_985 = tpu.vector_load %arg17[%parallel_loop3A_983, %parallel_loop3A_984] {strides = array<i32>} : memref<128x128xf32, #tpu.memory_space<vmem>>, vector<16xf32>,
        %parallel_loop3A_986 = arith.mulf %parallel_loop3A_950, %parallel_loop3A_469 : vector<16xf32>
        %parallel_loop3A_987 = arith.mulf %parallel_loop3A_955, %parallel_loop3A_477 : vector<16xf32>
        %parallel_loop3A_988 = arith.addf %parallel_loop3A_986, %parallel_loop3A_987 : vector<16xf32>
        %parallel_loop3A_989 = arith.mulf %parallel_loop3A_960, %parallel_loop3A_485 : vector<16xf32>
        %parallel_loop3A_990 = arith.mulf %parallel_loop3A_965, %parallel_loop3A_493 : vector<16xf32>
        %parallel_loop3A_991 = arith.addf %parallel_loop3A_989, %parallel_loop3A_990 : vector<16xf32>
        %parallel_loop3A_992 = arith.addf %parallel_loop3A_988, %parallel_loop3A_991 : vector<16xf32>
        %parallel_loop3A_993 = arith.mulf %parallel_loop3A_970, %parallel_loop3A_501 : vector<16xf32>
        %parallel_loop3A_994 = arith.mulf %parallel_loop3A_975, %parallel_loop3A_509 : vector<16xf32>
        %parallel_loop3A_995 = arith.addf %parallel_loop3A_993, %parallel_loop3A_994 : vector<16xf32>
        %parallel_loop3A_996 = arith.mulf %parallel_loop3A_980, %parallel_loop3A_517 : vector<16xf32>
        %parallel_loop3A_997 = arith.mulf %parallel_loop3A_985, %parallel_loop3A_525 : vector<16xf32>
        %parallel_loop3A_998 = arith.addf %parallel_loop3A_996, %parallel_loop3A_997 : vector<16xf32>
        %parallel_loop3A_999 = arith.addf %parallel_loop3A_995, %parallel_loop3A_998 : vector<16xf32>
        %parallel_loop3A_1000 = arith.addf %parallel_loop3A_992, %parallel_loop3A_999 : vector<16xf32>
        %parallel_loop3A_1001 = arith.constant 0 : i32
        %parallel_loop3A_1002 = arith.addi %parallel_loop3A_1001, %parallel_loop3A_461 : i32
        %parallel_loop3A_1003 = arith.index_cast %parallel_loop3A_1002 : i32 to index
        %parallel_loop3A_1004 = arith.constant 112 : index
        %parallel_loop3A_1005 = tpu.vector_load %arg13[%parallel_loop3A_1003, %parallel_loop3A_1004] {strides = array<i32>} : memref<16x128xf32, #tpu.memory_space<vmem>>, vector<16xf32>,
        tpu.vector_store %arg13[%parallel_loop3A_1003, %parallel_loop3A_1004], %parallel_loop3A_1000 {strides = array<i32>} : memref<16x128xf32, #tpu.memory_space<vmem>>, vector<16xf32>,
      } {sc.loop_unroll_factor = 2 : i64, sc.parallel_access}
      %mul3A_447 = arith.constant 16 : i32
      %mul3A_448 = arith.muli %add3A_358, %mul3A_447 : i32
      %add3A_449 = arith.addi %mul3A_3, %mul3A_448 : i32
      %dma_start3A_450 = arith.constant 0 : i32
      %dma_start3A_451 = tpu.memref_slice %arg7[%add3A_449, %dma_start3A_450] : memref<100352x128xf32, #tpu.memory_space<hbm>> -> memref<16x128xf32, #tpu.memory_space<hbm>>
      %dma_start3A_452 = arith.constant 0 : i32
      %dma_start3A_453 = tpu.memref_slice %arg7[%add3A_449, %dma_start3A_452] : memref<100352x128xf32, #tpu.memory_space<hbm>> -> memref<16x128xf32, #tpu.memory_space<hbm>>
      tpu.enqueue_dma source(%arg13 : memref<16x128xf32, #tpu.memory_space<vmem>>) target(%dma_start3A_453 : memref<16x128xf32, #tpu.memory_space<hbm>>) target_semaphore(%arg15 : memref<!tpu.dma_semaphore, #tpu.memory_space<semaphore_mem>>)
      %add3A_454 = arith.constant 2 : i32
      %add3A_455 = arith.addi %add3A_358, %add3A_454 : i32
      %lt3A_456 = arith.constant 196 : i32
      %lt3A_457 = arith.cmpi slt, %add3A_455, %lt3A_456 : i32
      %convert_element_type3A_458 = arith.extui %lt3A_457 : i1 to i32
      %cond3A_459 = arith.constant 0 : i32
      %cond3A_460 = arith.cmpi ne, %convert_element_type3A_458, %cond3A_459 : i32
      scf.if %cond3A_460 {
        %add3A_461 = arith.constant 2 : i32
        %add3A_462 = arith.addi %add3A_358, %add3A_461 : i32
        %mul3A_463 = arith.constant 16 : i32
        %mul3A_464 = arith.muli %add3A_462, %mul3A_463 : i32
        %add3A_465 = arith.constant 0 : i32
        %add3A_466 = arith.addi %mul3A_464, %add3A_465 : i32
        %get3A_467 = arith.index_cast %add3A_466 : i32 to index
        %get3A_468 = tpu.vector_load %arg18[%get3A_467] {strides = array<i32>} : memref<3136xf32, #tpu.memory_space<vmem>>, vector<16xf32>,
        %mul3A_469 = vector.broadcast %squeeze3A : f32 to vector<16xf32>
        %mul3A_470 = arith.mulf %get3A_468, %mul3A_469 : vector<16xf32>
        %get3A_471 = arith.index_cast %add3A_466 : i32 to index
        %get3A_472 = tpu.vector_load %arg19[%get3A_471] {strides = array<i32>} : memref<3136xf32, #tpu.memory_space<vmem>>, vector<16xf32>,
        %mul3A_473 = vector.broadcast %squeeze3A : f32 to vector<16xf32>
        %mul3A_474 = arith.mulf %get3A_472, %mul3A_473 : vector<16xf32>
        %get3A_475 = arith.index_cast %add3A_466 : i32 to index
        %get3A_476 = tpu.vector_load %arg20[%get3A_475] {strides = array<i32>} : memref<3136xf32, #tpu.memory_space<vmem>>, vector<16xf32>,
        %mul3A_477 = vector.broadcast %squeeze3A : f32 to vector<16xf32>
        %mul3A_478 = arith.mulf %get3A_476, %mul3A_477 : vector<16xf32>
        %convert_element_type3A_479 = arith.fptosi %mul3A_470 : vector<16xf32> to vector<16xi32>
        %convert_element_type3A_480 = arith.sitofp %convert_element_type3A_479 : vector<16xi32> to vector<16xf32>
        %gt3A_481 = arith.cmpf ogt, %mul3A_470, %convert_element_type3A_480 : vector<16xf32>
        %add3A_482 = arith.constant 1 : i32
        %add3A_483 = vector.broadcast %add3A_482 : i32 to vector<16xi32>
        %add3A_484 = arith.addi %convert_element_type3A_479, %add3A_483 : vector<16xi32>
        %select_n3A_485 = arith.select %gt3A_481, %add3A_484, %convert_element_type3A_479 : vector<16xi1>, vector<16xi32>
        %min3A_486 = arith.constant 63 : i32
        %min3A_487 = vector.broadcast %min3A_486 : i32 to vector<16xi32>
        %min3A_488 = arith.minsi %select_n3A_485, %min3A_487 : vector<16xi32>
        %convert_element_type3A_489 = arith.fptosi %mul3A_474 : vector<16xf32> to vector<16xi32>
        %convert_element_type3A_490 = arith.sitofp %convert_element_type3A_489 : vector<16xi32> to vector<16xf32>
        %gt3A_491 = arith.cmpf ogt, %mul3A_474, %convert_element_type3A_490 : vector<16xf32>
        %add3A_492 = arith.constant 1 : i32
        %add3A_493 = vector.broadcast %add3A_492 : i32 to vector<16xi32>
        %add3A_494 = arith.addi %convert_element_type3A_489, %add3A_493 : vector<16xi32>
        %select_n3A_495 = arith.select %gt3A_491, %add3A_494, %convert_element_type3A_489 : vector<16xi1>, vector<16xi32>
        %min3A_496 = arith.constant 63 : i32
        %min3A_497 = vector.broadcast %min3A_496 : i32 to vector<16xi32>
        %min3A_498 = arith.minsi %select_n3A_495, %min3A_497 : vector<16xi32>
        %convert_element_type3A_499 = arith.fptosi %mul3A_478 : vector<16xf32> to vector<16xi32>
        %convert_element_type3A_500 = arith.sitofp %convert_element_type3A_499 : vector<16xi32> to vector<16xf32>
        %gt3A_501 = arith.cmpf ogt, %mul3A_478, %convert_element_type3A_500 : vector<16xf32>
        %add3A_502 = arith.constant 1 : i32
        %add3A_503 = vector.broadcast %add3A_502 : i32 to vector<16xi32>
        %add3A_504 = arith.addi %convert_element_type3A_499, %add3A_503 : vector<16xi32>
        %select_n3A_505 = arith.select %gt3A_501, %add3A_504, %convert_element_type3A_499 : vector<16xi1>, vector<16xi32>
        %min3A_506 = arith.constant 63 : i32
        %min3A_507 = vector.broadcast %min3A_506 : i32 to vector<16xi32>
        %min3A_508 = arith.minsi %select_n3A_505, %min3A_507 : vector<16xi32>
        %mul3A_509 = arith.constant 64 : i32
        %mul3A_510 = vector.broadcast %mul3A_509 : i32 to vector<16xi32>
        %mul3A_511 = arith.muli %convert_element_type3A_479, %mul3A_510 : vector<16xi32>
        %add3A_512 = arith.addi %mul3A_511, %convert_element_type3A_489 : vector<16xi32>
        %mul3A_513 = arith.constant 64 : i32
        %mul3A_514 = vector.broadcast %mul3A_513 : i32 to vector<16xi32>
        %mul3A_515 = arith.muli %add3A_512, %mul3A_514 : vector<16xi32>
        %mul3A_516 = arith.constant 64 : i32
        %mul3A_517 = vector.broadcast %mul3A_516 : i32 to vector<16xi32>
        %mul3A_518 = arith.muli %min3A_488, %mul3A_517 : vector<16xi32>
        %add3A_519 = arith.addi %mul3A_518, %convert_element_type3A_489 : vector<16xi32>
        %mul3A_520 = arith.constant 64 : i32
        %mul3A_521 = vector.broadcast %mul3A_520 : i32 to vector<16xi32>
        %mul3A_522 = arith.muli %add3A_519, %mul3A_521 : vector<16xi32>
        %mul3A_523 = arith.constant 64 : i32
        %mul3A_524 = vector.broadcast %mul3A_523 : i32 to vector<16xi32>
        %mul3A_525 = arith.muli %convert_element_type3A_479, %mul3A_524 : vector<16xi32>
        %add3A_526 = arith.addi %mul3A_525, %min3A_498 : vector<16xi32>
        %mul3A_527 = arith.constant 64 : i32
        %mul3A_528 = vector.broadcast %mul3A_527 : i32 to vector<16xi32>
        %mul3A_529 = arith.muli %add3A_526, %mul3A_528 : vector<16xi32>
        %mul3A_530 = arith.constant 64 : i32
        %mul3A_531 = vector.broadcast %mul3A_530 : i32 to vector<16xi32>
        %mul3A_532 = arith.muli %min3A_488, %mul3A_531 : vector<16xi32>
        %add3A_533 = arith.addi %mul3A_532, %min3A_498 : vector<16xi32>
        %mul3A_534 = arith.constant 64 : i32
        %mul3A_535 = vector.broadcast %mul3A_534 : i32 to vector<16xi32>
        %mul3A_536 = arith.muli %add3A_533, %mul3A_535 : vector<16xi32>
        %add3A_537 = arith.addi %mul3A_515, %convert_element_type3A_499 : vector<16xi32>
        %add3A_538 = arith.addi %mul3A_522, %convert_element_type3A_499 : vector<16xi32>
        %add3A_539 = arith.addi %mul3A_529, %convert_element_type3A_499 : vector<16xi32>
        %add3A_540 = arith.addi %mul3A_536, %convert_element_type3A_499 : vector<16xi32>
        %add3A_541 = arith.addi %mul3A_515, %min3A_508 : vector<16xi32>
        %add3A_542 = arith.addi %mul3A_522, %min3A_508 : vector<16xi32>
        %add3A_543 = arith.addi %mul3A_529, %min3A_508 : vector<16xi32>
        %add3A_544 = arith.addi %mul3A_536, %min3A_508 : vector<16xi32>
        %swap3A_545 = arith.constant 0 : i32
        %swap3A_546 = arith.index_cast %swap3A_545 : i32 to index
        %swap3A_547 = arith.constant 0 : index
        %swap3A_548 = tpu.vector_load %arg11[%swap3A_546, %swap3A_547] {strides = array<i32>} : memref<1x128xi32, #tpu.memory_space<vmem>>, vector<16xi32>,
        tpu.vector_store %arg11[%swap3A_546, %swap3A_547], %add3A_537 {strides = array<i32>} : memref<1x128xi32, #tpu.memory_space<vmem>>, vector<16xi32>,
        %swap3A_549 = arith.constant 0 : i32
        %swap3A_550 = arith.index_cast %swap3A_549 : i32 to index
        %swap3A_551 = arith.constant 16 : index
        %swap3A_552 = tpu.vector_load %arg11[%swap3A_550, %swap3A_551] {strides = array<i32>} : memref<1x128xi32, #tpu.memory_space<vmem>>, vector<16xi32>,
        tpu.vector_store %arg11[%swap3A_550, %swap3A_551], %add3A_538 {strides = array<i32>} : memref<1x128xi32, #tpu.memory_space<vmem>>, vector<16xi32>,
        %swap3A_553 = arith.constant 0 : i32
        %swap3A_554 = arith.index_cast %swap3A_553 : i32 to index
        %swap3A_555 = arith.constant 32 : index
        %swap3A_556 = tpu.vector_load %arg11[%swap3A_554, %swap3A_555] {strides = array<i32>} : memref<1x128xi32, #tpu.memory_space<vmem>>, vector<16xi32>,
        tpu.vector_store %arg11[%swap3A_554, %swap3A_555], %add3A_539 {strides = array<i32>} : memref<1x128xi32, #tpu.memory_space<vmem>>, vector<16xi32>,
        %swap3A_557 = arith.constant 0 : i32
        %swap3A_558 = arith.index_cast %swap3A_557 : i32 to index
        %swap3A_559 = arith.constant 48 : index
        %swap3A_560 = tpu.vector_load %arg11[%swap3A_558, %swap3A_559] {strides = array<i32>} : memref<1x128xi32, #tpu.memory_space<vmem>>, vector<16xi32>,
        tpu.vector_store %arg11[%swap3A_558, %swap3A_559], %add3A_540 {strides = array<i32>} : memref<1x128xi32, #tpu.memory_space<vmem>>, vector<16xi32>,
        %swap3A_561 = arith.constant 0 : i32
        %swap3A_562 = arith.index_cast %swap3A_561 : i32 to index
        %swap3A_563 = arith.constant 64 : index
        %swap3A_564 = tpu.vector_load %arg11[%swap3A_562, %swap3A_563] {strides = array<i32>} : memref<1x128xi32, #tpu.memory_space<vmem>>, vector<16xi32>,
        tpu.vector_store %arg11[%swap3A_562, %swap3A_563], %add3A_541 {strides = array<i32>} : memref<1x128xi32, #tpu.memory_space<vmem>>, vector<16xi32>,
        %swap3A_565 = arith.constant 0 : i32
        %swap3A_566 = arith.index_cast %swap3A_565 : i32 to index
        %swap3A_567 = arith.constant 80 : index
        %swap3A_568 = tpu.vector_load %arg11[%swap3A_566, %swap3A_567] {strides = array<i32>} : memref<1x128xi32, #tpu.memory_space<vmem>>, vector<16xi32>,
        tpu.vector_store %arg11[%swap3A_566, %swap3A_567], %add3A_542 {strides = array<i32>} : memref<1x128xi32, #tpu.memory_space<vmem>>, vector<16xi32>,
        %swap3A_569 = arith.constant 0 : i32
        %swap3A_570 = arith.index_cast %swap3A_569 : i32 to index
        %swap3A_571 = arith.constant 96 : index
        %swap3A_572 = tpu.vector_load %arg11[%swap3A_570, %swap3A_571] {strides = array<i32>} : memref<1x128xi32, #tpu.memory_space<vmem>>, vector<16xi32>,
        tpu.vector_store %arg11[%swap3A_570, %swap3A_571], %add3A_543 {strides = array<i32>} : memref<1x128xi32, #tpu.memory_space<vmem>>, vector<16xi32>,
        %swap3A_573 = arith.constant 0 : i32
        %swap3A_574 = arith.index_cast %swap3A_573 : i32 to index
        %swap3A_575 = arith.constant 112 : index
        %swap3A_576 = tpu.vector_load %arg11[%swap3A_574, %swap3A_575] {strides = array<i32>} : memref<1x128xi32, #tpu.memory_space<vmem>>, vector<16xi32>,
        tpu.vector_store %arg11[%swap3A_574, %swap3A_575], %add3A_544 {strides = array<i32>} : memref<1x128xi32, #tpu.memory_space<vmem>>, vector<16xi32>,
        %dma_start3A_577 = arith.constant 0 : i32
        %dma_start3A_578 = arith.constant 0 : i32
        %dma_start3A_579 = arith.constant 0 : i32
        %dma_start3A_580 = tpu.memref_slice %arg17[%dma_start3A_578, %dma_start3A_579] : memref<128x128xf32, #tpu.memory_space<vmem>> -> memref<128x128xf32, #tpu.memory_space<vmem>>
        %dma_start3A_581 = arith.constant 0 : i32
        %dma_start3A_582 = tpu.memref_slice %arg11[%dma_start3A_577, %dma_start3A_581] : memref<1x128xi32, #tpu.memory_space<vmem>> -> memref<1x128xi32, #tpu.memory_space<vmem>>
        %dma_start3A_583 = tpu.memref_squeeze %dma_start3A_582 : memref<1x128xi32, #tpu.memory_space<vmem>> -> memref<128xi32, #tpu.memory_space<vmem>>
        %dma_start3A_584 = arith.constant 0 : i32
        %dma_start3A_585 = arith.constant 0 : i32
        %dma_start3A_586 = tpu.memref_slice %arg2[%dma_start3A_584, %dma_start3A_585] : memref<262144x128xf32, #tpu.memory_space<hbm>> -> memref<262144x128xf32, #tpu.memory_space<hbm>>
        tpu.enqueue_indirect_dma source(%dma_start3A_586 : memref<262144x128xf32, #tpu.memory_space<hbm>>) target(%dma_start3A_580 : memref<128x128xf32, #tpu.memory_space<vmem>>) offsets(%dma_start3A_583 : memref<128xi32, #tpu.memory_space<vmem>>) semaphore(%arg9 : memref<!tpu.dma_semaphore, #tpu.memory_space<semaphore_mem>>)
      } else {
      }
    }
    %scan3A_241 = arith.constant 98 : i32
    %add3A_242 = arith.constant 3104 : i32
    %add3A_243 = arith.addi %mul3A_3, %add3A_242 : i32
    %dma_wait3A = arith.constant 0 : i32
    %dma_wait3A_244 = tpu.memref_slice %arg7[%add3A_243, %dma_wait3A] : memref<100352x128xf32, #tpu.memory_space<hbm>> -> memref<16x128xf32, #tpu.memory_space<hbm>>
    %dma_wait3A_245 = arith.constant 0 : i32
    %dma_wait3A_246 = tpu.memref_slice %arg7[%add3A_243, %dma_wait3A_245] : memref<100352x128xf32, #tpu.memory_space<hbm>> -> memref<16x128xf32, #tpu.memory_space<hbm>>
    tpu.wait_dma2 semaphore(%arg14 : memref<!tpu.dma_semaphore, #tpu.memory_space<semaphore_mem>>) src(%arg12 : memref<16x128xf32, #tpu.memory_space<vmem>>) dst(%dma_wait3A_246 : memref<16x128xf32, #tpu.memory_space<hbm>>)
    %add3A_247 = arith.constant 3120 : i32
    %add3A_248 = arith.addi %mul3A_3, %add3A_247 : i32
    %dma_wait3A_249 = arith.constant 0 : i32
    %dma_wait3A_250 = tpu.memref_slice %arg7[%add3A_248, %dma_wait3A_249] : memref<100352x128xf32, #tpu.memory_space<hbm>> -> memref<16x128xf32, #tpu.memory_space<hbm>>
    %dma_wait3A_251 = arith.constant 0 : i32
    %dma_wait3A_252 = tpu.memref_slice %arg7[%add3A_248, %dma_wait3A_251] : memref<100352x128xf32, #tpu.memory_space<hbm>> -> memref<16x128xf32, #tpu.memory_space<hbm>>
    tpu.wait_dma2 semaphore(%arg15 : memref<!tpu.dma_semaphore, #tpu.memory_space<semaphore_mem>>) src(%arg13 : memref<16x128xf32, #tpu.memory_space<vmem>>) dst(%dma_wait3A_252 : memref<16x128xf32, #tpu.memory_space<hbm>>)
    return
  }
}

</mosaic_0001>

<sc_bundles>
// kernel: kernel.3.cloned.1.call-start
scs
__scs_entry_jumppad:
0x0: {  	(pc) =	sbr.rel $0x88, $3  }
0x1: {  	(tag) =	ssettag $0x0;
	lr =	simm.s32 $0x1  }
0x2: {  	[smem:$0x3F9F] =	sst lr;
	_ =	strace $0xD0000000  }
0x3: {  	_ = 	snop  }
0x4: {  	_ = 	snop  }
0x5: {  	_ = 	snop  }
0x6: {  	_ = 	snop  }
0x7: {  	_ = 	snop  }
__scs_overlays_trampoline_lowered:
0x8: {  	[smem:$0x3FAE] =	sst s0  }
0x9: {  	[smem:$0x3FAF] =	sst s1  }
0xa: {  	[smem:$0x3FB0] =	sst s2  }
0xb: {  	[smem:$0x3FB1] =	sst s3  }
0xc: {  	[smem:$0x3FB2] =	sst s4  }
0xd: {  	[smem:$0x3FB3] =	sst s5  }
0xe: {  	[smem:$0x3FB4] =	sst s6  }
0xf: {  	[smem:$0x3FB5] =	sst s7  }
0x10: {  	[smem:$0x3FB6] =	sst s8  }
0x11: {  	[smem:$0x3FB7] =	sst s9;
	s0 =	simm.s32 @!p0 $0x0  }
0x12: {  	s1 =	sld [smem:$0x3F9D];
	s0 =	simm.s32 @p0 $0x1  }
0x13: {  	[smem:$0x3FB8] =	sst s0;
	s0 =	simm.s32 @!p1 $0x0  }
0x14: {  	s2 =	sld [smem:$0x3F9C];
	s0 =	simm.s32 @p1 $0x1  }
0x15: {  	[smem:$0x3FB9] =	sst s0;
	s0 =	simm.s32 @!p2 $0x0  }
0x16: {  	s3 =	sld [smem:$0x3FDB];
	s0 =	simm.s32 @p2 $0x1  }
0x17: {  	s4 =	simm.s32 $0x1BF5;
	[smem:$0x3FBB] =	sst s0  }
0x18: {  	s0 =	sld [smem:$0x3F9E];
	_ =	swait.ge [sflag:s4], $0x0  }
0x19: {  	s7 =	sld [smem:$0x3F9F]  }
0x1a: {  	s8 =	sadd.s32 $0xFFFFE003, lr  }
0x1b: {  	s9 =	sadd.s32 $0xFFFFFEF7, lr;
	s5 =	simm.s32 $0xFFFFFFFF;
	p2 =	slt.u32 s8, $0xFFFFF086  }
0x1c: {  	p1 =	slt.u32 s9, $0xF7A;
	s5 =	simm.s32 @!p2 $0x0  }
0x1d: {  	s5 =	simm.s32 @p1 $0x1;
	p0 =	seq.s32 s7, s2  }
0x1e: {  	s7 =	smul.u32 @!p0 $0xF7A, s2;
	p2 =	seq.s32 @!p0 s5, $0x0  }
0x1f: {  	s9 =	smul.u32 $0xF7A, s1;
	s8 =	simm.s32 @!p0 $0x1BF5;
	p2 =	por !p2, p0  }
0x20: {  	[sflag:s8] =	ssyncset.s32 @!p0 $0xFFFFF086;
	s6 =	sadd.s32 @!p0 s3, s7;
	s7 =	simm.s32 @!p0 $0x108  }
0x21: {  	s3 =	sadd.s32 s3, s9;
	s6 =	sadd.s32 @!p0 $0x88, s6;
	s7 =	simm.s32 @p2 $0x1082  }
0x22: {  	[simem:s7], [sflag:s8] =	dma.local @!p0 [hbm:s6], $0xF7A  }
0x23: {  	s9 =	sor.u32 $0xD0000000, s2;
	s6 =	simm.s32 $0x108;
	_ =	swait.ge @!p0 [sflag:s8], $0x0  }
0x24: {  	s3 =	sadd.s32 $0x88, s3;
	s6 =	simm.s32 @!p1 $0x1082;
	[sflag:s4] =	ssyncset.s32 $0xFFFFF086  }
0x25: {  	[simem:s6], [sflag:s4] =	dma.local [hbm:s3], $0xF7A  }
0x26: {  	[smem:$0x3F9F] =	sst s1;
	(tag) =	ssettag s2;
	_ =	strace s9  }
0x27: {  	s1 =	sld [smem:$0x3FAF]  }
0x28: {  	s2 =	sld [smem:$0x3FB0]  }
0x29: {  	s4 =	sld [smem:$0x3FB2]  }
0x2a: {  	p0 =	seq.s32 s5, $0x0;
	s5 =	sld [smem:$0x3FB3]  }
0x2b: {  	s6 =	sld [smem:$0x3FB4]  }
0x2c: {  	s7 =	sld [smem:$0x3FB5]  }
0x2d: {  	s3 =	simm.s32 $0x108;
	s8 =	sld [smem:$0x3FB6]  }
0x2e: {  	s3 =	simm.s32 @!p0 $0x1082;
	s9 =	sld [smem:$0x3FB7]  }
0x2f: {  	lr =	sadd.s32 s0, s3;
	s0 =	sld [smem:$0x3FAE]  }
0x30: {  	s3 =	sld [smem:$0x3FB1]  }
0x31: {  	[smem:$0x3FBA] =	sst s10  }
0x32: {  	s10 =	sld [smem:$0x3FB8];
	_ =	sdelay $0x3  }
0x33: {  	p0 =	seq.s32 s10, $0x1;
	s10 =	sld [smem:$0x3FBA];
	_ =	sdelay $0x3  }
0x34: {  	[smem:$0x3FBA] =	sst s10  }
0x35: {  	s10 =	sld [smem:$0x3FB9];
	_ =	sdelay $0x3  }
0x36: {  	p1 =	seq.s32 s10, $0x1;
	s10 =	sld [smem:$0x3FBA];
	_ =	sdelay $0x3  }
0x37: {  	[smem:$0x3FBA] =	sst s10  }
0x38: {  	s10 =	sld [smem:$0x3FBB]  }
0x39: {  	_ = 	snop;
	(pc) =	sbr.ind lr, $3  }
0x3a: {  	_ = 	snop  }
0x3b: {  	_ = 	snop  }
0x3c: {  	p2 =	seq.s32 s10, $0x1;
	s10 =	sld [smem:$0x3FBA]  }
0x3d: {  	_ =	shalt  }
0x3e: {  	_ =	shalt  }
0x3f: {  	_ =	shalt  }
0x40: {  	_ =	shalt  }
0x41: {  	_ =	shalt  }
0x42: {  	_ =	shalt  }
0x43: {  	_ =	shalt  }
0x44: {  	_ =	shalt  }
0x45: {  	_ =	shalt  }
0x46: {  	_ =	shalt  }
0x47: {  	_ =	shalt  }
0x48: {  	_ =	shalt  }
0x49: {  	_ =	shalt  }
0x4a: {  	_ =	shalt  }
0x4b: {  	_ =	shalt  }
0x4c: {  	_ =	shalt  }
0x4d: {  	_ =	shalt  }
0x4e: {  	_ =	shalt  }
0x4f: {  	_ =	shalt  }
0x50: {  	_ =	shalt  }
0x51: {  	_ =	shalt  }
0x52: {  	_ =	shalt  }
0x53: {  	_ =	shalt  }
0x54: {  	_ =	shalt  }
0x55: {  	_ =	shalt  }
0x56: {  	_ =	shalt  }
0x57: {  	_ =	shalt  }
0x58: {  	_ =	shalt  }
0x59: {  	_ =	shalt  }
0x5a: {  	_ =	shalt  }
0x5b: {  	_ =	shalt  }
0x5c: {  	_ =	shalt  }
0x5d: {  	_ =	shalt  }
0x5e: {  	_ =	shalt  }
0x5f: {  	_ =	shalt  }
0x60: {  	_ =	shalt  }
0x61: {  	_ =	shalt  }
0x62: {  	_ =	shalt  }
0x63: {  	_ =	shalt  }
0x64: {  	_ =	shalt  }
0x65: {  	_ =	shalt  }
0x66: {  	_ =	shalt  }
0x67: {  	_ =	shalt  }
0x68: {  	_ =	shalt  }
0x69: {  	_ =	shalt  }
0x6a: {  	_ =	shalt  }
0x6b: {  	_ =	shalt  }
0x6c: {  	_ =	shalt  }
0x6d: {  	_ =	shalt  }
0x6e: {  	_ =	shalt  }
0x6f: {  	_ =	shalt  }
0x70: {  	_ =	shalt  }
0x71: {  	_ =	shalt  }
0x72: {  	_ =	shalt  }
0x73: {  	_ =	shalt  }
0x74: {  	_ =	shalt  }
0x75: {  	_ =	shalt  }
0x76: {  	_ =	shalt  }
0x77: {  	_ =	shalt  }
0x78: {  	_ =	shalt  }
0x79: {  	_ =	shalt  }
0x7a: {  	_ =	shalt  }
0x7b: {  	_ =	shalt  }
0x7c: {  	_ =	shalt  }
0x7d: {  	_ =	shalt  }
0x7e: {  	_ =	shalt  }
0x7f: {  	_ =	shalt  }
0x80: {  	_ =	shalt  }
0x81: {  	_ =	shalt  }
0x82: {  	_ =	shalt  }
0x83: {  	_ =	shalt  }
0x84: {  	_ =	shalt  }
0x85: {  	_ =	shalt  }
0x86: {  	_ =	shalt  }
0x87: {  	_ =	shalt  }
.Lfunc_end0:
.L_simem_size_0:
called_computation_lowered:
.L_overlay_start_0:
0x88: {  	s2 =	sld [smem:$0x3FD9]  }
0x89: {  	s3 =	sld [smem:$0x3FFE];
	_ =	sdelay $0x1  }
0x8a: {  	s1 =	srdreg.scid  }
0x8b: {  	s0 =	sand.u32 $0x1, s1  }
0x8c: {  	s17 =	sshll.u32 s0, $0xA;
	s2 =	sadd.s32 s3, s2  }
0x8d: {  	s2 =	sadd.s32 s2, s17  }
0x8e: {  	[smem:$0x3FC6] =	sst s2  }
0x8f: {  	_ = 	snop  }
0x90: {  	s2 =	sld [smem:$0x3FC9]  }
0x91: {  	s18 =	sld [smem:$0x3FD0];
	(tm) =	ssettm $0x1  }
0x92: {  	s4 =	sld [smem:$0x3FFB];
	_ =	sdelay $0x3  }
0x93: {  	_ =	strace s4  }
0x94: {  	s4 =	sld [smem:$0x3FFC];
	_ =	sdelay $0x3  }
0x95: {  	_ =	strace s4  }
0x96: {  	s4 =	sld [smem:$0x3FFD];
	_ =	sdelay $0x3  }
0x97: {  	_ =	strace s4  }
0x98: {  	_ =	strace $0x8FFFFFFF  }
0x99: {  	s19 =	sld [smem:$0x3FDB];
	_ =	sdelay $0x1  }
0x9a: {  	s5 =	simm.s32 $_scs_section_size  }
0x9b: {  	s6 =	simm.s32 $_size__tile_overlayer_lowered;
	s7 =	simm.s32 $_tile_overlayer_lowered  }
0x9c: {  	s22 =	simm.s32 $0x1BFF;
	s21 =	sshll.u32 s7, $0x1;
	s4 =	sadd.s32 s5, s19  }
0x9d: {  	s8 =	simm.s32 $0x0;
	s20 =	sshll.u32 s6, $0x1;
	s6 =	sadd.s32 s21, s4  }
0x9e: {  	[timem:s8], [sflag:s22] =	dma.local [hbm:s6], s20  }
0x9f: {  	_ =	swait.ge [sflag:s22], s20  }
0xa0: {  	s5 =	ssub.s32 $0x0, s20;
	[sflag:s22] =	ssyncset.done $0x0  }
0xa1: {  	[sflag:s22] =	ssyncadd.s32 s5;
	_ =	sdelay $0x1  }
0xa2: {  	s23 =	simm.s32 $0x1B8B  }
0xa3: {  	_ =	swait.ge [sflag:s23], $0x1  }
0xa4: {  	[sflag:s23] =	ssyncset.done $0x0  }
0xa5: {  	s25 =	simm.s32 $0x1B8E;
	s24 =	sld [smem:$0x3FFE];
	[sflag:s23] =	ssyncadd.s32 $0xFFFFFFFF  }
0xa6: {  	s26 =	simm.s32 $execute0_lowered;
	[smem:$0x3FD2] =	sst s25  }
0xa7: {  	s6 =	sshll.u32 s26, $0x1;
	_ =	strace $0x80000046;
	[dreg:$0x1] =	wrdreg $0xFFFFFFFF  }
0xa8: {  	s28 =	simm.s32 $_size_execute0_lowered;
	s4 =	sadd.s32 s4, s6;
	[dreg:$0x0] =	wrdreg $0x0  }
0xa9: {  	s6 =	sshll.u32 s28, $0x1;
	[dreg:$0x2] =	wrdreg s4  }
0xaa: {  	[dreg:$0x3] =	wrdreg s6  }
0xab: {  	[dreg:$0x4] =	wrdreg $0xC0  }
0xac: {  	_ =	task [dreg:s8], $0x5FFFF  }
0xad: {  	[dreg:$0x1] =	wrdreg $0xFFFFFFFF  }
0xae: {  	[dreg:$0x0] =	wrdreg $0x60  }
0xaf: {  	[dreg:$0x2] =	wrdreg s2  }
0xb0: {  	[dreg:$0x3] =	wrdreg s18  }
0xb1: {  	[dreg:$0x4] =	wrdreg s24  }
0xb2: {  	[dreg:$0x5] =	wrdreg $0x9  }
0xb3: {  	_ =	task.clear_ibuf [dreg:s8], $0x6FFFF;
	_ =	strace $0x90000046  }
0xb4: {  	s29 =	simm.s32 $0x9;
	_ =	strace $0x80000048  }
0xb5: {  	_ =	swait.ge [sflag:s29], $0x1  }
0xb6: {  	[sflag:s29] =	ssyncadd.s32 $0xFFFFFFFF  }
0xb7: {  	_ =	strace $0x90000048  }
0xb8: {  	_ =	sfence  }
0xb9: {  	s30 =	sld [smem:$0x0];
	_ =	sdelay $0x2  }
0xba: {  	s31 =	sshll.u32 s1, $0xD;
	s1 =	sshrl.u32 s1, $0x2  }
0xbb: {  	s3 =	sand.u32 $0x4000, s31;
	s1 =	sadd.s32 s1, s30  }
0xbc: {  	s0 =	sor.u32 s3, s0;
	s1 =	sshll.u32 s1, $0x11  }
0xbd: {  	s0 =	sor.u32 s1, s0  }
0xbe: {  	s0 =	sadd.s32 $0x8F2B, s0  }
0xbf: {  	[sflag:s0] =	ssyncadd.remote.s32 $0x1  }
0xc0: {  	_ =	sfence.sel $0xFFFF  }
0xc1: {  	[dreg:$0x0] =	wrdreg $0xFFFFFFFF;
	(pc) =	sbr.abs _section_cstart, $3  }
0xc2: {  	[dreg:$0x1] =	wrdreg $0xFFFFFFFF  }
0xc3: {  	_ =	task.clear_ibuf [dreg:s8], $0x2FFFF;
	_ =	strace $0x9FFFFFFF  }
0xc4: {  	(tm) =	ssettm $0x7FFFFFFF  }
0xc5: {  	_ =	shalt  }
tec
execute0_lowered:
.L_overlay_start_1:
0x0: {  	(tag) =	ssettag $0x1  }
0x1: {  	s1 =	rddreg [dreg:$0x0]  }
0x2: {  	s0 =	rddreg [dreg:$0x1];
	s2 =	srdreg.scid  }
0x3: {  	s3 =	stileid.u32;
	s5 =	rddreg [dreg:$0x2];
	s12 =	simm.s32 $0x5  }
0x4: {  	s16 =	simm.s32 $0x80;
	s17 =	simm.s32 $0x1100;
	s18 =	simm.s32 $0x5100  }
0x5: {  	s19 =	simm.s32 $0x1;
	s20 =	simm.s32 $0x100;
	s21 =	simm.s32 $0x2  }
0x6: {  	s22 =	simm.s32 $0x4;
	s2 =	sand.u32 $0x1, s2;
	s4 =	sshll.u32 s3, $0x1  }
0x7: {  	s23 =	simm.s32 $0x900;
	s24 =	simm.s32 $0x3;
	s4 =	sor.u32 s2, s4  }
0x8: {  	s25 =	simm.s32 $0x0;
	s3 =	simm.s32 $0x0;
	s4 =	smul.u32 $0xC40, s4  }
.Ltmp0:
0x9: {  	s6 =	sadd.s32 $0x6400, s5;
	[smem:$0x7FF] =	sst s3;
	(pc) =	sbr.rel .LBB2_1-.Ltmp0, $4  }
0xa: {  	s2 =	ssub.s32 $0x2, s2;
	_ =	strace $0x80000047;
	[dreg:$0x4] =	wrdreg s6  }
0xb: {  	s7 =	sshrl.u32 s2, $0x1;
	s6 =	sadd.s32 $0x6600, s5;
	s8 =	sshrl.u32 s4, $0x3  }
0xc: {  	s2 =	ssub.s32 s2, s7;
	s7 =	sadd.s32 s5, s8;
	s0 =	sadd.s32 s0, s8  }
0xd: {  	v13 =	vimm.s32 $0x0;
	s10 =	smax.u32 s2, $0x1;
	[dreg:$0x5] =	wrdreg s0;
	s9 =	sadd.s32 $0x3200, s7  }
.LBB2_12:
0xe: {  	s25 =	sadd.s32 $0x1, s25  }
0xf: {  	_ =	swait.ge [sflag:s24], $0x800;
	p0 =	sne.s32 s25, s10  }
.Ltmp1:
0x10: {  	[sflag:s24] =	ssyncset.done $0x0;
	(pc) =	sbr.rel @!p0 .LBB2_13-.Ltmp1, $4  }
0x11: {  	[sflag:s24] =	ssyncadd.s32 $0xFFFFF800  }
0x12: {  	_ =	swait.ge [sflag:s22], $0x800  }
0x13: {  	[sflag:s22] =	ssyncset.done $0x0  }
0x14: {  	v13 =	vimm.s32 $0x0;
	[sflag:s22] =	ssyncadd.s32 $0xFFFFF800  }
.LBB2_1:
0x15: {  	s0 =	rddreg [dreg:$0x4];
	s2 =	simm.s32 $0xB680  }
0x16: {  	[tilespmem:s2], [sflag:$0x5] =	stream.linear.gather [hbm4b:s0+s3], $0x1, $0x38;
	[tilespmem:$0xB700] =	vst v63  }
0x17: {  	_ =	swait.ge [sflag:s12], $0x1  }
0x18: {  	[sflag:s12] =	ssyncset.done $0x0  }
0x19: {  	s29 =	simm.s32 $0x9100;
	s28 =	rddreg [dreg:$0x5];
	[sflag:s12] =	ssyncadd.s32 $0xFFFFFFFF  }
0x1a: {  	v10 =	vld.msk [tilespmem:$0xB680 ss:$0x0], $0xffff;
	[tilespmem:s29], [sflag:$0x5] =	stream.linear.gather [hbm4b:s28+s3], $0xC40, $0x38  }
0x1b: {  	_ =	swait.ge [sflag:s12], $0xC40  }
0x1c: {  	[sflag:s12] =	ssyncset.done $0x0  }
0x1d: {  	s30 =	simm.s32 $0x9D80;
	[sflag:s12] =	ssyncadd.s32 $0xFFFFF3C0  }
0x1e: {  	[tilespmem:s30], [sflag:$0x5] =	stream.linear.gather [hbm4b:s9+s3], $0xC40, $0x38;
	[tilespmem:$0xB700] =	vst v63  }
0x1f: {  	_ =	swait.ge [sflag:s12], $0xC40  }
0x20: {  	[sflag:s12] =	ssyncset.done $0x0  }
0x21: {  	s31 =	simm.s32 $0xAA00;
	[sflag:s12] =	ssyncadd.s32 $0xFFFFF3C0  }
0x22: {  	[tilespmem:s31], [sflag:$0x5] =	stream.linear.gather [hbm4b:s7+s3], $0xC40, $0x38;
	[tilespmem:$0xB700] =	vst v63  }
0x23: {  	_ =	swait.ge [sflag:s12], $0xC40  }
0x24: {  	[sflag:s12] =	ssyncset.done $0x0  }
0x25: {  	[sflag:s12] =	ssyncadd.s32 $0xFFFFF3C0  }
0x26: {  	v2 =	vld [tilespmem:$0x9100]  }
0x27: {  	v3 =	vld [tilespmem:$0x9D80]  }
0x28: {  	v4 =	vld [tilespmem:$0xAA00];
	_ =	sdelay $0x3  }
0x29: {  	v2 =	vmul.f32 v2, v10;
	v3 =	vmul.f32 v3, v10  }
0x2a: {  	v4 =	vmul.f32 v4, v10  }
0x2b: {  	v5 =	vtrunc.f32 v2;
	v7 =	vtrunc.f32 v3  }
0x2c: {  	v39 =	vtrunc.f32 v4;
	v6 =	vcvt.f32.s32 v5;
	vm0 =	vgt.f32 v2, v5  }
0x2d: {  	v36 =	vcvt.f32.s32 v7;
	vm1 =	vgt.f32 v3, v7;
	v8 =	vcvt.f32.s32 v39  }
0x2e: {  	vm8 =	vgt.f32 v4, v39;
	v37 =	vsel vm0, $0x1, v13;
	v38 =	vsel vm1, $0x1, v13  }
0x2f: {  	v41 =	vsel vm8, $0x1, v13;
	v3 =	vadd.s32 v6, v37;
	v5 =	vadd.s32 v36, v38  }
0x30: {  	v40 =	vshll.u32 v6, $0x6;
	v6 =	vadd.s32 v8, v41;
	vm6 =	vlt.s32 v3, $0x3F  }
0x31: {  	vm7 =	vlt.s32 v5, $0x3F;
	v42 =	vadd.s32 v36, v40;
	vm9 =	vlt.s32 v6, $0x3F  }
0x32: {  	v3 =	vnsel vm6, $0x3F, v3;
	v5 =	vnsel vm7, $0x3F, v5;
	v7 =	vshll.u32 v42, $0x6  }
0x33: {  	v44 =	vnsel vm9, $0x3F, v6;
	v4 =	vadd.s32 v40, v5;
	v9 =	vadd.s32 v8, v7  }
0x34: {  	v3 =	vshll.u32 v3, $0x6;
	v7 =	vadd.s32 v7, v44;
	v4 =	vshll.u32 v4, $0x6;
	[tilespmem:$0x0] =	vst v9  }
0x35: {  	v2 =	vadd.s32 v36, v3;
	[tilespmem:$0x40] =	vst v7;
	v9 =	vadd.s32 v8, v4  }
0x36: {  	v3 =	vadd.s32 v5, v3;
	v2 =	vshll.u32 v2, $0x6;
	v4 =	vadd.s32 v44, v4;
	[tilespmem:$0x20] =	vst v9  }
0x37: {  	v3 =	vshll.u32 v3, $0x6;
	v43 =	vadd.s32 v8, v2;
	[tilespmem:$0x60] =	vst v4  }
0x38: {  	v45 =	vadd.s32 v8, v3;
	[tilespmem:$0x10] =	vst v43  }
0x39: {  	v2 =	vadd.s32 v44, v2;
	[tilespmem:$0x30] =	vst v45  }
0x3a: {  	v46 =	vadd.s32 v44, v3;
	[tilespmem:$0x50] =	vst v2  }
0x3b: {  	[tilespmem:$0x70] =	vst v46  }
0x3c: {  	[tilespmem:s17], [sflag:$0x1] =	stream.indirect.gather [hbm4b:s1+s16], $0x80, s3, s16, $0xb8;
	[tilespmem:$0xB700] =	vst v63  }
0x3d: {  	v47 =	vld [tilespmem:$0x9110]  }
0x3e: {  	v48 =	vld [tilespmem:$0x9D90]  }
0x3f: {  	v49 =	vld [tilespmem:$0xAA10];
	_ =	sdelay $0x3  }
0x40: {  	v2 =	vmul.f32 v47, v10;
	v3 =	vmul.f32 v48, v10  }
0x41: {  	v4 =	vmul.f32 v49, v10  }
0x42: {  	v50 =	vtrunc.f32 v2;
	v52 =	vtrunc.f32 v3  }
0x43: {  	v56 =	vtrunc.f32 v4;
	v51 =	vcvt.f32.s32 v50;
	vm10 =	vgt.f32 v2, v50  }
0x44: {  	v53 =	vcvt.f32.s32 v52;
	vm11 =	vgt.f32 v3, v52;
	v8 =	vcvt.f32.s32 v56  }
0x45: {  	vm14 =	vgt.f32 v4, v56;
	v54 =	vsel vm10, $0x1, v13;
	v55 =	vsel vm11, $0x1, v13  }
0x46: {  	v58 =	vsel vm14, $0x1, v13;
	v3 =	vadd.s32 v51, v54;
	v5 =	vadd.s32 v53, v55  }
0x47: {  	v57 =	vshll.u32 v51, $0x6;
	v6 =	vadd.s32 v8, v58;
	vm12 =	vlt.s32 v3, $0x3F  }
0x48: {  	vm13 =	vlt.s32 v5, $0x3F;
	v59 =	vadd.s32 v53, v57;
	vm15 =	vlt.s32 v6, $0x3F  }
0x49: {  	v3 =	vnsel vm12, $0x3F, v3;
	v5 =	vnsel vm13, $0x3F, v5;
	v7 =	vshll.u32 v59, $0x6  }
0x4a: {  	[tilespmem:$0x1FFF0] =	vst v10;
	v61 =	vnsel vm15, $0x3F, v6;
	v4 =	vadd.s32 v57, v5;
	v9 =	vadd.s32 v8, v7  }
0x4b: {  	v3 =	vshll.u32 v3, $0x6;
	v7 =	vadd.s32 v7, v61;
	v4 =	vshll.u32 v4, $0x6;
	[tilespmem:$0x80] =	vst v9  }
0x4c: {  	v2 =	vadd.s32 v53, v3;
	[tilespmem:$0xC0] =	vst v7;
	v9 =	vadd.s32 v8, v4  }
0x4d: {  	v3 =	vadd.s32 v5, v3;
	v2 =	vshll.u32 v2, $0x6;
	v4 =	vadd.s32 v61, v4;
	[tilespmem:$0xA0] =	vst v9  }
0x4e: {  	v3 =	vshll.u32 v3, $0x6;
	v60 =	vadd.s32 v8, v2;
	[tilespmem:$0xE0] =	vst v4  }
0x4f: {  	v62 =	vadd.s32 v8, v3;
	[tilespmem:$0x90] =	vst v60  }
0x50: {  	v2 =	vadd.s32 v61, v2;
	[tilespmem:$0xB0] =	vst v62  }
0x51: {  	v63 =	vadd.s32 v61, v3;
	[tilespmem:$0xD0] =	vst v2  }
0x52: {  	s26 =	simm.s32 $0x0;
	[tilespmem:$0xF0] =	vst v63  }
0x53: {  	[tilespmem:s18], [sflag:$0x2] =	stream.indirect.gather [hbm4b:s1+s16], $0x80, s16, s16, $0xb8;
	[tilespmem:$0xB700] =	vst v63  }
.LBB2_2:
0x54: {  	_ =	swait.ge [sflag:s19], $0x4000  }
0x55: {  	p0 =	seq.s32 s26, $0x0;
	[sflag:s19] =	ssyncset.done $0x0  }
0x56: {  	s0 =	simm.s32 @!p0 $0x3;
	[sflag:s19] =	ssyncadd.s32 $0xFFFFC000  }
0x57: {  	_ =	swait.ge @!p0 [sflag:s0], $0x800  }
0x58: {  	[sflag:s0] =	ssyncset.done @!p0 $0x0  }
0x59: {  	s28 =	sshll.u32 s26, $0x5;
	[sflag:s0] =	ssyncadd.s32 @!p0 $0xFFFFF800  }
0x5a: {  	v2 =	vld [tilespmem:s28+$0x9100]  }
0x5b: {  	v3 =	vld [tilespmem:s28+$0x9D80]  }
0x5c: {  	v4 =	vld [tilespmem:s28+$0xAA00];
	_ =	sdelay $0x3  }
0x5d: {  	v2 =	vmul.f32 v2, v10  }
0x5e: {  	v3 =	vmul.f32 v3, v10;
	v4 =	vmul.f32 v4, v10  }
0x5f: {  	v5 =	vtrunc.f32 v2  }
0x60: {  	v6 =	vtrunc.f32 v3;
	v8 =	vtrunc.f32 v4  }
0x61: {  	v5 =	vcvt.f32.s32 v5;
	v6 =	vcvt.f32.s32 v6  }
0x62: {  	v8 =	vcvt.f32.s32 v8  }
0x63: {  	v7 =	vcvt.s32.f32 v5;
	v9 =	vcvt.s32.f32 v6;
	_ =	sdelay $0x1  }
0x64: {  	v10 =	vcvt.s32.f32 v8;
	vm0 =	vgt.f32 v2, v7;
	vm1 =	vgt.f32 v3, v9  }
0x65: {  	v11 =	vsel vm0, $0x1, v13;
	v12 =	vsel vm1, $0x1, v13  }
0x66: {  	vm12 =	vgt.f32 v4, v10;
	v5 =	vadd.s32 v5, v11;
	v6 =	vadd.s32 v6, v12  }
0x67: {  	v11 =	vsel vm12, $0x1, v13;
	vm13 =	vlt.s32 v5, $0x3F;
	vm14 =	vlt.s32 v6, $0x3F  }
0x68: {  	v8 =	vadd.s32 v8, v11;
	v5 =	vnsel vm13, $0x3F, v5;
	v6 =	vnsel vm14, $0x3F, v6  }
0x69: {  	vm15 =	vlt.s32 v8, $0x3F;
	v5 =	vcvt.s32.f32 v5;
	v6 =	vcvt.s32.f32 v6  }
0x6a: {  	v7 =	vsub.f32 v2, v7;
	v8 =	vnsel vm15, $0x3F, v8  }
0x6b: {  	v2 =	vsub.f32 v5, v2;
	v57 =	vsub.f32 v6, v3;
	v6 =	vcvt.s32.f32 v8  }
0x6c: {  	v3 =	vsub.f32 v3, v9  }
0x6d: {  	s30 =	simm.s32 $0x3100;
	v6 =	vsub.f32 v6, v4;
	v8 =	vmul.f32 v57, v2;
	v5 =	vmul.f32 v57, v7  }
0x6e: {  	v58 =	vld [tilespmem:s30+$0xFFFFF880];
	v2 =	vmul.f32 v2, v3;
	v3 =	vmul.f32 v3, v7  }
0x6f: {  	v59 =	vld [tilespmem:s30+$0x80];
	v4 =	vsub.f32 v4, v10;
	v37 =	vmul.f32 v6, v8;
	v16 =	vmul.f32 v6, v5  }
0x70: {  	v61 =	vld [tilespmem:s30+$0x880];
	v36 =	vmul.f32 v6, v2;
	v35 =	vmul.f32 v6, v3  }
0x71: {  	s8 =	simm.s32 $0x1;
	v9 =	vld [tilespmem:s30+$0xFFFFE880];
	v34 =	vmul.f32 v8, v4;
	v33 =	vmul.f32 v5, v4  }
0x72: {  	v60 =	vmov s8;
	v7 =	vld [tilespmem:s30+$0xFFFFE080];
	v0 =	vmul.f32 v2, v4;
	v28 =	vmul.f32 v4, v3  }
0x73: {  	v18 =	vld [tilespmem:s30+$0x1880];
	v14 =	vperm.xlane v37, v60;
	v15 =	vperm.xlane v16, v60  }
0x74: {  	v6 =	vld [tilespmem:s30+$0xFFFFF080];
	v44 =	vperm.xlane v36, v60;
	v62 =	vperm.xlane v35, v60  }
0x75: {  	v8 =	vld [tilespmem:s30+$0x1080];
	v11 =	vperm.xlane v34, v60;
	v63 =	vperm.xlane v33, v60  }
0x76: {  	v43 =	vperm.xlane v0, v60;
	v10 =	vperm.xlane v28, v60  }
0x77: {  	v49 =	vmul.f32 v7, v14;
	v7 =	vmul.f32 v9, v15  }
0x78: {  	v5 =	vmul.f32 v58, v62;
	v2 =	vmul.f32 v59, v11  }
0x79: {  	v4 =	vmul.f32 v61, v63;
	v9 =	vmul.f32 v18, v10  }
0x7a: {  	v6 =	vmul.f32 v6, v44;
	v8 =	vmul.f32 v8, v43  }
0x7b: {  	v3 =	vadd.f32 v7, v49;
	v2 =	vadd.f32 v4, v2  }
0x7c: {  	v5 =	vadd.f32 v5, v6;
	v50 =	vadd.f32 v9, v8;
	_ =	sdelay $0x1  }
0x7d: {  	v3 =	vadd.f32 v5, v3;
	v2 =	vadd.f32 v50, v2;
	_ =	sdelay $0x1  }
0x7e: {  	v2 =	vadd.f32 v2, v3  }
0x7f: {  	s29 =	simm.s32 $0x180  }
0x80: {  	[tilespmem:s29+$0x0] =	vst v2  }
0x81: {  	v2 =	vld [tilespmem:s30+$0xFFFFE090]  }
0x82: {  	v51 =	vld [tilespmem:s30+$0xFFFFE890]  }
0x83: {  	v52 =	vld [tilespmem:s30+$0xFFFFF090]  }
0x84: {  	v53 =	vld [tilespmem:s30+$0xFFFFF890]  }
0x85: {  	v6 =	vld [tilespmem:s30+$0x90]  }
0x86: {  	v7 =	vld [tilespmem:s30+$0x890]  }
0x87: {  	v8 =	vld [tilespmem:s30+$0x1090]  }
0x88: {  	v9 =	vld [tilespmem:s30+$0x1890];
	_ =	sdelay $0x1  }
0x89: {  	v2 =	vmul.f32 v2, v14;
	v3 =	vmul.f32 v51, v15  }
0x8a: {  	v4 =	vmul.f32 v52, v44;
	v5 =	vmul.f32 v53, v62  }
0x8b: {  	v6 =	vmul.f32 v6, v11;
	v7 =	vmul.f32 v7, v63  }
0x8c: {  	v8 =	vmul.f32 v8, v43;
	v9 =	vmul.f32 v9, v10  }
0x8d: {  	v55 =	vld [tilespmem:s30+$0xFFFFE800];
	v2 =	vadd.f32 v3, v2;
	v54 =	vadd.f32 v5, v4  }
0x8e: {  	v19 =	vld [tilespmem:s30+$0xFFFFF800];
	v56 =	vadd.f32 v7, v6;
	v6 =	vadd.f32 v9, v8  }
0x8f: {  	v20 =	vld [tilespmem:s30+$0x0]  }
0x90: {  	s11 =	simm.s32 $0x0;
	v21 =	vld [tilespmem:s30+$0x800];
	v2 =	vadd.f32 v54, v2;
	v57 =	vadd.f32 v6, v56  }
0x91: {  	v18 =	vld [tilespmem:s30+$0xFFFFE000];
	v6 =	vmov s11  }
0x92: {  	v7 =	vld [tilespmem:s30+$0xFFFFF000];
	v8 =	vperm.xlane v37, v6;
	v9 =	vperm.xlane v16, v6;
	v22 =	vadd.f32 v57, v2  }
0x93: {  	v23 =	vld [tilespmem:s30+$0x1000];
	v3 =	vperm.xlane v35, v6;
	v17 =	vperm.xlane v34, v6  }
0x94: {  	v24 =	vld [tilespmem:s30+$0x1800];
	v1 =	vmovc v0;
	v58 =	vmov v16;
	v16 =	vperm.xlane v33, v6;
	v0 =	vperm.xlane v0, v6;
	[tilespmem:s29+$0x10] =	vst v22  }
0x95: {  	v2 =	vperm.xlane v36, v6;
	v6 =	vperm.xlane v28, v6;
	v25 =	vld [tilespmem:s30+$0xFFFFE0A0]  }
0x96: {  	v18 =	vmul.f32 v18, v8;
	v19 =	vmul.f32 v19, v3;
	v27 =	vld [tilespmem:s30+$0xFFFFE8A0]  }
0x97: {  	v20 =	vmul.f32 v20, v17;
	v26 =	vmul.f32 v7, v2;
	v7 =	vmov v28;
	v28 =	vld [tilespmem:s30+$0xFFFFF0A0]  }
0x98: {  	v21 =	vmul.f32 v21, v16;
	v22 =	vmul.f32 v55, v9;
	v29 =	vld [tilespmem:s30+$0xFFFFF8A0]  }
0x99: {  	v23 =	vmul.f32 v23, v0;
	v24 =	vmul.f32 v24, v6;
	v30 =	vld [tilespmem:s30+$0xA0]  }
0x9a: {  	v20 =	vadd.f32 v21, v20;
	v18 =	vadd.f32 v22, v18;
	v22 =	vld [tilespmem:s30+$0x8A0]  }
0x9b: {  	v19 =	vadd.f32 v19, v26;
	v21 =	vadd.f32 v24, v23;
	v23 =	vld [tilespmem:s30+$0x10A0]  }
0x9c: {  	v24 =	vld [tilespmem:s30+$0x18A0]  }
0x9d: {  	v18 =	vadd.f32 v19, v18;
	v19 =	vadd.f32 v21, v20  }
0x9e: {  	v20 =	vmul.f32 v25, v14;
	v21 =	vmul.f32 v27, v15  }
0x9f: {  	v18 =	vadd.f32 v19, v18;
	v19 =	vmul.f32 v28, v44;
	v25 =	vmul.f32 v29, v62  }
0xa0: {  	v26 =	vmul.f32 v30, v11;
	v22 =	vmul.f32 v22, v63  }
0xa1: {  	[tilespmem:s29+$0xFFFFFF80] =	vst v18;
	v18 =	vmul.f32 v23, v43;
	v23 =	vmul.f32 v24, v10  }
0xa2: {  	v20 =	vadd.f32 v21, v20;
	v19 =	vadd.f32 v25, v19;
	v24 =	vld [tilespmem:s30+$0xFFFFE010]  }
0xa3: {  	v21 =	vld [tilespmem:s30+$0xFFFFE810];
	v22 =	vadd.f32 v22, v26;
	v18 =	vadd.f32 v23, v18  }
0xa4: {  	v25 =	vld [tilespmem:s30+$0xFFFFF810]  }
0xa5: {  	v26 =	vld [tilespmem:s30+$0x1810];
	v19 =	vadd.f32 v19, v20;
	v18 =	vadd.f32 v18, v22  }
0xa6: {  	v23 =	vld [tilespmem:s30+$0xFFFFF010]  }
0xa7: {  	v20 =	vld [tilespmem:s30+$0x10];
	v18 =	vadd.f32 v18, v19  }
0xa8: {  	v22 =	vld [tilespmem:s30+$0x810]  }
0xa9: {  	v19 =	vld [tilespmem:s30+$0x1010];
	[tilespmem:s29+$0x20] =	vst v18  }
0xaa: {  	v18 =	vld [tilespmem:s30+$0xFFFFE0B0]  }
0xab: {  	v24 =	vmul.f32 v24, v8;
	v21 =	vmul.f32 v21, v9;
	v27 =	vld [tilespmem:s30+$0xFFFFE8B0]  }
0xac: {  	v25 =	vmul.f32 v25, v3;
	v26 =	vmul.f32 v26, v6;
	v28 =	vld [tilespmem:s30+$0xFFFFF0B0]  }
0xad: {  	v23 =	vmul.f32 v23, v2;
	v20 =	vmul.f32 v20, v17;
	v29 =	vld [tilespmem:s30+$0xFFFFF8B0]  }
0xae: {  	v22 =	vmul.f32 v22, v16;
	v30 =	vld [tilespmem:s30+$0xB0];
	v19 =	vmul.f32 v19, v0  }
0xaf: {  	v21 =	vadd.f32 v21, v24;
	v23 =	vadd.f32 v25, v23;
	v24 =	vld [tilespmem:s30+$0x8B0]  }
0xb0: {  	v25 =	vld [tilespmem:s30+$0x18B0];
	v20 =	vadd.f32 v22, v20;
	v19 =	vadd.f32 v26, v19  }
0xb1: {  	v22 =	vld [tilespmem:s30+$0x10B0]  }
0xb2: {  	v21 =	vadd.f32 v23, v21;
	v19 =	vadd.f32 v19, v20  }
0xb3: {  	v18 =	vmul.f32 v18, v14;
	v23 =	vmul.f32 v29, v62  }
0xb4: {  	v26 =	vmul.f32 v30, v11;
	v24 =	vmul.f32 v24, v63;
	v19 =	vadd.f32 v19, v21  }
0xb5: {  	v20 =	vmul.f32 v27, v15;
	v21 =	vmul.f32 v28, v44  }
0xb6: {  	[tilespmem:s29+$0xFFFFFF90] =	vst v19;
	v19 =	vmul.f32 v22, v43;
	v22 =	vmul.f32 v25, v10  }
0xb7: {  	v18 =	vadd.f32 v20, v18;
	v20 =	vadd.f32 v23, v21;
	v25 =	vld [tilespmem:s30+$0xFFFFE020]  }
0xb8: {  	v23 =	vadd.f32 v24, v26;
	v21 =	vld [tilespmem:s30+$0xFFFFE820];
	v19 =	vadd.f32 v22, v19  }
0xb9: {  	v24 =	vld [tilespmem:s30+$0xFFFFF820]  }
0xba: {  	v26 =	vld [tilespmem:s30+$0x1820];
	v18 =	vadd.f32 v20, v18;
	v19 =	vadd.f32 v19, v23  }
0xbb: {  	v22 =	vld [tilespmem:s30+$0xFFFFF020]  }
0xbc: {  	v20 =	vld [tilespmem:s30+$0x20];
	v18 =	vadd.f32 v19, v18  }
0xbd: {  	v23 =	vld [tilespmem:s30+$0x820]  }
0xbe: {  	v19 =	vld [tilespmem:s30+$0x1020];
	[tilespmem:s29+$0x30] =	vst v18  }
0xbf: {  	v18 =	vld [tilespmem:s30+$0xFFFFE0C0]  }
0xc0: {  	v25 =	vmul.f32 v25, v8;
	v21 =	vmul.f32 v21, v9;
	v27 =	vld [tilespmem:s30+$0xFFFFE8C0]  }
0xc1: {  	v24 =	vmul.f32 v24, v3;
	v26 =	vmul.f32 v26, v6;
	v28 =	vld [tilespmem:s30+$0xFFFFF0C0]  }
0xc2: {  	v22 =	vmul.f32 v22, v2;
	v20 =	vmul.f32 v20, v17;
	v29 =	vld [tilespmem:s30+$0xFFFFF8C0]  }
0xc3: {  	v23 =	vmul.f32 v23, v16;
	v30 =	vld [tilespmem:s30+$0xC0];
	v19 =	vmul.f32 v19, v0  }
0xc4: {  	v21 =	vadd.f32 v21, v25;
	v22 =	vadd.f32 v24, v22;
	v24 =	vld [tilespmem:s30+$0x8C0]  }
0xc5: {  	v25 =	vld [tilespmem:s30+$0x18C0];
	v20 =	vadd.f32 v23, v20;
	v19 =	vadd.f32 v26, v19  }
0xc6: {  	v23 =	vld [tilespmem:s30+$0x10C0]  }
0xc7: {  	v21 =	vadd.f32 v22, v21;
	v19 =	vadd.f32 v19, v20  }
0xc8: {  	v18 =	vmul.f32 v18, v14;
	v22 =	vmul.f32 v29, v62  }
0xc9: {  	v26 =	vmul.f32 v30, v11;
	v24 =	vmul.f32 v24, v63;
	v19 =	vadd.f32 v19, v21  }
0xca: {  	v20 =	vmul.f32 v27, v15;
	v21 =	vmul.f32 v28, v44  }
0xcb: {  	[tilespmem:s29+$0xFFFFFFA0] =	vst v19;
	v19 =	vmul.f32 v23, v43;
	v23 =	vmul.f32 v25, v10  }
0xcc: {  	v18 =	vadd.f32 v20, v18;
	v20 =	vadd.f32 v22, v21;
	v25 =	vld [tilespmem:s30+$0xFFFFE030]  }
0xcd: {  	v22 =	vadd.f32 v24, v26;
	v21 =	vld [tilespmem:s30+$0xFFFFE830];
	v19 =	vadd.f32 v23, v19  }
0xce: {  	v24 =	vld [tilespmem:s30+$0xFFFFF830]  }
0xcf: {  	v26 =	vld [tilespmem:s30+$0x1830];
	v18 =	vadd.f32 v20, v18;
	v19 =	vadd.f32 v19, v22  }
0xd0: {  	v23 =	vld [tilespmem:s30+$0xFFFFF030]  }
0xd1: {  	v20 =	vld [tilespmem:s30+$0x30];
	v18 =	vadd.f32 v19, v18  }
0xd2: {  	v22 =	vld [tilespmem:s30+$0x830]  }
0xd3: {  	v19 =	vld [tilespmem:s30+$0x1030];
	[tilespmem:s29+$0x40] =	vst v18  }
0xd4: {  	v18 =	vld [tilespmem:s30+$0xFFFFE0D0]  }
0xd5: {  	v27 =	vld [tilespmem:s30+$0xFFFFE8D0]  }
0xd6: {  	v28 =	vld [tilespmem:s30+$0xFFFFF0D0]  }
0xd7: {  	v25 =	vmul.f32 v25, v8;
	v21 =	vmul.f32 v21, v9;
	v29 =	vld [tilespmem:s30+$0xFFFFF8D0]  }
0xd8: {  	v24 =	vmul.f32 v24, v3;
	v23 =	vmul.f32 v23, v2;
	v30 =	vld [tilespmem:s30+$0xD0]  }
0xd9: {  	v26 =	vmul.f32 v26, v6;
	v20 =	vmul.f32 v20, v17;
	v31 =	vld [tilespmem:s30+$0x8D0]  }
0xda: {  	v22 =	vmul.f32 v22, v16;
	v23 =	vadd.f32 v24, v23;
	v24 =	vld [tilespmem:s30+$0x18D0];
	v19 =	vmul.f32 v19, v0  }
0xdb: {  	v21 =	vadd.f32 v21, v25;
	v32 =	vld [tilespmem:s30+$0x10D0]  }
0xdc: {  	s31 =	simm.s32 $0x3200;
	[tilespmem:$0x1FE80] =	vst v15;
	v20 =	vadd.f32 v22, v20;
	v19 =	vadd.f32 v26, v19  }
0xdd: {  	v21 =	vadd.f32 v23, v21;
	v23 =	vld [tilespmem:s31+$0xFFFFE080];
	[tilespmem:$0x1FEB0] =	vst v62;
	v18 =	vmul.f32 v18, v14;
	v22 =	vmul.f32 v27, v15  }
0xde: {  	v26 =	vld [tilespmem:s31+$0xFFFFE880];
	[tilespmem:$0x1FEC0] =	vst v11;
	v25 =	vmul.f32 v29, v62;
	v27 =	vmul.f32 v30, v11;
	v19 =	vadd.f32 v19, v20  }
0xdf: {  	[tilespmem:$0x1FEE0] =	vst v63;
	v24 =	vmul.f32 v24, v10;
	v20 =	vmul.f32 v28, v44  }
0xe0: {  	s13 =	simm.s32 $0x3;
	v29 =	vld [tilespmem:s31+$0xFFFFF080];
	[tilespmem:$0x1FF00] =	vst v10;
	v28 =	vmul.f32 v31, v63;
	v19 =	vadd.f32 v19, v21;
	v21 =	vmul.f32 v32, v43  }
0xe1: {  	v30 =	vld [tilespmem:s31+$0xFFFFF880];
	v18 =	vadd.f32 v22, v18;
	v20 =	vadd.f32 v25, v20;
	v25 =	vmov s13  }
0xe2: {  	v22 =	vld [tilespmem:s31+$0x80];
	v27 =	vadd.f32 v28, v27;
	v49 =	vperm.xlane v37, v25;
	v21 =	vadd.f32 v24, v21  }
0xe3: {  	v28 =	vld [tilespmem:s31+$0x880];
	v48 =	vperm.xlane v58, v25;
	v47 =	vperm.xlane v36, v25  }
0xe4: {  	v46 =	vperm.xlane v35, v25;
	v24 =	vld [tilespmem:s31+$0x1080];
	v18 =	vadd.f32 v20, v18;
	v21 =	vadd.f32 v21, v27  }
0xe5: {  	v45 =	vperm.xlane v34, v25;
	v52 =	vperm.xlane v33, v25;
	v20 =	vld [tilespmem:s31+$0x1880]  }
0xe6: {  	v4 =	vperm.xlane v1, v25;
	v5 =	vperm.xlane v7, v25;
	v18 =	vadd.f32 v21, v18  }
0xe7: {  	[tilespmem:s29+$0xFFFFFFB0] =	vst v19;
	v19 =	vmul.f32 v23, v49;
	v23 =	vmul.f32 v26, v48  }
0xe8: {  	v53 =	vld [tilespmem:s31+$0xFFFFF800];
	v25 =	vmul.f32 v30, v46;
	v22 =	vmul.f32 v22, v45;
	[tilespmem:s29+$0x50] =	vst v18  }
0xe9: {  	v21 =	vmul.f32 v29, v47;
	v18 =	vmul.f32 v24, v4;
	v24 =	vld [tilespmem:s30+$0xFFFFE0E0]  }
0xea: {  	v19 =	vadd.f32 v23, v19;
	v29 =	vmul.f32 v28, v52;
	v20 =	vmul.f32 v20, v5;
	v23 =	vld [tilespmem:s30+$0xFFFFE8E0]  }
0xeb: {  	v21 =	vadd.f32 v25, v21;
	v25 =	vld [tilespmem:s30+$0xFFFFF8E0]  }
0xec: {  	v22 =	vadd.f32 v29, v22;
	v29 =	vld [tilespmem:s30+$0x18E0];
	v18 =	vadd.f32 v20, v18  }
0xed: {  	v20 =	vld [tilespmem:s30+$0xFFFFF0E0]  }
0xee: {  	v19 =	vadd.f32 v21, v19;
	v21 =	vld [tilespmem:s30+$0xE0];
	v18 =	vadd.f32 v18, v22  }
0xef: {  	v22 =	vld [tilespmem:s30+$0x8E0]  }
0xf0: {  	v18 =	vadd.f32 v18, v19;
	v19 =	vld [tilespmem:s30+$0x10E0]  }
0xf1: {  	v54 =	vld [tilespmem:s31+$0x0]  }
0xf2: {  	v26 =	vld [tilespmem:s30+$0xFFFFE040];
	v24 =	vmul.f32 v24, v14;
	v23 =	vmul.f32 v23, v15  }
0xf3: {  	v55 =	vld [tilespmem:s30+$0xFFFFF840];
	v25 =	vmul.f32 v25, v62;
	v29 =	vmul.f32 v29, v10  }
0xf4: {  	s2 =	simm.s32 $0x280;
	v27 =	vld [tilespmem:s30+$0xFFFFE840];
	v20 =	vmul.f32 v20, v44;
	v21 =	vmul.f32 v21, v11  }
0xf5: {  	v28 =	vld [tilespmem:s30+$0xFFFFF040];
	[tilespmem:s2+$0x0] =	vst v18;
	v22 =	vmul.f32 v22, v63;
	v19 =	vmul.f32 v19, v43  }
0xf6: {  	v23 =	vadd.f32 v23, v24;
	v18 =	vld [tilespmem:s31+$0xFFFFE090];
	v20 =	vadd.f32 v25, v20  }
0xf7: {  	v30 =	vld [tilespmem:s31+$0xFFFFE890];
	v21 =	vadd.f32 v22, v21;
	v19 =	vadd.f32 v29, v19  }
0xf8: {  	v31 =	vld [tilespmem:s31+$0xFFFFF090]  }
0xf9: {  	v60 =	vld [tilespmem:s31+$0xFFFFF890];
	v20 =	vadd.f32 v20, v23;
	v19 =	vadd.f32 v19, v21  }
0xfa: {  	v61 =	vld [tilespmem:s31+$0x90]  }
0xfb: {  	v50 =	vld [tilespmem:s31+$0x890];
	v19 =	vadd.f32 v19, v20  }
0xfc: {  	v51 =	vld [tilespmem:s31+$0x1090]  }
0xfd: {  	v24 =	vld [tilespmem:s31+$0x1890];
	[tilespmem:s29+$0x60] =	vst v19  }
0xfe: {  	v32 =	vld [tilespmem:s30+$0xFFFFE0F0]  }
0xff: {  	v25 =	vld [tilespmem:s31+$0xFFFFE000];
	v18 =	vmul.f32 v18, v49  }
0x100: {  	v63 =	vld [tilespmem:s31+$0xFFFFF000];
	v22 =	vmul.f32 v30, v48;
	v62 =	vmul.f32 v50, v52  }
0x101: {  	v29 =	vld [tilespmem:s30+$0x40];
	v21 =	vmul.f32 v31, v47;
	v31 =	vmul.f32 v61, v45  }
0x102: {  	v30 =	vld [tilespmem:s31+$0xFFFFE800]  }
0x103: {  	v18 =	vadd.f32 v22, v18;
	v22 =	vadd.f32 v62, v31;
	v31 =	vld [tilespmem:s31+$0x800];
	[tilespmem:$0x1FE70] =	vst v32  }
0x104: {  	v59 =	vmov v34;
	v34 =	vmov v1;
	v1 =	vld [tilespmem:s30+$0xFFFFE8F0];
	_ =	sdelay $0x3  }
0x105: {  	v23 =	vmul.f32 v60, v46  }
0x106: {  	v24 =	vmul.f32 v24, v5;
	v20 =	vmul.f32 v51, v4;
	[tilespmem:$0x1FE90] =	vst v1  }
0x107: {  	v38 =	vmov v35;
	v35 =	vmov v7;
	v7 =	vld [tilespmem:s30+$0xFFFFF0F0]  }
0x108: {  	v21 =	vadd.f32 v23, v21;
	v20 =	vadd.f32 v24, v20;
	_ =	sdelay $0x1  }
0x109: {  	s14 =	simm.s32 $0x2;
	v21 =	vadd.f32 v21, v18;
	v20 =	vadd.f32 v20, v22  }
0x10a: {  	v41 =	vmovc v37;
	v39 =	vmov v36;
	v40 =	vmov v58;
	v24 =	vmov s14  }
0x10b: {  	v23 =	vperm.xlane v41, v24;
	v42 =	vperm.xlane v40, v24;
	v21 =	vadd.f32 v20, v21;
	[tilespmem:$0x1FEA0] =	vst v7  }
0x10c: {  	v12 =	vmovc v39;
	v36 =	vmov v33;
	v50 =	vperm.xlane v39, v24;
	v19 =	vperm.xlane v59, v24;
	v39 =	vld [tilespmem:s31+$0x1000]  }
0x10d: {  	v22 =	vperm.xlane v36, v24;
	v56 =	vmul.f32 v25, v23;
	v57 =	vld [tilespmem:s31+$0x1800];
	[tilespmem:s2+$0x10] =	vst v21  }
0x10e: {  	v30 =	vmul.f32 v30, v42;
	v7 =	vperm.xlane v38, v24;
	v58 =	vld [tilespmem:s31+$0xFFFFE0A0]  }
0x10f: {  	v10 =	vmov v59;
	v33 =	vmul.f32 v63, v50;
	v63 =	vperm.xlane v35, v24;
	v59 =	vld [tilespmem:s31+$0xFFFFE8A0]  }
0x110: {  	v25 =	vmov v7;
	v53 =	vmul.f32 v53, v7;
	v7 =	vperm.xlane v34, v24;
	v60 =	vld [tilespmem:s31+$0xFFFFF0A0]  }
0x111: {  	v54 =	vmul.f32 v54, v19;
	v31 =	vmul.f32 v31, v22;
	v61 =	vld [tilespmem:s31+$0xFFFFF8A0]  }
0x112: {  	v21 =	vmovc v42;
	v42 =	vmov v34;
	v34 =	vld [tilespmem:s30+$0xF0];
	v32 =	vmul.f32 v39, v7;
	v57 =	vmul.f32 v57, v63  }
0x113: {  	v30 =	vadd.f32 v30, v56;
	v31 =	vadd.f32 v31, v54;
	v62 =	vld [tilespmem:s31+$0xA0]  }
0x114: {  	v15 =	vmov v41;
	v41 =	vld [tilespmem:s31+$0x8A0];
	v33 =	vadd.f32 v53, v33;
	v32 =	vadd.f32 v57, v32  }
0x115: {  	v24 =	vmov v50;
	v50 =	vld [tilespmem:s31+$0x10A0]  }
0x116: {  	v51 =	vld [tilespmem:s31+$0x18A0];
	v30 =	vadd.f32 v33, v30;
	v31 =	vadd.f32 v32, v31  }
0x117: {  	v54 =	vld [tilespmem:s30+$0xFFFFF8F0];
	[tilespmem:$0x1FED0] =	vst v34  }
0x118: {  	v11 =	vmovc v38;
	v37 =	vmul.f32 v58, v49;
	v38 =	vmul.f32 v59, v48;
	v58 =	vld [tilespmem:s30+$0x840];
	v30 =	vadd.f32 v31, v30  }
0x119: {  	v13 =	vmov v40;
	v39 =	vmul.f32 v61, v46;
	v40 =	vmul.f32 v62, v45;
	v62 =	vld [tilespmem:s30+$0x1840]  }
0x11a: {  	v56 =	vmul.f32 v41, v52;
	v31 =	vmul.f32 v60, v47;
	v60 =	vld [tilespmem:s30+$0x1040];
	[tilespmem:s2+$0xFFFFFF80] =	vst v30  }
0x11b: {  	v41 =	vmul.f32 v51, v5;
	v30 =	vmul.f32 v50, v4;
	v50 =	vld [tilespmem:s31+$0xFFFFE010]  }
0x11c: {  	v56 =	vadd.f32 v56, v40;
	v32 =	vadd.f32 v38, v37;
	v51 =	vld [tilespmem:s31+$0xFFFFE810]  }
0x11d: {  	v31 =	vadd.f32 v39, v31;
	v1 =	vld [tilespmem:s31+$0xFFFFF010];
	v30 =	vadd.f32 v41, v30  }
0x11e: {  	v37 =	vld [tilespmem:s31+$0xFFFFF810]  }
0x11f: {  	v38 =	vld [tilespmem:s31+$0x10];
	v31 =	vadd.f32 v31, v32;
	v30 =	vadd.f32 v30, v56  }
0x120: {  	v39 =	vld [tilespmem:s31+$0x810]  }
0x121: {  	v26 =	vmul.f32 v26, v8;
	v27 =	vmul.f32 v27, v9;
	v40 =	vld [tilespmem:s31+$0x1010];
	[tilespmem:$0x1FFB0] =	vst v17;
	v30 =	vadd.f32 v30, v31  }
0x122: {  	[tilespmem:$0x1FFD0] =	vst v16  }
0x123: {  	v28 =	vmul.f32 v28, v2;
	v26 =	vadd.f32 v27, v26;
	v31 =	vmul.f32 v55, v3;
	[tilespmem:s2+$0x20] =	vst v30  }
0x124: {  	v27 =	vmul.f32 v29, v17;
	v20 =	vmov v0;
	v29 =	vmul.f32 v58, v16;
	v41 =	vld [tilespmem:s31+$0x1810];
	[tilespmem:$0x1FFE0] =	vst v6  }
0x125: {  	v28 =	vadd.f32 v31, v28;
	v30 =	vmul.f32 v60, v20;
	v31 =	vmul.f32 v62, v6;
	v60 =	vld [tilespmem:s31+$0xFFFFE0B0]  }
0x126: {  	v27 =	vadd.f32 v29, v27;
	v29 =	vmul.f32 v50, v23;
	v61 =	vld [tilespmem:s31+$0xFFFFE8B0]  }
0x127: {  	v33 =	vmul.f32 v51, v21;
	v50 =	vmul.f32 v37, v25;
	v30 =	vadd.f32 v31, v30;
	v51 =	vld [tilespmem:s31+$0xFFFFF0B0]  }
0x128: {  	v31 =	vmul.f32 v1, v24;
	v26 =	vadd.f32 v28, v26;
	v28 =	vmul.f32 v38, v19;
	v37 =	vld [tilespmem:s31+$0xFFFFF8B0]  }
0x129: {  	v1 =	vmul.f32 v39, v22;
	v38 =	vmul.f32 v41, v63;
	v39 =	vld [tilespmem:s31+$0xB0]  }
0x12a: {  	v27 =	vadd.f32 v30, v27;
	v30 =	vmul.f32 v40, v7;
	v31 =	vadd.f32 v50, v31;
	v50 =	vld [tilespmem:s30+$0x10F0]  }
0x12b: {  	v29 =	vadd.f32 v33, v29;
	v40 =	vld [tilespmem:s31+$0x8B0]  }
0x12c: {  	v41 =	vld [tilespmem:s31+$0x10B0];
	v28 =	vadd.f32 v1, v28;
	v30 =	vadd.f32 v38, v30  }
0x12d: {  	v26 =	vadd.f32 v27, v26;
	v27 =	vld [tilespmem:s31+$0x18B0]  }
0x12e: {  	v29 =	vadd.f32 v31, v29;
	v28 =	vadd.f32 v30, v28  }
0x12f: {  	v56 =	vld [tilespmem:s30+$0x8F0];
	v31 =	vmul.f32 v61, v48;
	v58 =	vmul.f32 v39, v45;
	[tilespmem:$0x1FEF0] =	vst v50  }
0x130: {  	v30 =	vmul.f32 v60, v49;
	v33 =	vmul.f32 v40, v52;
	[tilespmem:s29+$0xFFFFFFC0] =	vst v26;
	v26 =	vadd.f32 v28, v29  }
0x131: {  	v28 =	vmul.f32 v51, v47;
	v29 =	vmul.f32 v37, v46  }
0x132: {  	v57 =	vld [tilespmem:s30+$0x18F0];
	v27 =	vmul.f32 v27, v5;
	[tilespmem:s2+$0xFFFFFF90] =	vst v26;
	v26 =	vmul.f32 v41, v4  }
0x133: {  	v30 =	vadd.f32 v31, v30;
	v31 =	vadd.f32 v33, v58;
	v51 =	vld [tilespmem:s31+$0xFFFFE020]  }
0x134: {  	v28 =	vadd.f32 v29, v28;
	v29 =	vld [tilespmem:s31+$0xFFFFE820];
	v26 =	vadd.f32 v27, v26  }
0x135: {  	v53 =	vld [tilespmem:s31+$0xFFFFF820]  }
0x136: {  	v55 =	vld [tilespmem:s31+$0x1820];
	v28 =	vadd.f32 v28, v30;
	v26 =	vadd.f32 v26, v31  }
0x137: {  	v27 =	vld [tilespmem:s31+$0xFFFFF020]  }
0x138: {  	v30 =	vld [tilespmem:s31+$0x20];
	v26 =	vadd.f32 v26, v28  }
0x139: {  	v31 =	vld [tilespmem:s31+$0x820]  }
0x13a: {  	v28 =	vld [tilespmem:s31+$0x1020];
	[tilespmem:s2+$0x30] =	vst v26  }
0x13b: {  	v26 =	vld [tilespmem:s31+$0xFFFFE0C0]  }
0x13c: {  	v37 =	vld [tilespmem:s31+$0xFFFFE8C0]  }
0x13d: {  	v38 =	vld [tilespmem:s31+$0xFFFFF0C0]  }
0x13e: {  	v18 =	vld [tilespmem:s31+$0xFFFFF8C0]  }
0x13f: {  	v32 =	vmul.f32 v51, v23;
	v29 =	vmul.f32 v29, v21;
	v0 =	vld [tilespmem:s31+$0xC0]  }
0x140: {  	v30 =	vmul.f32 v30, v19;
	v31 =	vmul.f32 v31, v22;
	v1 =	vld [tilespmem:s31+$0x8C0]  }
0x141: {  	v33 =	vmul.f32 v53, v25;
	v27 =	vmul.f32 v27, v24;
	v39 =	vld [tilespmem:s31+$0x10C0]  }
0x142: {  	v58 =	vmul.f32 v55, v63;
	v28 =	vmul.f32 v28, v7;
	v30 =	vadd.f32 v31, v30;
	v31 =	vld [tilespmem:s31+$0x18C0]  }
0x143: {  	v59 =	vld [tilespmem:s30+$0xFFFFE050];
	v29 =	vadd.f32 v29, v32;
	v27 =	vadd.f32 v33, v27  }
0x144: {  	v60 =	vld [tilespmem:s30+$0xFFFFE850];
	v28 =	vadd.f32 v58, v28;
	v26 =	vmul.f32 v26, v49;
	v50 =	vmul.f32 v38, v47  }
0x145: {  	v40 =	vld [tilespmem:s30+$0xFFFFF050];
	v27 =	vadd.f32 v27, v29;
	v0 =	vmul.f32 v0, v45;
	v1 =	vmul.f32 v1, v52  }
0x146: {  	v41 =	vld [tilespmem:s30+$0x50];
	v51 =	vmul.f32 v18, v46;
	v28 =	vadd.f32 v28, v30;
	v30 =	vmul.f32 v37, v48  }
0x147: {  	v29 =	vld [tilespmem:s30+$0xFFFFF850];
	v32 =	vmul.f32 v39, v4;
	v31 =	vmul.f32 v31, v5;
	v0 =	vadd.f32 v1, v0  }
0x148: {  	v18 =	vld [tilespmem:s30+$0x850];
	v27 =	vadd.f32 v28, v27;
	v26 =	vadd.f32 v30, v26  }
0x149: {  	v28 =	vld [tilespmem:s30+$0x1050];
	v30 =	vadd.f32 v51, v50;
	v53 =	vadd.f32 v31, v32  }
0x14a: {  	[tilespmem:s2+$0xFFFFFFA0] =	vst v27;
	v27 =	vld [tilespmem:s30+$0x1850]  }
0x14b: {  	v26 =	vadd.f32 v30, v26;
	v61 =	vld [tilespmem:s31+$0xFFFFE030];
	v0 =	vadd.f32 v53, v0  }
0x14c: {  	v31 =	vld [tilespmem:s31+$0xFFFFE830]  }
0x14d: {  	v34 =	vld [tilespmem:s31+$0xFFFFF030];
	v0 =	vadd.f32 v0, v26  }
0x14e: {  	v55 =	vmul.f32 v60, v9;
	v58 =	vmul.f32 v41, v17;
	v32 =	vld [tilespmem:s31+$0xFFFFF830]  }
0x14f: {  	v29 =	vmul.f32 v29, v3;
	v60 =	vld [tilespmem:s31+$0x30];
	v26 =	vmul.f32 v40, v2;
	[tilespmem:s2+$0x40] =	vst v0  }
0x150: {  	v30 =	vmul.f32 v59, v8;
	v38 =	vmul.f32 v28, v20;
	v28 =	vld [tilespmem:s31+$0xFFFFE0D0]  }
0x151: {  	v37 =	vmul.f32 v18, v16;
	v27 =	vmul.f32 v27, v6;
	v26 =	vadd.f32 v29, v26;
	v29 =	vld [tilespmem:s31+$0xFFFFE8D0]  }
0x152: {  	v30 =	vadd.f32 v55, v30;
	v39 =	vld [tilespmem:s31+$0xFFFFF8D0]  }
0x153: {  	v58 =	vadd.f32 v37, v58;
	v40 =	vld [tilespmem:s31+$0x8D0];
	v0 =	vadd.f32 v27, v38  }
0x154: {  	v41 =	vld [tilespmem:s31+$0x18D0]  }
0x155: {  	v27 =	vld [tilespmem:s31+$0xFFFFF0D0];
	v26 =	vadd.f32 v26, v30;
	v0 =	vadd.f32 v0, v58  }
0x156: {  	v30 =	vld [tilespmem:s31+$0xD0]  }
0x157: {  	v0 =	vadd.f32 v0, v26;
	v26 =	vld [tilespmem:s31+$0x10D0]  }
0x158: {  	v33 =	vld [tilespmem:s31+$0x830]  }
0x159: {  	s0 =	simm.s32 $0x3300;
	v1 =	vld [tilespmem:s31+$0x1030];
	v28 =	vmul.f32 v28, v49;
	v29 =	vmul.f32 v29, v48  }
0x15a: {  	v59 =	vmul.f32 v39, v46;
	v62 =	vmul.f32 v41, v5;
	v41 =	vld [tilespmem:s0+$0xFFFFF880]  }
0x15b: {  	v58 =	vmul.f32 v40, v52;
	v39 =	vld [tilespmem:s0+$0x880];
	v27 =	vmul.f32 v27, v47  }
0x15c: {  	v40 =	vld [tilespmem:s0+$0x1080];
	v30 =	vmul.f32 v30, v45;
	v26 =	vmul.f32 v26, v4  }
0x15d: {  	[tilespmem:s29+$0xFFFFFFD0] =	vst v0;
	v0 =	vld [tilespmem:s31+$0x1830];
	v28 =	vadd.f32 v29, v28;
	v27 =	vadd.f32 v59, v27  }
0x15e: {  	v55 =	vld [tilespmem:s30+$0xFFFFE060];
	v29 =	vadd.f32 v58, v30;
	v26 =	vadd.f32 v62, v26  }
0x15f: {  	v53 =	vld [tilespmem:s30+$0xFFFFE860]  }
0x160: {  	v51 =	vld [tilespmem:s30+$0xFFFFF060];
	v27 =	vadd.f32 v27, v28;
	v26 =	vadd.f32 v26, v29  }
0x161: {  	v50 =	vld [tilespmem:s30+$0xFFFFF860];
	v28 =	vmul.f32 v61, v23;
	v29 =	vmul.f32 v31, v21  }
0x162: {  	v59 =	vld [tilespmem:s0+$0xFFFFE080];
	v30 =	vmul.f32 v32, v25;
	v26 =	vadd.f32 v26, v27;
	v27 =	vmul.f32 v34, v24  }
0x163: {  	v58 =	vld [tilespmem:s0+$0xFFFFE880];
	v0 =	vmul.f32 v0, v63;
	v31 =	vadd.f32 v29, v28;
	v28 =	vmul.f32 v1, v7  }
0x164: {  	s5 =	simm.s32 $0x5;
	v61 =	vld [tilespmem:s0+$0x80];
	v30 =	vadd.f32 v30, v27;
	[tilespmem:s2+$0x50] =	vst v26;
	v26 =	vmul.f32 v60, v19;
	v27 =	vmul.f32 v33, v22  }
0x165: {  	v62 =	vld [tilespmem:s0+$0xFFFFF080];
	v33 =	vmov s5;
	v0 =	vadd.f32 v0, v28  }
0x166: {  	v60 =	vld [tilespmem:s0+$0x1880];
	v29 =	vperm.xlane v15, v33;
	v28 =	vperm.xlane v12, v33;
	v32 =	vadd.f32 v27, v26  }
0x167: {  	v18 =	vld [tilespmem:s31+$0xFFFFE0E0];
	v26 =	vperm.xlane v13, v33;
	v27 =	vperm.xlane v11, v33;
	v1 =	vadd.f32 v30, v31  }
0x168: {  	v37 =	vld [tilespmem:s31+$0xFFFFF0E0];
	v30 =	vperm.xlane v10, v33;
	v31 =	vperm.xlane v36, v33;
	v0 =	vadd.f32 v0, v32  }
0x169: {  	v6 =	vmov v36;
	v36 =	vld [tilespmem:s31+$0xFFFFF8E0];
	v32 =	vperm.xlane v42, v33;
	v33 =	vperm.xlane v35, v33  }
0x16a: {  	v38 =	vld [tilespmem:s31+$0xFFFFE8E0];
	v41 =	vmul.f32 v41, v27;
	v0 =	vadd.f32 v0, v1;
	v1 =	vmul.f32 v62, v28  }
0x16b: {  	v34 =	vld [tilespmem:s31+$0x8E0];
	v59 =	vmul.f32 v59, v29;
	v58 =	vmul.f32 v58, v26  }
0x16c: {  	v61 =	vmul.f32 v61, v30;
	v1 =	vadd.f32 v41, v1;
	v41 =	vmul.f32 v60, v33;
	v60 =	vld [tilespmem:s30+$0x60]  }
0x16d: {  	v17 =	vmov v35;
	v35 =	vld [tilespmem:s31+$0xE0];
	v39 =	vmul.f32 v39, v31;
	v40 =	vmul.f32 v40, v32  }
0x16e: {  	v62 =	vld [tilespmem:s31+$0x10E0];
	v59 =	vadd.f32 v58, v59;
	v37 =	vmul.f32 v37, v47;
	v36 =	vmul.f32 v36, v46  }
0x16f: {  	v58 =	vld [tilespmem:s31+$0x18E0];
	v39 =	vadd.f32 v39, v61;
	[tilespmem:s2+$0xFFFFFFB0] =	vst v0;
	v40 =	vadd.f32 v41, v40  }
0x170: {  	v36 =	vadd.f32 v36, v37;
	v37 =	vld [tilespmem:$0x1FE70]  }
0x171: {  	v39 =	vadd.f32 v40, v39;
	v40 =	vld [tilespmem:$0x1FE80];
	[tilespmem:$0x1FFC0] =	vst v60  }
0x172: {  	v61 =	vld [tilespmem:s31+$0xFFFFE040]  }
0x173: {  	v34 =	vmul.f32 v34, v52;
	v35 =	vmul.f32 v35, v45;
	v41 =	vld [tilespmem:s31+$0xFFFFE840]  }
0x174: {  	v1 =	vadd.f32 v1, v59;
	v0 =	vmul.f32 v62, v4;
	v58 =	vmul.f32 v58, v5;
	v59 =	vld [tilespmem:s31+$0xFFFFF040]  }
0x175: {  	v38 =	vmul.f32 v38, v48;
	v60 =	vmul.f32 v18, v49;
	v62 =	vld [tilespmem:s31+$0xFFFFF840]  }
0x176: {  	v16 =	vmov v42;
	v34 =	vadd.f32 v34, v35;
	v58 =	vadd.f32 v58, v0;
	v42 =	vld [tilespmem:s0+$0xFFFFE000]  }
0x177: {  	v1 =	vadd.f32 v39, v1;
	v39 =	vld [tilespmem:s0+$0xFFFFE800];
	v38 =	vadd.f32 v38, v60  }
0x178: {  	v35 =	vmul.f32 v37, v14;
	v37 =	vld [tilespmem:$0x1FEA0]  }
0x179: {  	s14 =	simm.s32 $0x380;
	v14 =	vld [tilespmem:$0x1FEB0];
	v34 =	vadd.f32 v58, v34;
	v36 =	vadd.f32 v36, v38  }
0x17a: {  	v58 =	vld [tilespmem:$0x1FE90];
	[tilespmem:s14+$0x0] =	vst v1  }
0x17b: {  	v1 =	vadd.f32 v34, v36;
	v34 =	vld [tilespmem:$0x1FEC0]  }
0x17c: {  	v36 =	vld [tilespmem:$0x1FED0]  }
0x17d: {  	v18 =	vmul.f32 v37, v44;
	v37 =	vld [tilespmem:$0x1FEE0]  }
0x17e: {  	v60 =	vld [tilespmem:s31+$0x40]  }
0x17f: {  	v38 =	vld [tilespmem:s0+$0xFFFFF000]  }
0x180: {  	v54 =	vmul.f32 v54, v14;
	v14 =	vld [tilespmem:$0x1FEF0]  }
0x181: {  	v44 =	vld [tilespmem:s0+$0x0]  }
0x182: {  	v34 =	vmul.f32 v36, v34;
	v36 =	vmul.f32 v56, v37;
	v56 =	vld [tilespmem:$0x1FF00]  }
0x183: {  	v37 =	vld [tilespmem:s0+$0xFFFFE090]  }
0x184: {  	v40 =	vmul.f32 v58, v40;
	[tilespmem:s2+$0x60] =	vst v1;
	v1 =	vld [tilespmem:s0+$0xFFFFE890]  }
0x185: {  	v0 =	vmul.f32 v14, v43;
	v14 =	vadd.f32 v54, v18;
	v54 =	vld [tilespmem:s31+$0xFFFFE0F0]  }
0x186: {  	v35 =	vadd.f32 v40, v35;
	v40 =	vmul.f32 v55, v8;
	v55 =	vld [tilespmem:s31+$0xFFFFF0F0]  }
0x187: {  	v34 =	vadd.f32 v36, v34;
	v36 =	vld [tilespmem:s31+$0xFFFFE8F0];
	v57 =	vmul.f32 v57, v56  }
0x188: {  	v53 =	vmul.f32 v53, v9;
	v58 =	vld [tilespmem:s0+$0xFFFFF800];
	[tilespmem:$0x1FF10] =	vst v2  }
0x189: {  	v50 =	vmul.f32 v50, v3;
	v62 =	vmul.f32 v62, v25;
	[tilespmem:$0x1FF20] =	vst v3;
	v0 =	vadd.f32 v57, v0  }
0x18a: {  	v35 =	vadd.f32 v14, v35;
	v14 =	vld [tilespmem:s31+$0xFFFFF8F0];
	v37 =	vmul.f32 v37, v29;
	v1 =	vmul.f32 v1, v26  }
0x18b: {  	s15 =	simm.s32 $0x4;
	v3 =	vld [tilespmem:s0+$0xFFFFF090];
	v49 =	vmul.f32 v54, v49;
	v47 =	vmul.f32 v55, v47;
	v0 =	vadd.f32 v0, v34  }
0x18c: {  	v54 =	vmov s15;
	v57 =	vmul.f32 v61, v23;
	v48 =	vmul.f32 v36, v48;
	v36 =	vld [tilespmem:s0+$0x90]  }
0x18d: {  	v61 =	vmul.f32 v41, v21;
	v56 =	vadd.f32 v0, v35;
	v35 =	vmul.f32 v59, v24;
	v59 =	vld [tilespmem:s0+$0xFFFFF890];
	[tilespmem:$0x1FF30] =	vst v15  }
0x18e: {  	v53 =	vadd.f32 v53, v40;
	v41 =	vperm.xlane v13, v54;
	v34 =	vmul.f32 v51, v2;
	v55 =	vld [tilespmem:s0+$0x890];
	[tilespmem:$0x1FF40] =	vst v13  }
0x18f: {  	v18 =	vperm.xlane v11, v54;
	v1 =	vadd.f32 v1, v37;
	v46 =	vmul.f32 v14, v46;
	v14 =	vld [tilespmem:s0+$0x1090];
	[tilespmem:$0x1FF50] =	vst v12  }
0x190: {  	v37 =	vperm.xlane v10, v54;
	v2 =	vperm.xlane v15, v54;
	v50 =	vadd.f32 v50, v34;
	v15 =	vld [tilespmem:s0+$0x1890]  }
0x191: {  	v57 =	vadd.f32 v61, v57;
	v39 =	vmul.f32 v39, v41;
	v35 =	vadd.f32 v62, v35;
	v62 =	vld [tilespmem:s0+$0x800]  }
0x192: {  	v34 =	vperm.xlane v12, v54;
	v50 =	vadd.f32 v50, v53;
	v53 =	vmul.f32 v3, v28;
	v3 =	vld [tilespmem:s31+$0xF0]  }
0x193: {  	v58 =	vmul.f32 v58, v18;
	v42 =	vmul.f32 v42, v2;
	v43 =	vld [tilespmem:s31+$0x8F0];
	[tilespmem:$0x1FF60] =	vst v11  }
0x194: {  	v36 =	vmul.f32 v36, v30;
	v38 =	vmul.f32 v38, v34;
	v57 =	vadd.f32 v35, v57;
	v35 =	vld [tilespmem:s0+$0x1000]  }
0x195: {  	v59 =	vmul.f32 v59, v27;
	v12 =	vmul.f32 v55, v31;
	v55 =	vld [tilespmem:s31+$0x10F0]  }
0x196: {  	v39 =	vadd.f32 v39, v42;
	v13 =	vmul.f32 v14, v32;
	v14 =	vmul.f32 v15, v33;
	v15 =	vld [tilespmem:s31+$0x18F0];
	[tilespmem:$0x1FF70] =	vst v10  }
0x197: {  	v38 =	vadd.f32 v58, v38;
	v42 =	vadd.f32 v12, v36;
	v36 =	vperm.xlane v6, v54;
	v12 =	vld [tilespmem:s0+$0x1800];
	[tilespmem:$0x1FF80] =	vst v6  }
0x198: {  	v44 =	vmul.f32 v44, v37;
	v53 =	vadd.f32 v59, v53;
	v51 =	vadd.f32 v14, v13;
	v58 =	vld [tilespmem:s31+$0x840]  }
0x199: {  	v43 =	vmul.f32 v43, v52;
	v62 =	vmul.f32 v62, v36;
	v52 =	vld [tilespmem:s31+$0x1840]  }
0x19a: {  	v1 =	vadd.f32 v53, v1;
	v42 =	vadd.f32 v51, v42;
	v51 =	vld [tilespmem:s31+$0x1040];
	[tilespmem:$0x1FF90] =	vst v16  }
0x19b: {  	[tilespmem:$0x1FFA0] =	vst v17;
	v44 =	vadd.f32 v62, v44;
	v62 =	vld [tilespmem:$0x1FFB0]  }
0x19c: {  	v61 =	vld [tilespmem:s30+$0x1060];
	v1 =	vadd.f32 v42, v1  }
0x19d: {  	v45 =	vmul.f32 v3, v45;
	v42 =	vld [tilespmem:s30+$0x860]  }
0x19e: {  	v53 =	vadd.f32 v38, v39;
	[tilespmem:s14+$0x10] =	vst v1;
	v1 =	vld [tilespmem:s30+$0x1860]  }
0x19f: {  	v38 =	vperm.xlane v16, v54;
	v39 =	vperm.xlane v17, v54;
	v43 =	vadd.f32 v43, v45;
	v45 =	vld [tilespmem:s0+$0xFFFFE0A0]  }
0x1a0: {  	v48 =	vadd.f32 v48, v49;
	v13 =	vmul.f32 v55, v4;
	v14 =	vmul.f32 v15, v5;
	v49 =	vld [tilespmem:s0+$0xFFFFE8A0]  }
0x1a1: {  	v15 =	vmul.f32 v35, v38;
	v0 =	vmul.f32 v12, v39;
	v59 =	vld [tilespmem:$0x1FFC0]  }
0x1a2: {  	v46 =	vadd.f32 v46, v47;
	v35 =	vadd.f32 v14, v13;
	v13 =	vmul.f32 v60, v19;
	v60 =	vld [tilespmem:$0x1FFD0]  }
0x1a3: {  	v0 =	vadd.f32 v0, v15;
	v15 =	vmul.f32 v61, v20;
	v61 =	vld [tilespmem:$0x1FFE0]  }
0x1a4: {  	v46 =	vadd.f32 v46, v48;
	v48 =	vld [tilespmem:s0+$0xFFFFF0A0]  }
0x1a5: {  	v14 =	vmul.f32 v52, v63;
	v52 =	vld [tilespmem:s0+$0xA0];
	v0 =	vadd.f32 v0, v44  }
0x1a6: {  	v58 =	vmul.f32 v58, v22;
	v43 =	vadd.f32 v35, v43;
	v35 =	vld [tilespmem:s0+$0x10A0]  }
0x1a7: {  	v51 =	vmul.f32 v51, v7;
	v5 =	vld [tilespmem:s0+$0x18A0];
	v0 =	vadd.f32 v0, v53;
	v12 =	vmul.f32 v59, v62  }
0x1a8: {  	v53 =	vld [tilespmem:s0+$0x8A0];
	v42 =	vmul.f32 v42, v60;
	v1 =	vmul.f32 v1, v61  }
0x1a9: {  	v55 =	vadd.f32 v58, v13;
	v44 =	vld [tilespmem:s0+$0xFFFFF8A0];
	v47 =	vadd.f32 v14, v51;
	[tilespmem:s14+$0xFFFFFF80] =	vst v0;
	v45 =	vmul.f32 v45, v29  }
0x1aa: {  	v49 =	vmul.f32 v49, v26;
	v13 =	vld [tilespmem:s0+$0xFFFFE010];
	v42 =	vadd.f32 v42, v12;
	v4 =	vadd.f32 v1, v15  }
0x1ab: {  	v46 =	vadd.f32 v43, v46;
	v52 =	vmul.f32 v52, v30;
	v14 =	vld [tilespmem:s0+$0xFFFFE810];
	v12 =	vadd.f32 v47, v55  }
0x1ac: {  	v35 =	vmul.f32 v35, v32;
	v43 =	vld [tilespmem:s0+$0xFFFFF810];
	v49 =	vadd.f32 v49, v45;
	v0 =	vadd.f32 v4, v42  }
0x1ad: {  	[tilespmem:s29+$0x70] =	vst v56;
	v45 =	vld [tilespmem:s0+$0x810];
	v53 =	vmul.f32 v53, v31;
	v1 =	vmul.f32 v5, v33;
	v55 =	vadd.f32 v12, v57  }
0x1ae: {  	[tilespmem:s2+$0x70] =	vst v46;
	v48 =	vmul.f32 v48, v28;
	v47 =	vld [tilespmem:s0+$0x1010];
	v15 =	vmul.f32 v44, v27;
	v0 =	vadd.f32 v0, v50  }
0x1af: {  	v40 =	vmovc v7;
	v44 =	vld [tilespmem:s0+$0x10];
	v57 =	vmov v2;
	v51 =	vadd.f32 v53, v52;
	v52 =	vadd.f32 v1, v35;
	[tilespmem:s2+$0xFFFFFFC0] =	vst v55  }
0x1b0: {  	s11 =	simm.s32 $0x380;
	s13 =	simm.s32 $0x3300;
	s15 =	simm.s32 $0x6;
	v42 =	vld [tilespmem:s0+$0xFFFFF010];
	v46 =	vmul.f32 v13, v2;
	v50 =	vadd.f32 v15, v48;
	v48 =	vmul.f32 v14, v41;
	[tilespmem:s29+$0xFFFFFFE0] =	vst v0  }
.LBB2_3:
0x1b1: {  	v0 =	vld [tilespmem:s0+$0x1810]  }
0x1b2: {  	v53 =	vld [tilespmem:s31+$0xFFFFE850]  }
0x1b3: {  	v58 =	vld [tilespmem:s31+$0xFFFFF050]  }
0x1b4: {  	v59 =	vld [tilespmem:s31+$0xFFFFF850]  }
0x1b5: {  	v4 =	vld [tilespmem:s31+$0x50];
	v15 =	vadd.f32 v50, v49;
	v35 =	vadd.f32 v52, v51  }
0x1b6: {  	v3 =	vld [tilespmem:$0x1FF50]  }
0x1b7: {  	v6 =	vld [tilespmem:$0x1FF80];
	v1 =	vmul.f32 v42, v34;
	v14 =	vmul.f32 v43, v18;
	v43 =	vadd.f32 v35, v15  }
0x1b8: {  	v7 =	vld [tilespmem:$0x1FF90];
	v44 =	vmul.f32 v44, v37;
	v56 =	vmul.f32 v45, v36  }
0x1b9: {  	v52 =	vld [tilespmem:s31+$0xFFFFE050];
	v47 =	vmul.f32 v47, v38;
	v0 =	vmul.f32 v0, v39;
	[tilespmem:s14+$0x20] =	vst v43  }
0x1ba: {  	v46 =	vadd.f32 v48, v46;
	v1 =	vadd.f32 v14, v1;
	v5 =	vld [tilespmem:s0+$0xFFFFE0B0]  }
0x1bb: {  	v42 =	vadd.f32 v56, v44;
	v55 =	vld [tilespmem:s0+$0xFFFFE8B0];
	v0 =	vadd.f32 v0, v47  }
0x1bc: {  	v56 =	vld [tilespmem:s0+$0xFFFFF0B0]  }
0x1bd: {  	v12 =	vld [tilespmem:s0+$0xFFFFF8B0];
	v1 =	vadd.f32 v1, v46;
	v0 =	vadd.f32 v0, v42  }
0x1be: {  	v14 =	vld [tilespmem:s0+$0xB0]  }
0x1bf: {  	v15 =	vld [tilespmem:s0+$0x8B0];
	v0 =	vadd.f32 v0, v1  }
0x1c0: {  	v48 =	vmul.f32 v53, v21;
	v35 =	vld [tilespmem:s0+$0x10B0]  }
0x1c1: {  	v45 =	vmul.f32 v58, v24;
	v13 =	vmul.f32 v59, v25;
	v58 =	vld [tilespmem:s0+$0x18B0];
	[tilespmem:s14+$0xFFFFFF90] =	vst v0  }
0x1c2: {  	v43 =	vmul.f32 v4, v19;
	v54 =	vmul.f32 v52, v23;
	v59 =	vld [tilespmem:s0+$0xFFFFE020]  }
0x1c3: {  	v44 =	vmul.f32 v5, v29;
	v47 =	vmul.f32 v55, v26;
	v4 =	vld [tilespmem:s0+$0xFFFFE820]  }
0x1c4: {  	v50 =	vmul.f32 v56, v28;
	v42 =	vmul.f32 v12, v27;
	v5 =	vld [tilespmem:s0+$0xFFFFF020]  }
0x1c5: {  	v45 =	vadd.f32 v13, v45;
	v49 =	vmul.f32 v14, v30;
	v1 =	vmul.f32 v15, v31;
	v53 =	vld [tilespmem:s0+$0xFFFFF820]  }
0x1c6: {  	v46 =	vadd.f32 v48, v54;
	v48 =	vmul.f32 v35, v32;
	v0 =	vmul.f32 v58, v33;
	v54 =	vld [tilespmem:s0+$0x20]  }
0x1c7: {  	v44 =	vadd.f32 v47, v44;
	v42 =	vadd.f32 v42, v50;
	v55 =	vld [tilespmem:s0+$0x820]  }
0x1c8: {  	v1 =	vadd.f32 v1, v49;
	v13 =	vld [tilespmem:s0+$0x1820];
	v0 =	vadd.f32 v0, v48  }
0x1c9: {  	v47 =	vld [tilespmem:s0+$0x1020]  }
0x1ca: {  	v35 =	vld [tilespmem:s31+$0x850];
	v42 =	vadd.f32 v42, v44;
	v0 =	vadd.f32 v0, v1  }
0x1cb: {  	v45 =	vadd.f32 v45, v46;
	v46 =	vmul.f32 v59, v57;
	v12 =	vmul.f32 v4, v41;
	v59 =	vld [tilespmem:s31+$0x1050]  }
0x1cc: {  	v14 =	vmul.f32 v5, v34;
	v15 =	vmul.f32 v53, v18;
	v0 =	vadd.f32 v0, v42;
	v5 =	vld [tilespmem:s31+$0x1850]  }
0x1cd: {  	v58 =	vmul.f32 v54, v37;
	v48 =	vmul.f32 v13, v39;
	v13 =	vld [tilespmem:s30+$0xFFFFE870]  }
0x1ce: {  	v4 =	vmul.f32 v55, v36;
	v47 =	vmul.f32 v47, v38;
	v56 =	vadd.f32 v12, v46;
	v12 =	vld [tilespmem:s30+$0xFFFFE070];
	[tilespmem:s14+$0x30] =	vst v0  }
0x1cf: {  	v49 =	vadd.f32 v15, v14;
	v14 =	vld [tilespmem:s0+$0xFFFFE0C0]  }
0x1d0: {  	v1 =	vmul.f32 v35, v22;
	v46 =	vadd.f32 v4, v58;
	v47 =	vadd.f32 v48, v47;
	v15 =	vld [tilespmem:s0+$0xFFFFE8C0]  }
0x1d1: {  	v35 =	vld [tilespmem:s0+$0xFFFFF0C0];
	v50 =	vmul.f32 v59, v40;
	v42 =	vmul.f32 v5, v63  }
0x1d2: {  	v55 =	vld [tilespmem:s0+$0xFFFFF8C0];
	v44 =	vadd.f32 v49, v56;
	v54 =	vadd.f32 v47, v46  }
0x1d3: {  	[tilespmem:$0x1FE20] =	vst v22;
	v22 =	vmovc v23;
	v23 =	vmov v57;
	v1 =	vadd.f32 v1, v43;
	v57 =	vld [tilespmem:s0+$0xC0];
	v42 =	vadd.f32 v42, v50  }
0x1d4: {  	v4 =	vld [tilespmem:s0+$0x18C0];
	v58 =	vadd.f32 v54, v44  }
0x1d5: {  	[tilespmem:$0x1FE40] =	vst v63;
	v59 =	vld [tilespmem:s0+$0x8C0];
	v1 =	vadd.f32 v42, v1  }
0x1d6: {  	v63 =	vld [tilespmem:s0+$0x10C0];
	[tilespmem:s14+$0xFFFFFFA0] =	vst v58  }
0x1d7: {  	v2 =	vmov v21;
	v21 =	vmov v41;
	v41 =	vld [tilespmem:s0+$0xFFFFE030];
	v1 =	vadd.f32 v1, v45  }
0x1d8: {  	v0 =	vmul.f32 v13, v9;
	v56 =	vmul.f32 v12, v8;
	v5 =	vld [tilespmem:s0+$0xFFFFE830]  }
0x1d9: {  	v12 =	vmul.f32 v14, v29;
	v48 =	vmul.f32 v15, v26;
	v13 =	vld [tilespmem:s0+$0xFFFFF030];
	[tilespmem:s2+$0xFFFFFFD0] =	vst v1  }
0x1da: {  	v14 =	vmul.f32 v35, v28;
	v46 =	vmul.f32 v55, v27;
	v0 =	vadd.f32 v0, v56;
	v1 =	vld [tilespmem:s0+$0xFFFFF830]  }
0x1db: {  	[tilespmem:$0x1FE30] =	vst v40;
	v40 =	vmul.f32 v57, v30;
	v43 =	vmul.f32 v59, v31;
	v15 =	vld [tilespmem:s0+$0x30]  }
0x1dc: {  	v44 =	vmul.f32 v63, v32;
	[tilespmem:$0x1FE60] =	vst v0;
	v0 =	vmul.f32 v4, v33;
	v35 =	vld [tilespmem:s0+$0x830]  }
0x1dd: {  	v47 =	vadd.f32 v48, v12;
	v46 =	vadd.f32 v46, v14;
	v53 =	vld [tilespmem:s0+$0x1030]  }
0x1de: {  	v40 =	vadd.f32 v43, v40;
	v0 =	vadd.f32 v0, v44;
	v54 =	vld [tilespmem:s0+$0x1830]  }
0x1df: {  	v58 =	vld [tilespmem:s31+$0xFFFFE860]  }
0x1e0: {  	v46 =	vadd.f32 v46, v47;
	v56 =	vld [tilespmem:s31+$0xFFFFE060];
	v0 =	vadd.f32 v0, v40  }
0x1e1: {  	v41 =	vmul.f32 v41, v23;
	v63 =	vld [tilespmem:s31+$0xFFFFF060]  }
0x1e2: {  	v45 =	vmul.f32 v5, v21;
	v55 =	vmul.f32 v13, v34;
	v4 =	vld [tilespmem:s31+$0xFFFFF860];
	v0 =	vadd.f32 v0, v46  }
0x1e3: {  	[tilespmem:$0x1FE50] =	vst v2;
	v12 =	vld [tilespmem:s31+$0x60];
	v1 =	vmul.f32 v1, v18;
	v57 =	vmul.f32 v15, v37  }
0x1e4: {  	v59 =	vmul.f32 v35, v36;
	[tilespmem:s14+$0x40] =	vst v0;
	v15 =	vmul.f32 v58, v2;
	v2 =	vld [tilespmem:$0x1FF40]  }
0x1e5: {  	v48 =	vmul.f32 v53, v38;
	v43 =	vmul.f32 v54, v39;
	v13 =	vld [tilespmem:s0+$0xFFFFE0D0]  }
0x1e6: {  	v41 =	vadd.f32 v45, v41;
	v40 =	vmul.f32 v56, v22;
	v14 =	vld [tilespmem:s0+$0xFFFFE8D0];
	v1 =	vadd.f32 v1, v55  }
0x1e7: {  	v35 =	vld [tilespmem:s0+$0xFFFFF0D0];
	v5 =	vadd.f32 v59, v57;
	v43 =	vadd.f32 v43, v48  }
0x1e8: {  	v46 =	vmul.f32 v63, v24;
	v54 =	vld [tilespmem:s0+$0xFFFFF8D0];
	v40 =	vadd.f32 v15, v40  }
0x1e9: {  	v56 =	vld [tilespmem:s0+$0xD0];
	v55 =	vmul.f32 v4, v25;
	v1 =	vadd.f32 v1, v41;
	v41 =	vadd.f32 v43, v5  }
0x1ea: {  	v58 =	vld [tilespmem:s0+$0x8D0]  }
0x1eb: {  	v63 =	vld [tilespmem:s0+$0x10D0];
	v59 =	vadd.f32 v55, v46;
	v57 =	vadd.f32 v41, v1  }
0x1ec: {  	v4 =	vld [tilespmem:s0+$0x18D0]  }
0x1ed: {  	v43 =	vadd.f32 v59, v40;
	v40 =	vmov v25;
	v25 =	vmov v24;
	v24 =	vld [tilespmem:$0x1FFA0];
	[tilespmem:s14+$0xFFFFFFB0] =	vst v57  }
0x1ee: {  	v5 =	vld [tilespmem:s0+$0xFFFFE040]  }
0x1ef: {  	v44 =	vmul.f32 v12, v19;
	v12 =	vld [tilespmem:s0+$0xFFFFE840]  }
0x1f0: {  	v45 =	vmul.f32 v13, v29;
	v13 =	vld [tilespmem:s0+$0xFFFFF040]  }
0x1f1: {  	v48 =	vmul.f32 v14, v26;
	v14 =	vld [tilespmem:s0+$0xFFFFF840]  }
0x1f2: {  	v47 =	vmul.f32 v35, v28;
	v50 =	vmul.f32 v54, v27;
	v15 =	vld [tilespmem:s13+$0x40];
	s0 =	sadd.s32 $0x100, s0  }
0x1f3: {  	v49 =	vmul.f32 v56, v30;
	v1 =	vmul.f32 v58, v31;
	v55 =	vld [tilespmem:s0+$0xFFFFE080]  }
0x1f4: {  	v46 =	vmul.f32 v63, v32;
	v0 =	vmul.f32 v4, v33;
	v63 =	vadd.f32 v50, v47;
	v47 =	vld [tilespmem:s0+$0xFFFFE880]  }
0x1f5: {  	v59 =	vadd.f32 v48, v45;
	v48 =	vld [tilespmem:s0+$0xFFFFF080]  }
0x1f6: {  	v1 =	vadd.f32 v1, v49;
	v0 =	vadd.f32 v0, v46;
	v50 =	vld [tilespmem:s0+$0xFFFFF880]  }
0x1f7: {  	v45 =	vadd.f32 v63, v59;
	v63 =	vld [tilespmem:s0+$0x1080]  }
0x1f8: {  	v10 =	vld [tilespmem:s0+$0x1880];
	v0 =	vadd.f32 v0, v1;
	v56 =	vmul.f32 v5, v23;
	v41 =	vmul.f32 v12, v21  }
0x1f9: {  	s5 =	sadd.s32 $0x1, s15;
	v4 =	vmul.f32 v13, v34;
	v5 =	vmul.f32 v14, v18;
	v12 =	vld [tilespmem:$0x1FF30]  }
0x1fa: {  	v0 =	vadd.f32 v0, v45;
	v13 =	vld [tilespmem:s0+$0x80];
	v14 =	vmov s5  }
0x1fb: {  	v9 =	vmovc v60;
	v46 =	vmul.f32 v15, v37;
	v60 =	vperm.xlane v2, v14;
	v49 =	vadd.f32 v5, v4;
	v4 =	vld [tilespmem:$0x1FF60]  }
0x1fc: {  	v57 =	vperm.xlane v3, v14;
	v54 =	vperm.xlane v6, v14;
	v5 =	vld [tilespmem:$0x1FF70]  }
0x1fd: {  	v15 =	vld [tilespmem:s0+$0x880];
	[tilespmem:s14+$0x50] =	vst v0;
	v52 =	vperm.xlane v7, v14;
	v51 =	vperm.xlane v24, v14  }
0x1fe: {  	v0 =	vld [tilespmem:s13+$0xFFFFE0E0];
	v47 =	vmul.f32 v47, v60;
	v48 =	vmul.f32 v48, v57  }
0x1ff: {  	v42 =	vmovc v61;
	v53 =	vmov s15;
	v61 =	vld [tilespmem:s13+$0xFFFFE8E0];
	v63 =	vmul.f32 v63, v52;
	v10 =	vmul.f32 v10, v51  }
0x200: {  	v35 =	vmovc v34;
	v41 =	vadd.f32 v41, v56;
	v11 =	vld [tilespmem:s13+$0xFFFFF8E0];
	v34 =	vperm.xlane v12, v53;
	v59 =	vperm.xlane v12, v14  }
0x201: {  	v12 =	vld [tilespmem:s13+$0xE0];
	v58 =	vperm.xlane v4, v14;
	v56 =	vperm.xlane v5, v14  }
0x202: {  	v8 =	vmovc v62;
	v45 =	vadd.f32 v49, v41;
	v62 =	vmul.f32 v15, v54;
	v15 =	vld [tilespmem:s13+$0x10E0];
	v49 =	vmul.f32 v55, v59  }
0x203: {  	v55 =	vld [tilespmem:s13+$0xFFFFF0E0];
	v50 =	vmul.f32 v50, v58;
	v1 =	vmul.f32 v13, v56  }
0x204: {  	v10 =	vadd.f32 v10, v63;
	v13 =	vld [tilespmem:s13+$0x8E0];
	v14 =	vadd.f32 v47, v49  }
0x205: {  	v47 =	vperm.xlane v5, v53;
	v5 =	vld [tilespmem:s0+$0xFFFFE800];
	v50 =	vadd.f32 v50, v48;
	v1 =	vadd.f32 v62, v1  }
0x206: {  	v41 =	vperm.xlane v2, v53;
	v0 =	vmul.f32 v0, v29;
	v62 =	vld [tilespmem:s13+$0x18E0]  }
0x207: {  	v48 =	vperm.xlane v4, v53;
	v4 =	vld [tilespmem:s0+$0xFFFFE000];
	v14 =	vadd.f32 v50, v14;
	v1 =	vadd.f32 v10, v1  }
0x208: {  	v11 =	vmul.f32 v11, v27;
	v10 =	vmul.f32 v61, v26;
	v61 =	vld [tilespmem:s0+$0xFFFFF000]  }
0x209: {  	v16 =	vld [tilespmem:s0+$0xFFFFF800];
	v49 =	vperm.xlane v3, v53;
	v12 =	vmul.f32 v12, v30;
	v1 =	vadd.f32 v1, v14  }
0x20a: {  	v17 =	vld [tilespmem:s0+$0x800];
	s14 =	sadd.s32 $0x100, s14;
	v15 =	vmul.f32 v15, v32;
	v55 =	vmul.f32 v55, v28  }
0x20b: {  	v13 =	vmul.f32 v13, v31;
	v14 =	vld [tilespmem:s0+$0x0];
	v0 =	vadd.f32 v10, v0;
	v62 =	vmul.f32 v62, v33;
	[tilespmem:s14+$0x0] =	vst v1  }
0x20c: {  	v10 =	vmul.f32 v5, v41;
	v63 =	vmul.f32 v4, v34;
	v4 =	vadd.f32 v11, v55;
	v11 =	vld [tilespmem:s0+$0xFFFFE090]  }
0x20d: {  	v12 =	vadd.f32 v13, v12;
	v5 =	vadd.f32 v62, v15;
	v55 =	vmul.f32 v61, v49;
	v61 =	vld [tilespmem:s0+$0xFFFFE890]  }
0x20e: {  	v16 =	vmul.f32 v16, v48;
	v62 =	vld [tilespmem:s0+$0xFFFFF090]  }
0x20f: {  	v50 =	vperm.xlane v6, v53;
	v0 =	vadd.f32 v4, v0;
	v13 =	vld [tilespmem:s0+$0xFFFFF890];
	v1 =	vadd.f32 v5, v12  }
0x210: {  	v5 =	vadd.f32 v16, v55;
	v16 =	vld [tilespmem:s0+$0x90]  }
0x211: {  	v4 =	vmul.f32 v14, v47;
	v55 =	vmul.f32 v17, v50;
	v14 =	vld [tilespmem:s0+$0x1090];
	v0 =	vadd.f32 v1, v0  }
0x212: {  	v1 =	vld [tilespmem:s0+$0x890]  }
0x213: {  	v12 =	vadd.f32 v55, v4;
	v55 =	vperm.xlane v7, v53;
	v7 =	vld [tilespmem:s0+$0x1000];
	[tilespmem:s11+$0x60] =	vst v0  }
0x214: {  	v0 =	vld [tilespmem:s13+$0xFFFFE0F0]  }
0x215: {  	v15 =	vld [tilespmem:s13+$0xFFFFE8F0]  }
0x216: {  	v17 =	vld [tilespmem:s13+$0xFFFFF0F0]  }
0x217: {  	v10 =	vadd.f32 v10, v63;
	v63 =	vld [tilespmem:s13+$0xFFFFF8F0]  }
0x218: {  	v2 =	vld [tilespmem:s13+$0xF0]  }
0x219: {  	v3 =	vld [tilespmem:s13+$0x8F0]  }
0x21a: {  	v11 =	vmul.f32 v11, v59;
	v61 =	vmul.f32 v61, v60;
	v4 =	vld [tilespmem:s13+$0x10F0]  }
0x21b: {  	v10 =	vadd.f32 v5, v10;
	v5 =	vld [tilespmem:s13+$0x18F0]  }
0x21c: {  	v11 =	vadd.f32 v61, v11;
	v61 =	vld [tilespmem:s13+$0x840]  }
0x21d: {  	v62 =	vmul.f32 v62, v57;
	v13 =	vmul.f32 v13, v58;
	v6 =	vld [tilespmem:s0+$0x1890]  }
0x21e: {  	v16 =	vmul.f32 v16, v56;
	v0 =	vmul.f32 v0, v29;
	v29 =	vmov v59;
	v59 =	vld [tilespmem:s0+$0x1800]  }
0x21f: {  	v1 =	vmul.f32 v1, v54;
	v2 =	vmul.f32 v2, v30;
	v30 =	vmov v56;
	v56 =	vld [tilespmem:s13+$0x1040]  }
0x220: {  	v15 =	vmul.f32 v15, v26;
	v3 =	vmul.f32 v3, v31;
	v31 =	vmov v54;
	v54 =	vld [tilespmem:s13+$0x1840]  }
0x221: {  	v1 =	vadd.f32 v1, v16;
	v4 =	vmul.f32 v4, v32;
	v16 =	vmul.f32 v61, v36;
	v61 =	vld [tilespmem:s31+$0x1860]  }
0x222: {  	v5 =	vmul.f32 v5, v33;
	v6 =	vmul.f32 v6, v51;
	v33 =	vmov v51;
	v51 =	vld [tilespmem:s30+$0x70]  }
0x223: {  	v26 =	vmovc v60;
	v17 =	vmul.f32 v17, v28;
	v60 =	vmul.f32 v63, v27;
	v28 =	vmovc v57;
	v57 =	vmov v34;
	v34 =	vld [tilespmem:$0x1FF20]  }
0x224: {  	v14 =	vmul.f32 v14, v52;
	v13 =	vadd.f32 v13, v62;
	v63 =	vadd.f32 v5, v4;
	v4 =	vld [tilespmem:s31+$0x860]  }
0x225: {  	v53 =	vperm.xlane v24, v53;
	v0 =	vadd.f32 v15, v0;
	v62 =	vadd.f32 v60, v17;
	v60 =	vld [tilespmem:s31+$0x1060]  }
0x226: {  	v7 =	vmul.f32 v7, v55;
	v2 =	vadd.f32 v3, v2;
	v6 =	vadd.f32 v6, v14;
	v17 =	vld [tilespmem:$0x1FE20]  }
0x227: {  	v32 =	vmovc v52;
	v46 =	vadd.f32 v16, v46;
	v16 =	vld [tilespmem:$0x1FE30];
	v0 =	vadd.f32 v62, v0;
	v52 =	vmul.f32 v59, v53  }
0x228: {  	v2 =	vadd.f32 v63, v2;
	v62 =	vld [tilespmem:s30+$0xFFFFF070];
	v1 =	vadd.f32 v6, v1  }
0x229: {  	v63 =	vld [tilespmem:s30+$0xFFFFF870];
	v5 =	vadd.f32 v52, v7;
	v7 =	vadd.f32 v13, v11  }
0x22a: {  	v6 =	vmul.f32 v54, v39;
	v54 =	vld [tilespmem:$0x1FE40];
	v0 =	vadd.f32 v2, v0;
	v11 =	vmul.f32 v56, v38  }
0x22b: {  	v5 =	vadd.f32 v5, v12;
	v1 =	vadd.f32 v1, v7;
	v7 =	vld [tilespmem:s30+$0x870]  }
0x22c: {  	v6 =	vadd.f32 v6, v11;
	v11 =	vld [tilespmem:$0x1FF10]  }
0x22d: {  	[tilespmem:s11+$0x70] =	vst v0;
	v5 =	vadd.f32 v5, v10;
	v10 =	vld [tilespmem:s30+$0x1070]  }
0x22e: {  	v4 =	vmul.f32 v4, v17;
	[tilespmem:s14+$0x10] =	vst v1;
	v56 =	vadd.f32 v6, v46;
	v6 =	vld [tilespmem:s30+$0x1870]  }
0x22f: {  	v59 =	vld [tilespmem:s0+$0xFFFFE0A0]  }
0x230: {  	v52 =	vmul.f32 v60, v16;
	v4 =	vadd.f32 v4, v44;
	v3 =	vmul.f32 v61, v54;
	v44 =	vld [tilespmem:s0+$0xFFFFE8A0]  }
0x231: {  	v27 =	vmovc v58;
	v58 =	vmov v25;
	v25 =	vmov v18;
	v18 =	vmov v48;
	v48 =	vld [tilespmem:s0+$0xFFFFF0A0]  }
0x232: {  	v0 =	vadd.f32 v3, v52;
	v52 =	vld [tilespmem:$0x1FE60]  }
0x233: {  	v2 =	vmul.f32 v63, v34;
	v61 =	vmovc v54;
	v46 =	vmul.f32 v51, v8;
	v54 =	vld [tilespmem:s0+$0x10A0];
	v1 =	vadd.f32 v56, v45  }
0x234: {  	v34 =	vmovc v49;
	v56 =	vld [tilespmem:s0+$0x18A0];
	v11 =	vmul.f32 v62, v11;
	v0 =	vadd.f32 v0, v4;
	v49 =	vmul.f32 v7, v9  }
0x235: {  	v7 =	vld [tilespmem:s0+$0xFFFFF8A0];
	v51 =	vmul.f32 v10, v20;
	v6 =	vmul.f32 v6, v42  }
0x236: {  	v24 =	vmovc v35;
	v35 =	vmov v40;
	[tilespmem:s14+$0xFFFFFF80] =	vst v5;
	v2 =	vadd.f32 v2, v11;
	v10 =	vld [tilespmem:s0+$0xA0];
	v0 =	vadd.f32 v0, v43  }
0x237: {  	v40 =	vmovc v38;
	v38 =	vmov v55;
	[tilespmem:s11+$0xFFFFFFC0] =	vst v1;
	v4 =	vadd.f32 v49, v46;
	v11 =	vld [tilespmem:s0+$0x8A0];
	v55 =	vadd.f32 v6, v51  }
0x238: {  	v9 =	vld [tilespmem:$0x1FE50];
	[tilespmem:s2+$0xFFFFFFE0] =	vst v0  }
0x239: {  	[tilespmem:$0x1FF20] =	vst v35;
	v2 =	vadd.f32 v2, v52;
	v6 =	vld [tilespmem:s0+$0xFFFFE010];
	v0 =	vadd.f32 v55, v4  }
0x23a: {  	p1 =	slt.u32 s15, $0xE;
	v60 =	vmovc v17;
	[tilespmem:$0x1FF10] =	vst v58;
	v63 =	vmov v39;
	v5 =	vmul.f32 v59, v29;
	v3 =	vmul.f32 v44, v26;
	v58 =	vld [tilespmem:s0+$0xFFFFE810]  }
.Ltmp2:
0x23b: {  	v39 =	vmovc v53;
	v13 =	vmul.f32 v48, v28;
	v42 =	vld [tilespmem:s0+$0xFFFFF010];
	v7 =	vmul.f32 v7, v27;
	v0 =	vadd.f32 v0, v2;
	(pc) =	sbr.rel @p1 .LBB2_3-.Ltmp2, $4  }
0x23c: {  	v8 =	vmovc v22;
	v22 =	vmovc v36;
	v36 =	vmov v50;
	v43 =	vld [tilespmem:s0+$0xFFFFF810];
	v59 =	vmul.f32 v10, v30;
	v10 =	vmul.f32 v11, v31  }
0x23d: {  	s15 =	sadd.s32 $0x2, s15;
	v1 =	vmul.f32 v56, v33;
	v44 =	vld [tilespmem:s0+$0x10];
	v49 =	vadd.f32 v3, v5;
	v11 =	vmul.f32 v54, v32;
	[tilespmem:s29+$0xFFFFFFF0] =	vst v0  }
0x23e: {  	s30 =	smov.u32 s31;
	s31 =	smov.u32 s13;
	s13 =	smov.u32 s0;
	v62 =	vmovc v19;
	v19 =	vmovc v37;
	v37 =	vmov v47;
	v50 =	vadd.f32 v7, v13;
	v51 =	vadd.f32 v10, v59;
	v45 =	vld [tilespmem:s0+$0x810]  }
0x23f: {  	v20 =	vmovc v16;
	v52 =	vadd.f32 v1, v11;
	s29 =	smov.u32 s2;
	s2 =	smov.u32 s11;
	s11 =	smov.u32 s14;
	v46 =	vmul.f32 v6, v57;
	v48 =	vmul.f32 v58, v41;
	v47 =	vld [tilespmem:s0+$0x1010]  }
0x240: {  	_ = 	snop  }
0x241: {  	v0 =	vadd.f32 v50, v49;
	v1 =	vadd.f32 v52, v51;
	_ =	sdelay $0x1  }
0x242: {  	v0 =	vadd.f32 v1, v0  }
0x243: {  	v35 =	vld [tilespmem:s0+$0x1810]  }
0x244: {  	[tilespmem:s14+$0x20] =	vst v0  }
0x245: {  	v0 =	vld [tilespmem:s0+$0xFFFFE0B0]  }
0x246: {  	v2 =	vmul.f32 v42, v34;
	v3 =	vmul.f32 v43, v18;
	v4 =	vld [tilespmem:s0+$0xFFFFE8B0]  }
0x247: {  	v5 =	vmul.f32 v44, v37;
	v6 =	vmul.f32 v45, v36;
	v7 =	vld [tilespmem:s0+$0xFFFFF0B0]  }
0x248: {  	v10 =	vmul.f32 v47, v38;
	v1 =	vmul.f32 v35, v39;
	v11 =	vld [tilespmem:s0+$0xFFFFF8B0]  }
0x249: {  	v12 =	vadd.f32 v48, v46;
	v2 =	vadd.f32 v3, v2;
	v49 =	vld [tilespmem:s0+$0xB0]  }
0x24a: {  	v5 =	vadd.f32 v6, v5;
	v50 =	vld [tilespmem:s0+$0x8B0];
	v1 =	vadd.f32 v1, v10  }
0x24b: {  	v51 =	vld [tilespmem:s0+$0x10B0]  }
0x24c: {  	v2 =	vadd.f32 v2, v12;
	v52 =	vld [tilespmem:s0+$0x18B0];
	v1 =	vadd.f32 v1, v5;
	_ =	sdelay $0x1  }
0x24d: {  	v1 =	vadd.f32 v1, v2;
	v0 =	vmul.f32 v0, v29;
	v53 =	vmul.f32 v4, v26  }
0x24e: {  	v54 =	vmul.f32 v7, v28;
	v55 =	vmul.f32 v11, v27  }
0x24f: {  	v56 =	vmul.f32 v49, v30;
	v58 =	vmul.f32 v50, v31;
	[tilespmem:s14+$0xFFFFFF90] =	vst v1  }
0x250: {  	v10 =	vmul.f32 v51, v32;
	v5 =	vmul.f32 v52, v33;
	v59 =	vld [tilespmem:s0+$0xFFFFE020]  }
0x251: {  	v0 =	vadd.f32 v53, v0;
	v13 =	vadd.f32 v55, v54;
	v12 =	vld [tilespmem:s0+$0xFFFFE820]  }
0x252: {  	v1 =	vadd.f32 v58, v56;
	v15 =	vadd.f32 v5, v10;
	v14 =	vld [tilespmem:s0+$0xFFFFF020]  }
0x253: {  	v16 =	vld [tilespmem:s0+$0xFFFFF820]  }
0x254: {  	v17 =	vld [tilespmem:s0+$0x20];
	v0 =	vadd.f32 v13, v0;
	v1 =	vadd.f32 v15, v1  }
0x255: {  	v35 =	vld [tilespmem:s0+$0x820]  }
0x256: {  	v42 =	vld [tilespmem:s0+$0x1020];
	v0 =	vadd.f32 v1, v0  }
0x257: {  	v43 =	vld [tilespmem:s0+$0x1820]  }
0x258: {  	[tilespmem:s14+$0x30] =	vst v0  }
0x259: {  	v44 =	vmul.f32 v59, v57;
	v45 =	vmul.f32 v12, v41;
	v46 =	vld [tilespmem:s0+$0xFFFFE0C0]  }
0x25a: {  	v4 =	vmul.f32 v14, v34;
	v5 =	vmul.f32 v16, v18;
	v47 =	vld [tilespmem:s0+$0xFFFFE8C0]  }
0x25b: {  	v7 =	vmul.f32 v17, v37;
	v2 =	vmul.f32 v35, v36;
	v48 =	vld [tilespmem:s0+$0xFFFFF0C0]  }
0x25c: {  	v3 =	vmul.f32 v42, v38;
	v1 =	vmul.f32 v43, v39;
	v13 =	vld [tilespmem:s0+$0xFFFFF8C0]  }
0x25d: {  	v49 =	vld [tilespmem:s0+$0xC0];
	v0 =	vadd.f32 v45, v44;
	v4 =	vadd.f32 v5, v4  }
0x25e: {  	v50 =	vld [tilespmem:s0+$0x8C0];
	v2 =	vadd.f32 v2, v7;
	v1 =	vadd.f32 v1, v3  }
0x25f: {  	v51 =	vld [tilespmem:s0+$0x10C0]  }
0x260: {  	v52 =	vld [tilespmem:s0+$0x18C0];
	v0 =	vadd.f32 v4, v0;
	v1 =	vadd.f32 v1, v2;
	_ =	sdelay $0x1  }
0x261: {  	v11 =	vld [tilespmem:s31+$0xFFFFF050];
	v0 =	vadd.f32 v1, v0;
	v53 =	vmul.f32 v46, v29;
	v54 =	vmul.f32 v47, v26  }
0x262: {  	v14 =	vld [tilespmem:s31+$0xFFFFF850];
	v12 =	vmul.f32 v48, v28;
	v13 =	vmul.f32 v13, v27  }
0x263: {  	v7 =	vld [tilespmem:s31+$0xFFFFE850];
	v55 =	vmul.f32 v49, v30;
	v3 =	vmul.f32 v50, v31;
	[tilespmem:s14+$0xFFFFFFA0] =	vst v0  }
0x264: {  	v6 =	vmul.f32 v51, v32;
	v2 =	vmul.f32 v52, v33;
	v56 =	vld [tilespmem:s0+$0xFFFFE030]  }
0x265: {  	v1 =	vadd.f32 v54, v53;
	v58 =	vadd.f32 v13, v12;
	v15 =	vld [tilespmem:s0+$0xFFFFE830]  }
0x266: {  	v0 =	vadd.f32 v3, v55;
	v2 =	vadd.f32 v2, v6;
	v59 =	vld [tilespmem:s0+$0xFFFFF030]  }
0x267: {  	v35 =	vld [tilespmem:s0+$0xFFFFF830]  }
0x268: {  	v42 =	vld [tilespmem:s0+$0x30];
	v1 =	vadd.f32 v58, v1;
	v0 =	vadd.f32 v2, v0  }
0x269: {  	v43 =	vld [tilespmem:s0+$0x830]  }
0x26a: {  	v44 =	vld [tilespmem:s0+$0x1030];
	v0 =	vadd.f32 v0, v1  }
0x26b: {  	v45 =	vld [tilespmem:s0+$0x1830]  }
0x26c: {  	v4 =	vld [tilespmem:s31+$0xFFFFE050];
	[tilespmem:s14+$0x40] =	vst v0  }
0x26d: {  	v46 =	vmul.f32 v56, v57;
	v47 =	vmul.f32 v15, v41;
	v48 =	vld [tilespmem:s0+$0xFFFFE0D0]  }
0x26e: {  	v12 =	vmul.f32 v59, v34;
	v3 =	vmul.f32 v35, v18;
	v16 =	vld [tilespmem:s0+$0xFFFFE8D0]  }
0x26f: {  	v6 =	vmul.f32 v42, v37;
	v2 =	vmul.f32 v43, v36;
	v17 =	vld [tilespmem:s0+$0xFFFFF0D0]  }
0x270: {  	v10 =	vmul.f32 v44, v38;
	v1 =	vmul.f32 v45, v39;
	v49 =	vld [tilespmem:s0+$0xFFFFF8D0]  }
0x271: {  	v50 =	vld [tilespmem:s0+$0xD0];
	v0 =	vadd.f32 v47, v46;
	v3 =	vadd.f32 v3, v12  }
0x272: {  	v51 =	vld [tilespmem:s0+$0x8D0];
	v2 =	vadd.f32 v2, v6;
	v1 =	vadd.f32 v1, v10  }
0x273: {  	v52 =	vld [tilespmem:s0+$0x10D0]  }
0x274: {  	v53 =	vld [tilespmem:s0+$0x18D0];
	v0 =	vadd.f32 v3, v0;
	v1 =	vadd.f32 v1, v2  }
0x275: {  	v13 =	vld [tilespmem:s31+$0x50]  }
0x276: {  	v54 =	vld [tilespmem:s31+$0x850];
	v0 =	vadd.f32 v1, v0;
	v55 =	vmul.f32 v48, v29;
	v56 =	vmul.f32 v16, v26  }
0x277: {  	v58 =	vld [tilespmem:s31+$0x1850];
	v17 =	vmul.f32 v17, v28;
	v42 =	vmul.f32 v49, v27  }
0x278: {  	v43 =	vld [tilespmem:s31+$0x1050];
	v59 =	vmul.f32 v50, v30;
	v35 =	vmul.f32 v51, v31;
	[tilespmem:s14+$0xFFFFFFB0] =	vst v0  }
0x279: {  	v12 =	vmul.f32 v52, v32;
	v2 =	vmul.f32 v53, v33;
	v6 =	vld [tilespmem:s0+$0xFFFFE040]  }
0x27a: {  	v1 =	vadd.f32 v56, v55;
	v46 =	vadd.f32 v42, v17;
	v44 =	vld [tilespmem:s0+$0xFFFFE840]  }
0x27b: {  	v4 =	vmul.f32 v4, v23;
	v0 =	vadd.f32 v35, v59;
	v2 =	vadd.f32 v2, v12;
	v47 =	vld [tilespmem:s0+$0xFFFFF040]  }
0x27c: {  	v3 =	vmul.f32 v54, v22;
	v48 =	vmul.f32 v7, v21;
	v50 =	vld [tilespmem:s0+$0xFFFFF840]  }
0x27d: {  	v49 =	vmul.f32 v11, v24;
	v52 =	vld [tilespmem:s13+$0x40];
	v1 =	vadd.f32 v46, v1;
	v0 =	vadd.f32 v2, v0  }
0x27e: {  	v51 =	vmul.f32 v14, v25;
	v53 =	vmul.f32 v13, v19;
	v54 =	vld [tilespmem:s13+$0x840]  }
0x27f: {  	v16 =	vmul.f32 v58, v63;
	v55 =	vmul.f32 v43, v40;
	v56 =	vld [tilespmem:s13+$0x1040];
	v0 =	vadd.f32 v0, v1  }
0x280: {  	v4 =	vadd.f32 v48, v4;
	v58 =	vadd.f32 v51, v49;
	v59 =	vld [tilespmem:s13+$0x1840]  }
0x281: {  	v10 =	vld [tilespmem:s30+$0xFFFFE070];
	v2 =	vadd.f32 v3, v53;
	v35 =	vadd.f32 v16, v55;
	[tilespmem:s14+$0x50] =	vst v0  }
0x282: {  	v42 =	vadd.f32 v58, v4;
	v43 =	vmul.f32 v6, v57;
	v44 =	vmul.f32 v44, v41;
	v45 =	vld [tilespmem:s13+$0xFFFFE0E0]  }
0x283: {  	v2 =	vadd.f32 v35, v2;
	v46 =	vmul.f32 v47, v34;
	v12 =	vmul.f32 v50, v18;
	v47 =	vld [tilespmem:s13+$0xFFFFE8E0]  }
0x284: {  	v14 =	vmul.f32 v52, v37;
	v13 =	vmul.f32 v54, v36;
	v48 =	vld [tilespmem:s13+$0xFFFFF0E0]  }
0x285: {  	v0 =	vadd.f32 v2, v42;
	v1 =	vmul.f32 v56, v38;
	v7 =	vmul.f32 v59, v39;
	v49 =	vld [tilespmem:s13+$0xFFFFF8E0]  }
0x286: {  	v50 =	vld [tilespmem:s13+$0xE0];
	v4 =	vadd.f32 v44, v43;
	v3 =	vadd.f32 v12, v46  }
0x287: {  	v51 =	vld [tilespmem:s13+$0x8E0];
	v13 =	vadd.f32 v13, v14;
	v1 =	vadd.f32 v7, v1  }
0x288: {  	v52 =	vld [tilespmem:s13+$0x10E0]  }
0x289: {  	v54 =	vld [tilespmem:s13+$0x18E0];
	[tilespmem:s2+$0xFFFFFFD0] =	vst v0;
	v53 =	vadd.f32 v3, v4;
	v1 =	vadd.f32 v1, v13  }
0x28a: {  	v55 =	vld [tilespmem:s31+$0xFFFFE860]  }
0x28b: {  	v58 =	vld [tilespmem:s31+$0xFFFFF060];
	v0 =	vadd.f32 v1, v53  }
0x28c: {  	v35 =	vld [tilespmem:s31+$0xFFFFF860]  }
0x28d: {  	v4 =	vld [tilespmem:s31+$0xFFFFE060];
	[tilespmem:s11+$0xFFFFFFC0] =	vst v0  }
0x28e: {  	v43 =	vld [tilespmem:s13+$0xFFFFE050]  }
0x28f: {  	v6 =	vmul.f32 v45, v29;
	v56 =	vmul.f32 v47, v26;
	v44 =	vld [tilespmem:s13+$0xFFFFE850]  }
0x290: {  	v59 =	vmul.f32 v48, v28;
	v2 =	vmul.f32 v49, v27;
	v45 =	vld [tilespmem:s13+$0xFFFFF050]  }
0x291: {  	v5 =	vmul.f32 v50, v30;
	v12 =	vmul.f32 v51, v31;
	v46 =	vld [tilespmem:s13+$0xFFFFF850]  }
0x292: {  	v42 =	vmul.f32 v52, v32;
	v3 =	vmul.f32 v54, v33;
	v47 =	vld [tilespmem:s13+$0x50]  }
0x293: {  	v6 =	vadd.f32 v56, v6;
	v2 =	vadd.f32 v2, v59;
	v48 =	vld [tilespmem:s13+$0x850]  }
0x294: {  	v5 =	vadd.f32 v12, v5;
	v0 =	vadd.f32 v3, v42;
	v13 =	vmul.f32 v55, v21;
	v49 =	vld [tilespmem:s13+$0x1050]  }
0x295: {  	v1 =	vmul.f32 v58, v24;
	v16 =	vmul.f32 v35, v25;
	v50 =	vld [tilespmem:s13+$0x1850]  }
0x296: {  	v11 =	vld [tilespmem:s30+$0xFFFFE870];
	v4 =	vmul.f32 v4, v23;
	v2 =	vadd.f32 v2, v6;
	v0 =	vadd.f32 v0, v5  }
0x297: {  	v51 =	vld [tilespmem:s31+$0x60];
	v1 =	vadd.f32 v16, v1;
	v7 =	vmul.f32 v43, v57;
	v14 =	vmul.f32 v44, v41  }
0x298: {  	v52 =	vld [tilespmem:s31+$0x860];
	v4 =	vadd.f32 v13, v4;
	v3 =	vmul.f32 v45, v34;
	v12 =	vmul.f32 v46, v18  }
0x299: {  	v53 =	vld [tilespmem:s31+$0x1060];
	v0 =	vadd.f32 v0, v2;
	v5 =	vmul.f32 v47, v37;
	v6 =	vmul.f32 v48, v36  }
0x29a: {  	v54 =	vld [tilespmem:s31+$0x1860];
	v1 =	vadd.f32 v1, v4;
	v2 =	vmul.f32 v49, v38;
	v15 =	vmul.f32 v50, v39  }
0x29b: {  	v4 =	vld [tilespmem:s30+$0xFFFFF870];
	v7 =	vadd.f32 v14, v7;
	v3 =	vadd.f32 v12, v3  }
0x29c: {  	v46 =	vld [tilespmem:s30+$0x870];
	v5 =	vadd.f32 v6, v5;
	v2 =	vadd.f32 v15, v2  }
0x29d: {  	[tilespmem:s11+$0x60] =	vst v0;
	v48 =	vld [tilespmem:s30+$0x1070]  }
0x29e: {  	v0 =	vld [tilespmem:s13+$0xFFFFE0F0];
	v3 =	vadd.f32 v3, v7;
	v2 =	vadd.f32 v2, v5  }
0x29f: {  	v42 =	vld [tilespmem:s13+$0xFFFFE8F0]  }
0x2a0: {  	v43 =	vld [tilespmem:s13+$0xFFFFF0F0];
	v2 =	vadd.f32 v2, v3  }
0x2a1: {  	v44 =	vld [tilespmem:s13+$0xFFFFF8F0]  }
0x2a2: {  	v45 =	vld [tilespmem:s13+$0xF0];
	[tilespmem:s11+$0xFFFFFFD0] =	vst v2  }
0x2a3: {  	v2 =	vld [tilespmem:s13+$0xFFFFE060]  }
0x2a4: {  	v55 =	vld [tilespmem:s13+$0xFFFFE860]  }
0x2a5: {  	v56 =	vld [tilespmem:s13+$0xFFFFF060]  }
0x2a6: {  	v58 =	vld [tilespmem:s13+$0xFFFFF860]  }
0x2a7: {  	v17 =	vmul.f32 v51, v19;
	v5 =	vmul.f32 v52, v22;
	v59 =	vld [tilespmem:s13+$0x60]  }
0x2a8: {  	v7 =	vmul.f32 v53, v40;
	v3 =	vmul.f32 v54, v63;
	v35 =	vld [tilespmem:s13+$0x860]  }
0x2a9: {  	v52 =	vld [tilespmem:s13+$0x1060]  }
0x2aa: {  	v5 =	vadd.f32 v5, v17;
	v3 =	vadd.f32 v3, v7;
	v53 =	vld [tilespmem:s13+$0x1860]  }
0x2ab: {  	v12 =	vld [tilespmem:s13+$0x8F0]  }
0x2ac: {  	v6 =	vld [tilespmem:s13+$0x10F0];
	v3 =	vadd.f32 v3, v5;
	v2 =	vmul.f32 v2, v57;
	v54 =	vmul.f32 v55, v41  }
0x2ad: {  	v14 =	vld [tilespmem:s13+$0x18F0];
	v55 =	vmul.f32 v56, v34;
	v56 =	vmul.f32 v58, v18  }
0x2ae: {  	v15 =	vld [tilespmem:s30+$0xFFFFF070];
	v1 =	vadd.f32 v3, v1;
	v49 =	vmul.f32 v59, v37;
	v13 =	vmul.f32 v35, v36  }
0x2af: {  	v5 =	vld [tilespmem:s30+$0x70];
	v7 =	vmul.f32 v52, v38;
	v16 =	vmul.f32 v53, v39  }
0x2b0: {  	[tilespmem:s2+$0xFFFFFFE0] =	vst v1;
	v1 =	vld [tilespmem:s30+$0x1870];
	v2 =	vadd.f32 v54, v2;
	v3 =	vadd.f32 v56, v55  }
0x2b1: {  	v17 =	vld [tilespmem:s31+$0xFFFFE070];
	v13 =	vadd.f32 v13, v49;
	v7 =	vadd.f32 v16, v7  }
0x2b2: {  	v58 =	vmul.f32 v10, v8;
	v10 =	vld [tilespmem:s31+$0xFFFFF070]  }
0x2b3: {  	v52 =	vld [tilespmem:s31+$0x1070];
	v2 =	vadd.f32 v3, v2;
	v35 =	vadd.f32 v7, v13  }
0x2b4: {  	v16 =	vld [tilespmem:s31+$0xFFFFE870]  }
0x2b5: {  	v54 =	vld [tilespmem:s31+$0x1870];
	v2 =	vadd.f32 v35, v2  }
0x2b6: {  	v0 =	vmul.f32 v0, v29;
	v7 =	vld [tilespmem:s31+$0xFFFFF870]  }
0x2b7: {  	v42 =	vmul.f32 v42, v26;
	v59 =	vmul.f32 v11, v9;
	v3 =	vld [tilespmem:s31+$0x870];
	[tilespmem:s11+$0xFFFFFFE0] =	vst v2  }
0x2b8: {  	v43 =	vmul.f32 v43, v28;
	v44 =	vmul.f32 v44, v27;
	v56 =	vld [tilespmem:$0x1FF10]  }
0x2b9: {  	v6 =	vmul.f32 v6, v32;
	v14 =	vmul.f32 v14, v33;
	v50 =	vadd.f32 v59, v58;
	v58 =	vld [tilespmem:$0x1FF20]  }
0x2ba: {  	v45 =	vmul.f32 v45, v30;
	v51 =	vmul.f32 v12, v31;
	v0 =	vadd.f32 v42, v0;
	v59 =	vld [tilespmem:s13+$0xFFFFE070]  }
0x2bb: {  	v32 =	vmul.f32 v46, v60;
	v6 =	vadd.f32 v14, v6;
	v53 =	vadd.f32 v44, v43;
	v33 =	vld [tilespmem:s13+$0xFFFFE870]  }
0x2bc: {  	v5 =	vmul.f32 v5, v62;
	v55 =	vadd.f32 v51, v45;
	v1 =	vmul.f32 v1, v61;
	v42 =	vld [tilespmem:s13+$0xFFFFF070]  }
0x2bd: {  	v0 =	vadd.f32 v53, v0;
	v35 =	vmul.f32 v48, v20;
	v45 =	vmul.f32 v17, v23;
	v43 =	vld [tilespmem:s13+$0xFFFFF870]  }
0x2be: {  	v5 =	vadd.f32 v32, v5;
	v48 =	vmul.f32 v10, v24;
	v52 =	vmul.f32 v52, v40;
	v44 =	vld [tilespmem:s13+$0x70]  }
0x2bf: {  	v46 =	vmul.f32 v16, v21;
	v53 =	vmul.f32 v54, v63;
	v2 =	vadd.f32 v6, v55;
	v47 =	vld [tilespmem:s13+$0x870]  }
0x2c0: {  	v1 =	vadd.f32 v1, v35;
	v7 =	vmul.f32 v7, v25;
	v49 =	vld [tilespmem:s13+$0x1070];
	v3 =	vmul.f32 v3, v22  }
0x2c1: {  	v26 =	vld [tilespmem:s31+$0x70];
	v8 =	vmul.f32 v15, v56;
	v4 =	vmul.f32 v4, v58  }
0x2c2: {  	v51 =	vld [tilespmem:s13+$0x1870];
	v1 =	vadd.f32 v1, v5;
	v0 =	vadd.f32 v2, v0;
	v54 =	vmul.f32 v59, v57  }
0x2c3: {  	v55 =	vmul.f32 v33, v41;
	v56 =	vmul.f32 v42, v34;
	v4 =	vadd.f32 v4, v8  }
0x2c4: {  	v5 =	vadd.f32 v7, v48;
	v6 =	vmul.f32 v43, v18;
	v57 =	vmul.f32 v44, v37  }
0x2c5: {  	v58 =	vmul.f32 v47, v36;
	v10 =	vmul.f32 v49, v38;
	v4 =	vadd.f32 v4, v50  }
0x2c6: {  	v8 =	vadd.f32 v46, v45;
	v11 =	vadd.f32 v55, v54;
	v50 =	vmul.f32 v26, v19  }
0x2c7: {  	v59 =	vmul.f32 v51, v39;
	v6 =	vadd.f32 v6, v56;
	v1 =	vadd.f32 v1, v4  }
0x2c8: {  	v2 =	vadd.f32 v3, v50;
	v4 =	vadd.f32 v53, v52  }
0x2c9: {  	v60 =	vadd.f32 v59, v10;
	v3 =	vadd.f32 v58, v57  }
0x2ca: {  	v5 =	vadd.f32 v5, v8;
	v2 =	vadd.f32 v4, v2  }
0x2cb: {  	p1 =	sne.s32 s26, $0x61;
	v61 =	vadd.f32 v6, v11;
	v3 =	vadd.f32 v60, v3  }
.Ltmp3:
0x2cc: {  	[tilespmem:s11+$0x70] =	vst v0;
	v62 =	vadd.f32 v2, v5;
	(pc) =	sbr.rel @p1 .LBB2_6-.Ltmp3, $4  }
0x2cd: {  	s31 =	sadd.s32 s4, s28;
	[tilespmem:s29+$0xFFFFFFF0] =	vst v1;
	v63 =	vadd.f32 v3, v61  }
0x2ce: {  	s0 =	sshll.u32 s31, $0x4;
	[tilespmem:s2+$0xFFFFFFF0] =	vst v62  }
0x2cf: {  	s0 =	sadd.s32 s6, s0;
	[tilespmem:s11+$0xFFFFFFF0] =	vst v63  }
0x2d0: {  	[hbm4b:s0+s3] =	stream.linear.scatter [tilespmem:s20], [sflag:$0x3], $0x800, $0x38;
	[tilespmem:$0xB700] =	vst v63  }
.Ltmp4:
0x2d1: {  	(pc) =	sbr.rel .LBB2_7-.Ltmp4, $4  }
0x2d2: {  	_ = 	snop  }
0x2d3: {  	_ =	swait.ge [sflag:s21], $0x4000  }
0x2d4: {  	[sflag:s21] =	ssyncset.done $0x0  }
0x2d5: {  	v11 =	vimm.s32 $0x0;
	v8 =	vld [tilespmem:$0x1FFF0];
	[sflag:s21] =	ssyncadd.s32 $0xFFFFC000  }
.LBB2_6:
0x2d6: {  	v0 =	vld [tilespmem:s28+$0x9120]  }
0x2d7: {  	v1 =	vld [tilespmem:s28+$0x9DA0]  }
0x2d8: {  	v8 =	vld [tilespmem:$0x1FFF0]  }
0x2d9: {  	v2 =	vld [tilespmem:s28+$0xAA20];
	_ =	sdelay $0x3  }
0x2da: {  	v0 =	vmul.f32 v0, v8;
	v1 =	vmul.f32 v1, v8  }
0x2db: {  	v2 =	vmul.f32 v2, v8  }
0x2dc: {  	v11 =	vimm.s32 $0x0;
	v3 =	vtrunc.f32 v0;
	v5 =	vtrunc.f32 v1  }
0x2dd: {  	v56 =	vtrunc.f32 v2;
	v4 =	vcvt.f32.s32 v3;
	vm0 =	vgt.f32 v0, v3  }
0x2de: {  	v53 =	vcvt.f32.s32 v5;
	vm1 =	vgt.f32 v1, v5;
	v6 =	vcvt.f32.s32 v56  }
0x2df: {  	vm14 =	vgt.f32 v2, v56;
	v54 =	vsel vm0, $0x1, v11;
	v55 =	vsel vm1, $0x1, v11  }
0x2e0: {  	v58 =	vsel vm14, $0x1, v11;
	v1 =	vadd.s32 v4, v54;
	v3 =	vadd.s32 v53, v55  }
0x2e1: {  	v57 =	vshll.u32 v4, $0x6;
	v4 =	vadd.s32 v6, v58;
	vm12 =	vlt.s32 v1, $0x3F  }
0x2e2: {  	vm13 =	vlt.s32 v3, $0x3F;
	v59 =	vadd.s32 v53, v57;
	vm15 =	vlt.s32 v4, $0x3F  }
0x2e3: {  	v1 =	vnsel vm12, $0x3F, v1;
	v3 =	vnsel vm13, $0x3F, v3;
	v5 =	vshll.u32 v59, $0x6  }
0x2e4: {  	v61 =	vnsel vm15, $0x3F, v4;
	v2 =	vadd.s32 v57, v3;
	v7 =	vadd.s32 v6, v5  }
0x2e5: {  	v1 =	vshll.u32 v1, $0x6;
	v5 =	vadd.s32 v5, v61;
	v2 =	vshll.u32 v2, $0x6;
	[tilespmem:$0x0] =	vst v7  }
0x2e6: {  	v0 =	vadd.s32 v53, v1;
	[tilespmem:$0x40] =	vst v5;
	v7 =	vadd.s32 v6, v2  }
0x2e7: {  	v1 =	vadd.s32 v3, v1;
	v0 =	vshll.u32 v0, $0x6;
	v2 =	vadd.s32 v61, v2;
	[tilespmem:$0x20] =	vst v7  }
0x2e8: {  	v1 =	vshll.u32 v1, $0x6;
	v60 =	vadd.s32 v6, v0;
	[tilespmem:$0x60] =	vst v2  }
0x2e9: {  	v62 =	vadd.s32 v6, v1;
	[tilespmem:$0x10] =	vst v60  }
0x2ea: {  	v0 =	vadd.s32 v61, v0;
	[tilespmem:$0x30] =	vst v62  }
0x2eb: {  	v63 =	vadd.s32 v61, v1;
	[tilespmem:$0x50] =	vst v0  }
.Ltmp5:
0x2ec: {  	[tilespmem:$0x70] =	vst v63;
	(pc) =	sbr.rel @p0 .LBB2_8-.Ltmp5, $4  }
0x2ed: {  	[tilespmem:s17], [sflag:$0x1] =	stream.indirect.gather [hbm4b:s1+s16], $0x80, s3, s16, $0xb8;
	[tilespmem:$0xB700] =	vst v63  }
0x2ee: {  	_ =	swait.ge [sflag:s21], $0x4000  }
0x2ef: {  	[sflag:s21] =	ssyncset.done $0x0  }
0x2f0: {  	[sflag:s21] =	ssyncadd.s32 $0xFFFFC000  }
.LBB2_7:
0x2f1: {  	_ =	swait.ge [sflag:s22], $0x800  }
0x2f2: {  	[sflag:s22] =	ssyncset.done $0x0  }
0x2f3: {  	[sflag:s22] =	ssyncadd.s32 $0xFFFFF800  }
.LBB2_8:
0x2f4: {  	v0 =	vld [tilespmem:s28+$0x9110]  }
0x2f5: {  	v1 =	vld [tilespmem:s28+$0x9D90]  }
0x2f6: {  	v2 =	vld [tilespmem:s28+$0xAA10];
	_ =	sdelay $0x3  }
0x2f7: {  	v0 =	vmul.f32 v0, v8  }
0x2f8: {  	v1 =	vmul.f32 v1, v8;
	v2 =	vmul.f32 v2, v8  }
0x2f9: {  	v3 =	vtrunc.f32 v0  }
0x2fa: {  	v4 =	vtrunc.f32 v1;
	v6 =	vtrunc.f32 v2  }
0x2fb: {  	v3 =	vcvt.f32.s32 v3;
	v4 =	vcvt.f32.s32 v4  }
0x2fc: {  	v6 =	vcvt.f32.s32 v6  }
0x2fd: {  	v5 =	vcvt.s32.f32 v3;
	v7 =	vcvt.s32.f32 v4;
	_ =	sdelay $0x1  }
0x2fe: {  	v8 =	vcvt.s32.f32 v6;
	vm0 =	vgt.f32 v0, v5;
	vm1 =	vgt.f32 v1, v7  }
0x2ff: {  	v9 =	vsel vm0, $0x1, v11;
	v10 =	vsel vm1, $0x1, v11  }
0x300: {  	vm12 =	vgt.f32 v2, v8;
	v3 =	vadd.s32 v3, v9;
	v4 =	vadd.s32 v4, v10  }
0x301: {  	v9 =	vsel vm12, $0x1, v11;
	vm13 =	vlt.s32 v3, $0x3F;
	vm14 =	vlt.s32 v4, $0x3F  }
0x302: {  	v6 =	vadd.s32 v6, v9;
	v3 =	vnsel vm13, $0x3F, v3;
	v4 =	vnsel vm14, $0x3F, v4  }
0x303: {  	vm15 =	vlt.s32 v6, $0x3F;
	v3 =	vcvt.s32.f32 v3;
	v4 =	vcvt.s32.f32 v4  }
0x304: {  	v5 =	vsub.f32 v0, v5;
	v6 =	vnsel vm15, $0x3F, v6  }
0x305: {  	v60 =	vcvt.s32.f32 v6;
	v0 =	vsub.f32 v3, v0;
	v59 =	vsub.f32 v4, v1  }
0x306: {  	v1 =	vsub.f32 v1, v7  }
0x307: {  	s30 =	simm.s32 $0x7100;
	v4 =	vsub.f32 v60, v2;
	v6 =	vmul.f32 v59, v0;
	v3 =	vmul.f32 v59, v5  }
0x308: {  	v61 =	vld [tilespmem:s30+$0xFFFFE080];
	v0 =	vmul.f32 v0, v1;
	v1 =	vmul.f32 v1, v5  }
0x309: {  	v62 =	vld [tilespmem:s30+$0xFFFFF080];
	v2 =	vsub.f32 v2, v8;
	v17 =	vmul.f32 v4, v6;
	v36 =	vmul.f32 v4, v3  }
0x30a: {  	v63 =	vld [tilespmem:s30+$0xFFFFF880];
	v35 =	vmul.f32 v4, v0;
	v14 =	vmul.f32 v4, v1  }
0x30b: {  	s0 =	simm.s32 $0x1;
	v34 =	vld [tilespmem:s30+$0x80];
	v33 =	vmul.f32 v6, v2;
	v32 =	vmul.f32 v3, v2  }
0x30c: {  	v37 =	vmov s0;
	v7 =	vld [tilespmem:s30+$0xFFFFE880];
	v27 =	vmul.f32 v0, v2;
	v31 =	vmul.f32 v2, v1  }
0x30d: {  	v38 =	vld [tilespmem:s30+$0x880];
	v15 =	vperm.xlane v17, v37;
	v16 =	vperm.xlane v36, v37  }
0x30e: {  	v8 =	vld [tilespmem:s30+$0x1880];
	v46 =	vperm.xlane v35, v37;
	v13 =	vperm.xlane v14, v37  }
0x30f: {  	v6 =	vld [tilespmem:s30+$0x1080];
	v42 =	vperm.xlane v33, v37;
	v12 =	vperm.xlane v32, v37  }
0x310: {  	v41 =	vperm.xlane v27, v37;
	v9 =	vperm.xlane v31, v37  }
0x311: {  	v39 =	vmul.f32 v61, v15;
	v40 =	vmul.f32 v7, v16  }
0x312: {  	v4 =	vmul.f32 v62, v46;
	v3 =	vmul.f32 v63, v13  }
0x313: {  	v0 =	vmul.f32 v34, v42;
	v2 =	vmul.f32 v38, v12  }
0x314: {  	v7 =	vmul.f32 v8, v9;
	v6 =	vmul.f32 v6, v41  }
0x315: {  	v1 =	vadd.f32 v40, v39;
	v3 =	vadd.f32 v3, v4  }
0x316: {  	v0 =	vadd.f32 v2, v0;
	v43 =	vadd.f32 v7, v6;
	_ =	sdelay $0x1  }
0x317: {  	v1 =	vadd.f32 v3, v1;
	v0 =	vadd.f32 v43, v0;
	_ =	sdelay $0x1  }
0x318: {  	v0 =	vadd.f32 v0, v1  }
0x319: {  	s29 =	simm.s32 $0x980  }
0x31a: {  	[tilespmem:s29+$0x0] =	vst v0  }
0x31b: {  	v0 =	vld [tilespmem:s30+$0xFFFFE090]  }
0x31c: {  	v44 =	vld [tilespmem:s30+$0xFFFFE890]  }
0x31d: {  	v45 =	vld [tilespmem:s30+$0xFFFFF090]  }
0x31e: {  	v47 =	vld [tilespmem:s30+$0xFFFFF890]  }
0x31f: {  	v48 =	vld [tilespmem:s30+$0x90]  }
0x320: {  	v49 =	vld [tilespmem:s30+$0x890]  }
0x321: {  	v6 =	vld [tilespmem:s30+$0x1090]  }
0x322: {  	v7 =	vld [tilespmem:s30+$0x1890];
	_ =	sdelay $0x1  }
0x323: {  	v0 =	vmul.f32 v0, v15;
	v1 =	vmul.f32 v44, v16  }
0x324: {  	v2 =	vmul.f32 v45, v46;
	v3 =	vmul.f32 v47, v13  }
0x325: {  	v4 =	vmul.f32 v48, v42;
	v5 =	vmul.f32 v49, v12  }
0x326: {  	v6 =	vmul.f32 v6, v41;
	v7 =	vmul.f32 v7, v9  }
0x327: {  	v18 =	vld [tilespmem:s30+$0xFFFFE000];
	v0 =	vadd.f32 v1, v0;
	v50 =	vadd.f32 v3, v2  }
0x328: {  	v19 =	vld [tilespmem:s30+$0xFFFFE800];
	v51 =	vadd.f32 v5, v4;
	v52 =	vadd.f32 v7, v6  }
0x329: {  	v21 =	vld [tilespmem:s30+$0x0]  }
0x32a: {  	s8 =	simm.s32 $0x0;
	v22 =	vld [tilespmem:s30+$0x800];
	v0 =	vadd.f32 v50, v0;
	v53 =	vadd.f32 v52, v51  }
0x32b: {  	v20 =	vmov s8;
	v23 =	vld [tilespmem:s30+$0x1800];
	v54 =	vmov v17  }
0x32c: {  	v29 =	vperm.xlane v33, v20;
	v11 =	vmovc v15;
	v8 =	vperm.xlane v17, v20;
	v7 =	vld [tilespmem:s30+$0xFFFFF800];
	v0 =	vadd.f32 v53, v0  }
0x32d: {  	v17 =	vperm.xlane v31, v20;
	v15 =	vmovc v13;
	v13 =	vmovc v12;
	v12 =	vmov v9;
	v9 =	vperm.xlane v36, v20;
	v6 =	vld [tilespmem:s30+$0xFFFFF000]  }
0x32e: {  	v55 =	vld [tilespmem:s30+$0x1000];
	v21 =	vmul.f32 v21, v29;
	v18 =	vmul.f32 v18, v8;
	[tilespmem:s29+$0x10] =	vst v0  }
0x32f: {  	v3 =	vperm.xlane v14, v20;
	v56 =	vmul.f32 v19, v9;
	v19 =	vld [tilespmem:s30+$0xFFFFE0A0]  }
0x330: {  	v34 =	vmov v14;
	v2 =	vperm.xlane v35, v20;
	v14 =	vperm.xlane v32, v20;
	v26 =	vld [tilespmem:s30+$0xFFFFE8A0]  }
0x331: {  	v25 =	vmul.f32 v7, v3;
	v7 =	vperm.xlane v27, v20;
	v20 =	vld [tilespmem:s30+$0xFFFFF0A0]  }
0x332: {  	v23 =	vmul.f32 v23, v17;
	v4 =	vmov v27;
	v24 =	vmul.f32 v6, v2;
	v27 =	vld [tilespmem:s30+$0xFFFFF8A0]  }
0x333: {  	v22 =	vmul.f32 v22, v14;
	v1 =	vmul.f32 v55, v7;
	v28 =	vld [tilespmem:s30+$0xA0]  }
0x334: {  	v0 =	vadd.f32 v56, v18;
	v18 =	vadd.f32 v25, v24;
	v24 =	vld [tilespmem:s30+$0x8A0]  }
0x335: {  	v21 =	vadd.f32 v22, v21;
	v22 =	vld [tilespmem:s30+$0x10A0];
	v1 =	vadd.f32 v23, v1  }
0x336: {  	v23 =	vld [tilespmem:s30+$0x18A0]  }
0x337: {  	v0 =	vadd.f32 v18, v0;
	v1 =	vadd.f32 v1, v21  }
0x338: {  	v18 =	vmul.f32 v19, v11;
	v19 =	vmul.f32 v26, v16  }
0x339: {  	v57 =	vmul.f32 v20, v46;
	v20 =	vmul.f32 v27, v15;
	v0 =	vadd.f32 v1, v0  }
0x33a: {  	v21 =	vmul.f32 v28, v42;
	v24 =	vmul.f32 v24, v13  }
0x33b: {  	v58 =	vmul.f32 v22, v41;
	v22 =	vmul.f32 v23, v12;
	[tilespmem:s29+$0xFFFFFF80] =	vst v0  }
0x33c: {  	v18 =	vadd.f32 v19, v18;
	v1 =	vadd.f32 v20, v57;
	v23 =	vld [tilespmem:s30+$0xFFFFE010]  }
0x33d: {  	v20 =	vadd.f32 v24, v21;
	v19 =	vld [tilespmem:s30+$0xFFFFE810];
	v0 =	vadd.f32 v22, v58  }
0x33e: {  	v21 =	vld [tilespmem:s30+$0xFFFFF010]  }
0x33f: {  	v22 =	vld [tilespmem:s30+$0xFFFFF810];
	v1 =	vadd.f32 v1, v18;
	v0 =	vadd.f32 v0, v20  }
0x340: {  	v18 =	vld [tilespmem:s30+$0x10]  }
0x341: {  	v59 =	vld [tilespmem:s30+$0x1010];
	v0 =	vadd.f32 v0, v1  }
0x342: {  	v24 =	vld [tilespmem:s30+$0x1810]  }
0x343: {  	v20 =	vld [tilespmem:s30+$0x810];
	[tilespmem:s29+$0x20] =	vst v0  }
0x344: {  	v0 =	vld [tilespmem:s30+$0xFFFFE0B0]  }
0x345: {  	v23 =	vmul.f32 v23, v8;
	v19 =	vmul.f32 v19, v9;
	v25 =	vld [tilespmem:s30+$0xFFFFE8B0]  }
0x346: {  	v21 =	vmul.f32 v21, v2;
	v22 =	vmul.f32 v22, v3;
	v26 =	vld [tilespmem:s30+$0xFFFFF0B0]  }
0x347: {  	v18 =	vmul.f32 v18, v29;
	v1 =	vmul.f32 v59, v7;
	v27 =	vld [tilespmem:s30+$0xFFFFF8B0]  }
0x348: {  	v24 =	vmul.f32 v24, v17;
	v20 =	vmul.f32 v20, v14;
	v28 =	vld [tilespmem:s30+$0xB0]  }
0x349: {  	v19 =	vadd.f32 v19, v23;
	v21 =	vadd.f32 v22, v21;
	v22 =	vld [tilespmem:s30+$0x8B0]  }
0x34a: {  	v1 =	vadd.f32 v24, v1;
	v23 =	vld [tilespmem:s30+$0x18B0];
	v18 =	vadd.f32 v20, v18  }
0x34b: {  	v20 =	vld [tilespmem:s30+$0x10B0]  }
0x34c: {  	v19 =	vadd.f32 v21, v19;
	v1 =	vadd.f32 v1, v18  }
0x34d: {  	v0 =	vmul.f32 v0, v11;
	v18 =	vmul.f32 v25, v16  }
0x34e: {  	v21 =	vmul.f32 v27, v15;
	v24 =	vmul.f32 v28, v42;
	v1 =	vadd.f32 v1, v19  }
0x34f: {  	v22 =	vmul.f32 v22, v13;
	v19 =	vmul.f32 v26, v46  }
0x350: {  	v60 =	vmul.f32 v20, v41;
	v20 =	vmul.f32 v23, v12;
	[tilespmem:s29+$0xFFFFFF90] =	vst v1  }
0x351: {  	v0 =	vadd.f32 v18, v0;
	v18 =	vadd.f32 v21, v19;
	v23 =	vld [tilespmem:s30+$0xFFFFE020]  }
0x352: {  	v21 =	vadd.f32 v22, v24;
	v19 =	vld [tilespmem:s30+$0xFFFFE820];
	v1 =	vadd.f32 v20, v60  }
0x353: {  	v20 =	vld [tilespmem:s30+$0xFFFFF020]  }
0x354: {  	v22 =	vld [tilespmem:s30+$0xFFFFF820];
	v0 =	vadd.f32 v18, v0;
	v1 =	vadd.f32 v1, v21  }
0x355: {  	v61 =	vld [tilespmem:s30+$0x1020]  }
0x356: {  	v24 =	vld [tilespmem:s30+$0x1820];
	v0 =	vadd.f32 v1, v0  }
0x357: {  	v18 =	vld [tilespmem:s30+$0x20]  }
0x358: {  	v21 =	vld [tilespmem:s30+$0x820];
	[tilespmem:s29+$0x30] =	vst v0  }
0x359: {  	v0 =	vld [tilespmem:s30+$0xFFFFE0C0]  }
0x35a: {  	v23 =	vmul.f32 v23, v8;
	v19 =	vmul.f32 v19, v9;
	v25 =	vld [tilespmem:s30+$0xFFFFE8C0]  }
0x35b: {  	v20 =	vmul.f32 v20, v2;
	v22 =	vmul.f32 v22, v3;
	v26 =	vld [tilespmem:s30+$0xFFFFF0C0]  }
0x35c: {  	v1 =	vmul.f32 v61, v7;
	v24 =	vmul.f32 v24, v17;
	v27 =	vld [tilespmem:s30+$0xFFFFF8C0]  }
0x35d: {  	v18 =	vmul.f32 v18, v29;
	v21 =	vmul.f32 v21, v14;
	v28 =	vld [tilespmem:s30+$0xC0]  }
0x35e: {  	v19 =	vadd.f32 v19, v23;
	v20 =	vadd.f32 v22, v20;
	v22 =	vld [tilespmem:s30+$0x8C0]  }
0x35f: {  	v1 =	vadd.f32 v24, v1;
	v23 =	vld [tilespmem:s30+$0x18C0];
	v18 =	vadd.f32 v21, v18  }
0x360: {  	v21 =	vld [tilespmem:s30+$0x10C0]  }
0x361: {  	v19 =	vadd.f32 v20, v19;
	v1 =	vadd.f32 v1, v18  }
0x362: {  	v0 =	vmul.f32 v0, v11;
	v18 =	vmul.f32 v25, v16  }
0x363: {  	v20 =	vmul.f32 v27, v15;
	v24 =	vmul.f32 v28, v42;
	v1 =	vadd.f32 v1, v19  }
0x364: {  	v22 =	vmul.f32 v22, v13;
	v19 =	vmul.f32 v26, v46  }
0x365: {  	v62 =	vmul.f32 v21, v41;
	v21 =	vmul.f32 v23, v12;
	[tilespmem:s29+$0xFFFFFFA0] =	vst v1  }
0x366: {  	v0 =	vadd.f32 v18, v0;
	v18 =	vadd.f32 v20, v19;
	v23 =	vld [tilespmem:s30+$0xFFFFE030]  }
0x367: {  	v20 =	vadd.f32 v22, v24;
	v19 =	vld [tilespmem:s30+$0xFFFFE830];
	v1 =	vadd.f32 v21, v62  }
0x368: {  	v21 =	vld [tilespmem:s30+$0xFFFFF030]  }
0x369: {  	v22 =	vld [tilespmem:s30+$0xFFFFF830];
	v0 =	vadd.f32 v18, v0;
	v1 =	vadd.f32 v1, v20  }
0x36a: {  	v63 =	vld [tilespmem:s30+$0x1030]  }
0x36b: {  	v24 =	vld [tilespmem:s30+$0x1830];
	v0 =	vadd.f32 v1, v0  }
0x36c: {  	v18 =	vld [tilespmem:s30+$0x30]  }
0x36d: {  	v20 =	vld [tilespmem:s30+$0x830];
	[tilespmem:s29+$0x40] =	vst v0  }
0x36e: {  	v0 =	vld [tilespmem:s30+$0xFFFFE0D0]  }
0x36f: {  	v25 =	vld [tilespmem:s30+$0xFFFFE8D0]  }
0x370: {  	v26 =	vld [tilespmem:s30+$0xFFFFF0D0]  }
0x371: {  	v23 =	vmul.f32 v23, v8;
	v19 =	vmul.f32 v19, v9;
	v27 =	vld [tilespmem:s30+$0xFFFFF8D0]  }
0x372: {  	v21 =	vmul.f32 v21, v2;
	v22 =	vmul.f32 v22, v3;
	v28 =	vld [tilespmem:s30+$0xD0]  }
0x373: {  	v6 =	vmov v29;
	v1 =	vmul.f32 v63, v7;
	v18 =	vmul.f32 v18, v29;
	v29 =	vld [tilespmem:s30+$0x8D0]  }
0x374: {  	v24 =	vmul.f32 v24, v17;
	v20 =	vmul.f32 v20, v14;
	v30 =	vld [tilespmem:s30+$0x10D0]  }
0x375: {  	v19 =	vadd.f32 v19, v23;
	v21 =	vadd.f32 v22, v21;
	v22 =	vld [tilespmem:s30+$0x18D0]  }
0x376: {  	v1 =	vadd.f32 v24, v1;
	v18 =	vadd.f32 v20, v18  }
0x377: {  	[tilespmem:$0x1FC70] =	vst v11;
	v19 =	vadd.f32 v21, v19;
	v0 =	vmul.f32 v0, v11;
	v20 =	vmul.f32 v25, v16  }
0x378: {  	s31 =	simm.s32 $0x7200;
	[tilespmem:$0x1FC90] =	vst v16;
	v1 =	vadd.f32 v1, v18;
	v18 =	vmul.f32 v26, v46;
	v23 =	vmul.f32 v27, v15  }
0x379: {  	v21 =	vld [tilespmem:s31+$0xFFFFE080];
	[tilespmem:$0x1FCC0] =	vst v15;
	v25 =	vmul.f32 v28, v42;
	v26 =	vmul.f32 v29, v13  }
0x37a: {  	v24 =	vld [tilespmem:s31+$0xFFFFE880];
	[tilespmem:$0x1FCE0] =	vst v13;
	v22 =	vmul.f32 v22, v12;
	v1 =	vadd.f32 v1, v19;
	v19 =	vmul.f32 v30, v41  }
0x37b: {  	s11 =	simm.s32 $0x3;
	v27 =	vld [tilespmem:s31+$0xFFFFF080];
	[tilespmem:$0x1FD00] =	vst v41;
	v0 =	vadd.f32 v20, v0;
	v18 =	vadd.f32 v23, v18  }
0x37c: {  	[tilespmem:$0x1FD20] =	vst v12;
	v23 =	vmov s11;
	v25 =	vadd.f32 v26, v25;
	v19 =	vadd.f32 v22, v19  }
0x37d: {  	v28 =	vld [tilespmem:s31+$0xFFFFF880];
	v49 =	vperm.xlane v54, v23;
	v48 =	vperm.xlane v36, v23  }
0x37e: {  	v22 =	vld [tilespmem:s31+$0x1080];
	v47 =	vperm.xlane v35, v23;
	v0 =	vadd.f32 v18, v0;
	v19 =	vadd.f32 v19, v25  }
0x37f: {  	v29 =	vld [tilespmem:s31+$0x880];
	v50 =	vperm.xlane v34, v23;
	v51 =	vperm.xlane v33, v23  }
0x380: {  	v20 =	vld [tilespmem:s31+$0x80];
	v52 =	vperm.xlane v32, v23;
	v5 =	vperm.xlane v4, v23;
	v0 =	vadd.f32 v19, v0  }
0x381: {  	v39 =	vmovc v36;
	v36 =	vmov v33;
	v10 =	vperm.xlane v31, v23;
	v18 =	vld [tilespmem:s31+$0x1880];
	v33 =	vmul.f32 v21, v49  }
0x382: {  	v61 =	vld [tilespmem:s31+$0x0];
	v21 =	vmul.f32 v24, v48;
	v23 =	vmul.f32 v28, v50;
	[tilespmem:s29+$0x50] =	vst v0  }
0x383: {  	v19 =	vmul.f32 v27, v47;
	v43 =	vmul.f32 v22, v5;
	v22 =	vld [tilespmem:s30+$0xFFFFE0E0]  }
0x384: {  	[tilespmem:s29+$0xFFFFFFB0] =	vst v1;
	v1 =	vadd.f32 v21, v33;
	v21 =	vld [tilespmem:s30+$0xFFFFE8E0]  }
0x385: {  	v24 =	vmul.f32 v29, v52;
	v20 =	vmul.f32 v20, v51;
	v19 =	vadd.f32 v23, v19;
	v23 =	vld [tilespmem:s30+$0xFFFFF8E0]  }
0x386: {  	v18 =	vmul.f32 v18, v10;
	v44 =	vld [tilespmem:s30+$0x10E0]  }
0x387: {  	v20 =	vadd.f32 v24, v20;
	v24 =	vld [tilespmem:s30+$0x18E0]  }
0x388: {  	v0 =	vadd.f32 v18, v43;
	v18 =	vld [tilespmem:s30+$0xFFFFF0E0]  }
0x389: {  	v1 =	vadd.f32 v19, v1;
	v19 =	vld [tilespmem:s30+$0xE0]  }
0x38a: {  	v0 =	vadd.f32 v0, v20;
	v20 =	vld [tilespmem:s30+$0x8E0]  }
0x38b: {  	v26 =	vld [tilespmem:s30+$0xFFFFE040]  }
0x38c: {  	v55 =	vld [tilespmem:s30+$0xFFFFF840];
	v0 =	vadd.f32 v0, v1;
	v22 =	vmul.f32 v22, v11;
	v21 =	vmul.f32 v21, v16  }
0x38d: {  	s2 =	simm.s32 $0xA80;
	v56 =	vld [tilespmem:s30+$0x40];
	v23 =	vmul.f32 v23, v15;
	v1 =	vmul.f32 v44, v41  }
0x38e: {  	v28 =	vld [tilespmem:s30+$0xFFFFF040];
	v24 =	vmul.f32 v24, v12;
	v18 =	vmul.f32 v18, v46;
	[tilespmem:s2+$0x0] =	vst v0  }
0x38f: {  	v19 =	vmul.f32 v19, v42;
	v0 =	vld [tilespmem:s31+$0xFFFFE090];
	v20 =	vmul.f32 v20, v13  }
0x390: {  	v21 =	vadd.f32 v21, v22;
	v1 =	vadd.f32 v24, v1;
	v25 =	vld [tilespmem:s31+$0xFFFFE890]  }
0x391: {  	v29 =	vld [tilespmem:s31+$0xFFFFF090];
	v18 =	vadd.f32 v23, v18;
	v19 =	vadd.f32 v20, v19  }
0x392: {  	v37 =	vmov v34;
	v34 =	vmov v31;
	v31 =	vld [tilespmem:s31+$0x90]  }
0x393: {  	v45 =	vld [tilespmem:s31+$0x890];
	v18 =	vadd.f32 v18, v21;
	v1 =	vadd.f32 v1, v19  }
0x394: {  	v22 =	vld [tilespmem:s31+$0x1890]  }
0x395: {  	v60 =	vld [tilespmem:s31+$0x1090];
	v1 =	vadd.f32 v1, v18  }
0x396: {  	v30 =	vld [tilespmem:s31+$0xFFFFF890];
	v0 =	vmul.f32 v0, v49  }
0x397: {  	v27 =	vld [tilespmem:s30+$0xFFFFE840];
	v20 =	vmul.f32 v25, v48;
	v19 =	vmul.f32 v29, v47;
	[tilespmem:s29+$0x60] =	vst v1  }
0x398: {  	v25 =	vmul.f32 v31, v51;
	v29 =	vmul.f32 v45, v52;
	v1 =	vld [tilespmem:s30+$0xFFFFE0F0]  }
0x399: {  	v24 =	vld [tilespmem:s31+$0xFFFFE800];
	v22 =	vmul.f32 v22, v10  }
0x39a: {  	v21 =	vld [tilespmem:s31+$0xFFFFE000];
	v18 =	vmul.f32 v60, v5;
	v0 =	vadd.f32 v20, v0;
	v20 =	vadd.f32 v29, v25  }
0x39b: {  	v23 =	vmul.f32 v30, v50;
	v30 =	vld [tilespmem:s31+$0xFFFFF000]  }
0x39c: {  	v31 =	vld [tilespmem:s31+$0xFFFFF800];
	v18 =	vadd.f32 v22, v18  }
0x39d: {  	v29 =	vld [tilespmem:s31+$0x800];
	[tilespmem:$0x1FC80] =	vst v1  }
0x39e: {  	v62 =	vadd.f32 v18, v20;
	v20 =	vmov v7;
	v7 =	vld [tilespmem:s30+$0xFFFFE8F0];
	_ =	sdelay $0x4  }
0x39f: {  	[tilespmem:$0x1FCA0] =	vst v7  }
0x3a0: {  	v7 =	vld [tilespmem:s30+$0xFFFFF0F0]  }
0x3a1: {  	v19 =	vadd.f32 v23, v19;
	_ =	sdelay $0x1  }
0x3a2: {  	s13 =	simm.s32 $0x2;
	v0 =	vadd.f32 v19, v0  }
0x3a3: {  	v38 =	vmovc v35;
	v40 =	vmov v54;
	v63 =	vmov s13;
	v35 =	vmov v32  }
0x3a4: {  	v23 =	vperm.xlane v40, v63;
	v25 =	vperm.xlane v39, v63;
	v0 =	vadd.f32 v62, v0;
	[tilespmem:$0x1FCB0] =	vst v7  }
0x3a5: {  	v58 =	vperm.xlane v35, v63;
	v19 =	vperm.xlane v36, v63;
	v41 =	vld [tilespmem:s31+$0x1000]  }
0x3a6: {  	v53 =	vmul.f32 v21, v23;
	v43 =	vmul.f32 v24, v25;
	v54 =	vld [tilespmem:s31+$0x1800];
	[tilespmem:s2+$0x10] =	vst v0  }
0x3a7: {  	v21 =	vperm.xlane v34, v63;
	v7 =	vperm.xlane v38, v63;
	v57 =	vld [tilespmem:s31+$0xFFFFE0A0]  }
0x3a8: {  	v18 =	vperm.xlane v37, v63;
	v32 =	vmul.f32 v61, v19;
	v22 =	vld [tilespmem:s31+$0xFFFFE8A0]  }
0x3a9: {  	v24 =	vmov v7;
	v30 =	vmul.f32 v30, v7;
	v7 =	vperm.xlane v4, v63;
	v44 =	vld [tilespmem:s31+$0xFFFFF0A0]  }
0x3aa: {  	v31 =	vmul.f32 v31, v18;
	v29 =	vmul.f32 v29, v58;
	v59 =	vld [tilespmem:s31+$0xFFFFF8A0]  }
0x3ab: {  	v63 =	vld [tilespmem:s30+$0xF0];
	v1 =	vmul.f32 v41, v7;
	v54 =	vmul.f32 v54, v21  }
0x3ac: {  	v29 =	vadd.f32 v29, v32;
	v0 =	vadd.f32 v43, v53;
	v60 =	vld [tilespmem:s31+$0xA0]  }
0x3ad: {  	v45 =	vld [tilespmem:s31+$0x10A0];
	v30 =	vadd.f32 v31, v30;
	v1 =	vadd.f32 v54, v1  }
0x3ae: {  	v61 =	vld [tilespmem:s31+$0x18A0]  }
0x3af: {  	v31 =	vld [tilespmem:s31+$0x8A0];
	v0 =	vadd.f32 v30, v0;
	v1 =	vadd.f32 v1, v29  }
0x3b0: {  	v54 =	vld [tilespmem:s30+$0xFFFFF8F0];
	[tilespmem:$0x1FCD0] =	vst v63  }
0x3b1: {  	v30 =	vmul.f32 v22, v48;
	v22 =	vld [tilespmem:s30+$0x1040];
	v0 =	vadd.f32 v1, v0  }
0x3b2: {  	v12 =	vmov v39;
	v39 =	vmul.f32 v60, v51;
	v60 =	vld [tilespmem:s30+$0x1840]  }
0x3b3: {  	v29 =	vmul.f32 v57, v49;
	v57 =	vld [tilespmem:s30+$0x840];
	[tilespmem:s2+$0xFFFFFF80] =	vst v0  }
0x3b4: {  	v11 =	vmov v38;
	v15 =	vmul.f32 v44, v47;
	v38 =	vmul.f32 v59, v50;
	v43 =	vld [tilespmem:s31+$0xFFFFE010]  }
0x3b5: {  	v31 =	vmul.f32 v31, v52;
	v29 =	vadd.f32 v30, v29;
	v30 =	vld [tilespmem:s31+$0xFFFFE810]  }
0x3b6: {  	v13 =	vmovc v40;
	v40 =	vmul.f32 v45, v5;
	v41 =	vmul.f32 v61, v10;
	v1 =	vadd.f32 v38, v15;
	v44 =	vld [tilespmem:s31+$0xFFFFF010]  }
0x3b7: {  	v31 =	vadd.f32 v31, v39;
	v45 =	vld [tilespmem:s31+$0xFFFFF810]  }
0x3b8: {  	v0 =	vadd.f32 v41, v40;
	v1 =	vadd.f32 v1, v29;
	v29 =	vld [tilespmem:s31+$0x10]  }
0x3b9: {  	v26 =	vmul.f32 v26, v8;
	v27 =	vmul.f32 v27, v9;
	v63 =	vld [tilespmem:s31+$0x1010]  }
0x3ba: {  	v0 =	vadd.f32 v0, v31;
	v31 =	vld [tilespmem:s31+$0x810];
	[tilespmem:$0x1FE00] =	vst v6  }
0x3bb: {  	v26 =	vadd.f32 v27, v26;
	v62 =	vmul.f32 v28, v2;
	v28 =	vmul.f32 v55, v3;
	[tilespmem:$0x1FDF0] =	vst v14  }
0x3bc: {  	v27 =	vmul.f32 v56, v6;
	v40 =	vmul.f32 v22, v20;
	v38 =	vld [tilespmem:s31+$0x1810];
	v0 =	vadd.f32 v0, v1  }
0x3bd: {  	v39 =	vadd.f32 v28, v62;
	v28 =	vmul.f32 v60, v17;
	v15 =	vmul.f32 v57, v14  }
0x3be: {  	[tilespmem:s2+$0x20] =	vst v0  }
0x3bf: {  	v27 =	vadd.f32 v15, v27;
	v1 =	vadd.f32 v28, v40;
	[tilespmem:$0x1FDA0] =	vst v17  }
0x3c0: {  	v41 =	vmul.f32 v43, v23;
	v22 =	vld [tilespmem:s31+$0xFFFFE0B0]  }
0x3c1: {  	v1 =	vadd.f32 v1, v27;
	v27 =	vmul.f32 v63, v7;
	v43 =	vld [tilespmem:s31+$0xFFFFE8B0];
	v15 =	vmul.f32 v38, v21  }
0x3c2: {  	v28 =	vmul.f32 v44, v24;
	v44 =	vmul.f32 v45, v18;
	v45 =	vld [tilespmem:s31+$0xFFFFF0B0]  }
0x3c3: {  	v27 =	vadd.f32 v15, v27;
	v15 =	vld [tilespmem:s30+$0x8F0]  }
0x3c4: {  	v0 =	vadd.f32 v39, v26;
	v26 =	vmul.f32 v29, v19;
	v29 =	vmul.f32 v31, v58;
	v31 =	vld [tilespmem:s31+$0xFFFFF8B0]  }
0x3c5: {  	v38 =	vld [tilespmem:s31+$0xB0]  }
0x3c6: {  	v39 =	vld [tilespmem:s31+$0x8B0]  }
0x3c7: {  	v40 =	vld [tilespmem:s31+$0x18B0]  }
0x3c8: {  	v26 =	vadd.f32 v29, v26;
	v29 =	vld [tilespmem:s31+$0x10B0];
	[tilespmem:$0x1FCF0] =	vst v15  }
0x3c9: {  	v15 =	vld [tilespmem:s30+$0x10F0];
	_ =	sdelay $0x3  }
0x3ca: {  	v30 =	vmul.f32 v30, v25  }
0x3cb: {  	[tilespmem:$0x1FD10] =	vst v15  }
0x3cc: {  	v30 =	vadd.f32 v30, v41;
	v28 =	vadd.f32 v44, v28;
	v15 =	vld [tilespmem:s30+$0x18F0];
	_ =	sdelay $0x1  }
0x3cd: {  	v28 =	vadd.f32 v28, v30;
	v26 =	vadd.f32 v27, v26  }
0x3ce: {  	v27 =	vmul.f32 v22, v49;
	v30 =	vmul.f32 v43, v48  }
0x3cf: {  	v43 =	vmul.f32 v38, v51;
	v32 =	vmul.f32 v39, v52;
	v41 =	vadd.f32 v26, v28  }
0x3d0: {  	s0 =	simm.s32 $0x7300;
	v0 =	vadd.f32 v1, v0;
	v1 =	vmul.f32 v40, v10;
	v26 =	vmul.f32 v45, v47;
	[tilespmem:$0x1FD30] =	vst v15  }
0x3d1: {  	v28 =	vmul.f32 v31, v50;
	v44 =	vmul.f32 v29, v5;
	[tilespmem:s2+$0xFFFFFF90] =	vst v41;
	v60 =	vld [tilespmem:s0+$0x880]  }
0x3d2: {  	v27 =	vadd.f32 v30, v27;
	v30 =	vadd.f32 v32, v43;
	v29 =	vld [tilespmem:s31+$0xFFFFE020]  }
0x3d3: {  	v26 =	vadd.f32 v28, v26;
	[tilespmem:s29+$0xFFFFFFC0] =	vst v0;
	v0 =	vadd.f32 v1, v44;
	v28 =	vld [tilespmem:s31+$0xFFFFE820]  }
0x3d4: {  	v45 =	vld [tilespmem:s31+$0xFFFFF020]  }
0x3d5: {  	v26 =	vadd.f32 v26, v27;
	v53 =	vld [tilespmem:s31+$0xFFFFF820];
	v0 =	vadd.f32 v0, v30  }
0x3d6: {  	v27 =	vld [tilespmem:s31+$0x20]  }
0x3d7: {  	v55 =	vld [tilespmem:s31+$0x1820];
	v0 =	vadd.f32 v0, v26  }
0x3d8: {  	v30 =	vld [tilespmem:s31+$0x820]  }
0x3d9: {  	v26 =	vld [tilespmem:s31+$0x1020];
	[tilespmem:s2+$0x30] =	vst v0  }
0x3da: {  	v0 =	vld [tilespmem:s31+$0xFFFFE0C0]  }
0x3db: {  	v15 =	vld [tilespmem:s31+$0xFFFFE8C0]  }
0x3dc: {  	v38 =	vld [tilespmem:s31+$0xFFFFF0C0]  }
0x3dd: {  	v29 =	vmul.f32 v29, v23;
	v28 =	vmul.f32 v28, v25;
	v39 =	vld [tilespmem:s31+$0xFFFFF8C0]  }
0x3de: {  	v1 =	vmul.f32 v45, v24;
	v32 =	vmul.f32 v53, v18;
	v62 =	vld [tilespmem:s31+$0xC0]  }
0x3df: {  	v27 =	vmul.f32 v27, v19;
	v30 =	vmul.f32 v30, v58;
	v63 =	vld [tilespmem:s31+$0x8C0]  }
0x3e0: {  	v33 =	vmul.f32 v55, v21;
	v28 =	vadd.f32 v28, v29;
	v29 =	vld [tilespmem:s31+$0x10C0];
	v26 =	vmul.f32 v26, v7  }
0x3e1: {  	v1 =	vadd.f32 v32, v1;
	v27 =	vadd.f32 v30, v27;
	v30 =	vld [tilespmem:s31+$0x18C0]  }
0x3e2: {  	v31 =	vld [tilespmem:s30+$0xFFFFE050];
	v26 =	vadd.f32 v33, v26  }
0x3e3: {  	v22 =	vld [tilespmem:s30+$0xFFFFE850];
	v1 =	vadd.f32 v1, v28;
	v0 =	vmul.f32 v0, v49;
	v43 =	vmul.f32 v38, v47  }
0x3e4: {  	v41 =	vld [tilespmem:s30+$0x50];
	v44 =	vmul.f32 v39, v50;
	v53 =	vmul.f32 v63, v52;
	v26 =	vadd.f32 v26, v27  }
0x3e5: {  	v40 =	vld [tilespmem:s30+$0xFFFFF050];
	v27 =	vmul.f32 v15, v48;
	v29 =	vmul.f32 v29, v5  }
0x3e6: {  	v45 =	vld [tilespmem:s30+$0x850];
	v30 =	vmul.f32 v30, v10;
	v1 =	vadd.f32 v26, v1;
	v26 =	vmul.f32 v62, v51  }
0x3e7: {  	v55 =	vld [tilespmem:s30+$0x1050];
	v0 =	vadd.f32 v27, v0;
	v27 =	vadd.f32 v44, v43  }
0x3e8: {  	v28 =	vld [tilespmem:s30+$0xFFFFF850];
	v29 =	vadd.f32 v30, v29;
	v26 =	vadd.f32 v53, v26  }
0x3e9: {  	v33 =	vmul.f32 v41, v6;
	v41 =	vld [tilespmem:s0+$0xFFFFF080]  }
0x3ea: {  	v39 =	vld [tilespmem:s0+$0x1080];
	v0 =	vadd.f32 v27, v0;
	v26 =	vadd.f32 v29, v26  }
0x3eb: {  	v15 =	vld [tilespmem:s30+$0x1850];
	[tilespmem:s2+$0xFFFFFFA0] =	vst v1  }
0x3ec: {  	v59 =	vld [tilespmem:s31+$0xFFFFE030];
	v0 =	vadd.f32 v26, v0  }
0x3ed: {  	v61 =	vmul.f32 v45, v14;
	v30 =	vld [tilespmem:s31+$0xFFFFE830]  }
0x3ee: {  	v28 =	vmul.f32 v28, v3;
	v38 =	vld [tilespmem:s31+$0xFFFFF030];
	v26 =	vmul.f32 v40, v2;
	[tilespmem:s2+$0x40] =	vst v0  }
0x3ef: {  	v29 =	vmul.f32 v31, v8;
	v31 =	vmul.f32 v22, v9;
	v45 =	vld [tilespmem:s31+$0xFFFFE0D0]  }
0x3f0: {  	v44 =	vmul.f32 v55, v20;
	v1 =	vmul.f32 v15, v17;
	v26 =	vadd.f32 v28, v26;
	v28 =	vld [tilespmem:s31+$0xFFFFE8D0]  }
0x3f1: {  	v29 =	vadd.f32 v31, v29;
	v53 =	vld [tilespmem:s31+$0xFFFFF0D0]  }
0x3f2: {  	v31 =	vadd.f32 v61, v33;
	v0 =	vadd.f32 v1, v44;
	v55 =	vld [tilespmem:s31+$0xFFFFF8D0]  }
0x3f3: {  	v14 =	vld [tilespmem:s31+$0x18D0]  }
0x3f4: {  	v26 =	vadd.f32 v26, v29;
	v0 =	vadd.f32 v0, v31;
	v29 =	vld [tilespmem:s31+$0xD0]  }
0x3f5: {  	v31 =	vld [tilespmem:s31+$0x8D0]  }
0x3f6: {  	v0 =	vadd.f32 v0, v26;
	v26 =	vld [tilespmem:s31+$0x10D0]  }
0x3f7: {  	v27 =	vld [tilespmem:s31+$0xFFFFF830]  }
0x3f8: {  	v22 =	vld [tilespmem:s31+$0x30];
	v63 =	vmul.f32 v45, v49;
	v28 =	vmul.f32 v28, v48  }
0x3f9: {  	v32 =	vld [tilespmem:s31+$0x830];
	v1 =	vmul.f32 v53, v47;
	v33 =	vmul.f32 v55, v50  }
0x3fa: {  	v62 =	vld [tilespmem:s31+$0x1030];
	v61 =	vmul.f32 v14, v10;
	v29 =	vmul.f32 v29, v51  }
0x3fb: {  	v15 =	vld [tilespmem:s31+$0x1830];
	v31 =	vmul.f32 v31, v52;
	v26 =	vmul.f32 v26, v5  }
0x3fc: {  	v40 =	vld [tilespmem:s0+$0xFFFFF880];
	v28 =	vadd.f32 v28, v63;
	v1 =	vadd.f32 v33, v1  }
0x3fd: {  	v43 =	vmul.f32 v22, v19;
	v22 =	vld [tilespmem:s0+$0x1880];
	[tilespmem:s29+$0xFFFFFFD0] =	vst v0;
	v29 =	vadd.f32 v31, v29;
	v26 =	vadd.f32 v61, v26  }
0x3fe: {  	v57 =	vld [tilespmem:s30+$0xFFFFE060]  }
0x3ff: {  	v55 =	vld [tilespmem:s30+$0xFFFFE860];
	v1 =	vadd.f32 v1, v28;
	v26 =	vadd.f32 v26, v29  }
0x400: {  	v27 =	vmul.f32 v27, v18;
	v63 =	vld [tilespmem:s0+$0xFFFFE080]  }
0x401: {  	s5 =	simm.s32 $0x5;
	v56 =	vld [tilespmem:s30+$0xFFFFF060];
	v28 =	vmul.f32 v59, v23;
	v29 =	vmul.f32 v30, v25;
	v1 =	vadd.f32 v26, v1  }
0x402: {  	v44 =	vmov s5;
	v0 =	vmul.f32 v15, v21;
	v59 =	vld [tilespmem:s0+$0x80];
	v26 =	vmul.f32 v38, v24  }
0x403: {  	v33 =	vperm.xlane v34, v44;
	v61 =	vld [tilespmem:s0+$0xFFFFE880];
	v30 =	vadd.f32 v29, v28;
	v29 =	vperm.xlane v13, v44;
	[tilespmem:s2+$0x50] =	vst v1  }
0x404: {  	v31 =	vadd.f32 v27, v26;
	v26 =	vmul.f32 v32, v58;
	v27 =	vmul.f32 v62, v7;
	v62 =	vld [tilespmem:s31+$0xFFFFE0E0]  }
0x405: {  	v16 =	vmov v34;
	v28 =	vperm.xlane v11, v44;
	v63 =	vmul.f32 v63, v29;
	v34 =	vld [tilespmem:s31+$0x8E0]  }
0x406: {  	v6 =	vmovc v37;
	v32 =	vadd.f32 v26, v43;
	v0 =	vadd.f32 v0, v27;
	v27 =	vperm.xlane v37, v44;
	v37 =	vld [tilespmem:s31+$0xFFFFF0E0]  }
0x407: {  	v15 =	vmovc v35;
	v26 =	vperm.xlane v12, v44;
	v45 =	vadd.f32 v31, v30;
	v31 =	vperm.xlane v35, v44;
	v35 =	vld [tilespmem:s31+$0xE0]  }
0x408: {  	v14 =	vmovc v36;
	v30 =	vperm.xlane v36, v44;
	v36 =	vld [tilespmem:s31+$0xFFFFF8E0];
	v0 =	vadd.f32 v0, v32;
	v32 =	vperm.xlane v4, v44  }
0x409: {  	v17 =	vmov v4;
	v38 =	vld [tilespmem:s31+$0xFFFFE8E0];
	v61 =	vmul.f32 v61, v26;
	v4 =	vmul.f32 v41, v28  }
0x40a: {  	v41 =	vld [tilespmem:s31+$0x10E0];
	v59 =	vmul.f32 v59, v30;
	v60 =	vmul.f32 v60, v31  }
0x40b: {  	v44 =	vld [tilespmem:s30+$0x60];
	v0 =	vadd.f32 v0, v45;
	v1 =	vmul.f32 v39, v32;
	v39 =	vmul.f32 v22, v33  }
0x40c: {  	v61 =	vadd.f32 v61, v63;
	v63 =	vld [tilespmem:s31+$0x18E0];
	v34 =	vmul.f32 v34, v52;
	v35 =	vmul.f32 v35, v51  }
0x40d: {  	v53 =	vld [tilespmem:s30+$0xFFFFF860];
	v37 =	vmul.f32 v37, v47;
	v36 =	vmul.f32 v36, v50;
	[tilespmem:s2+$0xFFFFFFB0] =	vst v0  }
0x40e: {  	v40 =	vmul.f32 v40, v27;
	v45 =	vadd.f32 v60, v59;
	v34 =	vadd.f32 v34, v35;
	v35 =	vld [tilespmem:$0x1FC70]  }
0x40f: {  	v1 =	vadd.f32 v39, v1;
	v36 =	vadd.f32 v36, v37;
	v37 =	vld [tilespmem:$0x1FC80]  }
0x410: {  	v38 =	vmul.f32 v38, v48;
	v0 =	vadd.f32 v40, v4;
	v4 =	vmul.f32 v62, v49;
	v40 =	vld [tilespmem:$0x1FCA0]  }
0x411: {  	[tilespmem:$0x1FE10] =	vst v44;
	v44 =	vmul.f32 v41, v5;
	v41 =	vld [tilespmem:$0x1FCB0];
	v1 =	vadd.f32 v1, v45;
	v45 =	vmul.f32 v63, v10  }
0x412: {  	v60 =	vld [tilespmem:s31+$0xFFFFE040];
	v0 =	vadd.f32 v0, v61  }
0x413: {  	v39 =	vld [tilespmem:s31+$0xFFFFE840];
	v38 =	vadd.f32 v38, v4;
	v4 =	vadd.f32 v45, v44  }
0x414: {  	v61 =	vld [tilespmem:s31+$0xFFFFF040];
	v0 =	vadd.f32 v1, v0  }
0x415: {  	s15 =	simm.s32 $0xB80;
	v36 =	vadd.f32 v36, v38;
	v38 =	vld [tilespmem:$0x1FC90];
	v34 =	vadd.f32 v4, v34  }
0x416: {  	v41 =	vmul.f32 v41, v46;
	v46 =	vld [tilespmem:$0x1FCC0];
	[tilespmem:s15+$0x0] =	vst v0  }
0x417: {  	v0 =	vadd.f32 v34, v36;
	v34 =	vld [tilespmem:$0x1FCE0]  }
0x418: {  	v36 =	vld [tilespmem:$0x1FCF0]  }
0x419: {  	v62 =	vld [tilespmem:s31+$0xFFFFF840]  }
0x41a: {  	v59 =	vld [tilespmem:s31+$0x40]  }
0x41b: {  	v43 =	vld [tilespmem:s0+$0xFFFFE000]  }
0x41c: {  	v40 =	vmul.f32 v40, v38;
	v38 =	vld [tilespmem:$0x1FD00]  }
0x41d: {  	v36 =	vmul.f32 v36, v34;
	v34 =	vld [tilespmem:$0x1FD10]  }
0x41e: {  	v63 =	vld [tilespmem:s0+$0xFFFFF800]  }
0x41f: {  	v44 =	vld [tilespmem:s0+$0xFFFFE800]  }
0x420: {  	v4 =	vld [tilespmem:$0x1FCD0]  }
0x421: {  	v1 =	vld [tilespmem:$0x1FD20]  }
0x422: {  	v34 =	vmul.f32 v34, v38;
	v38 =	vld [tilespmem:$0x1FD30]  }
0x423: {  	v45 =	vld [tilespmem:s0+$0xFFFFF000];
	v37 =	vmul.f32 v37, v35;
	v54 =	vmul.f32 v54, v46  }
0x424: {  	v46 =	vld [tilespmem:s0+$0x0]  }
0x425: {  	v37 =	vadd.f32 v40, v37;
	v35 =	vmul.f32 v4, v42;
	v42 =	vld [tilespmem:s0+$0xFFFFE090];
	v54 =	vadd.f32 v54, v41;
	[tilespmem:s2+$0x60] =	vst v0  }
0x426: {  	v41 =	vld [tilespmem:s31+$0xFFFFE0F0]  }
0x427: {  	v4 =	vadd.f32 v54, v37;
	v54 =	vld [tilespmem:s31+$0xFFFFF0F0];
	v1 =	vmul.f32 v38, v1  }
0x428: {  	v38 =	vld [tilespmem:s0+$0xFFFFE890]  }
0x429: {  	v1 =	vadd.f32 v1, v34;
	v34 =	vld [tilespmem:s31+$0xFFFFE8F0];
	[tilespmem:$0x1FD40] =	vst v2  }
0x42a: {  	[tilespmem:$0x1FD50] =	vst v3  }
0x42b: {  	v53 =	vmul.f32 v53, v3;
	v40 =	vmul.f32 v55, v9;
	v55 =	vld [tilespmem:s31+$0xFFFFF8F0]  }
0x42c: {  	s14 =	simm.s32 $0x4;
	v39 =	vmul.f32 v39, v25;
	v37 =	vmul.f32 v57, v8;
	v35 =	vadd.f32 v36, v35;
	v57 =	vld [tilespmem:s0+$0xFFFFF090]  }
0x42d: {  	v36 =	vmul.f32 v61, v24;
	v61 =	vmov s14;
	v49 =	vmul.f32 v41, v49;
	v0 =	vld [tilespmem:s0+$0x90]  }
0x42e: {  	v1 =	vadd.f32 v1, v35;
	v35 =	vmul.f32 v56, v2;
	v56 =	vmul.f32 v60, v23;
	v60 =	vld [tilespmem:s0+$0xFFFFF890];
	[tilespmem:$0x1FD60] =	vst v13  }
0x42f: {  	v47 =	vmul.f32 v54, v47;
	v41 =	vperm.xlane v12, v61;
	v54 =	vld [tilespmem:s0+$0x890];
	[tilespmem:$0x1FD70] =	vst v12  }
0x430: {  	v62 =	vmul.f32 v62, v18;
	v3 =	vperm.xlane v13, v61;
	v35 =	vadd.f32 v53, v35;
	v53 =	vld [tilespmem:s0+$0x1090];
	[tilespmem:$0x1FD80] =	vst v11  }
0x431: {  	v44 =	vmul.f32 v44, v41;
	v39 =	vadd.f32 v39, v56;
	v56 =	vld [tilespmem:s0+$0x800]  }
0x432: {  	v36 =	vadd.f32 v62, v36;
	v43 =	vmul.f32 v43, v3;
	v50 =	vmul.f32 v55, v50;
	v55 =	vld [tilespmem:s0+$0x1890]  }
0x433: {  	v37 =	vadd.f32 v40, v37;
	v13 =	vmul.f32 v38, v26;
	v38 =	vmul.f32 v57, v28;
	v57 =	vld [tilespmem:s31+$0xF0]  }
0x434: {  	v42 =	vmul.f32 v42, v29;
	v4 =	vadd.f32 v1, v4;
	v1 =	vadd.f32 v36, v39;
	v39 =	vld [tilespmem:s31+$0x8F0];
	[tilespmem:$0x1FD90] =	vst v6  }
0x435: {  	v2 =	vperm.xlane v11, v61;
	v43 =	vadd.f32 v44, v43;
	v12 =	vmul.f32 v60, v27;
	v60 =	vld [tilespmem:s0+$0x1000]  }
0x436: {  	v42 =	vadd.f32 v13, v42;
	v0 =	vmul.f32 v0, v30;
	v44 =	vmul.f32 v54, v31;
	v54 =	vld [tilespmem:s31+$0x10F0]  }
0x437: {  	v62 =	vadd.f32 v35, v37;
	v37 =	vmul.f32 v53, v32;
	v13 =	vmul.f32 v55, v33;
	v55 =	vld [tilespmem:s31+$0x18F0];
	[tilespmem:$0x1FDB0] =	vst v14  }
0x438: {  	v48 =	vmul.f32 v34, v48;
	v34 =	vperm.xlane v6, v61;
	v53 =	vld [tilespmem:s0+$0x1800];
	[tilespmem:$0x1FDC0] =	vst v15  }
0x439: {  	v0 =	vadd.f32 v44, v0;
	v51 =	vmul.f32 v57, v51;
	v13 =	vadd.f32 v13, v37;
	v57 =	vld [tilespmem:s31+$0x840]  }
0x43a: {  	v35 =	vmul.f32 v45, v2;
	v38 =	vadd.f32 v12, v38;
	v12 =	vmul.f32 v63, v34;
	v44 =	vld [tilespmem:s31+$0x1040]  }
0x43b: {  	v22 =	vperm.xlane v15, v61;
	v0 =	vadd.f32 v13, v0;
	v13 =	vmul.f32 v39, v52;
	v52 =	vld [tilespmem:s31+$0x1840];
	[tilespmem:$0x1FDD0] =	vst v17  }
0x43c: {  	v63 =	vld [tilespmem:$0x1FDA0];
	v45 =	vadd.f32 v12, v35;
	[tilespmem:$0x1FDE0] =	vst v16  }
0x43d: {  	v38 =	vadd.f32 v38, v42;
	v12 =	vmul.f32 v56, v22;
	v37 =	vperm.xlane v14, v61;
	v56 =	vld [tilespmem:s30+$0x860]  }
0x43e: {  	v15 =	vmul.f32 v55, v10;
	v55 =	vld [tilespmem:s30+$0x1060]  }
0x43f: {  	v35 =	vmul.f32 v46, v37;
	v36 =	vld [tilespmem:s30+$0x1860];
	v0 =	vadd.f32 v0, v38;
	v38 =	vperm.xlane v17, v61  }
0x440: {  	v48 =	vadd.f32 v48, v49;
	v39 =	vperm.xlane v16, v61;
	v61 =	vld [tilespmem:$0x1FDF0]  }
0x441: {  	v47 =	vadd.f32 v50, v47;
	v42 =	vadd.f32 v12, v35;
	v35 =	vmul.f32 v60, v38;
	v60 =	vld [tilespmem:$0x1FE00];
	[tilespmem:s15+$0x10] =	vst v0  }
0x442: {  	v53 =	vmul.f32 v53, v39;
	v50 =	vld [tilespmem:s0+$0xFFFFE0A0]  }
0x443: {  	v47 =	vadd.f32 v47, v48;
	v14 =	vmul.f32 v54, v5;
	v46 =	vadd.f32 v13, v51;
	v51 =	vld [tilespmem:s0+$0xFFFFE8A0]  }
0x444: {  	v43 =	vadd.f32 v45, v43;
	v54 =	vld [tilespmem:$0x1FE10];
	v49 =	vadd.f32 v53, v35  }
0x445: {  	v13 =	vmul.f32 v59, v19;
	v45 =	vadd.f32 v15, v14;
	v57 =	vmul.f32 v57, v58;
	v48 =	vld [tilespmem:s0+$0xFFFFF0A0]  }
0x446: {  	v44 =	vmul.f32 v44, v7;
	v14 =	vmul.f32 v52, v21;
	v59 =	vld [tilespmem:s0+$0x8A0];
	v42 =	vadd.f32 v49, v42  }
0x447: {  	v55 =	vmul.f32 v55, v20;
	v35 =	vadd.f32 v57, v13;
	v15 =	vmul.f32 v56, v61;
	v56 =	vld [tilespmem:s0+$0xA0]  }
0x448: {  	v0 =	vmul.f32 v36, v63;
	v53 =	vld [tilespmem:s0+$0x18A0];
	v44 =	vadd.f32 v14, v44;
	v42 =	vadd.f32 v42, v43  }
0x449: {  	v45 =	vadd.f32 v45, v46;
	v49 =	vld [tilespmem:s0+$0xFFFFF8A0];
	v12 =	vmul.f32 v54, v60  }
0x44a: {  	v46 =	vld [tilespmem:s0+$0x10A0];
	v0 =	vadd.f32 v0, v55;
	v36 =	vadd.f32 v44, v35;
	[tilespmem:s15+$0xFFFFFF80] =	vst v42  }
0x44b: {  	v13 =	vmul.f32 v50, v29;
	v14 =	vmul.f32 v51, v26;
	v52 =	vadd.f32 v15, v12;
	v5 =	vld [tilespmem:s0+$0xFFFFE010]  }
0x44c: {  	v45 =	vadd.f32 v45, v47;
	v48 =	vmul.f32 v48, v28;
	v35 =	vmul.f32 v56, v30;
	v12 =	vld [tilespmem:s0+$0xFFFFE810]  }
0x44d: {  	v1 =	vadd.f32 v36, v1;
	v36 =	vmul.f32 v59, v31;
	v42 =	vld [tilespmem:s0+$0xFFFFF010];
	v0 =	vadd.f32 v0, v52  }
0x44e: {  	v40 =	vmovc v18;
	v18 =	vmov v7;
	[tilespmem:s29+$0x70] =	vst v4;
	v53 =	vmul.f32 v53, v33;
	v15 =	vmul.f32 v49, v27;
	v43 =	vld [tilespmem:s0+$0xFFFFF810]  }
0x44f: {  	[tilespmem:s2+$0x70] =	vst v45;
	v49 =	vadd.f32 v14, v13;
	v44 =	vld [tilespmem:s0+$0x10];
	v0 =	vadd.f32 v0, v62;
	v62 =	vmul.f32 v46, v32  }
0x450: {  	s13 =	simm.s32 $0xB80;
	v57 =	vmovc v3;
	[tilespmem:s2+$0xFFFFFFC0] =	vst v1;
	v45 =	vld [tilespmem:s0+$0x810];
	v51 =	vadd.f32 v36, v35;
	v50 =	vadd.f32 v15, v48;
	v35 =	vmov v2  }
0x451: {  	s11 =	sor.u32 $0x10, s28;
	s5 =	simm.s32 $0x6;
	s14 =	simm.s32 $0x7300;
	v47 =	vld [tilespmem:s0+$0x1010];
	[tilespmem:s29+$0xFFFFFFE0] =	vst v0;
	v46 =	vmul.f32 v5, v3;
	v52 =	vadd.f32 v53, v62;
	v48 =	vmul.f32 v12, v41  }
.LBB2_9:
0x452: {  	v0 =	vld [tilespmem:s0+$0x1810]  }
0x453: {  	v53 =	vld [tilespmem:s31+$0xFFFFE850]  }
0x454: {  	v59 =	vld [tilespmem:s31+$0xFFFFF050]  }
0x455: {  	v62 =	vld [tilespmem:s31+$0xFFFFF850];
	v15 =	vadd.f32 v50, v49;
	v36 =	vadd.f32 v52, v51  }
0x456: {  	v4 =	vld [tilespmem:s31+$0x50]  }
0x457: {  	v6 =	vld [tilespmem:$0x1FDC0];
	v1 =	vmul.f32 v42, v35;
	v14 =	vmul.f32 v43, v34;
	v43 =	vadd.f32 v36, v15  }
0x458: {  	v7 =	vld [tilespmem:$0x1FDD0];
	v44 =	vmul.f32 v44, v37;
	v56 =	vmul.f32 v45, v22  }
0x459: {  	v52 =	vld [tilespmem:s31+$0xFFFFE050];
	v47 =	vmul.f32 v47, v38;
	v0 =	vmul.f32 v0, v39;
	[tilespmem:s15+$0x20] =	vst v43  }
0x45a: {  	v46 =	vadd.f32 v48, v46;
	v1 =	vadd.f32 v14, v1;
	v5 =	vld [tilespmem:s0+$0xFFFFE0B0]  }
0x45b: {  	v42 =	vadd.f32 v56, v44;
	v55 =	vld [tilespmem:s0+$0xFFFFE8B0];
	v0 =	vadd.f32 v0, v47  }
0x45c: {  	v56 =	vld [tilespmem:s0+$0xFFFFF0B0]  }
0x45d: {  	v12 =	vld [tilespmem:s0+$0xFFFFF8B0];
	v1 =	vadd.f32 v1, v46;
	v0 =	vadd.f32 v0, v42  }
0x45e: {  	v14 =	vld [tilespmem:s0+$0xB0]  }
0x45f: {  	v15 =	vld [tilespmem:s0+$0x8B0];
	v0 =	vadd.f32 v0, v1  }
0x460: {  	v48 =	vmul.f32 v53, v25;
	v36 =	vld [tilespmem:s0+$0x10B0]  }
0x461: {  	v45 =	vmul.f32 v59, v24;
	v13 =	vmul.f32 v62, v40;
	v59 =	vld [tilespmem:s0+$0x18B0];
	[tilespmem:s15+$0xFFFFFF90] =	vst v0  }
0x462: {  	v43 =	vmul.f32 v4, v19;
	v54 =	vmul.f32 v52, v23;
	v62 =	vld [tilespmem:s0+$0xFFFFE020]  }
0x463: {  	v44 =	vmul.f32 v5, v29;
	v47 =	vmul.f32 v55, v26;
	v4 =	vld [tilespmem:s0+$0xFFFFE820]  }
0x464: {  	v50 =	vmul.f32 v56, v28;
	v42 =	vmul.f32 v12, v27;
	v5 =	vld [tilespmem:s0+$0xFFFFF020]  }
0x465: {  	v45 =	vadd.f32 v13, v45;
	v49 =	vmul.f32 v14, v30;
	v1 =	vmul.f32 v15, v31;
	v53 =	vld [tilespmem:s0+$0xFFFFF820]  }
0x466: {  	v46 =	vadd.f32 v48, v54;
	v48 =	vmul.f32 v36, v32;
	v0 =	vmul.f32 v59, v33;
	v54 =	vld [tilespmem:s0+$0x20]  }
0x467: {  	v44 =	vadd.f32 v47, v44;
	v42 =	vadd.f32 v42, v50;
	v55 =	vld [tilespmem:s0+$0x820]  }
0x468: {  	v1 =	vadd.f32 v1, v49;
	v13 =	vld [tilespmem:s0+$0x1820];
	v0 =	vadd.f32 v0, v48  }
0x469: {  	v47 =	vld [tilespmem:s0+$0x1020]  }
0x46a: {  	v36 =	vld [tilespmem:s31+$0x850];
	v42 =	vadd.f32 v42, v44;
	v0 =	vadd.f32 v0, v1  }
0x46b: {  	v45 =	vadd.f32 v45, v46;
	v46 =	vmul.f32 v62, v57;
	v12 =	vmul.f32 v4, v41;
	v62 =	vld [tilespmem:s31+$0x1050]  }
0x46c: {  	v14 =	vmul.f32 v5, v35;
	v15 =	vmul.f32 v53, v34;
	v0 =	vadd.f32 v0, v42;
	v5 =	vld [tilespmem:s31+$0x1850]  }
0x46d: {  	v59 =	vmul.f32 v54, v37;
	v48 =	vmul.f32 v13, v39;
	v13 =	vld [tilespmem:s30+$0xFFFFE870]  }
0x46e: {  	v4 =	vmul.f32 v55, v22;
	v47 =	vmul.f32 v47, v38;
	v56 =	vadd.f32 v12, v46;
	v12 =	vld [tilespmem:s30+$0xFFFFE070];
	[tilespmem:s15+$0x30] =	vst v0  }
0x46f: {  	v49 =	vadd.f32 v15, v14;
	v14 =	vld [tilespmem:s0+$0xFFFFE0C0]  }
0x470: {  	v1 =	vmul.f32 v36, v58;
	v46 =	vadd.f32 v4, v59;
	v47 =	vadd.f32 v48, v47;
	v15 =	vld [tilespmem:s0+$0xFFFFE8C0]  }
0x471: {  	v36 =	vld [tilespmem:s0+$0xFFFFF0C0];
	v50 =	vmul.f32 v62, v18;
	v42 =	vmul.f32 v5, v21  }
0x472: {  	v55 =	vld [tilespmem:s0+$0xFFFFF8C0];
	v44 =	vadd.f32 v49, v56;
	v54 =	vadd.f32 v47, v46  }
0x473: {  	v3 =	vmovc v23;
	v23 =	vmov v57;
	v1 =	vadd.f32 v1, v43;
	v57 =	vld [tilespmem:s0+$0xC0];
	v42 =	vadd.f32 v42, v50  }
0x474: {  	[tilespmem:$0x1FC20] =	vst v58;
	v59 =	vld [tilespmem:s0+$0x8C0];
	v58 =	vadd.f32 v54, v44  }
0x475: {  	v4 =	vld [tilespmem:s0+$0x18C0];
	v1 =	vadd.f32 v42, v1  }
0x476: {  	v62 =	vld [tilespmem:s0+$0x10C0];
	[tilespmem:s15+$0xFFFFFFA0] =	vst v58  }
0x477: {  	v2 =	vmov v25;
	v25 =	vmov v41;
	v41 =	vld [tilespmem:s0+$0xFFFFE030];
	v1 =	vadd.f32 v1, v45  }
0x478: {  	v5 =	vld [tilespmem:s0+$0xFFFFE830]  }
0x479: {  	v0 =	vmul.f32 v13, v9;
	v56 =	vmul.f32 v12, v8;
	v13 =	vld [tilespmem:s0+$0xFFFFF030];
	[tilespmem:s2+$0xFFFFFFD0] =	vst v1  }
0x47a: {  	v12 =	vmul.f32 v14, v29;
	v48 =	vmul.f32 v15, v26;
	v1 =	vld [tilespmem:s0+$0xFFFFF830]  }
0x47b: {  	v14 =	vmul.f32 v36, v28;
	v46 =	vmul.f32 v55, v27;
	v0 =	vadd.f32 v0, v56;
	v15 =	vld [tilespmem:s0+$0x30]  }
0x47c: {  	[tilespmem:$0x1FC30] =	vst v18;
	v18 =	vmov v40;
	v40 =	vmul.f32 v57, v30;
	v43 =	vmul.f32 v59, v31;
	v36 =	vld [tilespmem:s0+$0x830]  }
0x47d: {  	v44 =	vmul.f32 v62, v32;
	[tilespmem:$0x1FC60] =	vst v0;
	v0 =	vmul.f32 v4, v33;
	v53 =	vld [tilespmem:s0+$0x1030]  }
0x47e: {  	v47 =	vadd.f32 v48, v12;
	v46 =	vadd.f32 v46, v14;
	v54 =	vld [tilespmem:s0+$0x1830]  }
0x47f: {  	v40 =	vadd.f32 v43, v40;
	v0 =	vadd.f32 v0, v44;
	v58 =	vld [tilespmem:s31+$0xFFFFE860]  }
0x480: {  	v56 =	vld [tilespmem:s31+$0xFFFFE060]  }
0x481: {  	v46 =	vadd.f32 v46, v47;
	v62 =	vld [tilespmem:s31+$0xFFFFF060];
	v0 =	vadd.f32 v0, v40  }
0x482: {  	v41 =	vmul.f32 v41, v23;
	v45 =	vmul.f32 v5, v25;
	v4 =	vld [tilespmem:s31+$0xFFFFF860]  }
0x483: {  	[tilespmem:$0x1FC40] =	vst v3;
	v55 =	vmul.f32 v13, v35;
	v12 =	vld [tilespmem:s31+$0x60];
	v0 =	vadd.f32 v0, v46;
	v1 =	vmul.f32 v1, v34  }
0x484: {  	[tilespmem:$0x1FC50] =	vst v2;
	v57 =	vmul.f32 v15, v37;
	v15 =	vmul.f32 v58, v2;
	v2 =	vld [tilespmem:$0x1FD70]  }
0x485: {  	v59 =	vmul.f32 v36, v22;
	[tilespmem:s15+$0x40] =	vst v0;
	v40 =	vmul.f32 v56, v3;
	v3 =	vld [tilespmem:$0x1FD80]  }
0x486: {  	v48 =	vmul.f32 v53, v38;
	v43 =	vmul.f32 v54, v39;
	v13 =	vld [tilespmem:s0+$0xFFFFE0D0]  }
0x487: {  	v41 =	vadd.f32 v45, v41;
	v14 =	vld [tilespmem:s0+$0xFFFFE8D0];
	v1 =	vadd.f32 v1, v55  }
0x488: {  	v36 =	vld [tilespmem:s0+$0xFFFFF0D0];
	v5 =	vadd.f32 v59, v57;
	v43 =	vadd.f32 v43, v48  }
0x489: {  	v46 =	vmul.f32 v62, v24;
	v54 =	vld [tilespmem:s0+$0xFFFFF8D0];
	v40 =	vadd.f32 v15, v40  }
0x48a: {  	v56 =	vld [tilespmem:s0+$0xD0];
	v55 =	vmul.f32 v4, v18;
	v1 =	vadd.f32 v1, v41;
	v41 =	vadd.f32 v43, v5  }
0x48b: {  	v58 =	vld [tilespmem:s0+$0x8D0]  }
0x48c: {  	v62 =	vld [tilespmem:s0+$0x10D0];
	v59 =	vadd.f32 v55, v46;
	v57 =	vadd.f32 v41, v1  }
0x48d: {  	v4 =	vld [tilespmem:s0+$0x18D0]  }
0x48e: {  	v43 =	vadd.f32 v59, v40;
	v40 =	vmov v24;
	v24 =	vld [tilespmem:$0x1FDE0];
	[tilespmem:s15+$0xFFFFFFB0] =	vst v57  }
0x48f: {  	v5 =	vld [tilespmem:s0+$0xFFFFE040]  }
0x490: {  	v44 =	vmul.f32 v12, v19;
	v12 =	vld [tilespmem:s0+$0xFFFFE840]  }
0x491: {  	v45 =	vmul.f32 v13, v29;
	v13 =	vld [tilespmem:s0+$0xFFFFF040]  }
0x492: {  	v48 =	vmul.f32 v14, v26;
	v14 =	vld [tilespmem:s0+$0xFFFFF840]  }
0x493: {  	v47 =	vmul.f32 v36, v28;
	v50 =	vmul.f32 v54, v27;
	v15 =	vld [tilespmem:s14+$0x40];
	s0 =	sadd.s32 $0x100, s0  }
0x494: {  	v49 =	vmul.f32 v56, v30;
	v55 =	vld [tilespmem:s0+$0xFFFFE080]  }
0x495: {  	v1 =	vmul.f32 v58, v31;
	v0 =	vmul.f32 v4, v33;
	v4 =	vadd.f32 v50, v47;
	v47 =	vld [tilespmem:s0+$0xFFFFE880]  }
0x496: {  	v46 =	vmul.f32 v62, v32;
	v62 =	vadd.f32 v48, v45;
	v48 =	vld [tilespmem:s0+$0xFFFFF080]  }
0x497: {  	v1 =	vadd.f32 v1, v49;
	v50 =	vld [tilespmem:s0+$0xFFFFF880]  }
0x498: {  	v0 =	vadd.f32 v0, v46;
	v45 =	vadd.f32 v4, v62;
	v4 =	vld [tilespmem:$0x1FD90]  }
0x499: {  	v62 =	vld [tilespmem:s0+$0x880];
	v56 =	vmul.f32 v5, v23  }
0x49a: {  	s8 =	sadd.s32 $0x1, s5;
	v42 =	vmovc v63;
	v63 =	vld [tilespmem:s0+$0x1080];
	v0 =	vadd.f32 v0, v1;
	v41 =	vmul.f32 v12, v25;
	v5 =	vmul.f32 v13, v35  }
0x49b: {  	v10 =	vld [tilespmem:s0+$0x1880];
	v12 =	vmul.f32 v14, v34;
	v46 =	vmul.f32 v15, v37;
	v15 =	vmov s8  }
0x49c: {  	v8 =	vmov v60;
	v0 =	vadd.f32 v0, v45;
	v13 =	vld [tilespmem:$0x1FD60];
	v60 =	vperm.xlane v2, v15  }
0x49d: {  	v57 =	vperm.xlane v3, v15;
	v58 =	vperm.xlane v4, v15;
	v49 =	vadd.f32 v12, v5;
	v5 =	vld [tilespmem:$0x1FDB0]  }
0x49e: {  	v16 =	vld [tilespmem:s0+$0xFFFFF800];
	v54 =	vperm.xlane v6, v15;
	v52 =	vperm.xlane v7, v15  }
0x49f: {  	v14 =	vld [tilespmem:s0+$0x80];
	[tilespmem:s15+$0x50] =	vst v0;
	v51 =	vperm.xlane v24, v15;
	v47 =	vmul.f32 v47, v60  }
0x4a0: {  	v0 =	vld [tilespmem:s14+$0xFFFFE0E0];
	v48 =	vmul.f32 v48, v57;
	v50 =	vmul.f32 v50, v58  }
0x4a1: {  	v9 =	vmovc v61;
	v53 =	vmov s5;
	v61 =	vld [tilespmem:s14+$0xFFFFE8E0];
	v62 =	vmul.f32 v62, v54;
	v63 =	vmul.f32 v63, v52  }
0x4a2: {  	v41 =	vadd.f32 v41, v56;
	v11 =	vld [tilespmem:s14+$0xFFFFF8E0];
	v59 =	vperm.xlane v13, v15;
	v56 =	vperm.xlane v5, v15  }
0x4a3: {  	v36 =	vmov v34;
	v12 =	vld [tilespmem:s14+$0xE0];
	v10 =	vmul.f32 v10, v51;
	v34 =	vperm.xlane v13, v53  }
0x4a4: {  	v45 =	vadd.f32 v49, v41;
	v13 =	vld [tilespmem:s14+$0x8E0];
	v49 =	vmul.f32 v55, v59;
	v1 =	vmul.f32 v14, v56  }
0x4a5: {  	v50 =	vadd.f32 v50, v48;
	v10 =	vadd.f32 v10, v63;
	v48 =	vperm.xlane v4, v53;
	v4 =	vld [tilespmem:s0+$0xFFFFE000]  }
0x4a6: {  	v55 =	vld [tilespmem:s14+$0xFFFFF0E0];
	v14 =	vadd.f32 v47, v49;
	v1 =	vadd.f32 v62, v1  }
0x4a7: {  	v41 =	vperm.xlane v2, v53;
	v15 =	vld [tilespmem:s14+$0x10E0]  }
0x4a8: {  	v0 =	vmul.f32 v0, v29;
	v62 =	vld [tilespmem:s14+$0x18E0];
	v14 =	vadd.f32 v50, v14;
	v1 =	vadd.f32 v10, v1  }
0x4a9: {  	v11 =	vmul.f32 v11, v27;
	v10 =	vmul.f32 v61, v26;
	v61 =	vld [tilespmem:s0+$0xFFFFF000]  }
0x4aa: {  	v12 =	vmul.f32 v12, v30;
	v47 =	vperm.xlane v5, v53;
	v5 =	vld [tilespmem:s0+$0xFFFFE800];
	v1 =	vadd.f32 v1, v14  }
0x4ab: {  	v17 =	vld [tilespmem:s0+$0x800];
	s15 =	sadd.s32 $0x100, s15;
	v49 =	vperm.xlane v3, v53;
	v55 =	vmul.f32 v55, v28  }
0x4ac: {  	v13 =	vmul.f32 v13, v31;
	v63 =	vmul.f32 v4, v34;
	v14 =	vld [tilespmem:s0+$0x0];
	[tilespmem:s15+$0x0] =	vst v1  }
0x4ad: {  	v15 =	vmul.f32 v15, v32;
	v4 =	vadd.f32 v11, v55;
	v62 =	vmul.f32 v62, v33;
	v11 =	vld [tilespmem:s0+$0xFFFFE090]  }
0x4ae: {  	v16 =	vmul.f32 v16, v48;
	v0 =	vadd.f32 v10, v0;
	v55 =	vmul.f32 v61, v49;
	v61 =	vld [tilespmem:s0+$0xFFFFE890]  }
0x4af: {  	v12 =	vadd.f32 v13, v12;
	v10 =	vmul.f32 v5, v41;
	v5 =	vadd.f32 v62, v15;
	v62 =	vld [tilespmem:s0+$0xFFFFF090]  }
0x4b0: {  	v50 =	vperm.xlane v6, v53;
	v0 =	vadd.f32 v4, v0;
	v13 =	vld [tilespmem:s0+$0xFFFFF890]  }
0x4b1: {  	v1 =	vadd.f32 v5, v12;
	v5 =	vadd.f32 v16, v55;
	v16 =	vld [tilespmem:s0+$0x90]  }
0x4b2: {  	v4 =	vmul.f32 v14, v47;
	v55 =	vmul.f32 v17, v50;
	v14 =	vld [tilespmem:s0+$0x1090]  }
0x4b3: {  	v0 =	vadd.f32 v1, v0;
	v1 =	vld [tilespmem:s0+$0x890]  }
0x4b4: {  	v12 =	vadd.f32 v55, v4;
	v55 =	vperm.xlane v7, v53;
	v7 =	vld [tilespmem:s0+$0x1000]  }
0x4b5: {  	v53 =	vperm.xlane v24, v53;
	v24 =	vmov v35;
	v35 =	vld [tilespmem:$0x1FD50];
	[tilespmem:s13+$0x60] =	vst v0  }
0x4b6: {  	v0 =	vld [tilespmem:s14+$0xFFFFE0F0]  }
0x4b7: {  	v15 =	vld [tilespmem:s14+$0xFFFFE8F0]  }
0x4b8: {  	v17 =	vld [tilespmem:s14+$0xFFFFF0F0]  }
0x4b9: {  	v10 =	vadd.f32 v10, v63;
	v63 =	vld [tilespmem:s14+$0xFFFFF8F0]  }
0x4ba: {  	v2 =	vld [tilespmem:s14+$0xF0]  }
0x4bb: {  	v3 =	vld [tilespmem:s14+$0x8F0]  }
0x4bc: {  	v4 =	vld [tilespmem:s14+$0x10F0]  }
0x4bd: {  	v10 =	vadd.f32 v5, v10;
	v62 =	vmul.f32 v62, v57;
	v13 =	vmul.f32 v13, v58;
	v5 =	vld [tilespmem:s14+$0x18F0]  }
0x4be: {  	v11 =	vmul.f32 v11, v59;
	v6 =	vld [tilespmem:s0+$0x1890]  }
0x4bf: {  	v61 =	vmul.f32 v61, v60;
	v16 =	vmul.f32 v16, v56;
	v13 =	vadd.f32 v13, v62;
	v62 =	vld [tilespmem:s31+$0x860]  }
0x4c0: {  	v14 =	vmul.f32 v14, v52;
	v0 =	vmul.f32 v0, v29;
	v29 =	vmov v59;
	v59 =	vld [tilespmem:s0+$0x1800]  }
0x4c1: {  	v1 =	vmul.f32 v1, v54;
	v17 =	vmul.f32 v17, v28;
	v28 =	vmov v57;
	v57 =	vld [tilespmem:s14+$0x840]  }
0x4c2: {  	v15 =	vmul.f32 v15, v26;
	v2 =	vmul.f32 v2, v30;
	v30 =	vmov v56;
	v56 =	vld [tilespmem:s14+$0x1040]  }
0x4c3: {  	v11 =	vadd.f32 v61, v11;
	v3 =	vmul.f32 v3, v31;
	v4 =	vmul.f32 v4, v32;
	v31 =	vmovc v54;
	v54 =	vld [tilespmem:s14+$0x1840]  }
0x4c4: {  	v1 =	vadd.f32 v1, v16;
	v5 =	vmul.f32 v5, v33;
	v6 =	vmul.f32 v6, v51;
	v33 =	vmovc v51;
	v51 =	vld [tilespmem:s31+$0x1060]  }
0x4c5: {  	v26 =	vmovc v60;
	v60 =	vmul.f32 v63, v27;
	v32 =	vmov v52;
	v52 =	vld [tilespmem:s31+$0x1860];
	v0 =	vadd.f32 v15, v0  }
0x4c6: {  	v27 =	vmov v58;
	v58 =	vld [tilespmem:s30+$0xFFFFF070];
	v2 =	vadd.f32 v3, v2;
	v61 =	vadd.f32 v5, v4  }
0x4c7: {  	v60 =	vadd.f32 v60, v17;
	v6 =	vadd.f32 v6, v14;
	v17 =	vld [tilespmem:$0x1FC20]  }
0x4c8: {  	v7 =	vmul.f32 v7, v55;
	v2 =	vadd.f32 v61, v2;
	v61 =	vld [tilespmem:s30+$0x70];
	v63 =	vmul.f32 v59, v53  }
0x4c9: {  	v0 =	vadd.f32 v60, v0;
	v1 =	vadd.f32 v6, v1;
	v16 =	vmul.f32 v57, v22;
	v59 =	vld [tilespmem:s30+$0xFFFFF870]  }
0x4ca: {  	v3 =	vmul.f32 v52, v21;
	v52 =	vld [tilespmem:$0x1FC60];
	v5 =	vadd.f32 v63, v7;
	v7 =	vadd.f32 v13, v11  }
0x4cb: {  	v6 =	vmul.f32 v54, v39;
	v11 =	vmul.f32 v56, v38;
	v60 =	vadd.f32 v16, v46;
	v16 =	vld [tilespmem:$0x1FC30]  }
0x4cc: {  	v0 =	vadd.f32 v2, v0;
	v1 =	vadd.f32 v1, v7;
	v7 =	vld [tilespmem:s30+$0x870]  }
0x4cd: {  	v5 =	vadd.f32 v5, v12;
	v6 =	vadd.f32 v6, v11;
	v11 =	vld [tilespmem:$0x1FD40]  }
0x4ce: {  	v46 =	vmul.f32 v61, v8;
	v8 =	vld [tilespmem:$0x1FC40]  }
0x4cf: {  	v57 =	vmovc v34;
	v34 =	vmov v40;
	v4 =	vmul.f32 v62, v17;
	[tilespmem:s13+$0x70] =	vst v0;
	v5 =	vadd.f32 v5, v10;
	v10 =	vld [tilespmem:s30+$0x1070]  }
0x4d0: {  	[tilespmem:s15+$0x10] =	vst v1;
	v63 =	vadd.f32 v6, v60;
	v6 =	vld [tilespmem:s30+$0x1870]  }
0x4d1: {  	v4 =	vadd.f32 v4, v44;
	v62 =	vmul.f32 v51, v16;
	v44 =	vld [tilespmem:s0+$0xFFFFE8A0]  }
0x4d2: {  	[tilespmem:$0x1FD40] =	vst v34;
	v34 =	vmov v48;
	v48 =	vld [tilespmem:s0+$0xFFFFF0A0]  }
0x4d3: {  	v54 =	vld [tilespmem:s0+$0x10A0];
	v0 =	vadd.f32 v3, v62  }
0x4d4: {  	v2 =	vmul.f32 v59, v35;
	v35 =	vmov v49;
	v56 =	vld [tilespmem:s0+$0x18A0]  }
0x4d5: {  	[tilespmem:s15+$0xFFFFFF80] =	vst v5;
	v5 =	vld [tilespmem:s0+$0xFFFFE0A0];
	v11 =	vmul.f32 v58, v11;
	v49 =	vmul.f32 v7, v9;
	v0 =	vadd.f32 v0, v4  }
0x4d6: {  	v1 =	vadd.f32 v63, v45;
	v7 =	vld [tilespmem:s0+$0xFFFFF8A0];
	v51 =	vmul.f32 v10, v20;
	v6 =	vmul.f32 v6, v42  }
0x4d7: {  	v40 =	vmov v18;
	v2 =	vadd.f32 v2, v11;
	v10 =	vld [tilespmem:s0+$0xA0];
	v0 =	vadd.f32 v0, v43  }
0x4d8: {  	v18 =	vmovc v38;
	v38 =	vmov v55;
	[tilespmem:s13+$0xFFFFFFC0] =	vst v1;
	v4 =	vadd.f32 v49, v46;
	v11 =	vld [tilespmem:s0+$0x8A0];
	v55 =	vadd.f32 v6, v51  }
0x4d9: {  	v9 =	vld [tilespmem:$0x1FC50];
	[tilespmem:s2+$0xFFFFFFE0] =	vst v0  }
0x4da: {  	[tilespmem:$0x1FD50] =	vst v40;
	v2 =	vadd.f32 v2, v52;
	v0 =	vadd.f32 v55, v4;
	v6 =	vld [tilespmem:s0+$0xFFFFE010]  }
0x4db: {  	p0 =	slt.u32 s5, $0xE;
	v40 =	vmovc v36;
	v61 =	vmovc v17;
	v60 =	vmov v19;
	v3 =	vmul.f32 v44, v26;
	v13 =	vmul.f32 v48, v28;
	v59 =	vld [tilespmem:s0+$0xFFFFE810]  }
.Ltmp6:
0x4dc: {  	v19 =	vmovc v37;
	v5 =	vmul.f32 v5, v29;
	v7 =	vmul.f32 v7, v27;
	v42 =	vld [tilespmem:s0+$0xFFFFF010];
	v0 =	vadd.f32 v0, v2;
	(pc) =	sbr.rel @p0 .LBB2_9-.Ltmp6, $4  }
0x4dd: {  	v37 =	vmovc v47;
	v58 =	vmovc v22;
	v22 =	vmov v50;
	v43 =	vld [tilespmem:s0+$0xFFFFF810];
	v62 =	vmul.f32 v10, v30;
	v10 =	vmul.f32 v11, v31  }
0x4de: {  	s5 =	sadd.s32 $0x2, s5;
	v1 =	vmul.f32 v56, v33;
	v49 =	vadd.f32 v3, v5;
	v44 =	vld [tilespmem:s0+$0x10];
	v11 =	vmul.f32 v54, v32;
	[tilespmem:s29+$0xFFFFFFF0] =	vst v0  }
0x4df: {  	s30 =	smov.u32 s31;
	s31 =	smov.u32 s14;
	s14 =	smov.u32 s0;
	v63 =	vmovc v21;
	v21 =	vmovc v39;
	v39 =	vmov v53;
	v50 =	vadd.f32 v7, v13;
	v51 =	vadd.f32 v10, v62;
	v45 =	vld [tilespmem:s0+$0x810]  }
0x4e0: {  	v20 =	vmovc v16;
	v52 =	vadd.f32 v1, v11;
	s29 =	smov.u32 s2;
	s2 =	smov.u32 s13;
	s13 =	smov.u32 s15;
	v47 =	vld [tilespmem:s0+$0x1010];
	v46 =	vmul.f32 v6, v57;
	v48 =	vmul.f32 v59, v41  }
0x4e1: {  	_ = 	snop  }
0x4e2: {  	v0 =	vadd.f32 v50, v49;
	v1 =	vadd.f32 v52, v51;
	_ =	sdelay $0x1  }
0x4e3: {  	v0 =	vadd.f32 v1, v0  }
0x4e4: {  	v36 =	vld [tilespmem:s0+$0x1810]  }
0x4e5: {  	[tilespmem:s15+$0x20] =	vst v0  }
0x4e6: {  	v0 =	vld [tilespmem:s0+$0xFFFFE0B0]  }
0x4e7: {  	v2 =	vmul.f32 v42, v35;
	v3 =	vmul.f32 v43, v34;
	v4 =	vld [tilespmem:s0+$0xFFFFE8B0]  }
0x4e8: {  	v5 =	vmul.f32 v44, v37;
	v6 =	vmul.f32 v45, v22;
	v7 =	vld [tilespmem:s0+$0xFFFFF0B0]  }
0x4e9: {  	v10 =	vmul.f32 v47, v38;
	v1 =	vmul.f32 v36, v39;
	v11 =	vld [tilespmem:s0+$0xFFFFF8B0]  }
0x4ea: {  	v12 =	vadd.f32 v48, v46;
	v2 =	vadd.f32 v3, v2;
	v49 =	vld [tilespmem:s0+$0xB0]  }
0x4eb: {  	v5 =	vadd.f32 v6, v5;
	v50 =	vld [tilespmem:s0+$0x8B0];
	v1 =	vadd.f32 v1, v10  }
0x4ec: {  	v51 =	vld [tilespmem:s0+$0x10B0]  }
0x4ed: {  	v2 =	vadd.f32 v2, v12;
	v52 =	vld [tilespmem:s0+$0x18B0];
	v1 =	vadd.f32 v1, v5;
	_ =	sdelay $0x1  }
0x4ee: {  	v1 =	vadd.f32 v1, v2;
	v0 =	vmul.f32 v0, v29;
	v53 =	vmul.f32 v4, v26  }
0x4ef: {  	v54 =	vmul.f32 v7, v28;
	v55 =	vmul.f32 v11, v27  }
0x4f0: {  	v56 =	vmul.f32 v49, v30;
	v59 =	vmul.f32 v50, v31;
	[tilespmem:s15+$0xFFFFFF90] =	vst v1  }
0x4f1: {  	v10 =	vmul.f32 v51, v32;
	v5 =	vmul.f32 v52, v33;
	v62 =	vld [tilespmem:s0+$0xFFFFE020]  }
0x4f2: {  	v0 =	vadd.f32 v53, v0;
	v13 =	vadd.f32 v55, v54;
	v12 =	vld [tilespmem:s0+$0xFFFFE820]  }
0x4f3: {  	v1 =	vadd.f32 v59, v56;
	v15 =	vadd.f32 v5, v10;
	v14 =	vld [tilespmem:s0+$0xFFFFF020]  }
0x4f4: {  	v16 =	vld [tilespmem:s0+$0xFFFFF820]  }
0x4f5: {  	v17 =	vld [tilespmem:s0+$0x20];
	v0 =	vadd.f32 v13, v0;
	v1 =	vadd.f32 v15, v1  }
0x4f6: {  	v36 =	vld [tilespmem:s0+$0x820]  }
0x4f7: {  	v42 =	vld [tilespmem:s0+$0x1020];
	v0 =	vadd.f32 v1, v0  }
0x4f8: {  	v43 =	vld [tilespmem:s0+$0x1820]  }
0x4f9: {  	[tilespmem:s15+$0x30] =	vst v0  }
0x4fa: {  	v44 =	vmul.f32 v62, v57;
	v45 =	vmul.f32 v12, v41;
	v46 =	vld [tilespmem:s0+$0xFFFFE0C0]  }
0x4fb: {  	v4 =	vmul.f32 v14, v35;
	v5 =	vmul.f32 v16, v34;
	v47 =	vld [tilespmem:s0+$0xFFFFE8C0]  }
0x4fc: {  	v7 =	vmul.f32 v17, v37;
	v2 =	vmul.f32 v36, v22;
	v48 =	vld [tilespmem:s0+$0xFFFFF0C0]  }
0x4fd: {  	v3 =	vmul.f32 v42, v38;
	v1 =	vmul.f32 v43, v39;
	v13 =	vld [tilespmem:s0+$0xFFFFF8C0]  }
0x4fe: {  	v49 =	vld [tilespmem:s0+$0xC0];
	v0 =	vadd.f32 v45, v44;
	v4 =	vadd.f32 v5, v4  }
0x4ff: {  	v50 =	vld [tilespmem:s0+$0x8C0];
	v2 =	vadd.f32 v2, v7;
	v1 =	vadd.f32 v1, v3  }
0x500: {  	v51 =	vld [tilespmem:s0+$0x10C0]  }
0x501: {  	v52 =	vld [tilespmem:s0+$0x18C0];
	v0 =	vadd.f32 v4, v0;
	v1 =	vadd.f32 v1, v2;
	_ =	sdelay $0x1  }
0x502: {  	v11 =	vld [tilespmem:s31+$0xFFFFF050];
	v0 =	vadd.f32 v1, v0;
	v53 =	vmul.f32 v46, v29;
	v54 =	vmul.f32 v47, v26  }
0x503: {  	v14 =	vld [tilespmem:s31+$0xFFFFF850];
	v12 =	vmul.f32 v48, v28;
	v13 =	vmul.f32 v13, v27  }
0x504: {  	v7 =	vld [tilespmem:s31+$0xFFFFE850];
	v55 =	vmul.f32 v49, v30;
	v3 =	vmul.f32 v50, v31;
	[tilespmem:s15+$0xFFFFFFA0] =	vst v0  }
0x505: {  	v6 =	vmul.f32 v51, v32;
	v2 =	vmul.f32 v52, v33;
	v56 =	vld [tilespmem:s0+$0xFFFFE030]  }
0x506: {  	v1 =	vadd.f32 v54, v53;
	v59 =	vadd.f32 v13, v12;
	v15 =	vld [tilespmem:s0+$0xFFFFE830]  }
0x507: {  	v0 =	vadd.f32 v3, v55;
	v2 =	vadd.f32 v2, v6;
	v62 =	vld [tilespmem:s0+$0xFFFFF030]  }
0x508: {  	v36 =	vld [tilespmem:s0+$0xFFFFF830]  }
0x509: {  	v42 =	vld [tilespmem:s0+$0x30];
	v1 =	vadd.f32 v59, v1;
	v0 =	vadd.f32 v2, v0  }
0x50a: {  	v43 =	vld [tilespmem:s0+$0x830]  }
0x50b: {  	v44 =	vld [tilespmem:s0+$0x1030];
	v0 =	vadd.f32 v0, v1  }
0x50c: {  	v45 =	vld [tilespmem:s0+$0x1830]  }
0x50d: {  	v4 =	vld [tilespmem:s31+$0xFFFFE050];
	[tilespmem:s15+$0x40] =	vst v0  }
0x50e: {  	v46 =	vmul.f32 v56, v57;
	v47 =	vmul.f32 v15, v41;
	v48 =	vld [tilespmem:s0+$0xFFFFE0D0]  }
0x50f: {  	v12 =	vmul.f32 v62, v35;
	v3 =	vmul.f32 v36, v34;
	v16 =	vld [tilespmem:s0+$0xFFFFE8D0]  }
0x510: {  	v6 =	vmul.f32 v42, v37;
	v2 =	vmul.f32 v43, v22;
	v17 =	vld [tilespmem:s0+$0xFFFFF0D0]  }
0x511: {  	v10 =	vmul.f32 v44, v38;
	v1 =	vmul.f32 v45, v39;
	v49 =	vld [tilespmem:s0+$0xFFFFF8D0]  }
0x512: {  	v50 =	vld [tilespmem:s0+$0xD0];
	v0 =	vadd.f32 v47, v46;
	v3 =	vadd.f32 v3, v12  }
0x513: {  	v51 =	vld [tilespmem:s0+$0x8D0];
	v2 =	vadd.f32 v2, v6;
	v1 =	vadd.f32 v1, v10  }
0x514: {  	v52 =	vld [tilespmem:s0+$0x10D0]  }
0x515: {  	v53 =	vld [tilespmem:s0+$0x18D0];
	v0 =	vadd.f32 v3, v0;
	v1 =	vadd.f32 v1, v2  }
0x516: {  	v13 =	vld [tilespmem:s31+$0x50]  }
0x517: {  	v54 =	vld [tilespmem:s31+$0x850];
	v0 =	vadd.f32 v1, v0;
	v55 =	vmul.f32 v48, v29;
	v56 =	vmul.f32 v16, v26  }
0x518: {  	v59 =	vld [tilespmem:s31+$0x1850];
	v17 =	vmul.f32 v17, v28;
	v42 =	vmul.f32 v49, v27  }
0x519: {  	v43 =	vld [tilespmem:s31+$0x1050];
	v62 =	vmul.f32 v50, v30;
	v36 =	vmul.f32 v51, v31;
	[tilespmem:s15+$0xFFFFFFB0] =	vst v0  }
0x51a: {  	v12 =	vmul.f32 v52, v32;
	v2 =	vmul.f32 v53, v33;
	v6 =	vld [tilespmem:s0+$0xFFFFE040]  }
0x51b: {  	v1 =	vadd.f32 v56, v55;
	v46 =	vadd.f32 v42, v17;
	v44 =	vld [tilespmem:s0+$0xFFFFE840]  }
0x51c: {  	v4 =	vmul.f32 v4, v23;
	v0 =	vadd.f32 v36, v62;
	v2 =	vadd.f32 v2, v12;
	v47 =	vld [tilespmem:s0+$0xFFFFF040]  }
0x51d: {  	v3 =	vmul.f32 v54, v58;
	v48 =	vmul.f32 v7, v25;
	v50 =	vld [tilespmem:s0+$0xFFFFF840]  }
0x51e: {  	v49 =	vmul.f32 v11, v24;
	v52 =	vld [tilespmem:s14+$0x40];
	v1 =	vadd.f32 v46, v1;
	v0 =	vadd.f32 v2, v0  }
0x51f: {  	v51 =	vmul.f32 v14, v40;
	v53 =	vmul.f32 v13, v19;
	v54 =	vld [tilespmem:s14+$0x840]  }
0x520: {  	v16 =	vmul.f32 v59, v21;
	v55 =	vmul.f32 v43, v18;
	v56 =	vld [tilespmem:s14+$0x1040];
	v0 =	vadd.f32 v0, v1  }
0x521: {  	v4 =	vadd.f32 v48, v4;
	v59 =	vadd.f32 v51, v49;
	v62 =	vld [tilespmem:s14+$0x1840]  }
0x522: {  	v10 =	vld [tilespmem:s30+$0xFFFFE070];
	v2 =	vadd.f32 v3, v53;
	v36 =	vadd.f32 v16, v55;
	[tilespmem:s15+$0x50] =	vst v0  }
0x523: {  	v42 =	vadd.f32 v59, v4;
	v43 =	vmul.f32 v6, v57;
	v44 =	vmul.f32 v44, v41;
	v45 =	vld [tilespmem:s14+$0xFFFFE0E0]  }
0x524: {  	v2 =	vadd.f32 v36, v2;
	v46 =	vmul.f32 v47, v35;
	v12 =	vmul.f32 v50, v34;
	v47 =	vld [tilespmem:s14+$0xFFFFE8E0]  }
0x525: {  	v14 =	vmul.f32 v52, v37;
	v13 =	vmul.f32 v54, v22;
	v48 =	vld [tilespmem:s14+$0xFFFFF0E0]  }
0x526: {  	v0 =	vadd.f32 v2, v42;
	v1 =	vmul.f32 v56, v38;
	v7 =	vmul.f32 v62, v39;
	v49 =	vld [tilespmem:s14+$0xFFFFF8E0]  }
0x527: {  	v50 =	vld [tilespmem:s14+$0xE0];
	v4 =	vadd.f32 v44, v43;
	v3 =	vadd.f32 v12, v46  }
0x528: {  	v51 =	vld [tilespmem:s14+$0x8E0];
	v13 =	vadd.f32 v13, v14;
	v1 =	vadd.f32 v7, v1  }
0x529: {  	v52 =	vld [tilespmem:s14+$0x10E0]  }
0x52a: {  	v54 =	vld [tilespmem:s14+$0x18E0];
	[tilespmem:s2+$0xFFFFFFD0] =	vst v0;
	v53 =	vadd.f32 v3, v4;
	v1 =	vadd.f32 v1, v13  }
0x52b: {  	v55 =	vld [tilespmem:s31+$0xFFFFE860]  }
0x52c: {  	v59 =	vld [tilespmem:s31+$0xFFFFF060];
	v0 =	vadd.f32 v1, v53  }
0x52d: {  	v36 =	vld [tilespmem:s31+$0xFFFFF860]  }
0x52e: {  	v4 =	vld [tilespmem:s31+$0xFFFFE060];
	[tilespmem:s13+$0xFFFFFFC0] =	vst v0  }
0x52f: {  	v43 =	vld [tilespmem:s14+$0xFFFFE050]  }
0x530: {  	v6 =	vmul.f32 v45, v29;
	v56 =	vmul.f32 v47, v26;
	v44 =	vld [tilespmem:s14+$0xFFFFE850]  }
0x531: {  	v62 =	vmul.f32 v48, v28;
	v2 =	vmul.f32 v49, v27;
	v45 =	vld [tilespmem:s14+$0xFFFFF050]  }
0x532: {  	v5 =	vmul.f32 v50, v30;
	v12 =	vmul.f32 v51, v31;
	v46 =	vld [tilespmem:s14+$0xFFFFF850]  }
0x533: {  	v42 =	vmul.f32 v52, v32;
	v3 =	vmul.f32 v54, v33;
	v47 =	vld [tilespmem:s14+$0x50]  }
0x534: {  	v6 =	vadd.f32 v56, v6;
	v2 =	vadd.f32 v2, v62;
	v48 =	vld [tilespmem:s14+$0x850]  }
0x535: {  	v5 =	vadd.f32 v12, v5;
	v0 =	vadd.f32 v3, v42;
	v13 =	vmul.f32 v55, v25;
	v49 =	vld [tilespmem:s14+$0x1050]  }
0x536: {  	v1 =	vmul.f32 v59, v24;
	v16 =	vmul.f32 v36, v40;
	v50 =	vld [tilespmem:s14+$0x1850]  }
0x537: {  	v11 =	vld [tilespmem:s30+$0xFFFFE870];
	v4 =	vmul.f32 v4, v23;
	v2 =	vadd.f32 v2, v6;
	v0 =	vadd.f32 v0, v5  }
0x538: {  	v51 =	vld [tilespmem:s31+$0x60];
	v1 =	vadd.f32 v16, v1;
	v7 =	vmul.f32 v43, v57;
	v14 =	vmul.f32 v44, v41  }
0x539: {  	v52 =	vld [tilespmem:s31+$0x860];
	v4 =	vadd.f32 v13, v4;
	v3 =	vmul.f32 v45, v35;
	v12 =	vmul.f32 v46, v34  }
0x53a: {  	v53 =	vld [tilespmem:s31+$0x1060];
	v0 =	vadd.f32 v0, v2;
	v5 =	vmul.f32 v47, v37;
	v6 =	vmul.f32 v48, v22  }
0x53b: {  	v54 =	vld [tilespmem:s31+$0x1860];
	v1 =	vadd.f32 v1, v4;
	v2 =	vmul.f32 v49, v38;
	v15 =	vmul.f32 v50, v39  }
0x53c: {  	v4 =	vld [tilespmem:s30+$0xFFFFF870];
	v7 =	vadd.f32 v14, v7;
	v3 =	vadd.f32 v12, v3  }
0x53d: {  	v46 =	vld [tilespmem:s30+$0x870];
	v5 =	vadd.f32 v6, v5;
	v2 =	vadd.f32 v15, v2  }
0x53e: {  	[tilespmem:s13+$0x60] =	vst v0;
	v48 =	vld [tilespmem:s30+$0x1070]  }
0x53f: {  	v0 =	vld [tilespmem:s14+$0xFFFFE0F0];
	v3 =	vadd.f32 v3, v7;
	v2 =	vadd.f32 v2, v5  }
0x540: {  	v42 =	vld [tilespmem:s14+$0xFFFFE8F0]  }
0x541: {  	v43 =	vld [tilespmem:s14+$0xFFFFF0F0];
	v2 =	vadd.f32 v2, v3  }
0x542: {  	v44 =	vld [tilespmem:s14+$0xFFFFF8F0]  }
0x543: {  	v45 =	vld [tilespmem:s14+$0xF0];
	[tilespmem:s13+$0xFFFFFFD0] =	vst v2  }
0x544: {  	v2 =	vld [tilespmem:s14+$0xFFFFE060]  }
0x545: {  	v55 =	vld [tilespmem:s14+$0xFFFFE860]  }
0x546: {  	v56 =	vld [tilespmem:s14+$0xFFFFF060]  }
0x547: {  	v59 =	vld [tilespmem:s14+$0xFFFFF860]  }
0x548: {  	v17 =	vmul.f32 v51, v19;
	v5 =	vmul.f32 v52, v58;
	v62 =	vld [tilespmem:s14+$0x60]  }
0x549: {  	v7 =	vmul.f32 v53, v18;
	v3 =	vmul.f32 v54, v21;
	v36 =	vld [tilespmem:s14+$0x860]  }
0x54a: {  	v52 =	vld [tilespmem:s14+$0x1060]  }
0x54b: {  	v5 =	vadd.f32 v5, v17;
	v3 =	vadd.f32 v3, v7;
	v53 =	vld [tilespmem:s14+$0x1860]  }
0x54c: {  	v12 =	vld [tilespmem:s14+$0x8F0]  }
0x54d: {  	v6 =	vld [tilespmem:s14+$0x10F0];
	v3 =	vadd.f32 v3, v5;
	v2 =	vmul.f32 v2, v57;
	v54 =	vmul.f32 v55, v41  }
0x54e: {  	v14 =	vld [tilespmem:s14+$0x18F0];
	v55 =	vmul.f32 v56, v35;
	v56 =	vmul.f32 v59, v34  }
0x54f: {  	v15 =	vld [tilespmem:s30+$0xFFFFF070];
	v1 =	vadd.f32 v3, v1;
	v49 =	vmul.f32 v62, v37;
	v13 =	vmul.f32 v36, v22  }
0x550: {  	v5 =	vld [tilespmem:s30+$0x70];
	v7 =	vmul.f32 v52, v38;
	v16 =	vmul.f32 v53, v39  }
0x551: {  	[tilespmem:s2+$0xFFFFFFE0] =	vst v1;
	v1 =	vld [tilespmem:s30+$0x1870];
	v2 =	vadd.f32 v54, v2;
	v3 =	vadd.f32 v56, v55  }
0x552: {  	v17 =	vld [tilespmem:s31+$0xFFFFE070];
	v13 =	vadd.f32 v13, v49;
	v7 =	vadd.f32 v16, v7  }
0x553: {  	v59 =	vmul.f32 v10, v8;
	v10 =	vld [tilespmem:s31+$0xFFFFF070]  }
0x554: {  	v52 =	vld [tilespmem:s31+$0x1070];
	v2 =	vadd.f32 v3, v2;
	v36 =	vadd.f32 v7, v13  }
0x555: {  	v16 =	vld [tilespmem:s31+$0xFFFFE870]  }
0x556: {  	v54 =	vld [tilespmem:s31+$0x1870];
	v2 =	vadd.f32 v36, v2  }
0x557: {  	v0 =	vmul.f32 v0, v29;
	v7 =	vld [tilespmem:s31+$0xFFFFF870]  }
0x558: {  	v42 =	vmul.f32 v42, v26;
	v62 =	vmul.f32 v11, v9;
	v3 =	vld [tilespmem:s31+$0x870];
	[tilespmem:s13+$0xFFFFFFE0] =	vst v2  }
0x559: {  	v43 =	vmul.f32 v43, v28;
	v44 =	vmul.f32 v44, v27;
	v56 =	vld [tilespmem:$0x1FD40]  }
0x55a: {  	v6 =	vmul.f32 v6, v32;
	v14 =	vmul.f32 v14, v33;
	v50 =	vadd.f32 v62, v59;
	v59 =	vld [tilespmem:$0x1FD50]  }
0x55b: {  	v45 =	vmul.f32 v45, v30;
	v51 =	vmul.f32 v12, v31;
	v0 =	vadd.f32 v42, v0;
	v62 =	vld [tilespmem:s14+$0xFFFFE070]  }
0x55c: {  	v32 =	vmul.f32 v46, v61;
	v6 =	vadd.f32 v14, v6;
	v53 =	vadd.f32 v44, v43;
	v33 =	vld [tilespmem:s14+$0xFFFFE870]  }
0x55d: {  	v5 =	vmul.f32 v5, v60;
	v55 =	vadd.f32 v51, v45;
	v1 =	vmul.f32 v1, v63;
	v42 =	vld [tilespmem:s14+$0xFFFFF070]  }
0x55e: {  	v0 =	vadd.f32 v53, v0;
	v36 =	vmul.f32 v48, v20;
	v45 =	vmul.f32 v17, v23;
	v43 =	vld [tilespmem:s14+$0xFFFFF870]  }
0x55f: {  	v5 =	vadd.f32 v32, v5;
	v48 =	vmul.f32 v10, v24;
	v52 =	vmul.f32 v52, v18;
	v44 =	vld [tilespmem:s14+$0x70]  }
0x560: {  	v46 =	vmul.f32 v16, v25;
	v53 =	vmul.f32 v54, v21;
	v2 =	vadd.f32 v6, v55;
	v47 =	vld [tilespmem:s14+$0x870]  }
0x561: {  	v1 =	vadd.f32 v1, v36;
	v7 =	vmul.f32 v7, v40;
	v49 =	vld [tilespmem:s14+$0x1070];
	v3 =	vmul.f32 v3, v58  }
0x562: {  	v26 =	vld [tilespmem:s31+$0x70];
	v8 =	vmul.f32 v15, v56;
	v4 =	vmul.f32 v4, v59  }
0x563: {  	v51 =	vld [tilespmem:s14+$0x1870];
	v1 =	vadd.f32 v1, v5;
	v0 =	vadd.f32 v2, v0;
	v54 =	vmul.f32 v62, v57  }
0x564: {  	v55 =	vmul.f32 v33, v41;
	v56 =	vmul.f32 v42, v35;
	v4 =	vadd.f32 v4, v8  }
0x565: {  	v5 =	vadd.f32 v7, v48;
	v6 =	vmul.f32 v43, v34;
	v57 =	vmul.f32 v44, v37  }
0x566: {  	v58 =	vmul.f32 v47, v22;
	v10 =	vmul.f32 v49, v38;
	v4 =	vadd.f32 v4, v50  }
0x567: {  	v8 =	vadd.f32 v46, v45;
	v11 =	vadd.f32 v55, v54;
	v50 =	vmul.f32 v26, v19  }
0x568: {  	v59 =	vmul.f32 v51, v39;
	v6 =	vadd.f32 v6, v56;
	v1 =	vadd.f32 v1, v4  }
0x569: {  	v2 =	vadd.f32 v3, v50;
	v4 =	vadd.f32 v53, v52  }
0x56a: {  	v60 =	vadd.f32 v59, v10;
	v3 =	vadd.f32 v58, v57  }
0x56b: {  	v5 =	vadd.f32 v5, v8;
	v2 =	vadd.f32 v4, v2  }
0x56c: {  	p0 =	seq.s32 s26, $0x61;
	v61 =	vadd.f32 v6, v11;
	v3 =	vadd.f32 v60, v3  }
.Ltmp7:
0x56d: {  	[tilespmem:s13+$0x70] =	vst v0;
	v62 =	vadd.f32 v2, v5;
	(pc) =	sbr.rel @p0 .LBB2_12-.Ltmp7, $4  }
0x56e: {  	s31 =	sadd.s32 s4, s11;
	[tilespmem:s29+$0xFFFFFFF0] =	vst v1;
	v63 =	vadd.f32 v3, v61  }
0x56f: {  	s0 =	sshll.u32 s31, $0x4;
	[tilespmem:s2+$0xFFFFFFF0] =	vst v62  }
0x570: {  	s0 =	sadd.s32 s6, s0;
	[tilespmem:s13+$0xFFFFFFF0] =	vst v63  }
0x571: {  	[hbm4b:s0+s3] =	stream.linear.scatter [tilespmem:s23], [sflag:$0x4], $0x800, $0x38;
	[tilespmem:$0xB700] =	vst v63  }
0x572: {  	v0 =	vld [tilespmem:s28+$0x9130]  }
0x573: {  	v1 =	vld [tilespmem:s28+$0x9DB0]  }
0x574: {  	v10 =	vld [tilespmem:$0x1FFF0]  }
0x575: {  	v2 =	vld [tilespmem:s28+$0xAA30];
	_ =	sdelay $0x3  }
0x576: {  	v0 =	vmul.f32 v0, v10;
	v1 =	vmul.f32 v1, v10  }
0x577: {  	v2 =	vmul.f32 v2, v10  }
0x578: {  	v13 =	vimm.s32 $0x0;
	v3 =	vtrunc.f32 v0;
	v5 =	vtrunc.f32 v1  }
0x579: {  	v55 =	vtrunc.f32 v2;
	v4 =	vcvt.f32.s32 v3;
	vm0 =	vgt.f32 v0, v3  }
0x57a: {  	v52 =	vcvt.f32.s32 v5;
	vm1 =	vgt.f32 v1, v5;
	v6 =	vcvt.f32.s32 v55  }
0x57b: {  	vm14 =	vgt.f32 v2, v55;
	v53 =	vsel vm0, $0x1, v13;
	v54 =	vsel vm1, $0x1, v13  }
0x57c: {  	v57 =	vsel vm14, $0x1, v13;
	v1 =	vadd.s32 v4, v53;
	v3 =	vadd.s32 v52, v54  }
0x57d: {  	v56 =	vshll.u32 v4, $0x6;
	v4 =	vadd.s32 v6, v57;
	vm12 =	vlt.s32 v1, $0x3F  }
0x57e: {  	vm13 =	vlt.s32 v3, $0x3F;
	v58 =	vadd.s32 v52, v56;
	vm15 =	vlt.s32 v4, $0x3F  }
0x57f: {  	v1 =	vnsel vm12, $0x3F, v1;
	v3 =	vnsel vm13, $0x3F, v3;
	v5 =	vshll.u32 v58, $0x6  }
0x580: {  	v61 =	vnsel vm15, $0x3F, v4;
	v2 =	vadd.s32 v56, v3;
	v7 =	vadd.s32 v6, v5  }
0x581: {  	v1 =	vshll.u32 v1, $0x6;
	v5 =	vadd.s32 v5, v61;
	v2 =	vshll.u32 v2, $0x6;
	[tilespmem:$0x80] =	vst v7  }
0x582: {  	v0 =	vadd.s32 v52, v1;
	[tilespmem:$0xC0] =	vst v5;
	v60 =	vadd.s32 v6, v2  }
0x583: {  	v1 =	vadd.s32 v3, v1;
	v0 =	vshll.u32 v0, $0x6;
	v2 =	vadd.s32 v61, v2;
	[tilespmem:$0xA0] =	vst v60  }
0x584: {  	v1 =	vshll.u32 v1, $0x6;
	v59 =	vadd.s32 v6, v0;
	[tilespmem:$0xE0] =	vst v2  }
.Ltmp8:
0x585: {  	v62 =	vadd.s32 v6, v1;
	[tilespmem:$0x90] =	vst v59;
	(pc) =	sbr.rel .LBB2_2-.Ltmp8, $4  }
0x586: {  	v0 =	vadd.s32 v61, v0;
	[tilespmem:$0xB0] =	vst v62  }
0x587: {  	v63 =	vadd.s32 v61, v1;
	[tilespmem:$0xD0] =	vst v0  }
0x588: {  	s26 =	sadd.s32 $0x1, s26;
	[tilespmem:$0xF0] =	vst v63  }
0x589: {  	[tilespmem:s18], [sflag:$0x2] =	stream.indirect.gather [hbm4b:s1+s16], $0x80, s16, s16, $0xb8;
	[tilespmem:$0xB700] =	vst v63  }
.LBB2_13:
0x58a: {  	_ =	sfence.sel $0x180000  }
0x58b: {  	[bflag:$0x0] =	sbarrier.arrive $0xFFFF  }
0x58c: {  	_ =	strace $0x90000047  }
0x58d: {  	s0 =	stileid.u32;
	[bflag:$0x2] =	sbarrier.arrive $0xFFFF  }
0x58e: {  	p0 =	sne.s32 s0, $0x0;
	s0 =	rddreg [dreg:$0x3]  }
0x58f: {  	s0 =	sadd.s32 @!p0 $0x100000, s0  }
0x590: {  	[sflag:s0] =	ssyncadd.tile.s32 @!p0 $0x1;
	_ =	shalt  }
.Lfunc_end2:
_tile_overlayer_lowered:
.L_overlay_start_2:
0x591: {  	(tag) =	ssettag $0x2  }
0x592: {  	s0 =	rddreg [dreg:$0x0];
	s2 =	stileid.u32  }
0x593: {  	s1 =	rddreg [dreg:$0x1];
	p0 =	sne.s32 s2, $0x0  }
0x594: {  	s3 =	rddreg [dreg:$0x2];
	[bflag:$0x3] =	sbarrier.arrive $0xFFFF;
	s2 =	simm.s32 @!p0 $0x1C05  }
0x595: {  	[timem:s3], [sflag:s2] =	dma.local @!p0 [hbm:s0], s1  }
0x596: {  	s0 =	simm.s32 @!p0 $0x5  }
0x597: {  	_ =	swait.ge @!p0 [sflag:s0], s1  }
0x598: {  	s1 =	ssub.s32 @!p0 $0x0, s1;
	[sflag:s0] =	ssyncset.done @!p0 $0x0  }
0x599: {  	[sflag:s0] =	ssyncadd.s32 @!p0 s1  }
0x59a: {  	[bflag:$0x3] =	sbarrier.arrive $0xFFFF  }
0x59b: {  	_ =	shalt  }

</sc_bundles>
